<compile_context>
chip_gen: v7x
topology: tpu7x:2x2x1
jax: 0.10.2.dev20260603
libtpu: 0.0.44.dev20260713+nightly
codegen_flags: <defaults>
</compile_context>

<pallas_src>
import functools

import jax
import jax.numpy as jnp
from jax import lax
from jax.experimental import pallas as pl
from jax.experimental.pallas import tpu as pltpu
from jax.experimental.pallas import tpu_sc as plsc

_N = 10000
_C = 128
_NCLASS = 7
_NLAYERS = 4
_E = 320000

_NP = 10240
_NPAD_ROWS = _NP - _N
_NT = 32
_K = 64
_NPH = 2
_NCHH = 80
_TOTAL = _NT * _NPH * _NCHH * _K
_KD = 128
_NCHD = 80
_RPT = _NP // 16
_BN = 2560

_mesh = plsc.VectorSubcoreMesh(core_axis_name="c", subcore_axis_name="s")


@functools.partial(
    pl.kernel,
    out_type=jax.ShapeDtypeStruct((2, _NP), jnp.float32),
    mesh=_mesh,
    scratch_types=[
        pltpu.VMEM((_NCHD, _KD), jnp.int32),
        pltpu.VMEM((_KD,), jnp.float32),
        pltpu.VMEM_SHARED((_NP,), jnp.float32),
        pltpu.SemaphoreType.DMA,
    ],
)
def _deg_kernel(dst_hbm, init_hbm, ones_hbm, deg_out, dst_v, ones_v, acc,
                sem):
    c = lax.axis_index("c")
    s = lax.axis_index("s")
    wid = c * 16 + s
    r0 = s * _RPT
    pltpu.sync_copy(init_hbm.at[c, pl.ds(r0, _RPT)], acc.at[pl.ds(r0, _RPT)])
    pltpu.sync_copy(ones_hbm.at[pl.ds(0, _KD)], ones_v)
    pltpu.sync_copy(dst_hbm.at[wid], dst_v)
    plsc.subcore_barrier()

    def body(j, carry):
        pltpu.async_copy(ones_v, acc.at[dst_v.at[j]], sem, add=True)

        @pl.when(j >= 8)
        def _():
            pltpu.make_async_copy(ones_v, acc.at[dst_v.at[0]], sem).wait()

        return carry

    lax.fori_loop(0, _NCHD, body, 0)

    def drain(j, carry):
        pltpu.make_async_copy(ones_v, acc.at[dst_v.at[0]], sem).wait()
        return carry

    lax.fori_loop(0, 8, drain, 0)
    plsc.subcore_barrier()
    pltpu.sync_copy(acc.at[pl.ds(r0, _RPT)], deg_out.at[c, pl.ds(r0, _RPT)])


@functools.partial(
    pl.kernel,
    out_type=jax.ShapeDtypeStruct((2, _NP, _C), jnp.float32),
    mesh=_mesh,
    scratch_types=[
        pltpu.VMEM((_NCHH + 2, _K), jnp.int32),
        pltpu.VMEM((_NCHH, _K), jnp.int32),
        pltpu.VMEM((_K, _C), jnp.float32),
        pltpu.VMEM((_K, _C), jnp.float32),
        pltpu.VMEM_SHARED((_NP, _C), jnp.float32),
        pltpu.SemaphoreType.DMA,
        pltpu.SemaphoreType.DMA,
        pltpu.SemaphoreType.DMA,
        pltpu.SemaphoreType.DMA,
    ],
)
def _spmm_kernel(xs_hbm, zeros_hbm, src_hbm, dst_hbm, out_hbm,
                 src_v, dst_v, rows_a, rows_b, acc,
                 gsem_a, gsem_b, ssem_a, ssem_b):
    c = lax.axis_index("c")
    s = lax.axis_index("s")
    wid = c * 16 + s
    r0 = s * _RPT

    @pl.when(c == 0)
    def _():
        pltpu.sync_copy(xs_hbm.at[pl.ds(r0, _RPT)], acc.at[pl.ds(r0, _RPT)])

    @pl.when(c == 1)
    def _():
        pltpu.sync_copy(zeros_hbm.at[pl.ds(r0, _RPT)], acc.at[pl.ds(r0, _RPT)])

    for h in range(_NPH):
        pltpu.sync_copy(src_hbm.at[wid, h], src_v)
        pltpu.sync_copy(dst_hbm.at[wid, h], dst_v)
        pltpu.async_copy(xs_hbm.at[src_v.at[0]], rows_a, gsem_a)
        pltpu.async_copy(xs_hbm.at[src_v.at[1]], rows_b, gsem_b)
        if h == 0:
            plsc.subcore_barrier()

        def body(g2, carry):
            g = g2 * 2
            pltpu.make_async_copy(
                xs_hbm.at[src_v.at[g]], rows_a, gsem_a).wait()
            pltpu.async_copy(rows_a, acc.at[dst_v.at[g]], ssem_a, add=True)
            pltpu.make_async_copy(
                xs_hbm.at[src_v.at[g + 1]], rows_b, gsem_b).wait()
            pltpu.async_copy(rows_b, acc.at[dst_v.at[g + 1]], ssem_b,
                             add=True)
            pltpu.make_async_copy(rows_a, acc.at[dst_v.at[g]],
                                  ssem_a).wait()
            pltpu.async_copy(xs_hbm.at[src_v.at[g + 2]], rows_a, gsem_a)
            pltpu.make_async_copy(rows_b, acc.at[dst_v.at[g + 1]],
                                  ssem_b).wait()
            pltpu.async_copy(xs_hbm.at[src_v.at[g + 3]], rows_b, gsem_b)
            return carry

        lax.fori_loop(0, _NCHH // 2, body, 0)
        pltpu.make_async_copy(xs_hbm.at[src_v.at[0]], rows_a, gsem_a).wait()
        pltpu.make_async_copy(xs_hbm.at[src_v.at[1]], rows_b, gsem_b).wait()

    plsc.subcore_barrier()
    pltpu.sync_copy(acc.at[pl.ds(r0, _RPT)], out_hbm.at[c, pl.ds(r0, _RPT)])


def _pre_body(deg_ref, x_ref, dinv_ref, xs_ref):
    d = deg_ref[:, 0] + deg_ref[:, 1]
    dinv = jnp.where(d > 0, lax.rsqrt(jnp.maximum(d, 1e-12)), 0.0)
    dinv_ref[:, 0] = dinv
    xs_ref[...] = x_ref[...] * dinv[:, None]


def _layer_body(wb_ref, s_ref, dinv_ref, x_ref, xs_ref):
    w = wb_ref[0]
    b = wb_ref[1]
    dinv = dinv_ref[:, 0]
    x = jnp.maximum((s_ref[0] + s_ref[1]) * dinv[:, None] * w + b, 0.0)
    x_ref[...] = x
    xs_ref[...] = x * dinv[:, None]


def _final_body(wb_ref, s_ref, dinv_ref, ro_ref, x_ref, out3_ref):
    w = wb_ref[0]
    b = wb_ref[1]
    dinv = dinv_ref[:, 0]
    x = jnp.maximum((s_ref[0] + s_ref[1]) * dinv[:, None] * w + b, 0.0)
    x_ref[...] = x
    out3_ref[...] = (x[None, :, :] * ro_ref[0][:, None, None]
                     + ro_ref[1][:, None, None])


def kernel(x, edge_index, conv_W, conv_b, ro_W, ro_b):
    f32 = jnp.float32
    pad = (jnp.arange(_TOTAL - _E, dtype=jnp.int32) % _NPAD_ROWS) + _N
    src_flat = jnp.concatenate([edge_index[0], pad])
    dst_flat = jnp.concatenate([edge_index[1], pad])
    src_p = src_flat.reshape(_NT, _NPH, _NCHH, _K)
    dst_p = dst_flat.reshape(_NT, _NPH, _NCHH, _K)
    ring_pad = ((jnp.arange(_NT * _NPH * 2 * _K, dtype=jnp.int32)
                 % _NPAD_ROWS) + _N).reshape(_NT, _NPH, 2, _K)
    src_p = jnp.concatenate([src_p, ring_pad], axis=2)
    dst_deg = dst_flat.reshape(_NT, _NCHD, _KD)
    x_pad = jnp.zeros((_NP, _C), f32).at[:_N].set(x)
    zeros_big = jnp.zeros((_NP, _C), f32)
    ones_np = jnp.ones((_NP,), f32)
    deg_init = jnp.stack(
        [jnp.concatenate([jnp.ones((_N,), f32), jnp.zeros((_NPAD_ROWS,), f32)]),
         jnp.zeros((_NP,), f32)])
    wb = jnp.stack([conv_W[0, 0], conv_b[0]])
    ro = jnp.concatenate([ro_W, ro_b[None, :]], axis=0)

    deg2 = _deg_kernel(dst_deg, deg_init, ones_np)
    deg_t = deg2.T

    grid = (_NP // _BN,)
    dinv, xs = pl.pallas_call(
        _pre_body,
        grid=grid,
        in_specs=[
            pl.BlockSpec((_BN, 2), lambda i: (i, 0)),
            pl.BlockSpec((_BN, _C), lambda i: (i, 0)),
        ],
        out_specs=[
            pl.BlockSpec((_BN, 1), lambda i: (i, 0)),
            pl.BlockSpec((_BN, _C), lambda i: (i, 0)),
        ],
        out_shape=[
            jax.ShapeDtypeStruct((_NP, 1), f32),
            jax.ShapeDtypeStruct((_NP, _C), f32),
        ],
    )(deg_t, x_pad)

    layer_call = pl.pallas_call(
        _layer_body,
        grid=grid,
        in_specs=[
            pl.BlockSpec(memory_space=pltpu.SMEM),
            pl.BlockSpec((2, _BN, _C), lambda i: (0, i, 0)),
            pl.BlockSpec((_BN, 1), lambda i: (i, 0)),
        ],
        out_specs=[
            pl.BlockSpec((_BN, _C), lambda i: (i, 0)),
            pl.BlockSpec((_BN, _C), lambda i: (i, 0)),
        ],
        out_shape=[
            jax.ShapeDtypeStruct((_NP, _C), f32),
            jax.ShapeDtypeStruct((_NP, _C), f32),
        ],
    )

    xs_list = []
    for _ in range(_NLAYERS - 1):
        s_part = _spmm_kernel(xs, zeros_big, src_p, dst_p)
        xlayer, xs = layer_call(wb, s_part, dinv)
        xs_list.append(xlayer)

    s_part = _spmm_kernel(xs, zeros_big, src_p, dst_p)
    x_last, out3 = pl.pallas_call(
        _final_body,
        grid=grid,
        in_specs=[
            pl.BlockSpec(memory_space=pltpu.SMEM),
            pl.BlockSpec((2, _BN, _C), lambda i: (0, i, 0)),
            pl.BlockSpec((_BN, 1), lambda i: (i, 0)),
            pl.BlockSpec((2, _NCLASS), lambda i: (0, 0)),
        ],
        out_specs=[
            pl.BlockSpec((_BN, _C), lambda i: (i, 0)),
            pl.BlockSpec((_NCLASS, _BN, _C), lambda i: (0, i, 0)),
        ],
        out_shape=[
            jax.ShapeDtypeStruct((_NP, _C), f32),
            jax.ShapeDtypeStruct((_NCLASS, _NP, _C), f32),
        ],
    )(wb, s_part, dinv, ro)
    xs_list.append(x_last)

    out = jnp.transpose(out3, (1, 2, 0))[:_N]
    x_all = jnp.stack([x] + [xl[:_N] for xl in xs_list], axis=1)
    return (out, x_all)

# --- scband reference (transcript-rebuilt; emitter-appended) ---
"""Pipeline reference for scband-gcn-33320356282946 (READ-ONLY COPY).

The authoritative reference and input builder live on the scoring server;
editing this copy changes nothing except your own understanding.
"""

import jax, jax.numpy as jnp
import numpy as np

N = 10000
E = 320000
C = 128
NCLASS = 7
NLAYERS = 4


def setup_inputs(seed: int = 0) -> dict:
    key = jax.random.key(seed)
    k1, k2, k3, k4 = jax.random.split(key, 4)
    x = jax.random.normal(k1, (N, C), dtype=jnp.float32)
    edge_index = jax.random.randint(k2, (2, E), 0, N, dtype=jnp.int32)
    # GCNConv(nhid=1, nhid=1): weight [1,1], bias [1] (shared across all nlayers calls)
    conv_W = jax.random.normal(k3, (1, 1), dtype=jnp.float32) * 0.5
    conv_b = jnp.zeros((1,), dtype=jnp.float32)
    # readout Linear(nhid=1, nclass)
    ro_W = jax.random.normal(k4, (1, NCLASS), dtype=jnp.float32) * 0.5
    ro_b = jnp.zeros((NCLASS,), dtype=jnp.float32)
    return {"x": x, "edge_index": edge_index, "conv_W": conv_W, "conv_b": conv_b, "ro_W": ro_W, "ro_b": ro_b}


def _gcn_conv(X, src, dst, W, b):
    # Faithful PyG GCNConv: add self-loops, symmetric normalization D^-1/2 (A+I) D^-1/2,
    # linear transform on last (channel) dim, scatter-add aggregation onto dst.
    n = X.shape[0]
    Xl = X @ W  # [N, C, 1] @ [1, 1] -> [N, C, 1]
    ones = jnp.ones(dst.shape[0], dtype=X.dtype)
    deg = jax.ops.segment_sum(ones, dst, num_segments=n)
    dinv = jnp.where(deg > 0, jax.lax.rsqrt(jnp.maximum(deg, 1e-12)), 0.0)
    norm = dinv[src] * dinv[dst]  # [E+N]
    msgs = Xl[src] * norm[:, None, None]  # gather [E+N, C, 1]
    out = jax.ops.segment_sum(msgs, dst, num_segments=n)  # scatter-add
    return out + b


def reference(x, edge_index, conv_W, conv_b, ro_W, ro_b):
    n = x.shape[0]
    sl = jnp.arange(n, dtype=edge_index.dtype)
    src = jnp.concatenate([edge_index[0], sl])
    dst = jnp.concatenate([edge_index[1], sl])
    # eval mode: F.dropout(training=False) is identity; emb is nn.Identity
    X = x[..., None]  # unsqueeze(-1) -> [N, C, 1]
    X_all = [X]
    for _ in range(NLAYERS):
        X = jax.nn.relu(_gcn_conv(X, src, dst, conv_W, conv_b))
        X_all.append(X)
    out = X @ ro_W + ro_b  # readout: [N, C, 1] @ [1, NCLASS] -> [N, C, NCLASS]
    X_all = jnp.stack(X_all, axis=1)[..., 0]  # stack dim=1 then squeeze(-1) -> [N, NLAYERS+1, C]
    return (out, X_all)

if __name__ == "__main__":
    import jax
    _d = setup_inputs()
    print(jax.jit(kernel)(*tuple(_d.values())))

</pallas_src>

<mosaic_0001>
#map = affine_map<(d0, d1) -> (0, 0)>
#map1 = affine_map<(d0, d1) -> (0, 0, 0, 0)>
#map2 = affine_map<(d0, d1) -> (0, 0, 0)>
module attributes {stable_mosaic.version = 14 : i64} {
  func.func @_spmm_kernel(%arg0: i32, %arg1: i32, %arg2: memref<10240x128xf32, #tpu.memory_space<hbm>>, %arg3: memref<10240x128xf32, #tpu.memory_space<hbm>>, %arg4: memref<32x2x82x64xi32, #tpu.memory_space<hbm>>, %arg5: memref<32x2x80x64xi32, #tpu.memory_space<hbm>>, %arg6: memref<2x10240x128xf32, #tpu.memory_space<hbm>>, %arg7: memref<82x64xi32, #tpu.memory_space<vmem>>, %arg8: memref<80x64xi32, #tpu.memory_space<vmem>>, %arg9: memref<64x128xf32, #tpu.memory_space<vmem>>, %arg10: memref<64x128xf32, #tpu.memory_space<vmem>>, %arg11: memref<10240x128xf32, #tpu.memory_space<vmem_shared>>, %arg12: memref<!tpu.dma_semaphore, #tpu.memory_space<semaphore_mem>>, %arg13: memref<!tpu.dma_semaphore, #tpu.memory_space<semaphore_mem>>, %arg14: memref<!tpu.dma_semaphore, #tpu.memory_space<semaphore_mem>>, %arg15: memref<!tpu.dma_semaphore, #tpu.memory_space<semaphore_mem>>) attributes {dimension_semantics = [#tpu.dimension_semantics<core_parallel>, #tpu.dimension_semantics<subcore_parallel>], iteration_bounds = array<i64: 2, 16>, scalar_prefetch = 0 : i64, scratch_operands = 9 : i64, tpu.core_type = #tpu.core_type<sc_vector_subcore>, window_params = [{transform_indices = #map}, {transform_indices = #map}, {transform_indices = #map1}, {transform_indices = #map1}, {transform_indices = #map2}]} {
    %mul3A = arith.constant 16 : i32
    %mul3A_0 = arith.muli %arg0, %mul3A : i32
    %add3A = arith.addi %mul3A_0, %arg1 : i32
    %mul3A_1 = arith.constant 640 : i32
    %mul3A_2 = arith.muli %arg1, %mul3A_1 : i32
    %eq3A = arith.constant 0 : i32
    %eq3A_3 = arith.cmpi eq, %arg0, %eq3A : i32
    %convert_element_type3A = arith.extui %eq3A_3 : i1 to i32
    %cond3A = arith.constant 0 : i32
    %cond3A_4 = arith.cmpi ne, %convert_element_type3A, %cond3A : i32
    scf.if %cond3A_4 {
      "tpu.region"() ({
        %run_scoped3A_79 = tpu.sem_alloc : memref<!tpu.dma_semaphore, #tpu.memory_space<semaphore_mem>>
        %dma_start3A_80 = arith.constant 0 : i32
        %dma_start3A_81 = tpu.memref_slice %arg11[%mul3A_2, %dma_start3A_80] : memref<10240x128xf32, #tpu.memory_space<vmem_shared>> -> memref<640x128xf32, #tpu.memory_space<vmem_shared>>
        %dma_start3A_82 = arith.constant 0 : i32
        %dma_start3A_83 = tpu.memref_slice %arg2[%mul3A_2, %dma_start3A_82] : memref<10240x128xf32, #tpu.memory_space<hbm>> -> memref<640x128xf32, #tpu.memory_space<hbm>>
        tpu.enqueue_dma source(%dma_start3A_83 : memref<640x128xf32, #tpu.memory_space<hbm>>) target(%dma_start3A_81 : memref<640x128xf32, #tpu.memory_space<vmem_shared>>) target_semaphore(%run_scoped3A_79 : memref<!tpu.dma_semaphore, #tpu.memory_space<semaphore_mem>>)
        %dma_wait3A_84 = arith.constant 0 : i32
        %dma_wait3A_85 = tpu.memref_slice %arg11[%mul3A_2, %dma_wait3A_84] : memref<10240x128xf32, #tpu.memory_space<vmem_shared>> -> memref<640x128xf32, #tpu.memory_space<vmem_shared>>
        %dma_wait3A_86 = arith.constant 0 : i32
        %dma_wait3A_87 = tpu.memref_slice %arg2[%mul3A_2, %dma_wait3A_86] : memref<10240x128xf32, #tpu.memory_space<hbm>> -> memref<640x128xf32, #tpu.memory_space<hbm>>
        tpu.wait_dma2 semaphore(%run_scoped3A_79 : memref<!tpu.dma_semaphore, #tpu.memory_space<semaphore_mem>>) src(%dma_wait3A_87 : memref<640x128xf32, #tpu.memory_space<hbm>>) dst(%dma_wait3A_85 : memref<640x128xf32, #tpu.memory_space<vmem_shared>>)
        tpu.yield
      }) : () -> ()
    } else {
    }
    %eq3A_5 = arith.constant 1 : i32
    %eq3A_6 = arith.cmpi eq, %arg0, %eq3A_5 : i32
    %convert_element_type3A_7 = arith.extui %eq3A_6 : i1 to i32
    %cond3A_8 = arith.constant 0 : i32
    %cond3A_9 = arith.cmpi ne, %convert_element_type3A_7, %cond3A_8 : i32
    scf.if %cond3A_9 {
      "tpu.region"() ({
        %run_scoped3A_79 = tpu.sem_alloc : memref<!tpu.dma_semaphore, #tpu.memory_space<semaphore_mem>>
        %dma_start3A_80 = arith.constant 0 : i32
        %dma_start3A_81 = tpu.memref_slice %arg11[%mul3A_2, %dma_start3A_80] : memref<10240x128xf32, #tpu.memory_space<vmem_shared>> -> memref<640x128xf32, #tpu.memory_space<vmem_shared>>
        %dma_start3A_82 = arith.constant 0 : i32
        %dma_start3A_83 = tpu.memref_slice %arg3[%mul3A_2, %dma_start3A_82] : memref<10240x128xf32, #tpu.memory_space<hbm>> -> memref<640x128xf32, #tpu.memory_space<hbm>>
        tpu.enqueue_dma source(%dma_start3A_83 : memref<640x128xf32, #tpu.memory_space<hbm>>) target(%dma_start3A_81 : memref<640x128xf32, #tpu.memory_space<vmem_shared>>) target_semaphore(%run_scoped3A_79 : memref<!tpu.dma_semaphore, #tpu.memory_space<semaphore_mem>>)
        %dma_wait3A_84 = arith.constant 0 : i32
        %dma_wait3A_85 = tpu.memref_slice %arg11[%mul3A_2, %dma_wait3A_84] : memref<10240x128xf32, #tpu.memory_space<vmem_shared>> -> memref<640x128xf32, #tpu.memory_space<vmem_shared>>
        %dma_wait3A_86 = arith.constant 0 : i32
        %dma_wait3A_87 = tpu.memref_slice %arg3[%mul3A_2, %dma_wait3A_86] : memref<10240x128xf32, #tpu.memory_space<hbm>> -> memref<640x128xf32, #tpu.memory_space<hbm>>
        tpu.wait_dma2 semaphore(%run_scoped3A_79 : memref<!tpu.dma_semaphore, #tpu.memory_space<semaphore_mem>>) src(%dma_wait3A_87 : memref<640x128xf32, #tpu.memory_space<hbm>>) dst(%dma_wait3A_85 : memref<640x128xf32, #tpu.memory_space<vmem_shared>>)
        tpu.yield
      }) : () -> ()
    } else {
    }
    %run_scoped3A = arith.constant 0 : i32
    "tpu.region"() ({
      %run_scoped3A_79 = tpu.sem_alloc : memref<!tpu.dma_semaphore, #tpu.memory_space<semaphore_mem>>
      %dma_start3A_80 = arith.constant 0 : i32
      %dma_start3A_81 = arith.constant 0 : i32
      %dma_start3A_82 = tpu.memref_slice %arg4[%add3A, %run_scoped3A, %dma_start3A_80, %dma_start3A_81] : memref<32x2x82x64xi32, #tpu.memory_space<hbm>> -> memref<1x1x82x64xi32, #tpu.memory_space<hbm>>
      %dma_start3A_83 = tpu.memref_squeeze %dma_start3A_82 : memref<1x1x82x64xi32, #tpu.memory_space<hbm>> -> memref<82x64xi32, #tpu.memory_space<hbm>>
      %dma_start3A_84 = arith.constant 0 : i32
      %dma_start3A_85 = arith.constant 0 : i32
      %dma_start3A_86 = tpu.memref_slice %arg4[%add3A, %run_scoped3A, %dma_start3A_84, %dma_start3A_85] : memref<32x2x82x64xi32, #tpu.memory_space<hbm>> -> memref<1x1x82x64xi32, #tpu.memory_space<hbm>>
      %dma_start3A_87 = tpu.memref_squeeze %dma_start3A_86 : memref<1x1x82x64xi32, #tpu.memory_space<hbm>> -> memref<82x64xi32, #tpu.memory_space<hbm>>
      tpu.enqueue_dma source(%dma_start3A_87 : memref<82x64xi32, #tpu.memory_space<hbm>>) target(%arg7 : memref<82x64xi32, #tpu.memory_space<vmem>>) target_semaphore(%run_scoped3A_79 : memref<!tpu.dma_semaphore, #tpu.memory_space<semaphore_mem>>)
      %dma_wait3A_88 = arith.constant 0 : i32
      %dma_wait3A_89 = arith.constant 0 : i32
      %dma_wait3A_90 = tpu.memref_slice %arg4[%add3A, %run_scoped3A, %dma_wait3A_88, %dma_wait3A_89] : memref<32x2x82x64xi32, #tpu.memory_space<hbm>> -> memref<1x1x82x64xi32, #tpu.memory_space<hbm>>
      %dma_wait3A_91 = tpu.memref_squeeze %dma_wait3A_90 : memref<1x1x82x64xi32, #tpu.memory_space<hbm>> -> memref<82x64xi32, #tpu.memory_space<hbm>>
      %dma_wait3A_92 = arith.constant 0 : i32
      %dma_wait3A_93 = arith.constant 0 : i32
      %dma_wait3A_94 = tpu.memref_slice %arg4[%add3A, %run_scoped3A, %dma_wait3A_92, %dma_wait3A_93] : memref<32x2x82x64xi32, #tpu.memory_space<hbm>> -> memref<1x1x82x64xi32, #tpu.memory_space<hbm>>
      %dma_wait3A_95 = tpu.memref_squeeze %dma_wait3A_94 : memref<1x1x82x64xi32, #tpu.memory_space<hbm>> -> memref<82x64xi32, #tpu.memory_space<hbm>>
      tpu.wait_dma2 semaphore(%run_scoped3A_79 : memref<!tpu.dma_semaphore, #tpu.memory_space<semaphore_mem>>) src(%dma_wait3A_95 : memref<82x64xi32, #tpu.memory_space<hbm>>) dst(%arg7 : memref<82x64xi32, #tpu.memory_space<vmem>>)
      tpu.yield
    }) : () -> ()
    %run_scoped3A_10 = arith.constant 0 : i32
    "tpu.region"() ({
      %run_scoped3A_79 = tpu.sem_alloc : memref<!tpu.dma_semaphore, #tpu.memory_space<semaphore_mem>>
      %dma_start3A_80 = arith.constant 0 : i32
      %dma_start3A_81 = arith.constant 0 : i32
      %dma_start3A_82 = tpu.memref_slice %arg5[%add3A, %run_scoped3A_10, %dma_start3A_80, %dma_start3A_81] : memref<32x2x80x64xi32, #tpu.memory_space<hbm>> -> memref<1x1x80x64xi32, #tpu.memory_space<hbm>>
      %dma_start3A_83 = tpu.memref_squeeze %dma_start3A_82 : memref<1x1x80x64xi32, #tpu.memory_space<hbm>> -> memref<80x64xi32, #tpu.memory_space<hbm>>
      %dma_start3A_84 = arith.constant 0 : i32
      %dma_start3A_85 = arith.constant 0 : i32
      %dma_start3A_86 = tpu.memref_slice %arg5[%add3A, %run_scoped3A_10, %dma_start3A_84, %dma_start3A_85] : memref<32x2x80x64xi32, #tpu.memory_space<hbm>> -> memref<1x1x80x64xi32, #tpu.memory_space<hbm>>
      %dma_start3A_87 = tpu.memref_squeeze %dma_start3A_86 : memref<1x1x80x64xi32, #tpu.memory_space<hbm>> -> memref<80x64xi32, #tpu.memory_space<hbm>>
      tpu.enqueue_dma source(%dma_start3A_87 : memref<80x64xi32, #tpu.memory_space<hbm>>) target(%arg8 : memref<80x64xi32, #tpu.memory_space<vmem>>) target_semaphore(%run_scoped3A_79 : memref<!tpu.dma_semaphore, #tpu.memory_space<semaphore_mem>>)
      %dma_wait3A_88 = arith.constant 0 : i32
      %dma_wait3A_89 = arith.constant 0 : i32
      %dma_wait3A_90 = tpu.memref_slice %arg5[%add3A, %run_scoped3A_10, %dma_wait3A_88, %dma_wait3A_89] : memref<32x2x80x64xi32, #tpu.memory_space<hbm>> -> memref<1x1x80x64xi32, #tpu.memory_space<hbm>>
      %dma_wait3A_91 = tpu.memref_squeeze %dma_wait3A_90 : memref<1x1x80x64xi32, #tpu.memory_space<hbm>> -> memref<80x64xi32, #tpu.memory_space<hbm>>
      %dma_wait3A_92 = arith.constant 0 : i32
      %dma_wait3A_93 = arith.constant 0 : i32
      %dma_wait3A_94 = tpu.memref_slice %arg5[%add3A, %run_scoped3A_10, %dma_wait3A_92, %dma_wait3A_93] : memref<32x2x80x64xi32, #tpu.memory_space<hbm>> -> memref<1x1x80x64xi32, #tpu.memory_space<hbm>>
      %dma_wait3A_95 = tpu.memref_squeeze %dma_wait3A_94 : memref<1x1x80x64xi32, #tpu.memory_space<hbm>> -> memref<80x64xi32, #tpu.memory_space<hbm>>
      tpu.wait_dma2 semaphore(%run_scoped3A_79 : memref<!tpu.dma_semaphore, #tpu.memory_space<semaphore_mem>>) src(%dma_wait3A_95 : memref<80x64xi32, #tpu.memory_space<hbm>>) dst(%arg8 : memref<80x64xi32, #tpu.memory_space<vmem>>)
      tpu.yield
    }) : () -> ()
    %dma_start3A = arith.constant 0 : i32
    %dma_start3A_11 = arith.constant 0 : i32
    %dma_start3A_12 = tpu.memref_slice %arg7[%dma_start3A, %dma_start3A_11] : memref<82x64xi32, #tpu.memory_space<vmem>> -> memref<1x64xi32, #tpu.memory_space<vmem>>
    %dma_start3A_13 = tpu.memref_squeeze %dma_start3A_12 : memref<1x64xi32, #tpu.memory_space<vmem>> -> memref<64xi32, #tpu.memory_space<vmem>>
    %dma_start3A_14 = arith.constant 0 : i32
    %dma_start3A_15 = arith.constant 0 : i32
    %dma_start3A_16 = tpu.memref_slice %arg2[%dma_start3A_14, %dma_start3A_15] : memref<10240x128xf32, #tpu.memory_space<hbm>> -> memref<10240x128xf32, #tpu.memory_space<hbm>>
    tpu.enqueue_indirect_dma source(%dma_start3A_16 : memref<10240x128xf32, #tpu.memory_space<hbm>>) target(%arg9 : memref<64x128xf32, #tpu.memory_space<vmem>>) offsets(%dma_start3A_13 : memref<64xi32, #tpu.memory_space<vmem>>) semaphore(%arg12 : memref<!tpu.dma_semaphore, #tpu.memory_space<semaphore_mem>>)
    %dma_start3A_17 = arith.constant 1 : i32
    %dma_start3A_18 = arith.constant 0 : i32
    %dma_start3A_19 = tpu.memref_slice %arg7[%dma_start3A_17, %dma_start3A_18] : memref<82x64xi32, #tpu.memory_space<vmem>> -> memref<1x64xi32, #tpu.memory_space<vmem>>
    %dma_start3A_20 = tpu.memref_squeeze %dma_start3A_19 : memref<1x64xi32, #tpu.memory_space<vmem>> -> memref<64xi32, #tpu.memory_space<vmem>>
    %dma_start3A_21 = arith.constant 0 : i32
    %dma_start3A_22 = arith.constant 0 : i32
    %dma_start3A_23 = tpu.memref_slice %arg2[%dma_start3A_21, %dma_start3A_22] : memref<10240x128xf32, #tpu.memory_space<hbm>> -> memref<10240x128xf32, #tpu.memory_space<hbm>>
    tpu.enqueue_indirect_dma source(%dma_start3A_23 : memref<10240x128xf32, #tpu.memory_space<hbm>>) target(%arg10 : memref<64x128xf32, #tpu.memory_space<vmem>>) offsets(%dma_start3A_20 : memref<64xi32, #tpu.memory_space<vmem>>) semaphore(%arg13 : memref<!tpu.dma_semaphore, #tpu.memory_space<semaphore_mem>>)
    %barrier3A = arith.constant 0 : index
    tpu.barrier barrier_id(%barrier3A)
    %scan3A = arith.constant 0 : i32
    %scan3A_24 = arith.constant 0 : i32
    %scan3A_25 = arith.constant 40 : i32
    %scan3A_26 = arith.addi %scan3A_24, %scan3A_25 : i32
    %scan3A_27 = arith.constant 1 : i32
    scf.for %scan3A_79 = %scan3A_24 to %scan3A_26 step %scan3A_27  : i32 {
      %mul3A_80 = arith.constant 2 : i32
      %mul3A_81 = arith.muli %scan3A_79, %mul3A_80 : i32
      %dma_wait3A_82 = arith.constant 0 : i32
      %dma_wait3A_83 = tpu.memref_slice %arg7[%mul3A_81, %dma_wait3A_82] : memref<82x64xi32, #tpu.memory_space<vmem>> -> memref<1x64xi32, #tpu.memory_space<vmem>>
      %dma_wait3A_84 = tpu.memref_squeeze %dma_wait3A_83 : memref<1x64xi32, #tpu.memory_space<vmem>> -> memref<64xi32, #tpu.memory_space<vmem>>
      %dma_wait3A_85 = arith.constant 0 : i32
      %dma_wait3A_86 = arith.constant 0 : i32
      %dma_wait3A_87 = tpu.memref_slice %arg2[%dma_wait3A_85, %dma_wait3A_86] : memref<10240x128xf32, #tpu.memory_space<hbm>> -> memref<10240x128xf32, #tpu.memory_space<hbm>>
      tpu.wait_indirect_dma semaphore(%arg12 : memref<!tpu.dma_semaphore, #tpu.memory_space<semaphore_mem>>) src(%dma_wait3A_87 : memref<10240x128xf32, #tpu.memory_space<hbm>>) dst(%arg9 : memref<64x128xf32, #tpu.memory_space<vmem>>)
      %dma_start3A_88 = arith.constant 0 : i32
      %dma_start3A_89 = tpu.memref_slice %arg8[%mul3A_81, %dma_start3A_88] : memref<80x64xi32, #tpu.memory_space<vmem>> -> memref<1x64xi32, #tpu.memory_space<vmem>>
      %dma_start3A_90 = tpu.memref_squeeze %dma_start3A_89 : memref<1x64xi32, #tpu.memory_space<vmem>> -> memref<64xi32, #tpu.memory_space<vmem>>
      %dma_start3A_91 = arith.constant 0 : i32
      %dma_start3A_92 = arith.constant 0 : i32
      %dma_start3A_93 = tpu.memref_slice %arg11[%dma_start3A_91, %dma_start3A_92] : memref<10240x128xf32, #tpu.memory_space<vmem_shared>> -> memref<10240x128xf32, #tpu.memory_space<vmem_shared>>
      tpu.enqueue_indirect_dma source(%arg9 : memref<64x128xf32, #tpu.memory_space<vmem>>) target(%dma_start3A_93 : memref<10240x128xf32, #tpu.memory_space<vmem_shared>>) offsets(%dma_start3A_90 : memref<64xi32, #tpu.memory_space<vmem>>) semaphore(%arg14 : memref<!tpu.dma_semaphore, #tpu.memory_space<semaphore_mem>>) {add = true}
      %add3A_94 = arith.constant 1 : i32
      %add3A_95 = arith.addi %mul3A_81, %add3A_94 : i32
      %dma_wait3A_96 = arith.constant 0 : i32
      %dma_wait3A_97 = tpu.memref_slice %arg7[%add3A_95, %dma_wait3A_96] : memref<82x64xi32, #tpu.memory_space<vmem>> -> memref<1x64xi32, #tpu.memory_space<vmem>>
      %dma_wait3A_98 = tpu.memref_squeeze %dma_wait3A_97 : memref<1x64xi32, #tpu.memory_space<vmem>> -> memref<64xi32, #tpu.memory_space<vmem>>
      %dma_wait3A_99 = arith.constant 0 : i32
      %dma_wait3A_100 = arith.constant 0 : i32
      %dma_wait3A_101 = tpu.memref_slice %arg2[%dma_wait3A_99, %dma_wait3A_100] : memref<10240x128xf32, #tpu.memory_space<hbm>> -> memref<10240x128xf32, #tpu.memory_space<hbm>>
      tpu.wait_indirect_dma semaphore(%arg13 : memref<!tpu.dma_semaphore, #tpu.memory_space<semaphore_mem>>) src(%dma_wait3A_101 : memref<10240x128xf32, #tpu.memory_space<hbm>>) dst(%arg10 : memref<64x128xf32, #tpu.memory_space<vmem>>)
      %add3A_102 = arith.constant 1 : i32
      %add3A_103 = arith.addi %mul3A_81, %add3A_102 : i32
      %dma_start3A_104 = arith.constant 0 : i32
      %dma_start3A_105 = tpu.memref_slice %arg8[%add3A_103, %dma_start3A_104] : memref<80x64xi32, #tpu.memory_space<vmem>> -> memref<1x64xi32, #tpu.memory_space<vmem>>
      %dma_start3A_106 = tpu.memref_squeeze %dma_start3A_105 : memref<1x64xi32, #tpu.memory_space<vmem>> -> memref<64xi32, #tpu.memory_space<vmem>>
      %dma_start3A_107 = arith.constant 0 : i32
      %dma_start3A_108 = arith.constant 0 : i32
      %dma_start3A_109 = tpu.memref_slice %arg11[%dma_start3A_107, %dma_start3A_108] : memref<10240x128xf32, #tpu.memory_space<vmem_shared>> -> memref<10240x128xf32, #tpu.memory_space<vmem_shared>>
      tpu.enqueue_indirect_dma source(%arg10 : memref<64x128xf32, #tpu.memory_space<vmem>>) target(%dma_start3A_109 : memref<10240x128xf32, #tpu.memory_space<vmem_shared>>) offsets(%dma_start3A_106 : memref<64xi32, #tpu.memory_space<vmem>>) semaphore(%arg15 : memref<!tpu.dma_semaphore, #tpu.memory_space<semaphore_mem>>) {add = true}
      %dma_wait3A_110 = arith.constant 0 : i32
      %dma_wait3A_111 = tpu.memref_slice %arg8[%mul3A_81, %dma_wait3A_110] : memref<80x64xi32, #tpu.memory_space<vmem>> -> memref<1x64xi32, #tpu.memory_space<vmem>>
      %dma_wait3A_112 = tpu.memref_squeeze %dma_wait3A_111 : memref<1x64xi32, #tpu.memory_space<vmem>> -> memref<64xi32, #tpu.memory_space<vmem>>
      %dma_wait3A_113 = arith.constant 0 : i32
      %dma_wait3A_114 = arith.constant 0 : i32
      %dma_wait3A_115 = tpu.memref_slice %arg11[%dma_wait3A_113, %dma_wait3A_114] : memref<10240x128xf32, #tpu.memory_space<vmem_shared>> -> memref<10240x128xf32, #tpu.memory_space<vmem_shared>>
      tpu.wait_indirect_dma semaphore(%arg14 : memref<!tpu.dma_semaphore, #tpu.memory_space<semaphore_mem>>) src(%arg9 : memref<64x128xf32, #tpu.memory_space<vmem>>) dst(%dma_wait3A_115 : memref<10240x128xf32, #tpu.memory_space<vmem_shared>>)
      %add3A_116 = arith.constant 2 : i32
      %add3A_117 = arith.addi %mul3A_81, %add3A_116 : i32
      %dma_start3A_118 = arith.constant 0 : i32
      %dma_start3A_119 = tpu.memref_slice %arg7[%add3A_117, %dma_start3A_118] : memref<82x64xi32, #tpu.memory_space<vmem>> -> memref<1x64xi32, #tpu.memory_space<vmem>>
      %dma_start3A_120 = tpu.memref_squeeze %dma_start3A_119 : memref<1x64xi32, #tpu.memory_space<vmem>> -> memref<64xi32, #tpu.memory_space<vmem>>
      %dma_start3A_121 = arith.constant 0 : i32
      %dma_start3A_122 = arith.constant 0 : i32
      %dma_start3A_123 = tpu.memref_slice %arg2[%dma_start3A_121, %dma_start3A_122] : memref<10240x128xf32, #tpu.memory_space<hbm>> -> memref<10240x128xf32, #tpu.memory_space<hbm>>
      tpu.enqueue_indirect_dma source(%dma_start3A_123 : memref<10240x128xf32, #tpu.memory_space<hbm>>) target(%arg9 : memref<64x128xf32, #tpu.memory_space<vmem>>) offsets(%dma_start3A_120 : memref<64xi32, #tpu.memory_space<vmem>>) semaphore(%arg12 : memref<!tpu.dma_semaphore, #tpu.memory_space<semaphore_mem>>)
      %add3A_124 = arith.constant 1 : i32
      %add3A_125 = arith.addi %mul3A_81, %add3A_124 : i32
      %dma_wait3A_126 = arith.constant 0 : i32
      %dma_wait3A_127 = tpu.memref_slice %arg8[%add3A_125, %dma_wait3A_126] : memref<80x64xi32, #tpu.memory_space<vmem>> -> memref<1x64xi32, #tpu.memory_space<vmem>>
      %dma_wait3A_128 = tpu.memref_squeeze %dma_wait3A_127 : memref<1x64xi32, #tpu.memory_space<vmem>> -> memref<64xi32, #tpu.memory_space<vmem>>
      %dma_wait3A_129 = arith.constant 0 : i32
      %dma_wait3A_130 = arith.constant 0 : i32
      %dma_wait3A_131 = tpu.memref_slice %arg11[%dma_wait3A_129, %dma_wait3A_130] : memref<10240x128xf32, #tpu.memory_space<vmem_shared>> -> memref<10240x128xf32, #tpu.memory_space<vmem_shared>>
      tpu.wait_indirect_dma semaphore(%arg15 : memref<!tpu.dma_semaphore, #tpu.memory_space<semaphore_mem>>) src(%arg10 : memref<64x128xf32, #tpu.memory_space<vmem>>) dst(%dma_wait3A_131 : memref<10240x128xf32, #tpu.memory_space<vmem_shared>>)
      %add3A_132 = arith.constant 3 : i32
      %add3A_133 = arith.addi %mul3A_81, %add3A_132 : i32
      %dma_start3A_134 = arith.constant 0 : i32
      %dma_start3A_135 = tpu.memref_slice %arg7[%add3A_133, %dma_start3A_134] : memref<82x64xi32, #tpu.memory_space<vmem>> -> memref<1x64xi32, #tpu.memory_space<vmem>>
      %dma_start3A_136 = tpu.memref_squeeze %dma_start3A_135 : memref<1x64xi32, #tpu.memory_space<vmem>> -> memref<64xi32, #tpu.memory_space<vmem>>
      %dma_start3A_137 = arith.constant 0 : i32
      %dma_start3A_138 = arith.constant 0 : i32
      %dma_start3A_139 = tpu.memref_slice %arg2[%dma_start3A_137, %dma_start3A_138] : memref<10240x128xf32, #tpu.memory_space<hbm>> -> memref<10240x128xf32, #tpu.memory_space<hbm>>
      tpu.enqueue_indirect_dma source(%dma_start3A_139 : memref<10240x128xf32, #tpu.memory_space<hbm>>) target(%arg10 : memref<64x128xf32, #tpu.memory_space<vmem>>) offsets(%dma_start3A_136 : memref<64xi32, #tpu.memory_space<vmem>>) semaphore(%arg13 : memref<!tpu.dma_semaphore, #tpu.memory_space<semaphore_mem>>)
    }
    %scan3A_28 = arith.constant 40 : i32
    %dma_wait3A = arith.constant 0 : i32
    %dma_wait3A_29 = arith.constant 0 : i32
    %dma_wait3A_30 = tpu.memref_slice %arg7[%dma_wait3A, %dma_wait3A_29] : memref<82x64xi32, #tpu.memory_space<vmem>> -> memref<1x64xi32, #tpu.memory_space<vmem>>
    %dma_wait3A_31 = tpu.memref_squeeze %dma_wait3A_30 : memref<1x64xi32, #tpu.memory_space<vmem>> -> memref<64xi32, #tpu.memory_space<vmem>>
    %dma_wait3A_32 = arith.constant 0 : i32
    %dma_wait3A_33 = arith.constant 0 : i32
    %dma_wait3A_34 = tpu.memref_slice %arg2[%dma_wait3A_32, %dma_wait3A_33] : memref<10240x128xf32, #tpu.memory_space<hbm>> -> memref<10240x128xf32, #tpu.memory_space<hbm>>
    tpu.wait_indirect_dma semaphore(%arg12 : memref<!tpu.dma_semaphore, #tpu.memory_space<semaphore_mem>>) src(%dma_wait3A_34 : memref<10240x128xf32, #tpu.memory_space<hbm>>) dst(%arg9 : memref<64x128xf32, #tpu.memory_space<vmem>>)
    %dma_wait3A_35 = arith.constant 1 : i32
    %dma_wait3A_36 = arith.constant 0 : i32
    %dma_wait3A_37 = tpu.memref_slice %arg7[%dma_wait3A_35, %dma_wait3A_36] : memref<82x64xi32, #tpu.memory_space<vmem>> -> memref<1x64xi32, #tpu.memory_space<vmem>>
    %dma_wait3A_38 = tpu.memref_squeeze %dma_wait3A_37 : memref<1x64xi32, #tpu.memory_space<vmem>> -> memref<64xi32, #tpu.memory_space<vmem>>
    %dma_wait3A_39 = arith.constant 0 : i32
    %dma_wait3A_40 = arith.constant 0 : i32
    %dma_wait3A_41 = tpu.memref_slice %arg2[%dma_wait3A_39, %dma_wait3A_40] : memref<10240x128xf32, #tpu.memory_space<hbm>> -> memref<10240x128xf32, #tpu.memory_space<hbm>>
    tpu.wait_indirect_dma semaphore(%arg13 : memref<!tpu.dma_semaphore, #tpu.memory_space<semaphore_mem>>) src(%dma_wait3A_41 : memref<10240x128xf32, #tpu.memory_space<hbm>>) dst(%arg10 : memref<64x128xf32, #tpu.memory_space<vmem>>)
    %run_scoped3A_42 = arith.constant 1 : i32
    "tpu.region"() ({
      %run_scoped3A_79 = tpu.sem_alloc : memref<!tpu.dma_semaphore, #tpu.memory_space<semaphore_mem>>
      %dma_start3A_80 = arith.constant 0 : i32
      %dma_start3A_81 = arith.constant 0 : i32
      %dma_start3A_82 = tpu.memref_slice %arg4[%add3A, %run_scoped3A_42, %dma_start3A_80, %dma_start3A_81] : memref<32x2x82x64xi32, #tpu.memory_space<hbm>> -> memref<1x1x82x64xi32, #tpu.memory_space<hbm>>
      %dma_start3A_83 = tpu.memref_squeeze %dma_start3A_82 : memref<1x1x82x64xi32, #tpu.memory_space<hbm>> -> memref<82x64xi32, #tpu.memory_space<hbm>>
      %dma_start3A_84 = arith.constant 0 : i32
      %dma_start3A_85 = arith.constant 0 : i32
      %dma_start3A_86 = tpu.memref_slice %arg4[%add3A, %run_scoped3A_42, %dma_start3A_84, %dma_start3A_85] : memref<32x2x82x64xi32, #tpu.memory_space<hbm>> -> memref<1x1x82x64xi32, #tpu.memory_space<hbm>>
      %dma_start3A_87 = tpu.memref_squeeze %dma_start3A_86 : memref<1x1x82x64xi32, #tpu.memory_space<hbm>> -> memref<82x64xi32, #tpu.memory_space<hbm>>
      tpu.enqueue_dma source(%dma_start3A_87 : memref<82x64xi32, #tpu.memory_space<hbm>>) target(%arg7 : memref<82x64xi32, #tpu.memory_space<vmem>>) target_semaphore(%run_scoped3A_79 : memref<!tpu.dma_semaphore, #tpu.memory_space<semaphore_mem>>)
      %dma_wait3A_88 = arith.constant 0 : i32
      %dma_wait3A_89 = arith.constant 0 : i32
      %dma_wait3A_90 = tpu.memref_slice %arg4[%add3A, %run_scoped3A_42, %dma_wait3A_88, %dma_wait3A_89] : memref<32x2x82x64xi32, #tpu.memory_space<hbm>> -> memref<1x1x82x64xi32, #tpu.memory_space<hbm>>
      %dma_wait3A_91 = tpu.memref_squeeze %dma_wait3A_90 : memref<1x1x82x64xi32, #tpu.memory_space<hbm>> -> memref<82x64xi32, #tpu.memory_space<hbm>>
      %dma_wait3A_92 = arith.constant 0 : i32
      %dma_wait3A_93 = arith.constant 0 : i32
      %dma_wait3A_94 = tpu.memref_slice %arg4[%add3A, %run_scoped3A_42, %dma_wait3A_92, %dma_wait3A_93] : memref<32x2x82x64xi32, #tpu.memory_space<hbm>> -> memref<1x1x82x64xi32, #tpu.memory_space<hbm>>
      %dma_wait3A_95 = tpu.memref_squeeze %dma_wait3A_94 : memref<1x1x82x64xi32, #tpu.memory_space<hbm>> -> memref<82x64xi32, #tpu.memory_space<hbm>>
      tpu.wait_dma2 semaphore(%run_scoped3A_79 : memref<!tpu.dma_semaphore, #tpu.memory_space<semaphore_mem>>) src(%dma_wait3A_95 : memref<82x64xi32, #tpu.memory_space<hbm>>) dst(%arg7 : memref<82x64xi32, #tpu.memory_space<vmem>>)
      tpu.yield
    }) : () -> ()
    %run_scoped3A_43 = arith.constant 1 : i32
    "tpu.region"() ({
      %run_scoped3A_79 = tpu.sem_alloc : memref<!tpu.dma_semaphore, #tpu.memory_space<semaphore_mem>>
      %dma_start3A_80 = arith.constant 0 : i32
      %dma_start3A_81 = arith.constant 0 : i32
      %dma_start3A_82 = tpu.memref_slice %arg5[%add3A, %run_scoped3A_43, %dma_start3A_80, %dma_start3A_81] : memref<32x2x80x64xi32, #tpu.memory_space<hbm>> -> memref<1x1x80x64xi32, #tpu.memory_space<hbm>>
      %dma_start3A_83 = tpu.memref_squeeze %dma_start3A_82 : memref<1x1x80x64xi32, #tpu.memory_space<hbm>> -> memref<80x64xi32, #tpu.memory_space<hbm>>
      %dma_start3A_84 = arith.constant 0 : i32
      %dma_start3A_85 = arith.constant 0 : i32
      %dma_start3A_86 = tpu.memref_slice %arg5[%add3A, %run_scoped3A_43, %dma_start3A_84, %dma_start3A_85] : memref<32x2x80x64xi32, #tpu.memory_space<hbm>> -> memref<1x1x80x64xi32, #tpu.memory_space<hbm>>
      %dma_start3A_87 = tpu.memref_squeeze %dma_start3A_86 : memref<1x1x80x64xi32, #tpu.memory_space<hbm>> -> memref<80x64xi32, #tpu.memory_space<hbm>>
      tpu.enqueue_dma source(%dma_start3A_87 : memref<80x64xi32, #tpu.memory_space<hbm>>) target(%arg8 : memref<80x64xi32, #tpu.memory_space<vmem>>) target_semaphore(%run_scoped3A_79 : memref<!tpu.dma_semaphore, #tpu.memory_space<semaphore_mem>>)
      %dma_wait3A_88 = arith.constant 0 : i32
      %dma_wait3A_89 = arith.constant 0 : i32
      %dma_wait3A_90 = tpu.memref_slice %arg5[%add3A, %run_scoped3A_43, %dma_wait3A_88, %dma_wait3A_89] : memref<32x2x80x64xi32, #tpu.memory_space<hbm>> -> memref<1x1x80x64xi32, #tpu.memory_space<hbm>>
      %dma_wait3A_91 = tpu.memref_squeeze %dma_wait3A_90 : memref<1x1x80x64xi32, #tpu.memory_space<hbm>> -> memref<80x64xi32, #tpu.memory_space<hbm>>
      %dma_wait3A_92 = arith.constant 0 : i32
      %dma_wait3A_93 = arith.constant 0 : i32
      %dma_wait3A_94 = tpu.memref_slice %arg5[%add3A, %run_scoped3A_43, %dma_wait3A_92, %dma_wait3A_93] : memref<32x2x80x64xi32, #tpu.memory_space<hbm>> -> memref<1x1x80x64xi32, #tpu.memory_space<hbm>>
      %dma_wait3A_95 = tpu.memref_squeeze %dma_wait3A_94 : memref<1x1x80x64xi32, #tpu.memory_space<hbm>> -> memref<80x64xi32, #tpu.memory_space<hbm>>
      tpu.wait_dma2 semaphore(%run_scoped3A_79 : memref<!tpu.dma_semaphore, #tpu.memory_space<semaphore_mem>>) src(%dma_wait3A_95 : memref<80x64xi32, #tpu.memory_space<hbm>>) dst(%arg8 : memref<80x64xi32, #tpu.memory_space<vmem>>)
      tpu.yield
    }) : () -> ()
    %dma_start3A_44 = arith.constant 0 : i32
    %dma_start3A_45 = arith.constant 0 : i32
    %dma_start3A_46 = tpu.memref_slice %arg7[%dma_start3A_44, %dma_start3A_45] : memref<82x64xi32, #tpu.memory_space<vmem>> -> memref<1x64xi32, #tpu.memory_space<vmem>>
    %dma_start3A_47 = tpu.memref_squeeze %dma_start3A_46 : memref<1x64xi32, #tpu.memory_space<vmem>> -> memref<64xi32, #tpu.memory_space<vmem>>
    %dma_start3A_48 = arith.constant 0 : i32
    %dma_start3A_49 = arith.constant 0 : i32
    %dma_start3A_50 = tpu.memref_slice %arg2[%dma_start3A_48, %dma_start3A_49] : memref<10240x128xf32, #tpu.memory_space<hbm>> -> memref<10240x128xf32, #tpu.memory_space<hbm>>
    tpu.enqueue_indirect_dma source(%dma_start3A_50 : memref<10240x128xf32, #tpu.memory_space<hbm>>) target(%arg9 : memref<64x128xf32, #tpu.memory_space<vmem>>) offsets(%dma_start3A_47 : memref<64xi32, #tpu.memory_space<vmem>>) semaphore(%arg12 : memref<!tpu.dma_semaphore, #tpu.memory_space<semaphore_mem>>)
    %dma_start3A_51 = arith.constant 1 : i32
    %dma_start3A_52 = arith.constant 0 : i32
    %dma_start3A_53 = tpu.memref_slice %arg7[%dma_start3A_51, %dma_start3A_52] : memref<82x64xi32, #tpu.memory_space<vmem>> -> memref<1x64xi32, #tpu.memory_space<vmem>>
    %dma_start3A_54 = tpu.memref_squeeze %dma_start3A_53 : memref<1x64xi32, #tpu.memory_space<vmem>> -> memref<64xi32, #tpu.memory_space<vmem>>
    %dma_start3A_55 = arith.constant 0 : i32
    %dma_start3A_56 = arith.constant 0 : i32
    %dma_start3A_57 = tpu.memref_slice %arg2[%dma_start3A_55, %dma_start3A_56] : memref<10240x128xf32, #tpu.memory_space<hbm>> -> memref<10240x128xf32, #tpu.memory_space<hbm>>
    tpu.enqueue_indirect_dma source(%dma_start3A_57 : memref<10240x128xf32, #tpu.memory_space<hbm>>) target(%arg10 : memref<64x128xf32, #tpu.memory_space<vmem>>) offsets(%dma_start3A_54 : memref<64xi32, #tpu.memory_space<vmem>>) semaphore(%arg13 : memref<!tpu.dma_semaphore, #tpu.memory_space<semaphore_mem>>)
    %scan3A_58 = arith.constant 0 : i32
    %scan3A_59 = arith.constant 0 : i32
    %scan3A_60 = arith.constant 40 : i32
    %scan3A_61 = arith.addi %scan3A_59, %scan3A_60 : i32
    %scan3A_62 = arith.constant 1 : i32
    scf.for %scan3A_79 = %scan3A_59 to %scan3A_61 step %scan3A_62  : i32 {
      %mul3A_80 = arith.constant 2 : i32
      %mul3A_81 = arith.muli %scan3A_79, %mul3A_80 : i32
      %dma_wait3A_82 = arith.constant 0 : i32
      %dma_wait3A_83 = tpu.memref_slice %arg7[%mul3A_81, %dma_wait3A_82] : memref<82x64xi32, #tpu.memory_space<vmem>> -> memref<1x64xi32, #tpu.memory_space<vmem>>
      %dma_wait3A_84 = tpu.memref_squeeze %dma_wait3A_83 : memref<1x64xi32, #tpu.memory_space<vmem>> -> memref<64xi32, #tpu.memory_space<vmem>>
      %dma_wait3A_85 = arith.constant 0 : i32
      %dma_wait3A_86 = arith.constant 0 : i32
      %dma_wait3A_87 = tpu.memref_slice %arg2[%dma_wait3A_85, %dma_wait3A_86] : memref<10240x128xf32, #tpu.memory_space<hbm>> -> memref<10240x128xf32, #tpu.memory_space<hbm>>
      tpu.wait_indirect_dma semaphore(%arg12 : memref<!tpu.dma_semaphore, #tpu.memory_space<semaphore_mem>>) src(%dma_wait3A_87 : memref<10240x128xf32, #tpu.memory_space<hbm>>) dst(%arg9 : memref<64x128xf32, #tpu.memory_space<vmem>>)
      %dma_start3A_88 = arith.constant 0 : i32
      %dma_start3A_89 = tpu.memref_slice %arg8[%mul3A_81, %dma_start3A_88] : memref<80x64xi32, #tpu.memory_space<vmem>> -> memref<1x64xi32, #tpu.memory_space<vmem>>
      %dma_start3A_90 = tpu.memref_squeeze %dma_start3A_89 : memref<1x64xi32, #tpu.memory_space<vmem>> -> memref<64xi32, #tpu.memory_space<vmem>>
      %dma_start3A_91 = arith.constant 0 : i32
      %dma_start3A_92 = arith.constant 0 : i32
      %dma_start3A_93 = tpu.memref_slice %arg11[%dma_start3A_91, %dma_start3A_92] : memref<10240x128xf32, #tpu.memory_space<vmem_shared>> -> memref<10240x128xf32, #tpu.memory_space<vmem_shared>>
      tpu.enqueue_indirect_dma source(%arg9 : memref<64x128xf32, #tpu.memory_space<vmem>>) target(%dma_start3A_93 : memref<10240x128xf32, #tpu.memory_space<vmem_shared>>) offsets(%dma_start3A_90 : memref<64xi32, #tpu.memory_space<vmem>>) semaphore(%arg14 : memref<!tpu.dma_semaphore, #tpu.memory_space<semaphore_mem>>) {add = true}
      %add3A_94 = arith.constant 1 : i32
      %add3A_95 = arith.addi %mul3A_81, %add3A_94 : i32
      %dma_wait3A_96 = arith.constant 0 : i32
      %dma_wait3A_97 = tpu.memref_slice %arg7[%add3A_95, %dma_wait3A_96] : memref<82x64xi32, #tpu.memory_space<vmem>> -> memref<1x64xi32, #tpu.memory_space<vmem>>
      %dma_wait3A_98 = tpu.memref_squeeze %dma_wait3A_97 : memref<1x64xi32, #tpu.memory_space<vmem>> -> memref<64xi32, #tpu.memory_space<vmem>>
      %dma_wait3A_99 = arith.constant 0 : i32
      %dma_wait3A_100 = arith.constant 0 : i32
      %dma_wait3A_101 = tpu.memref_slice %arg2[%dma_wait3A_99, %dma_wait3A_100] : memref<10240x128xf32, #tpu.memory_space<hbm>> -> memref<10240x128xf32, #tpu.memory_space<hbm>>
      tpu.wait_indirect_dma semaphore(%arg13 : memref<!tpu.dma_semaphore, #tpu.memory_space<semaphore_mem>>) src(%dma_wait3A_101 : memref<10240x128xf32, #tpu.memory_space<hbm>>) dst(%arg10 : memref<64x128xf32, #tpu.memory_space<vmem>>)
      %add3A_102 = arith.constant 1 : i32
      %add3A_103 = arith.addi %mul3A_81, %add3A_102 : i32
      %dma_start3A_104 = arith.constant 0 : i32
      %dma_start3A_105 = tpu.memref_slice %arg8[%add3A_103, %dma_start3A_104] : memref<80x64xi32, #tpu.memory_space<vmem>> -> memref<1x64xi32, #tpu.memory_space<vmem>>
      %dma_start3A_106 = tpu.memref_squeeze %dma_start3A_105 : memref<1x64xi32, #tpu.memory_space<vmem>> -> memref<64xi32, #tpu.memory_space<vmem>>
      %dma_start3A_107 = arith.constant 0 : i32
      %dma_start3A_108 = arith.constant 0 : i32
      %dma_start3A_109 = tpu.memref_slice %arg11[%dma_start3A_107, %dma_start3A_108] : memref<10240x128xf32, #tpu.memory_space<vmem_shared>> -> memref<10240x128xf32, #tpu.memory_space<vmem_shared>>
      tpu.enqueue_indirect_dma source(%arg10 : memref<64x128xf32, #tpu.memory_space<vmem>>) target(%dma_start3A_109 : memref<10240x128xf32, #tpu.memory_space<vmem_shared>>) offsets(%dma_start3A_106 : memref<64xi32, #tpu.memory_space<vmem>>) semaphore(%arg15 : memref<!tpu.dma_semaphore, #tpu.memory_space<semaphore_mem>>) {add = true}
      %dma_wait3A_110 = arith.constant 0 : i32
      %dma_wait3A_111 = tpu.memref_slice %arg8[%mul3A_81, %dma_wait3A_110] : memref<80x64xi32, #tpu.memory_space<vmem>> -> memref<1x64xi32, #tpu.memory_space<vmem>>
      %dma_wait3A_112 = tpu.memref_squeeze %dma_wait3A_111 : memref<1x64xi32, #tpu.memory_space<vmem>> -> memref<64xi32, #tpu.memory_space<vmem>>
      %dma_wait3A_113 = arith.constant 0 : i32
      %dma_wait3A_114 = arith.constant 0 : i32
      %dma_wait3A_115 = tpu.memref_slice %arg11[%dma_wait3A_113, %dma_wait3A_114] : memref<10240x128xf32, #tpu.memory_space<vmem_shared>> -> memref<10240x128xf32, #tpu.memory_space<vmem_shared>>
      tpu.wait_indirect_dma semaphore(%arg14 : memref<!tpu.dma_semaphore, #tpu.memory_space<semaphore_mem>>) src(%arg9 : memref<64x128xf32, #tpu.memory_space<vmem>>) dst(%dma_wait3A_115 : memref<10240x128xf32, #tpu.memory_space<vmem_shared>>)
      %add3A_116 = arith.constant 2 : i32
      %add3A_117 = arith.addi %mul3A_81, %add3A_116 : i32
      %dma_start3A_118 = arith.constant 0 : i32
      %dma_start3A_119 = tpu.memref_slice %arg7[%add3A_117, %dma_start3A_118] : memref<82x64xi32, #tpu.memory_space<vmem>> -> memref<1x64xi32, #tpu.memory_space<vmem>>
      %dma_start3A_120 = tpu.memref_squeeze %dma_start3A_119 : memref<1x64xi32, #tpu.memory_space<vmem>> -> memref<64xi32, #tpu.memory_space<vmem>>
      %dma_start3A_121 = arith.constant 0 : i32
      %dma_start3A_122 = arith.constant 0 : i32
      %dma_start3A_123 = tpu.memref_slice %arg2[%dma_start3A_121, %dma_start3A_122] : memref<10240x128xf32, #tpu.memory_space<hbm>> -> memref<10240x128xf32, #tpu.memory_space<hbm>>
      tpu.enqueue_indirect_dma source(%dma_start3A_123 : memref<10240x128xf32, #tpu.memory_space<hbm>>) target(%arg9 : memref<64x128xf32, #tpu.memory_space<vmem>>) offsets(%dma_start3A_120 : memref<64xi32, #tpu.memory_space<vmem>>) semaphore(%arg12 : memref<!tpu.dma_semaphore, #tpu.memory_space<semaphore_mem>>)
      %add3A_124 = arith.constant 1 : i32
      %add3A_125 = arith.addi %mul3A_81, %add3A_124 : i32
      %dma_wait3A_126 = arith.constant 0 : i32
      %dma_wait3A_127 = tpu.memref_slice %arg8[%add3A_125, %dma_wait3A_126] : memref<80x64xi32, #tpu.memory_space<vmem>> -> memref<1x64xi32, #tpu.memory_space<vmem>>
      %dma_wait3A_128 = tpu.memref_squeeze %dma_wait3A_127 : memref<1x64xi32, #tpu.memory_space<vmem>> -> memref<64xi32, #tpu.memory_space<vmem>>
      %dma_wait3A_129 = arith.constant 0 : i32
      %dma_wait3A_130 = arith.constant 0 : i32
      %dma_wait3A_131 = tpu.memref_slice %arg11[%dma_wait3A_129, %dma_wait3A_130] : memref<10240x128xf32, #tpu.memory_space<vmem_shared>> -> memref<10240x128xf32, #tpu.memory_space<vmem_shared>>
      tpu.wait_indirect_dma semaphore(%arg15 : memref<!tpu.dma_semaphore, #tpu.memory_space<semaphore_mem>>) src(%arg10 : memref<64x128xf32, #tpu.memory_space<vmem>>) dst(%dma_wait3A_131 : memref<10240x128xf32, #tpu.memory_space<vmem_shared>>)
      %add3A_132 = arith.constant 3 : i32
      %add3A_133 = arith.addi %mul3A_81, %add3A_132 : i32
      %dma_start3A_134 = arith.constant 0 : i32
      %dma_start3A_135 = tpu.memref_slice %arg7[%add3A_133, %dma_start3A_134] : memref<82x64xi32, #tpu.memory_space<vmem>> -> memref<1x64xi32, #tpu.memory_space<vmem>>
      %dma_start3A_136 = tpu.memref_squeeze %dma_start3A_135 : memref<1x64xi32, #tpu.memory_space<vmem>> -> memref<64xi32, #tpu.memory_space<vmem>>
      %dma_start3A_137 = arith.constant 0 : i32
      %dma_start3A_138 = arith.constant 0 : i32
      %dma_start3A_139 = tpu.memref_slice %arg2[%dma_start3A_137, %dma_start3A_138] : memref<10240x128xf32, #tpu.memory_space<hbm>> -> memref<10240x128xf32, #tpu.memory_space<hbm>>
      tpu.enqueue_indirect_dma source(%dma_start3A_139 : memref<10240x128xf32, #tpu.memory_space<hbm>>) target(%arg10 : memref<64x128xf32, #tpu.memory_space<vmem>>) offsets(%dma_start3A_136 : memref<64xi32, #tpu.memory_space<vmem>>) semaphore(%arg13 : memref<!tpu.dma_semaphore, #tpu.memory_space<semaphore_mem>>)
    }
    %scan3A_63 = arith.constant 40 : i32
    %dma_wait3A_64 = arith.constant 0 : i32
    %dma_wait3A_65 = arith.constant 0 : i32
    %dma_wait3A_66 = tpu.memref_slice %arg7[%dma_wait3A_64, %dma_wait3A_65] : memref<82x64xi32, #tpu.memory_space<vmem>> -> memref<1x64xi32, #tpu.memory_space<vmem>>
    %dma_wait3A_67 = tpu.memref_squeeze %dma_wait3A_66 : memref<1x64xi32, #tpu.memory_space<vmem>> -> memref<64xi32, #tpu.memory_space<vmem>>
    %dma_wait3A_68 = arith.constant 0 : i32
    %dma_wait3A_69 = arith.constant 0 : i32
    %dma_wait3A_70 = tpu.memref_slice %arg2[%dma_wait3A_68, %dma_wait3A_69] : memref<10240x128xf32, #tpu.memory_space<hbm>> -> memref<10240x128xf32, #tpu.memory_space<hbm>>
    tpu.wait_indirect_dma semaphore(%arg12 : memref<!tpu.dma_semaphore, #tpu.memory_space<semaphore_mem>>) src(%dma_wait3A_70 : memref<10240x128xf32, #tpu.memory_space<hbm>>) dst(%arg9 : memref<64x128xf32, #tpu.memory_space<vmem>>)
    %dma_wait3A_71 = arith.constant 1 : i32
    %dma_wait3A_72 = arith.constant 0 : i32
    %dma_wait3A_73 = tpu.memref_slice %arg7[%dma_wait3A_71, %dma_wait3A_72] : memref<82x64xi32, #tpu.memory_space<vmem>> -> memref<1x64xi32, #tpu.memory_space<vmem>>
    %dma_wait3A_74 = tpu.memref_squeeze %dma_wait3A_73 : memref<1x64xi32, #tpu.memory_space<vmem>> -> memref<64xi32, #tpu.memory_space<vmem>>
    %dma_wait3A_75 = arith.constant 0 : i32
    %dma_wait3A_76 = arith.constant 0 : i32
    %dma_wait3A_77 = tpu.memref_slice %arg2[%dma_wait3A_75, %dma_wait3A_76] : memref<10240x128xf32, #tpu.memory_space<hbm>> -> memref<10240x128xf32, #tpu.memory_space<hbm>>
    tpu.wait_indirect_dma semaphore(%arg13 : memref<!tpu.dma_semaphore, #tpu.memory_space<semaphore_mem>>) src(%dma_wait3A_77 : memref<10240x128xf32, #tpu.memory_space<hbm>>) dst(%arg10 : memref<64x128xf32, #tpu.memory_space<vmem>>)
    %barrier3A_78 = arith.constant 0 : index
    tpu.barrier barrier_id(%barrier3A_78)
    "tpu.region"() ({
      %run_scoped3A_79 = tpu.sem_alloc : memref<!tpu.dma_semaphore, #tpu.memory_space<semaphore_mem>>
      %dma_start3A_80 = arith.constant 0 : i32
      %dma_start3A_81 = tpu.memref_slice %arg6[%arg0, %mul3A_2, %dma_start3A_80] : memref<2x10240x128xf32, #tpu.memory_space<hbm>> -> memref<1x640x128xf32, #tpu.memory_space<hbm>>
      %dma_start3A_82 = tpu.memref_squeeze %dma_start3A_81 : memref<1x640x128xf32, #tpu.memory_space<hbm>> -> memref<640x128xf32, #tpu.memory_space<hbm>>
      %dma_start3A_83 = arith.constant 0 : i32
      %dma_start3A_84 = tpu.memref_slice %arg11[%mul3A_2, %dma_start3A_83] : memref<10240x128xf32, #tpu.memory_space<vmem_shared>> -> memref<640x128xf32, #tpu.memory_space<vmem_shared>>
      tpu.enqueue_dma source(%dma_start3A_84 : memref<640x128xf32, #tpu.memory_space<vmem_shared>>) target(%dma_start3A_82 : memref<640x128xf32, #tpu.memory_space<hbm>>) target_semaphore(%run_scoped3A_79 : memref<!tpu.dma_semaphore, #tpu.memory_space<semaphore_mem>>)
      %dma_wait3A_85 = arith.constant 0 : i32
      %dma_wait3A_86 = tpu.memref_slice %arg6[%arg0, %mul3A_2, %dma_wait3A_85] : memref<2x10240x128xf32, #tpu.memory_space<hbm>> -> memref<1x640x128xf32, #tpu.memory_space<hbm>>
      %dma_wait3A_87 = tpu.memref_squeeze %dma_wait3A_86 : memref<1x640x128xf32, #tpu.memory_space<hbm>> -> memref<640x128xf32, #tpu.memory_space<hbm>>
      %dma_wait3A_88 = arith.constant 0 : i32
      %dma_wait3A_89 = tpu.memref_slice %arg11[%mul3A_2, %dma_wait3A_88] : memref<10240x128xf32, #tpu.memory_space<vmem_shared>> -> memref<640x128xf32, #tpu.memory_space<vmem_shared>>
      tpu.wait_dma2 semaphore(%run_scoped3A_79 : memref<!tpu.dma_semaphore, #tpu.memory_space<semaphore_mem>>) src(%dma_wait3A_89 : memref<640x128xf32, #tpu.memory_space<vmem_shared>>) dst(%dma_wait3A_87 : memref<640x128xf32, #tpu.memory_space<hbm>>)
      tpu.yield
    }) : () -> ()
    return
  }
}

#map = affine_map<(d0, d1) -> (0, 0, 0)>
#map1 = affine_map<(d0, d1) -> (0, 0)>
#map2 = affine_map<(d0, d1) -> (0)>
module attributes {stable_mosaic.version = 14 : i64} {
  func.func @_deg_kernel(%arg0: i32, %arg1: i32, %arg2: memref<32x80x128xi32, #tpu.memory_space<hbm>>, %arg3: memref<2x10240xf32, #tpu.memory_space<hbm>>, %arg4: memref<10240xf32, #tpu.memory_space<hbm>>, %arg5: memref<2x10240xf32, #tpu.memory_space<hbm>>, %arg6: memref<80x128xi32, #tpu.memory_space<vmem>>, %arg7: memref<128xf32, #tpu.memory_space<vmem>>, %arg8: memref<10240xf32, #tpu.memory_space<vmem_shared>>, %arg9: memref<!tpu.dma_semaphore, #tpu.memory_space<semaphore_mem>>) attributes {dimension_semantics = [#tpu.dimension_semantics<core_parallel>, #tpu.dimension_semantics<subcore_parallel>], iteration_bounds = array<i64: 2, 16>, scalar_prefetch = 0 : i64, scratch_operands = 4 : i64, tpu.core_type = #tpu.core_type<sc_vector_subcore>, window_params = [{transform_indices = #map}, {transform_indices = #map1}, {transform_indices = #map2}, {transform_indices = #map1}]} {
    %mul3A = arith.constant 16 : i32
    %mul3A_0 = arith.muli %arg0, %mul3A : i32
    %add3A = arith.addi %mul3A_0, %arg1 : i32
    %mul3A_1 = arith.constant 640 : i32
    %mul3A_2 = arith.muli %arg1, %mul3A_1 : i32
    "tpu.region"() ({
      %run_scoped3A = tpu.sem_alloc : memref<!tpu.dma_semaphore, #tpu.memory_space<semaphore_mem>>
      %dma_start3A = tpu.memref_slice %arg8[%mul3A_2] : memref<10240xf32, #tpu.memory_space<vmem_shared>> -> memref<640xf32, #tpu.memory_space<vmem_shared>>
      %dma_start3A_15 = tpu.memref_slice %arg3[%arg0, %mul3A_2] : memref<2x10240xf32, #tpu.memory_space<hbm>> -> memref<1x640xf32, #tpu.memory_space<hbm>>
      %dma_start3A_16 = tpu.memref_squeeze %dma_start3A_15 : memref<1x640xf32, #tpu.memory_space<hbm>> -> memref<640xf32, #tpu.memory_space<hbm>>
      tpu.enqueue_dma source(%dma_start3A_16 : memref<640xf32, #tpu.memory_space<hbm>>) target(%dma_start3A : memref<640xf32, #tpu.memory_space<vmem_shared>>) target_semaphore(%run_scoped3A : memref<!tpu.dma_semaphore, #tpu.memory_space<semaphore_mem>>)
      %dma_wait3A = tpu.memref_slice %arg8[%mul3A_2] : memref<10240xf32, #tpu.memory_space<vmem_shared>> -> memref<640xf32, #tpu.memory_space<vmem_shared>>
      %dma_wait3A_17 = tpu.memref_slice %arg3[%arg0, %mul3A_2] : memref<2x10240xf32, #tpu.memory_space<hbm>> -> memref<1x640xf32, #tpu.memory_space<hbm>>
      %dma_wait3A_18 = tpu.memref_squeeze %dma_wait3A_17 : memref<1x640xf32, #tpu.memory_space<hbm>> -> memref<640xf32, #tpu.memory_space<hbm>>
      tpu.wait_dma2 semaphore(%run_scoped3A : memref<!tpu.dma_semaphore, #tpu.memory_space<semaphore_mem>>) src(%dma_wait3A_18 : memref<640xf32, #tpu.memory_space<hbm>>) dst(%dma_wait3A : memref<640xf32, #tpu.memory_space<vmem_shared>>)
      tpu.yield
    }) : () -> ()
    "tpu.region"() ({
      %run_scoped3A = tpu.sem_alloc : memref<!tpu.dma_semaphore, #tpu.memory_space<semaphore_mem>>
      %dma_start3A = arith.constant 0 : i32
      %dma_start3A_15 = tpu.memref_slice %arg4[%dma_start3A] : memref<10240xf32, #tpu.memory_space<hbm>> -> memref<128xf32, #tpu.memory_space<hbm>>
      %dma_start3A_16 = arith.constant 0 : i32
      %dma_start3A_17 = tpu.memref_slice %arg4[%dma_start3A_16] : memref<10240xf32, #tpu.memory_space<hbm>> -> memref<128xf32, #tpu.memory_space<hbm>>
      tpu.enqueue_dma source(%dma_start3A_17 : memref<128xf32, #tpu.memory_space<hbm>>) target(%arg7 : memref<128xf32, #tpu.memory_space<vmem>>) target_semaphore(%run_scoped3A : memref<!tpu.dma_semaphore, #tpu.memory_space<semaphore_mem>>)
      %dma_wait3A = arith.constant 0 : i32
      %dma_wait3A_18 = tpu.memref_slice %arg4[%dma_wait3A] : memref<10240xf32, #tpu.memory_space<hbm>> -> memref<128xf32, #tpu.memory_space<hbm>>
      %dma_wait3A_19 = arith.constant 0 : i32
      %dma_wait3A_20 = tpu.memref_slice %arg4[%dma_wait3A_19] : memref<10240xf32, #tpu.memory_space<hbm>> -> memref<128xf32, #tpu.memory_space<hbm>>
      tpu.wait_dma2 semaphore(%run_scoped3A : memref<!tpu.dma_semaphore, #tpu.memory_space<semaphore_mem>>) src(%dma_wait3A_20 : memref<128xf32, #tpu.memory_space<hbm>>) dst(%arg7 : memref<128xf32, #tpu.memory_space<vmem>>)
      tpu.yield
    }) : () -> ()
    "tpu.region"() ({
      %run_scoped3A = tpu.sem_alloc : memref<!tpu.dma_semaphore, #tpu.memory_space<semaphore_mem>>
      %dma_start3A = arith.constant 0 : i32
      %dma_start3A_15 = arith.constant 0 : i32
      %dma_start3A_16 = tpu.memref_slice %arg2[%add3A, %dma_start3A, %dma_start3A_15] : memref<32x80x128xi32, #tpu.memory_space<hbm>> -> memref<1x80x128xi32, #tpu.memory_space<hbm>>
      %dma_start3A_17 = tpu.memref_squeeze %dma_start3A_16 : memref<1x80x128xi32, #tpu.memory_space<hbm>> -> memref<80x128xi32, #tpu.memory_space<hbm>>
      %dma_start3A_18 = arith.constant 0 : i32
      %dma_start3A_19 = arith.constant 0 : i32
      %dma_start3A_20 = tpu.memref_slice %arg2[%add3A, %dma_start3A_18, %dma_start3A_19] : memref<32x80x128xi32, #tpu.memory_space<hbm>> -> memref<1x80x128xi32, #tpu.memory_space<hbm>>
      %dma_start3A_21 = tpu.memref_squeeze %dma_start3A_20 : memref<1x80x128xi32, #tpu.memory_space<hbm>> -> memref<80x128xi32, #tpu.memory_space<hbm>>
      tpu.enqueue_dma source(%dma_start3A_21 : memref<80x128xi32, #tpu.memory_space<hbm>>) target(%arg6 : memref<80x128xi32, #tpu.memory_space<vmem>>) target_semaphore(%run_scoped3A : memref<!tpu.dma_semaphore, #tpu.memory_space<semaphore_mem>>)
      %dma_wait3A = arith.constant 0 : i32
      %dma_wait3A_22 = arith.constant 0 : i32
      %dma_wait3A_23 = tpu.memref_slice %arg2[%add3A, %dma_wait3A, %dma_wait3A_22] : memref<32x80x128xi32, #tpu.memory_space<hbm>> -> memref<1x80x128xi32, #tpu.memory_space<hbm>>
      %dma_wait3A_24 = tpu.memref_squeeze %dma_wait3A_23 : memref<1x80x128xi32, #tpu.memory_space<hbm>> -> memref<80x128xi32, #tpu.memory_space<hbm>>
      %dma_wait3A_25 = arith.constant 0 : i32
      %dma_wait3A_26 = arith.constant 0 : i32
      %dma_wait3A_27 = tpu.memref_slice %arg2[%add3A, %dma_wait3A_25, %dma_wait3A_26] : memref<32x80x128xi32, #tpu.memory_space<hbm>> -> memref<1x80x128xi32, #tpu.memory_space<hbm>>
      %dma_wait3A_28 = tpu.memref_squeeze %dma_wait3A_27 : memref<1x80x128xi32, #tpu.memory_space<hbm>> -> memref<80x128xi32, #tpu.memory_space<hbm>>
      tpu.wait_dma2 semaphore(%run_scoped3A : memref<!tpu.dma_semaphore, #tpu.memory_space<semaphore_mem>>) src(%dma_wait3A_28 : memref<80x128xi32, #tpu.memory_space<hbm>>) dst(%arg6 : memref<80x128xi32, #tpu.memory_space<vmem>>)
      tpu.yield
    }) : () -> ()
    %barrier3A = arith.constant 0 : index
    tpu.barrier barrier_id(%barrier3A)
    %scan3A = arith.constant 0 : i32
    %scan3A_3 = arith.constant 0 : i32
    %scan3A_4 = arith.constant 80 : i32
    %scan3A_5 = arith.addi %scan3A_3, %scan3A_4 : i32
    %scan3A_6 = arith.constant 1 : i32
    scf.for %scan3A_15 = %scan3A_3 to %scan3A_5 step %scan3A_6  : i32 {
      %dma_start3A = arith.constant 0 : i32
      %dma_start3A_16 = tpu.memref_slice %arg6[%scan3A_15, %dma_start3A] : memref<80x128xi32, #tpu.memory_space<vmem>> -> memref<1x128xi32, #tpu.memory_space<vmem>>
      %dma_start3A_17 = tpu.memref_squeeze %dma_start3A_16 : memref<1x128xi32, #tpu.memory_space<vmem>> -> memref<128xi32, #tpu.memory_space<vmem>>
      %dma_start3A_18 = arith.constant 0 : i32
      %dma_start3A_19 = tpu.memref_slice %arg8[%dma_start3A_18] : memref<10240xf32, #tpu.memory_space<vmem_shared>> -> memref<10240xf32, #tpu.memory_space<vmem_shared>>
      tpu.enqueue_indirect_dma source(%arg7 : memref<128xf32, #tpu.memory_space<vmem>>) target(%dma_start3A_19 : memref<10240xf32, #tpu.memory_space<vmem_shared>>) offsets(%dma_start3A_17 : memref<128xi32, #tpu.memory_space<vmem>>) semaphore(%arg9 : memref<!tpu.dma_semaphore, #tpu.memory_space<semaphore_mem>>) {add = true}
      %ge3A = arith.constant 8 : i32
      %ge3A_20 = arith.cmpi sge, %scan3A_15, %ge3A : i32
      %convert_element_type3A = arith.extui %ge3A_20 : i1 to i32
      %cond3A = arith.constant 0 : i32
      %cond3A_21 = arith.cmpi ne, %convert_element_type3A, %cond3A : i32
      scf.if %cond3A_21 {
        %dma_wait3A = arith.constant 0 : i32
        %dma_wait3A_22 = arith.constant 0 : i32
        %dma_wait3A_23 = tpu.memref_slice %arg6[%dma_wait3A, %dma_wait3A_22] : memref<80x128xi32, #tpu.memory_space<vmem>> -> memref<1x128xi32, #tpu.memory_space<vmem>>
        %dma_wait3A_24 = tpu.memref_squeeze %dma_wait3A_23 : memref<1x128xi32, #tpu.memory_space<vmem>> -> memref<128xi32, #tpu.memory_space<vmem>>
        %dma_wait3A_25 = arith.constant 0 : i32
        %dma_wait3A_26 = tpu.memref_slice %arg8[%dma_wait3A_25] : memref<10240xf32, #tpu.memory_space<vmem_shared>> -> memref<10240xf32, #tpu.memory_space<vmem_shared>>
        tpu.wait_indirect_dma semaphore(%arg9 : memref<!tpu.dma_semaphore, #tpu.memory_space<semaphore_mem>>) src(%arg7 : memref<128xf32, #tpu.memory_space<vmem>>) dst(%dma_wait3A_26 : memref<10240xf32, #tpu.memory_space<vmem_shared>>)
      } else {
      }
    }
    %scan3A_7 = arith.constant 80 : i32
    %scan3A_8 = arith.constant 0 : i32
    %scan3A_9 = arith.constant 0 : i32
    %scan3A_10 = arith.constant 8 : i32
    %scan3A_11 = arith.addi %scan3A_9, %scan3A_10 : i32
    %scan3A_12 = arith.constant 1 : i32
    scf.for %scan3A_15 = %scan3A_9 to %scan3A_11 step %scan3A_12  : i32 {
      %dma_wait3A = arith.constant 0 : i32
      %dma_wait3A_16 = arith.constant 0 : i32
      %dma_wait3A_17 = tpu.memref_slice %arg6[%dma_wait3A, %dma_wait3A_16] : memref<80x128xi32, #tpu.memory_space<vmem>> -> memref<1x128xi32, #tpu.memory_space<vmem>>
      %dma_wait3A_18 = tpu.memref_squeeze %dma_wait3A_17 : memref<1x128xi32, #tpu.memory_space<vmem>> -> memref<128xi32, #tpu.memory_space<vmem>>
      %dma_wait3A_19 = arith.constant 0 : i32
      %dma_wait3A_20 = tpu.memref_slice %arg8[%dma_wait3A_19] : memref<10240xf32, #tpu.memory_space<vmem_shared>> -> memref<10240xf32, #tpu.memory_space<vmem_shared>>
      tpu.wait_indirect_dma semaphore(%arg9 : memref<!tpu.dma_semaphore, #tpu.memory_space<semaphore_mem>>) src(%arg7 : memref<128xf32, #tpu.memory_space<vmem>>) dst(%dma_wait3A_20 : memref<10240xf32, #tpu.memory_space<vmem_shared>>)
    }
    %scan3A_13 = arith.constant 8 : i32
    %barrier3A_14 = arith.constant 0 : index
    tpu.barrier barrier_id(%barrier3A_14)
    "tpu.region"() ({
      %run_scoped3A = tpu.sem_alloc : memref<!tpu.dma_semaphore, #tpu.memory_space<semaphore_mem>>
      %dma_start3A = tpu.memref_slice %arg5[%arg0, %mul3A_2] : memref<2x10240xf32, #tpu.memory_space<hbm>> -> memref<1x640xf32, #tpu.memory_space<hbm>>
      %dma_start3A_15 = tpu.memref_squeeze %dma_start3A : memref<1x640xf32, #tpu.memory_space<hbm>> -> memref<640xf32, #tpu.memory_space<hbm>>
      %dma_start3A_16 = tpu.memref_slice %arg8[%mul3A_2] : memref<10240xf32, #tpu.memory_space<vmem_shared>> -> memref<640xf32, #tpu.memory_space<vmem_shared>>
      tpu.enqueue_dma source(%dma_start3A_16 : memref<640xf32, #tpu.memory_space<vmem_shared>>) target(%dma_start3A_15 : memref<640xf32, #tpu.memory_space<hbm>>) target_semaphore(%run_scoped3A : memref<!tpu.dma_semaphore, #tpu.memory_space<semaphore_mem>>)
      %dma_wait3A = tpu.memref_slice %arg5[%arg0, %mul3A_2] : memref<2x10240xf32, #tpu.memory_space<hbm>> -> memref<1x640xf32, #tpu.memory_space<hbm>>
      %dma_wait3A_17 = tpu.memref_squeeze %dma_wait3A : memref<1x640xf32, #tpu.memory_space<hbm>> -> memref<640xf32, #tpu.memory_space<hbm>>
      %dma_wait3A_18 = tpu.memref_slice %arg8[%mul3A_2] : memref<10240xf32, #tpu.memory_space<vmem_shared>> -> memref<640xf32, #tpu.memory_space<vmem_shared>>
      tpu.wait_dma2 semaphore(%run_scoped3A : memref<!tpu.dma_semaphore, #tpu.memory_space<semaphore_mem>>) src(%dma_wait3A_18 : memref<640xf32, #tpu.memory_space<vmem_shared>>) dst(%dma_wait3A_17 : memref<640xf32, #tpu.memory_space<hbm>>)
      tpu.yield
    }) : () -> ()
    return
  }
}

#map = affine_map<(d0, d1) -> (0, 0)>
#map1 = affine_map<(d0, d1) -> (0, 0, 0, 0)>
#map2 = affine_map<(d0, d1) -> (0, 0, 0)>
module attributes {stable_mosaic.version = 14 : i64} {
  func.func @_spmm_kernel(%arg0: i32, %arg1: i32, %arg2: memref<10240x128xf32, #tpu.memory_space<hbm>>, %arg3: memref<10240x128xf32, #tpu.memory_space<hbm>>, %arg4: memref<32x2x82x64xi32, #tpu.memory_space<hbm>>, %arg5: memref<32x2x80x64xi32, #tpu.memory_space<hbm>>, %arg6: memref<2x10240x128xf32, #tpu.memory_space<hbm>>, %arg7: memref<82x64xi32, #tpu.memory_space<vmem>>, %arg8: memref<80x64xi32, #tpu.memory_space<vmem>>, %arg9: memref<64x128xf32, #tpu.memory_space<vmem>>, %arg10: memref<64x128xf32, #tpu.memory_space<vmem>>, %arg11: memref<10240x128xf32, #tpu.memory_space<vmem_shared>>, %arg12: memref<!tpu.dma_semaphore, #tpu.memory_space<semaphore_mem>>, %arg13: memref<!tpu.dma_semaphore, #tpu.memory_space<semaphore_mem>>, %arg14: memref<!tpu.dma_semaphore, #tpu.memory_space<semaphore_mem>>, %arg15: memref<!tpu.dma_semaphore, #tpu.memory_space<semaphore_mem>>) attributes {dimension_semantics = [#tpu.dimension_semantics<core_parallel>, #tpu.dimension_semantics<subcore_parallel>], iteration_bounds = array<i64: 2, 16>, scalar_prefetch = 0 : i64, scratch_operands = 9 : i64, tpu.core_type = #tpu.core_type<sc_vector_subcore>, window_params = [{transform_indices = #map}, {transform_indices = #map}, {transform_indices = #map1}, {transform_indices = #map1}, {transform_indices = #map2}]} {
    %mul3A = arith.constant 16 : i32
    %mul3A_0 = arith.muli %arg0, %mul3A : i32
    %add3A = arith.addi %mul3A_0, %arg1 : i32
    %mul3A_1 = arith.constant 640 : i32
    %mul3A_2 = arith.muli %arg1, %mul3A_1 : i32
    %eq3A = arith.constant 0 : i32
    %eq3A_3 = arith.cmpi eq, %arg0, %eq3A : i32
    %convert_element_type3A = arith.extui %eq3A_3 : i1 to i32
    %cond3A = arith.constant 0 : i32
    %cond3A_4 = arith.cmpi ne, %convert_element_type3A, %cond3A : i32
    scf.if %cond3A_4 {
      "tpu.region"() ({
        %run_scoped3A_79 = tpu.sem_alloc : memref<!tpu.dma_semaphore, #tpu.memory_space<semaphore_mem>>
        %dma_start3A_80 = arith.constant 0 : i32
        %dma_start3A_81 = tpu.memref_slice %arg11[%mul3A_2, %dma_start3A_80] : memref<10240x128xf32, #tpu.memory_space<vmem_shared>> -> memref<640x128xf32, #tpu.memory_space<vmem_shared>>
        %dma_start3A_82 = arith.constant 0 : i32
        %dma_start3A_83 = tpu.memref_slice %arg2[%mul3A_2, %dma_start3A_82] : memref<10240x128xf32, #tpu.memory_space<hbm>> -> memref<640x128xf32, #tpu.memory_space<hbm>>
        tpu.enqueue_dma source(%dma_start3A_83 : memref<640x128xf32, #tpu.memory_space<hbm>>) target(%dma_start3A_81 : memref<640x128xf32, #tpu.memory_space<vmem_shared>>) target_semaphore(%run_scoped3A_79 : memref<!tpu.dma_semaphore, #tpu.memory_space<semaphore_mem>>)
        %dma_wait3A_84 = arith.constant 0 : i32
        %dma_wait3A_85 = tpu.memref_slice %arg11[%mul3A_2, %dma_wait3A_84] : memref<10240x128xf32, #tpu.memory_space<vmem_shared>> -> memref<640x128xf32, #tpu.memory_space<vmem_shared>>
        %dma_wait3A_86 = arith.constant 0 : i32
        %dma_wait3A_87 = tpu.memref_slice %arg2[%mul3A_2, %dma_wait3A_86] : memref<10240x128xf32, #tpu.memory_space<hbm>> -> memref<640x128xf32, #tpu.memory_space<hbm>>
        tpu.wait_dma2 semaphore(%run_scoped3A_79 : memref<!tpu.dma_semaphore, #tpu.memory_space<semaphore_mem>>) src(%dma_wait3A_87 : memref<640x128xf32, #tpu.memory_space<hbm>>) dst(%dma_wait3A_85 : memref<640x128xf32, #tpu.memory_space<vmem_shared>>)
        tpu.yield
      }) : () -> ()
    } else {
    }
    %eq3A_5 = arith.constant 1 : i32
    %eq3A_6 = arith.cmpi eq, %arg0, %eq3A_5 : i32
    %convert_element_type3A_7 = arith.extui %eq3A_6 : i1 to i32
    %cond3A_8 = arith.constant 0 : i32
    %cond3A_9 = arith.cmpi ne, %convert_element_type3A_7, %cond3A_8 : i32
    scf.if %cond3A_9 {
      "tpu.region"() ({
        %run_scoped3A_79 = tpu.sem_alloc : memref<!tpu.dma_semaphore, #tpu.memory_space<semaphore_mem>>
        %dma_start3A_80 = arith.constant 0 : i32
        %dma_start3A_81 = tpu.memref_slice %arg11[%mul3A_2, %dma_start3A_80] : memref<10240x128xf32, #tpu.memory_space<vmem_shared>> -> memref<640x128xf32, #tpu.memory_space<vmem_shared>>
        %dma_start3A_82 = arith.constant 0 : i32
        %dma_start3A_83 = tpu.memref_slice %arg3[%mul3A_2, %dma_start3A_82] : memref<10240x128xf32, #tpu.memory_space<hbm>> -> memref<640x128xf32, #tpu.memory_space<hbm>>
        tpu.enqueue_dma source(%dma_start3A_83 : memref<640x128xf32, #tpu.memory_space<hbm>>) target(%dma_start3A_81 : memref<640x128xf32, #tpu.memory_space<vmem_shared>>) target_semaphore(%run_scoped3A_79 : memref<!tpu.dma_semaphore, #tpu.memory_space<semaphore_mem>>)
        %dma_wait3A_84 = arith.constant 0 : i32
        %dma_wait3A_85 = tpu.memref_slice %arg11[%mul3A_2, %dma_wait3A_84] : memref<10240x128xf32, #tpu.memory_space<vmem_shared>> -> memref<640x128xf32, #tpu.memory_space<vmem_shared>>
        %dma_wait3A_86 = arith.constant 0 : i32
        %dma_wait3A_87 = tpu.memref_slice %arg3[%mul3A_2, %dma_wait3A_86] : memref<10240x128xf32, #tpu.memory_space<hbm>> -> memref<640x128xf32, #tpu.memory_space<hbm>>
        tpu.wait_dma2 semaphore(%run_scoped3A_79 : memref<!tpu.dma_semaphore, #tpu.memory_space<semaphore_mem>>) src(%dma_wait3A_87 : memref<640x128xf32, #tpu.memory_space<hbm>>) dst(%dma_wait3A_85 : memref<640x128xf32, #tpu.memory_space<vmem_shared>>)
        tpu.yield
      }) : () -> ()
    } else {
    }
    %run_scoped3A = arith.constant 0 : i32
    "tpu.region"() ({
      %run_scoped3A_79 = tpu.sem_alloc : memref<!tpu.dma_semaphore, #tpu.memory_space<semaphore_mem>>
      %dma_start3A_80 = arith.constant 0 : i32
      %dma_start3A_81 = arith.constant 0 : i32
      %dma_start3A_82 = tpu.memref_slice %arg4[%add3A, %run_scoped3A, %dma_start3A_80, %dma_start3A_81] : memref<32x2x82x64xi32, #tpu.memory_space<hbm>> -> memref<1x1x82x64xi32, #tpu.memory_space<hbm>>
      %dma_start3A_83 = tpu.memref_squeeze %dma_start3A_82 : memref<1x1x82x64xi32, #tpu.memory_space<hbm>> -> memref<82x64xi32, #tpu.memory_space<hbm>>
      %dma_start3A_84 = arith.constant 0 : i32
      %dma_start3A_85 = arith.constant 0 : i32
      %dma_start3A_86 = tpu.memref_slice %arg4[%add3A, %run_scoped3A, %dma_start3A_84, %dma_start3A_85] : memref<32x2x82x64xi32, #tpu.memory_space<hbm>> -> memref<1x1x82x64xi32, #tpu.memory_space<hbm>>
      %dma_start3A_87 = tpu.memref_squeeze %dma_start3A_86 : memref<1x1x82x64xi32, #tpu.memory_space<hbm>> -> memref<82x64xi32, #tpu.memory_space<hbm>>
      tpu.enqueue_dma source(%dma_start3A_87 : memref<82x64xi32, #tpu.memory_space<hbm>>) target(%arg7 : memref<82x64xi32, #tpu.memory_space<vmem>>) target_semaphore(%run_scoped3A_79 : memref<!tpu.dma_semaphore, #tpu.memory_space<semaphore_mem>>)
      %dma_wait3A_88 = arith.constant 0 : i32
      %dma_wait3A_89 = arith.constant 0 : i32
      %dma_wait3A_90 = tpu.memref_slice %arg4[%add3A, %run_scoped3A, %dma_wait3A_88, %dma_wait3A_89] : memref<32x2x82x64xi32, #tpu.memory_space<hbm>> -> memref<1x1x82x64xi32, #tpu.memory_space<hbm>>
      %dma_wait3A_91 = tpu.memref_squeeze %dma_wait3A_90 : memref<1x1x82x64xi32, #tpu.memory_space<hbm>> -> memref<82x64xi32, #tpu.memory_space<hbm>>
      %dma_wait3A_92 = arith.constant 0 : i32
      %dma_wait3A_93 = arith.constant 0 : i32
      %dma_wait3A_94 = tpu.memref_slice %arg4[%add3A, %run_scoped3A, %dma_wait3A_92, %dma_wait3A_93] : memref<32x2x82x64xi32, #tpu.memory_space<hbm>> -> memref<1x1x82x64xi32, #tpu.memory_space<hbm>>
      %dma_wait3A_95 = tpu.memref_squeeze %dma_wait3A_94 : memref<1x1x82x64xi32, #tpu.memory_space<hbm>> -> memref<82x64xi32, #tpu.memory_space<hbm>>
      tpu.wait_dma2 semaphore(%run_scoped3A_79 : memref<!tpu.dma_semaphore, #tpu.memory_space<semaphore_mem>>) src(%dma_wait3A_95 : memref<82x64xi32, #tpu.memory_space<hbm>>) dst(%arg7 : memref<82x64xi32, #tpu.memory_space<vmem>>)
      tpu.yield
    }) : () -> ()
    %run_scoped3A_10 = arith.constant 0 : i32
    "tpu.region"() ({
      %run_scoped3A_79 = tpu.sem_alloc : memref<!tpu.dma_semaphore, #tpu.memory_space<semaphore_mem>>
      %dma_start3A_80 = arith.constant 0 : i32
      %dma_start3A_81 = arith.constant 0 : i32
      %dma_start3A_82 = tpu.memref_slice %arg5[%add3A, %run_scoped3A_10, %dma_start3A_80, %dma_start3A_81] : memref<32x2x80x64xi32, #tpu.memory_space<hbm>> -> memref<1x1x80x64xi32, #tpu.memory_space<hbm>>
      %dma_start3A_83 = tpu.memref_squeeze %dma_start3A_82 : memref<1x1x80x64xi32, #tpu.memory_space<hbm>> -> memref<80x64xi32, #tpu.memory_space<hbm>>
      %dma_start3A_84 = arith.constant 0 : i32
      %dma_start3A_85 = arith.constant 0 : i32
      %dma_start3A_86 = tpu.memref_slice %arg5[%add3A, %run_scoped3A_10, %dma_start3A_84, %dma_start3A_85] : memref<32x2x80x64xi32, #tpu.memory_space<hbm>> -> memref<1x1x80x64xi32, #tpu.memory_space<hbm>>
      %dma_start3A_87 = tpu.memref_squeeze %dma_start3A_86 : memref<1x1x80x64xi32, #tpu.memory_space<hbm>> -> memref<80x64xi32, #tpu.memory_space<hbm>>
      tpu.enqueue_dma source(%dma_start3A_87 : memref<80x64xi32, #tpu.memory_space<hbm>>) target(%arg8 : memref<80x64xi32, #tpu.memory_space<vmem>>) target_semaphore(%run_scoped3A_79 : memref<!tpu.dma_semaphore, #tpu.memory_space<semaphore_mem>>)
      %dma_wait3A_88 = arith.constant 0 : i32
      %dma_wait3A_89 = arith.constant 0 : i32
      %dma_wait3A_90 = tpu.memref_slice %arg5[%add3A, %run_scoped3A_10, %dma_wait3A_88, %dma_wait3A_89] : memref<32x2x80x64xi32, #tpu.memory_space<hbm>> -> memref<1x1x80x64xi32, #tpu.memory_space<hbm>>
      %dma_wait3A_91 = tpu.memref_squeeze %dma_wait3A_90 : memref<1x1x80x64xi32, #tpu.memory_space<hbm>> -> memref<80x64xi32, #tpu.memory_space<hbm>>
      %dma_wait3A_92 = arith.constant 0 : i32
      %dma_wait3A_93 = arith.constant 0 : i32
      %dma_wait3A_94 = tpu.memref_slice %arg5[%add3A, %run_scoped3A_10, %dma_wait3A_92, %dma_wait3A_93] : memref<32x2x80x64xi32, #tpu.memory_space<hbm>> -> memref<1x1x80x64xi32, #tpu.memory_space<hbm>>
      %dma_wait3A_95 = tpu.memref_squeeze %dma_wait3A_94 : memref<1x1x80x64xi32, #tpu.memory_space<hbm>> -> memref<80x64xi32, #tpu.memory_space<hbm>>
      tpu.wait_dma2 semaphore(%run_scoped3A_79 : memref<!tpu.dma_semaphore, #tpu.memory_space<semaphore_mem>>) src(%dma_wait3A_95 : memref<80x64xi32, #tpu.memory_space<hbm>>) dst(%arg8 : memref<80x64xi32, #tpu.memory_space<vmem>>)
      tpu.yield
    }) : () -> ()
    %dma_start3A = arith.constant 0 : i32
    %dma_start3A_11 = arith.constant 0 : i32
    %dma_start3A_12 = tpu.memref_slice %arg7[%dma_start3A, %dma_start3A_11] : memref<82x64xi32, #tpu.memory_space<vmem>> -> memref<1x64xi32, #tpu.memory_space<vmem>>
    %dma_start3A_13 = tpu.memref_squeeze %dma_start3A_12 : memref<1x64xi32, #tpu.memory_space<vmem>> -> memref<64xi32, #tpu.memory_space<vmem>>
    %dma_start3A_14 = arith.constant 0 : i32
    %dma_start3A_15 = arith.constant 0 : i32
    %dma_start3A_16 = tpu.memref_slice %arg2[%dma_start3A_14, %dma_start3A_15] : memref<10240x128xf32, #tpu.memory_space<hbm>> -> memref<10240x128xf32, #tpu.memory_space<hbm>>
    tpu.enqueue_indirect_dma source(%dma_start3A_16 : memref<10240x128xf32, #tpu.memory_space<hbm>>) target(%arg9 : memref<64x128xf32, #tpu.memory_space<vmem>>) offsets(%dma_start3A_13 : memref<64xi32, #tpu.memory_space<vmem>>) semaphore(%arg12 : memref<!tpu.dma_semaphore, #tpu.memory_space<semaphore_mem>>)
    %dma_start3A_17 = arith.constant 1 : i32
    %dma_start3A_18 = arith.constant 0 : i32
    %dma_start3A_19 = tpu.memref_slice %arg7[%dma_start3A_17, %dma_start3A_18] : memref<82x64xi32, #tpu.memory_space<vmem>> -> memref<1x64xi32, #tpu.memory_space<vmem>>
    %dma_start3A_20 = tpu.memref_squeeze %dma_start3A_19 : memref<1x64xi32, #tpu.memory_space<vmem>> -> memref<64xi32, #tpu.memory_space<vmem>>
    %dma_start3A_21 = arith.constant 0 : i32
    %dma_start3A_22 = arith.constant 0 : i32
    %dma_start3A_23 = tpu.memref_slice %arg2[%dma_start3A_21, %dma_start3A_22] : memref<10240x128xf32, #tpu.memory_space<hbm>> -> memref<10240x128xf32, #tpu.memory_space<hbm>>
    tpu.enqueue_indirect_dma source(%dma_start3A_23 : memref<10240x128xf32, #tpu.memory_space<hbm>>) target(%arg10 : memref<64x128xf32, #tpu.memory_space<vmem>>) offsets(%dma_start3A_20 : memref<64xi32, #tpu.memory_space<vmem>>) semaphore(%arg13 : memref<!tpu.dma_semaphore, #tpu.memory_space<semaphore_mem>>)
    %barrier3A = arith.constant 0 : index
    tpu.barrier barrier_id(%barrier3A)
    %scan3A = arith.constant 0 : i32
    %scan3A_24 = arith.constant 0 : i32
    %scan3A_25 = arith.constant 40 : i32
    %scan3A_26 = arith.addi %scan3A_24, %scan3A_25 : i32
    %scan3A_27 = arith.constant 1 : i32
    scf.for %scan3A_79 = %scan3A_24 to %scan3A_26 step %scan3A_27  : i32 {
      %mul3A_80 = arith.constant 2 : i32
      %mul3A_81 = arith.muli %scan3A_79, %mul3A_80 : i32
      %dma_wait3A_82 = arith.constant 0 : i32
      %dma_wait3A_83 = tpu.memref_slice %arg7[%mul3A_81, %dma_wait3A_82] : memref<82x64xi32, #tpu.memory_space<vmem>> -> memref<1x64xi32, #tpu.memory_space<vmem>>
      %dma_wait3A_84 = tpu.memref_squeeze %dma_wait3A_83 : memref<1x64xi32, #tpu.memory_space<vmem>> -> memref<64xi32, #tpu.memory_space<vmem>>
      %dma_wait3A_85 = arith.constant 0 : i32
      %dma_wait3A_86 = arith.constant 0 : i32
      %dma_wait3A_87 = tpu.memref_slice %arg2[%dma_wait3A_85, %dma_wait3A_86] : memref<10240x128xf32, #tpu.memory_space<hbm>> -> memref<10240x128xf32, #tpu.memory_space<hbm>>
      tpu.wait_indirect_dma semaphore(%arg12 : memref<!tpu.dma_semaphore, #tpu.memory_space<semaphore_mem>>) src(%dma_wait3A_87 : memref<10240x128xf32, #tpu.memory_space<hbm>>) dst(%arg9 : memref<64x128xf32, #tpu.memory_space<vmem>>)
      %dma_start3A_88 = arith.constant 0 : i32
      %dma_start3A_89 = tpu.memref_slice %arg8[%mul3A_81, %dma_start3A_88] : memref<80x64xi32, #tpu.memory_space<vmem>> -> memref<1x64xi32, #tpu.memory_space<vmem>>
      %dma_start3A_90 = tpu.memref_squeeze %dma_start3A_89 : memref<1x64xi32, #tpu.memory_space<vmem>> -> memref<64xi32, #tpu.memory_space<vmem>>
      %dma_start3A_91 = arith.constant 0 : i32
      %dma_start3A_92 = arith.constant 0 : i32
      %dma_start3A_93 = tpu.memref_slice %arg11[%dma_start3A_91, %dma_start3A_92] : memref<10240x128xf32, #tpu.memory_space<vmem_shared>> -> memref<10240x128xf32, #tpu.memory_space<vmem_shared>>
      tpu.enqueue_indirect_dma source(%arg9 : memref<64x128xf32, #tpu.memory_space<vmem>>) target(%dma_start3A_93 : memref<10240x128xf32, #tpu.memory_space<vmem_shared>>) offsets(%dma_start3A_90 : memref<64xi32, #tpu.memory_space<vmem>>) semaphore(%arg14 : memref<!tpu.dma_semaphore, #tpu.memory_space<semaphore_mem>>) {add = true}
      %add3A_94 = arith.constant 1 : i32
      %add3A_95 = arith.addi %mul3A_81, %add3A_94 : i32
      %dma_wait3A_96 = arith.constant 0 : i32
      %dma_wait3A_97 = tpu.memref_slice %arg7[%add3A_95, %dma_wait3A_96] : memref<82x64xi32, #tpu.memory_space<vmem>> -> memref<1x64xi32, #tpu.memory_space<vmem>>
      %dma_wait3A_98 = tpu.memref_squeeze %dma_wait3A_97 : memref<1x64xi32, #tpu.memory_space<vmem>> -> memref<64xi32, #tpu.memory_space<vmem>>
      %dma_wait3A_99 = arith.constant 0 : i32
      %dma_wait3A_100 = arith.constant 0 : i32
      %dma_wait3A_101 = tpu.memref_slice %arg2[%dma_wait3A_99, %dma_wait3A_100] : memref<10240x128xf32, #tpu.memory_space<hbm>> -> memref<10240x128xf32, #tpu.memory_space<hbm>>
      tpu.wait_indirect_dma semaphore(%arg13 : memref<!tpu.dma_semaphore, #tpu.memory_space<semaphore_mem>>) src(%dma_wait3A_101 : memref<10240x128xf32, #tpu.memory_space<hbm>>) dst(%arg10 : memref<64x128xf32, #tpu.memory_space<vmem>>)
      %add3A_102 = arith.constant 1 : i32
      %add3A_103 = arith.addi %mul3A_81, %add3A_102 : i32
      %dma_start3A_104 = arith.constant 0 : i32
      %dma_start3A_105 = tpu.memref_slice %arg8[%add3A_103, %dma_start3A_104] : memref<80x64xi32, #tpu.memory_space<vmem>> -> memref<1x64xi32, #tpu.memory_space<vmem>>
      %dma_start3A_106 = tpu.memref_squeeze %dma_start3A_105 : memref<1x64xi32, #tpu.memory_space<vmem>> -> memref<64xi32, #tpu.memory_space<vmem>>
      %dma_start3A_107 = arith.constant 0 : i32
      %dma_start3A_108 = arith.constant 0 : i32
      %dma_start3A_109 = tpu.memref_slice %arg11[%dma_start3A_107, %dma_start3A_108] : memref<10240x128xf32, #tpu.memory_space<vmem_shared>> -> memref<10240x128xf32, #tpu.memory_space<vmem_shared>>
      tpu.enqueue_indirect_dma source(%arg10 : memref<64x128xf32, #tpu.memory_space<vmem>>) target(%dma_start3A_109 : memref<10240x128xf32, #tpu.memory_space<vmem_shared>>) offsets(%dma_start3A_106 : memref<64xi32, #tpu.memory_space<vmem>>) semaphore(%arg15 : memref<!tpu.dma_semaphore, #tpu.memory_space<semaphore_mem>>) {add = true}
      %dma_wait3A_110 = arith.constant 0 : i32
      %dma_wait3A_111 = tpu.memref_slice %arg8[%mul3A_81, %dma_wait3A_110] : memref<80x64xi32, #tpu.memory_space<vmem>> -> memref<1x64xi32, #tpu.memory_space<vmem>>
      %dma_wait3A_112 = tpu.memref_squeeze %dma_wait3A_111 : memref<1x64xi32, #tpu.memory_space<vmem>> -> memref<64xi32, #tpu.memory_space<vmem>>
      %dma_wait3A_113 = arith.constant 0 : i32
      %dma_wait3A_114 = arith.constant 0 : i32
      %dma_wait3A_115 = tpu.memref_slice %arg11[%dma_wait3A_113, %dma_wait3A_114] : memref<10240x128xf32, #tpu.memory_space<vmem_shared>> -> memref<10240x128xf32, #tpu.memory_space<vmem_shared>>
      tpu.wait_indirect_dma semaphore(%arg14 : memref<!tpu.dma_semaphore, #tpu.memory_space<semaphore_mem>>) src(%arg9 : memref<64x128xf32, #tpu.memory_space<vmem>>) dst(%dma_wait3A_115 : memref<10240x128xf32, #tpu.memory_space<vmem_shared>>)
      %add3A_116 = arith.constant 2 : i32
      %add3A_117 = arith.addi %mul3A_81, %add3A_116 : i32
      %dma_start3A_118 = arith.constant 0 : i32
      %dma_start3A_119 = tpu.memref_slice %arg7[%add3A_117, %dma_start3A_118] : memref<82x64xi32, #tpu.memory_space<vmem>> -> memref<1x64xi32, #tpu.memory_space<vmem>>
      %dma_start3A_120 = tpu.memref_squeeze %dma_start3A_119 : memref<1x64xi32, #tpu.memory_space<vmem>> -> memref<64xi32, #tpu.memory_space<vmem>>
      %dma_start3A_121 = arith.constant 0 : i32
      %dma_start3A_122 = arith.constant 0 : i32
      %dma_start3A_123 = tpu.memref_slice %arg2[%dma_start3A_121, %dma_start3A_122] : memref<10240x128xf32, #tpu.memory_space<hbm>> -> memref<10240x128xf32, #tpu.memory_space<hbm>>
      tpu.enqueue_indirect_dma source(%dma_start3A_123 : memref<10240x128xf32, #tpu.memory_space<hbm>>) target(%arg9 : memref<64x128xf32, #tpu.memory_space<vmem>>) offsets(%dma_start3A_120 : memref<64xi32, #tpu.memory_space<vmem>>) semaphore(%arg12 : memref<!tpu.dma_semaphore, #tpu.memory_space<semaphore_mem>>)
      %add3A_124 = arith.constant 1 : i32
      %add3A_125 = arith.addi %mul3A_81, %add3A_124 : i32
      %dma_wait3A_126 = arith.constant 0 : i32
      %dma_wait3A_127 = tpu.memref_slice %arg8[%add3A_125, %dma_wait3A_126] : memref<80x64xi32, #tpu.memory_space<vmem>> -> memref<1x64xi32, #tpu.memory_space<vmem>>
      %dma_wait3A_128 = tpu.memref_squeeze %dma_wait3A_127 : memref<1x64xi32, #tpu.memory_space<vmem>> -> memref<64xi32, #tpu.memory_space<vmem>>
      %dma_wait3A_129 = arith.constant 0 : i32
      %dma_wait3A_130 = arith.constant 0 : i32
      %dma_wait3A_131 = tpu.memref_slice %arg11[%dma_wait3A_129, %dma_wait3A_130] : memref<10240x128xf32, #tpu.memory_space<vmem_shared>> -> memref<10240x128xf32, #tpu.memory_space<vmem_shared>>
      tpu.wait_indirect_dma semaphore(%arg15 : memref<!tpu.dma_semaphore, #tpu.memory_space<semaphore_mem>>) src(%arg10 : memref<64x128xf32, #tpu.memory_space<vmem>>) dst(%dma_wait3A_131 : memref<10240x128xf32, #tpu.memory_space<vmem_shared>>)
      %add3A_132 = arith.constant 3 : i32
      %add3A_133 = arith.addi %mul3A_81, %add3A_132 : i32
      %dma_start3A_134 = arith.constant 0 : i32
      %dma_start3A_135 = tpu.memref_slice %arg7[%add3A_133, %dma_start3A_134] : memref<82x64xi32, #tpu.memory_space<vmem>> -> memref<1x64xi32, #tpu.memory_space<vmem>>
      %dma_start3A_136 = tpu.memref_squeeze %dma_start3A_135 : memref<1x64xi32, #tpu.memory_space<vmem>> -> memref<64xi32, #tpu.memory_space<vmem>>
      %dma_start3A_137 = arith.constant 0 : i32
      %dma_start3A_138 = arith.constant 0 : i32
      %dma_start3A_139 = tpu.memref_slice %arg2[%dma_start3A_137, %dma_start3A_138] : memref<10240x128xf32, #tpu.memory_space<hbm>> -> memref<10240x128xf32, #tpu.memory_space<hbm>>
      tpu.enqueue_indirect_dma source(%dma_start3A_139 : memref<10240x128xf32, #tpu.memory_space<hbm>>) target(%arg10 : memref<64x128xf32, #tpu.memory_space<vmem>>) offsets(%dma_start3A_136 : memref<64xi32, #tpu.memory_space<vmem>>) semaphore(%arg13 : memref<!tpu.dma_semaphore, #tpu.memory_space<semaphore_mem>>)
    }
    %scan3A_28 = arith.constant 40 : i32
    %dma_wait3A = arith.constant 0 : i32
    %dma_wait3A_29 = arith.constant 0 : i32
    %dma_wait3A_30 = tpu.memref_slice %arg7[%dma_wait3A, %dma_wait3A_29] : memref<82x64xi32, #tpu.memory_space<vmem>> -> memref<1x64xi32, #tpu.memory_space<vmem>>
    %dma_wait3A_31 = tpu.memref_squeeze %dma_wait3A_30 : memref<1x64xi32, #tpu.memory_space<vmem>> -> memref<64xi32, #tpu.memory_space<vmem>>
    %dma_wait3A_32 = arith.constant 0 : i32
    %dma_wait3A_33 = arith.constant 0 : i32
    %dma_wait3A_34 = tpu.memref_slice %arg2[%dma_wait3A_32, %dma_wait3A_33] : memref<10240x128xf32, #tpu.memory_space<hbm>> -> memref<10240x128xf32, #tpu.memory_space<hbm>>
    tpu.wait_indirect_dma semaphore(%arg12 : memref<!tpu.dma_semaphore, #tpu.memory_space<semaphore_mem>>) src(%dma_wait3A_34 : memref<10240x128xf32, #tpu.memory_space<hbm>>) dst(%arg9 : memref<64x128xf32, #tpu.memory_space<vmem>>)
    %dma_wait3A_35 = arith.constant 1 : i32
    %dma_wait3A_36 = arith.constant 0 : i32
    %dma_wait3A_37 = tpu.memref_slice %arg7[%dma_wait3A_35, %dma_wait3A_36] : memref<82x64xi32, #tpu.memory_space<vmem>> -> memref<1x64xi32, #tpu.memory_space<vmem>>
    %dma_wait3A_38 = tpu.memref_squeeze %dma_wait3A_37 : memref<1x64xi32, #tpu.memory_space<vmem>> -> memref<64xi32, #tpu.memory_space<vmem>>
    %dma_wait3A_39 = arith.constant 0 : i32
    %dma_wait3A_40 = arith.constant 0 : i32
    %dma_wait3A_41 = tpu.memref_slice %arg2[%dma_wait3A_39, %dma_wait3A_40] : memref<10240x128xf32, #tpu.memory_space<hbm>> -> memref<10240x128xf32, #tpu.memory_space<hbm>>
    tpu.wait_indirect_dma semaphore(%arg13 : memref<!tpu.dma_semaphore, #tpu.memory_space<semaphore_mem>>) src(%dma_wait3A_41 : memref<10240x128xf32, #tpu.memory_space<hbm>>) dst(%arg10 : memref<64x128xf32, #tpu.memory_space<vmem>>)
    %run_scoped3A_42 = arith.constant 1 : i32
    "tpu.region"() ({
      %run_scoped3A_79 = tpu.sem_alloc : memref<!tpu.dma_semaphore, #tpu.memory_space<semaphore_mem>>
      %dma_start3A_80 = arith.constant 0 : i32
      %dma_start3A_81 = arith.constant 0 : i32
      %dma_start3A_82 = tpu.memref_slice %arg4[%add3A, %run_scoped3A_42, %dma_start3A_80, %dma_start3A_81] : memref<32x2x82x64xi32, #tpu.memory_space<hbm>> -> memref<1x1x82x64xi32, #tpu.memory_space<hbm>>
      %dma_start3A_83 = tpu.memref_squeeze %dma_start3A_82 : memref<1x1x82x64xi32, #tpu.memory_space<hbm>> -> memref<82x64xi32, #tpu.memory_space<hbm>>
      %dma_start3A_84 = arith.constant 0 : i32
      %dma_start3A_85 = arith.constant 0 : i32
      %dma_start3A_86 = tpu.memref_slice %arg4[%add3A, %run_scoped3A_42, %dma_start3A_84, %dma_start3A_85] : memref<32x2x82x64xi32, #tpu.memory_space<hbm>> -> memref<1x1x82x64xi32, #tpu.memory_space<hbm>>
      %dma_start3A_87 = tpu.memref_squeeze %dma_start3A_86 : memref<1x1x82x64xi32, #tpu.memory_space<hbm>> -> memref<82x64xi32, #tpu.memory_space<hbm>>
      tpu.enqueue_dma source(%dma_start3A_87 : memref<82x64xi32, #tpu.memory_space<hbm>>) target(%arg7 : memref<82x64xi32, #tpu.memory_space<vmem>>) target_semaphore(%run_scoped3A_79 : memref<!tpu.dma_semaphore, #tpu.memory_space<semaphore_mem>>)
      %dma_wait3A_88 = arith.constant 0 : i32
      %dma_wait3A_89 = arith.constant 0 : i32
      %dma_wait3A_90 = tpu.memref_slice %arg4[%add3A, %run_scoped3A_42, %dma_wait3A_88, %dma_wait3A_89] : memref<32x2x82x64xi32, #tpu.memory_space<hbm>> -> memref<1x1x82x64xi32, #tpu.memory_space<hbm>>
      %dma_wait3A_91 = tpu.memref_squeeze %dma_wait3A_90 : memref<1x1x82x64xi32, #tpu.memory_space<hbm>> -> memref<82x64xi32, #tpu.memory_space<hbm>>
      %dma_wait3A_92 = arith.constant 0 : i32
      %dma_wait3A_93 = arith.constant 0 : i32
      %dma_wait3A_94 = tpu.memref_slice %arg4[%add3A, %run_scoped3A_42, %dma_wait3A_92, %dma_wait3A_93] : memref<32x2x82x64xi32, #tpu.memory_space<hbm>> -> memref<1x1x82x64xi32, #tpu.memory_space<hbm>>
      %dma_wait3A_95 = tpu.memref_squeeze %dma_wait3A_94 : memref<1x1x82x64xi32, #tpu.memory_space<hbm>> -> memref<82x64xi32, #tpu.memory_space<hbm>>
      tpu.wait_dma2 semaphore(%run_scoped3A_79 : memref<!tpu.dma_semaphore, #tpu.memory_space<semaphore_mem>>) src(%dma_wait3A_95 : memref<82x64xi32, #tpu.memory_space<hbm>>) dst(%arg7 : memref<82x64xi32, #tpu.memory_space<vmem>>)
      tpu.yield
    }) : () -> ()
    %run_scoped3A_43 = arith.constant 1 : i32
    "tpu.region"() ({
      %run_scoped3A_79 = tpu.sem_alloc : memref<!tpu.dma_semaphore, #tpu.memory_space<semaphore_mem>>
      %dma_start3A_80 = arith.constant 0 : i32
      %dma_start3A_81 = arith.constant 0 : i32
      %dma_start3A_82 = tpu.memref_slice %arg5[%add3A, %run_scoped3A_43, %dma_start3A_80, %dma_start3A_81] : memref<32x2x80x64xi32, #tpu.memory_space<hbm>> -> memref<1x1x80x64xi32, #tpu.memory_space<hbm>>
      %dma_start3A_83 = tpu.memref_squeeze %dma_start3A_82 : memref<1x1x80x64xi32, #tpu.memory_space<hbm>> -> memref<80x64xi32, #tpu.memory_space<hbm>>
      %dma_start3A_84 = arith.constant 0 : i32
      %dma_start3A_85 = arith.constant 0 : i32
      %dma_start3A_86 = tpu.memref_slice %arg5[%add3A, %run_scoped3A_43, %dma_start3A_84, %dma_start3A_85] : memref<32x2x80x64xi32, #tpu.memory_space<hbm>> -> memref<1x1x80x64xi32, #tpu.memory_space<hbm>>
      %dma_start3A_87 = tpu.memref_squeeze %dma_start3A_86 : memref<1x1x80x64xi32, #tpu.memory_space<hbm>> -> memref<80x64xi32, #tpu.memory_space<hbm>>
      tpu.enqueue_dma source(%dma_start3A_87 : memref<80x64xi32, #tpu.memory_space<hbm>>) target(%arg8 : memref<80x64xi32, #tpu.memory_space<vmem>>) target_semaphore(%run_scoped3A_79 : memref<!tpu.dma_semaphore, #tpu.memory_space<semaphore_mem>>)
      %dma_wait3A_88 = arith.constant 0 : i32
      %dma_wait3A_89 = arith.constant 0 : i32
      %dma_wait3A_90 = tpu.memref_slice %arg5[%add3A, %run_scoped3A_43, %dma_wait3A_88, %dma_wait3A_89] : memref<32x2x80x64xi32, #tpu.memory_space<hbm>> -> memref<1x1x80x64xi32, #tpu.memory_space<hbm>>
      %dma_wait3A_91 = tpu.memref_squeeze %dma_wait3A_90 : memref<1x1x80x64xi32, #tpu.memory_space<hbm>> -> memref<80x64xi32, #tpu.memory_space<hbm>>
      %dma_wait3A_92 = arith.constant 0 : i32
      %dma_wait3A_93 = arith.constant 0 : i32
      %dma_wait3A_94 = tpu.memref_slice %arg5[%add3A, %run_scoped3A_43, %dma_wait3A_92, %dma_wait3A_93] : memref<32x2x80x64xi32, #tpu.memory_space<hbm>> -> memref<1x1x80x64xi32, #tpu.memory_space<hbm>>
      %dma_wait3A_95 = tpu.memref_squeeze %dma_wait3A_94 : memref<1x1x80x64xi32, #tpu.memory_space<hbm>> -> memref<80x64xi32, #tpu.memory_space<hbm>>
      tpu.wait_dma2 semaphore(%run_scoped3A_79 : memref<!tpu.dma_semaphore, #tpu.memory_space<semaphore_mem>>) src(%dma_wait3A_95 : memref<80x64xi32, #tpu.memory_space<hbm>>) dst(%arg8 : memref<80x64xi32, #tpu.memory_space<vmem>>)
      tpu.yield
    }) : () -> ()
    %dma_start3A_44 = arith.constant 0 : i32
    %dma_start3A_45 = arith.constant 0 : i32
    %dma_start3A_46 = tpu.memref_slice %arg7[%dma_start3A_44, %dma_start3A_45] : memref<82x64xi32, #tpu.memory_space<vmem>> -> memref<1x64xi32, #tpu.memory_space<vmem>>
    %dma_start3A_47 = tpu.memref_squeeze %dma_start3A_46 : memref<1x64xi32, #tpu.memory_space<vmem>> -> memref<64xi32, #tpu.memory_space<vmem>>
    %dma_start3A_48 = arith.constant 0 : i32
    %dma_start3A_49 = arith.constant 0 : i32
    %dma_start3A_50 = tpu.memref_slice %arg2[%dma_start3A_48, %dma_start3A_49] : memref<10240x128xf32, #tpu.memory_space<hbm>> -> memref<10240x128xf32, #tpu.memory_space<hbm>>
    tpu.enqueue_indirect_dma source(%dma_start3A_50 : memref<10240x128xf32, #tpu.memory_space<hbm>>) target(%arg9 : memref<64x128xf32, #tpu.memory_space<vmem>>) offsets(%dma_start3A_47 : memref<64xi32, #tpu.memory_space<vmem>>) semaphore(%arg12 : memref<!tpu.dma_semaphore, #tpu.memory_space<semaphore_mem>>)
    %dma_start3A_51 = arith.constant 1 : i32
    %dma_start3A_52 = arith.constant 0 : i32
    %dma_start3A_53 = tpu.memref_slice %arg7[%dma_start3A_51, %dma_start3A_52] : memref<82x64xi32, #tpu.memory_space<vmem>> -> memref<1x64xi32, #tpu.memory_space<vmem>>
    %dma_start3A_54 = tpu.memref_squeeze %dma_start3A_53 : memref<1x64xi32, #tpu.memory_space<vmem>> -> memref<64xi32, #tpu.memory_space<vmem>>
    %dma_start3A_55 = arith.constant 0 : i32
    %dma_start3A_56 = arith.constant 0 : i32
    %dma_start3A_57 = tpu.memref_slice %arg2[%dma_start3A_55, %dma_start3A_56] : memref<10240x128xf32, #tpu.memory_space<hbm>> -> memref<10240x128xf32, #tpu.memory_space<hbm>>
    tpu.enqueue_indirect_dma source(%dma_start3A_57 : memref<10240x128xf32, #tpu.memory_space<hbm>>) target(%arg10 : memref<64x128xf32, #tpu.memory_space<vmem>>) offsets(%dma_start3A_54 : memref<64xi32, #tpu.memory_space<vmem>>) semaphore(%arg13 : memref<!tpu.dma_semaphore, #tpu.memory_space<semaphore_mem>>)
    %scan3A_58 = arith.constant 0 : i32
    %scan3A_59 = arith.constant 0 : i32
    %scan3A_60 = arith.constant 40 : i32
    %scan3A_61 = arith.addi %scan3A_59, %scan3A_60 : i32
    %scan3A_62 = arith.constant 1 : i32
    scf.for %scan3A_79 = %scan3A_59 to %scan3A_61 step %scan3A_62  : i32 {
      %mul3A_80 = arith.constant 2 : i32
      %mul3A_81 = arith.muli %scan3A_79, %mul3A_80 : i32
      %dma_wait3A_82 = arith.constant 0 : i32
      %dma_wait3A_83 = tpu.memref_slice %arg7[%mul3A_81, %dma_wait3A_82] : memref<82x64xi32, #tpu.memory_space<vmem>> -> memref<1x64xi32, #tpu.memory_space<vmem>>
      %dma_wait3A_84 = tpu.memref_squeeze %dma_wait3A_83 : memref<1x64xi32, #tpu.memory_space<vmem>> -> memref<64xi32, #tpu.memory_space<vmem>>
      %dma_wait3A_85 = arith.constant 0 : i32
      %dma_wait3A_86 = arith.constant 0 : i32
      %dma_wait3A_87 = tpu.memref_slice %arg2[%dma_wait3A_85, %dma_wait3A_86] : memref<10240x128xf32, #tpu.memory_space<hbm>> -> memref<10240x128xf32, #tpu.memory_space<hbm>>
      tpu.wait_indirect_dma semaphore(%arg12 : memref<!tpu.dma_semaphore, #tpu.memory_space<semaphore_mem>>) src(%dma_wait3A_87 : memref<10240x128xf32, #tpu.memory_space<hbm>>) dst(%arg9 : memref<64x128xf32, #tpu.memory_space<vmem>>)
      %dma_start3A_88 = arith.constant 0 : i32
      %dma_start3A_89 = tpu.memref_slice %arg8[%mul3A_81, %dma_start3A_88] : memref<80x64xi32, #tpu.memory_space<vmem>> -> memref<1x64xi32, #tpu.memory_space<vmem>>
      %dma_start3A_90 = tpu.memref_squeeze %dma_start3A_89 : memref<1x64xi32, #tpu.memory_space<vmem>> -> memref<64xi32, #tpu.memory_space<vmem>>
      %dma_start3A_91 = arith.constant 0 : i32
      %dma_start3A_92 = arith.constant 0 : i32
      %dma_start3A_93 = tpu.memref_slice %arg11[%dma_start3A_91, %dma_start3A_92] : memref<10240x128xf32, #tpu.memory_space<vmem_shared>> -> memref<10240x128xf32, #tpu.memory_space<vmem_shared>>
      tpu.enqueue_indirect_dma source(%arg9 : memref<64x128xf32, #tpu.memory_space<vmem>>) target(%dma_start3A_93 : memref<10240x128xf32, #tpu.memory_space<vmem_shared>>) offsets(%dma_start3A_90 : memref<64xi32, #tpu.memory_space<vmem>>) semaphore(%arg14 : memref<!tpu.dma_semaphore, #tpu.memory_space<semaphore_mem>>) {add = true}
      %add3A_94 = arith.constant 1 : i32
      %add3A_95 = arith.addi %mul3A_81, %add3A_94 : i32
      %dma_wait3A_96 = arith.constant 0 : i32
      %dma_wait3A_97 = tpu.memref_slice %arg7[%add3A_95, %dma_wait3A_96] : memref<82x64xi32, #tpu.memory_space<vmem>> -> memref<1x64xi32, #tpu.memory_space<vmem>>
      %dma_wait3A_98 = tpu.memref_squeeze %dma_wait3A_97 : memref<1x64xi32, #tpu.memory_space<vmem>> -> memref<64xi32, #tpu.memory_space<vmem>>
      %dma_wait3A_99 = arith.constant 0 : i32
      %dma_wait3A_100 = arith.constant 0 : i32
      %dma_wait3A_101 = tpu.memref_slice %arg2[%dma_wait3A_99, %dma_wait3A_100] : memref<10240x128xf32, #tpu.memory_space<hbm>> -> memref<10240x128xf32, #tpu.memory_space<hbm>>
      tpu.wait_indirect_dma semaphore(%arg13 : memref<!tpu.dma_semaphore, #tpu.memory_space<semaphore_mem>>) src(%dma_wait3A_101 : memref<10240x128xf32, #tpu.memory_space<hbm>>) dst(%arg10 : memref<64x128xf32, #tpu.memory_space<vmem>>)
      %add3A_102 = arith.constant 1 : i32
      %add3A_103 = arith.addi %mul3A_81, %add3A_102 : i32
      %dma_start3A_104 = arith.constant 0 : i32
      %dma_start3A_105 = tpu.memref_slice %arg8[%add3A_103, %dma_start3A_104] : memref<80x64xi32, #tpu.memory_space<vmem>> -> memref<1x64xi32, #tpu.memory_space<vmem>>
      %dma_start3A_106 = tpu.memref_squeeze %dma_start3A_105 : memref<1x64xi32, #tpu.memory_space<vmem>> -> memref<64xi32, #tpu.memory_space<vmem>>
      %dma_start3A_107 = arith.constant 0 : i32
      %dma_start3A_108 = arith.constant 0 : i32
      %dma_start3A_109 = tpu.memref_slice %arg11[%dma_start3A_107, %dma_start3A_108] : memref<10240x128xf32, #tpu.memory_space<vmem_shared>> -> memref<10240x128xf32, #tpu.memory_space<vmem_shared>>
      tpu.enqueue_indirect_dma source(%arg10 : memref<64x128xf32, #tpu.memory_space<vmem>>) target(%dma_start3A_109 : memref<10240x128xf32, #tpu.memory_space<vmem_shared>>) offsets(%dma_start3A_106 : memref<64xi32, #tpu.memory_space<vmem>>) semaphore(%arg15 : memref<!tpu.dma_semaphore, #tpu.memory_space<semaphore_mem>>) {add = true}
      %dma_wait3A_110 = arith.constant 0 : i32
      %dma_wait3A_111 = tpu.memref_slice %arg8[%mul3A_81, %dma_wait3A_110] : memref<80x64xi32, #tpu.memory_space<vmem>> -> memref<1x64xi32, #tpu.memory_space<vmem>>
      %dma_wait3A_112 = tpu.memref_squeeze %dma_wait3A_111 : memref<1x64xi32, #tpu.memory_space<vmem>> -> memref<64xi32, #tpu.memory_space<vmem>>
      %dma_wait3A_113 = arith.constant 0 : i32
      %dma_wait3A_114 = arith.constant 0 : i32
      %dma_wait3A_115 = tpu.memref_slice %arg11[%dma_wait3A_113, %dma_wait3A_114] : memref<10240x128xf32, #tpu.memory_space<vmem_shared>> -> memref<10240x128xf32, #tpu.memory_space<vmem_shared>>
      tpu.wait_indirect_dma semaphore(%arg14 : memref<!tpu.dma_semaphore, #tpu.memory_space<semaphore_mem>>) src(%arg9 : memref<64x128xf32, #tpu.memory_space<vmem>>) dst(%dma_wait3A_115 : memref<10240x128xf32, #tpu.memory_space<vmem_shared>>)
      %add3A_116 = arith.constant 2 : i32
      %add3A_117 = arith.addi %mul3A_81, %add3A_116 : i32
      %dma_start3A_118 = arith.constant 0 : i32
      %dma_start3A_119 = tpu.memref_slice %arg7[%add3A_117, %dma_start3A_118] : memref<82x64xi32, #tpu.memory_space<vmem>> -> memref<1x64xi32, #tpu.memory_space<vmem>>
      %dma_start3A_120 = tpu.memref_squeeze %dma_start3A_119 : memref<1x64xi32, #tpu.memory_space<vmem>> -> memref<64xi32, #tpu.memory_space<vmem>>
      %dma_start3A_121 = arith.constant 0 : i32
      %dma_start3A_122 = arith.constant 0 : i32
      %dma_start3A_123 = tpu.memref_slice %arg2[%dma_start3A_121, %dma_start3A_122] : memref<10240x128xf32, #tpu.memory_space<hbm>> -> memref<10240x128xf32, #tpu.memory_space<hbm>>
      tpu.enqueue_indirect_dma source(%dma_start3A_123 : memref<10240x128xf32, #tpu.memory_space<hbm>>) target(%arg9 : memref<64x128xf32, #tpu.memory_space<vmem>>) offsets(%dma_start3A_120 : memref<64xi32, #tpu.memory_space<vmem>>) semaphore(%arg12 : memref<!tpu.dma_semaphore, #tpu.memory_space<semaphore_mem>>)
      %add3A_124 = arith.constant 1 : i32
      %add3A_125 = arith.addi %mul3A_81, %add3A_124 : i32
      %dma_wait3A_126 = arith.constant 0 : i32
      %dma_wait3A_127 = tpu.memref_slice %arg8[%add3A_125, %dma_wait3A_126] : memref<80x64xi32, #tpu.memory_space<vmem>> -> memref<1x64xi32, #tpu.memory_space<vmem>>
      %dma_wait3A_128 = tpu.memref_squeeze %dma_wait3A_127 : memref<1x64xi32, #tpu.memory_space<vmem>> -> memref<64xi32, #tpu.memory_space<vmem>>
      %dma_wait3A_129 = arith.constant 0 : i32
      %dma_wait3A_130 = arith.constant 0 : i32
      %dma_wait3A_131 = tpu.memref_slice %arg11[%dma_wait3A_129, %dma_wait3A_130] : memref<10240x128xf32, #tpu.memory_space<vmem_shared>> -> memref<10240x128xf32, #tpu.memory_space<vmem_shared>>
      tpu.wait_indirect_dma semaphore(%arg15 : memref<!tpu.dma_semaphore, #tpu.memory_space<semaphore_mem>>) src(%arg10 : memref<64x128xf32, #tpu.memory_space<vmem>>) dst(%dma_wait3A_131 : memref<10240x128xf32, #tpu.memory_space<vmem_shared>>)
      %add3A_132 = arith.constant 3 : i32
      %add3A_133 = arith.addi %mul3A_81, %add3A_132 : i32
      %dma_start3A_134 = arith.constant 0 : i32
      %dma_start3A_135 = tpu.memref_slice %arg7[%add3A_133, %dma_start3A_134] : memref<82x64xi32, #tpu.memory_space<vmem>> -> memref<1x64xi32, #tpu.memory_space<vmem>>
      %dma_start3A_136 = tpu.memref_squeeze %dma_start3A_135 : memref<1x64xi32, #tpu.memory_space<vmem>> -> memref<64xi32, #tpu.memory_space<vmem>>
      %dma_start3A_137 = arith.constant 0 : i32
      %dma_start3A_138 = arith.constant 0 : i32
      %dma_start3A_139 = tpu.memref_slice %arg2[%dma_start3A_137, %dma_start3A_138] : memref<10240x128xf32, #tpu.memory_space<hbm>> -> memref<10240x128xf32, #tpu.memory_space<hbm>>
      tpu.enqueue_indirect_dma source(%dma_start3A_139 : memref<10240x128xf32, #tpu.memory_space<hbm>>) target(%arg10 : memref<64x128xf32, #tpu.memory_space<vmem>>) offsets(%dma_start3A_136 : memref<64xi32, #tpu.memory_space<vmem>>) semaphore(%arg13 : memref<!tpu.dma_semaphore, #tpu.memory_space<semaphore_mem>>)
    }
    %scan3A_63 = arith.constant 40 : i32
    %dma_wait3A_64 = arith.constant 0 : i32
    %dma_wait3A_65 = arith.constant 0 : i32
    %dma_wait3A_66 = tpu.memref_slice %arg7[%dma_wait3A_64, %dma_wait3A_65] : memref<82x64xi32, #tpu.memory_space<vmem>> -> memref<1x64xi32, #tpu.memory_space<vmem>>
    %dma_wait3A_67 = tpu.memref_squeeze %dma_wait3A_66 : memref<1x64xi32, #tpu.memory_space<vmem>> -> memref<64xi32, #tpu.memory_space<vmem>>
    %dma_wait3A_68 = arith.constant 0 : i32
    %dma_wait3A_69 = arith.constant 0 : i32
    %dma_wait3A_70 = tpu.memref_slice %arg2[%dma_wait3A_68, %dma_wait3A_69] : memref<10240x128xf32, #tpu.memory_space<hbm>> -> memref<10240x128xf32, #tpu.memory_space<hbm>>
    tpu.wait_indirect_dma semaphore(%arg12 : memref<!tpu.dma_semaphore, #tpu.memory_space<semaphore_mem>>) src(%dma_wait3A_70 : memref<10240x128xf32, #tpu.memory_space<hbm>>) dst(%arg9 : memref<64x128xf32, #tpu.memory_space<vmem>>)
    %dma_wait3A_71 = arith.constant 1 : i32
    %dma_wait3A_72 = arith.constant 0 : i32
    %dma_wait3A_73 = tpu.memref_slice %arg7[%dma_wait3A_71, %dma_wait3A_72] : memref<82x64xi32, #tpu.memory_space<vmem>> -> memref<1x64xi32, #tpu.memory_space<vmem>>
    %dma_wait3A_74 = tpu.memref_squeeze %dma_wait3A_73 : memref<1x64xi32, #tpu.memory_space<vmem>> -> memref<64xi32, #tpu.memory_space<vmem>>
    %dma_wait3A_75 = arith.constant 0 : i32
    %dma_wait3A_76 = arith.constant 0 : i32
    %dma_wait3A_77 = tpu.memref_slice %arg2[%dma_wait3A_75, %dma_wait3A_76] : memref<10240x128xf32, #tpu.memory_space<hbm>> -> memref<10240x128xf32, #tpu.memory_space<hbm>>
    tpu.wait_indirect_dma semaphore(%arg13 : memref<!tpu.dma_semaphore, #tpu.memory_space<semaphore_mem>>) src(%dma_wait3A_77 : memref<10240x128xf32, #tpu.memory_space<hbm>>) dst(%arg10 : memref<64x128xf32, #tpu.memory_space<vmem>>)
    %barrier3A_78 = arith.constant 0 : index
    tpu.barrier barrier_id(%barrier3A_78)
    "tpu.region"() ({
      %run_scoped3A_79 = tpu.sem_alloc : memref<!tpu.dma_semaphore, #tpu.memory_space<semaphore_mem>>
      %dma_start3A_80 = arith.constant 0 : i32
      %dma_start3A_81 = tpu.memref_slice %arg6[%arg0, %mul3A_2, %dma_start3A_80] : memref<2x10240x128xf32, #tpu.memory_space<hbm>> -> memref<1x640x128xf32, #tpu.memory_space<hbm>>
      %dma_start3A_82 = tpu.memref_squeeze %dma_start3A_81 : memref<1x640x128xf32, #tpu.memory_space<hbm>> -> memref<640x128xf32, #tpu.memory_space<hbm>>
      %dma_start3A_83 = arith.constant 0 : i32
      %dma_start3A_84 = tpu.memref_slice %arg11[%mul3A_2, %dma_start3A_83] : memref<10240x128xf32, #tpu.memory_space<vmem_shared>> -> memref<640x128xf32, #tpu.memory_space<vmem_shared>>
      tpu.enqueue_dma source(%dma_start3A_84 : memref<640x128xf32, #tpu.memory_space<vmem_shared>>) target(%dma_start3A_82 : memref<640x128xf32, #tpu.memory_space<hbm>>) target_semaphore(%run_scoped3A_79 : memref<!tpu.dma_semaphore, #tpu.memory_space<semaphore_mem>>)
      %dma_wait3A_85 = arith.constant 0 : i32
      %dma_wait3A_86 = tpu.memref_slice %arg6[%arg0, %mul3A_2, %dma_wait3A_85] : memref<2x10240x128xf32, #tpu.memory_space<hbm>> -> memref<1x640x128xf32, #tpu.memory_space<hbm>>
      %dma_wait3A_87 = tpu.memref_squeeze %dma_wait3A_86 : memref<1x640x128xf32, #tpu.memory_space<hbm>> -> memref<640x128xf32, #tpu.memory_space<hbm>>
      %dma_wait3A_88 = arith.constant 0 : i32
      %dma_wait3A_89 = tpu.memref_slice %arg11[%mul3A_2, %dma_wait3A_88] : memref<10240x128xf32, #tpu.memory_space<vmem_shared>> -> memref<640x128xf32, #tpu.memory_space<vmem_shared>>
      tpu.wait_dma2 semaphore(%run_scoped3A_79 : memref<!tpu.dma_semaphore, #tpu.memory_space<semaphore_mem>>) src(%dma_wait3A_89 : memref<640x128xf32, #tpu.memory_space<vmem_shared>>) dst(%dma_wait3A_87 : memref<640x128xf32, #tpu.memory_space<hbm>>)
      tpu.yield
    }) : () -> ()
    return
  }
}

#map = affine_map<(d0, d1) -> (0, 0)>
#map1 = affine_map<(d0, d1) -> (0, 0, 0, 0)>
#map2 = affine_map<(d0, d1) -> (0, 0, 0)>
module attributes {stable_mosaic.version = 14 : i64} {
  func.func @_spmm_kernel(%arg0: i32, %arg1: i32, %arg2: memref<10240x128xf32, #tpu.memory_space<hbm>>, %arg3: memref<10240x128xf32, #tpu.memory_space<hbm>>, %arg4: memref<32x2x82x64xi32, #tpu.memory_space<hbm>>, %arg5: memref<32x2x80x64xi32, #tpu.memory_space<hbm>>, %arg6: memref<2x10240x128xf32, #tpu.memory_space<hbm>>, %arg7: memref<82x64xi32, #tpu.memory_space<vmem>>, %arg8: memref<80x64xi32, #tpu.memory_space<vmem>>, %arg9: memref<64x128xf32, #tpu.memory_space<vmem>>, %arg10: memref<64x128xf32, #tpu.memory_space<vmem>>, %arg11: memref<10240x128xf32, #tpu.memory_space<vmem_shared>>, %arg12: memref<!tpu.dma_semaphore, #tpu.memory_space<semaphore_mem>>, %arg13: memref<!tpu.dma_semaphore, #tpu.memory_space<semaphore_mem>>, %arg14: memref<!tpu.dma_semaphore, #tpu.memory_space<semaphore_mem>>, %arg15: memref<!tpu.dma_semaphore, #tpu.memory_space<semaphore_mem>>) attributes {dimension_semantics = [#tpu.dimension_semantics<core_parallel>, #tpu.dimension_semantics<subcore_parallel>], iteration_bounds = array<i64: 2, 16>, scalar_prefetch = 0 : i64, scratch_operands = 9 : i64, tpu.core_type = #tpu.core_type<sc_vector_subcore>, window_params = [{transform_indices = #map}, {transform_indices = #map}, {transform_indices = #map1}, {transform_indices = #map1}, {transform_indices = #map2}]} {
    %mul3A = arith.constant 16 : i32
    %mul3A_0 = arith.muli %arg0, %mul3A : i32
    %add3A = arith.addi %mul3A_0, %arg1 : i32
    %mul3A_1 = arith.constant 640 : i32
    %mul3A_2 = arith.muli %arg1, %mul3A_1 : i32
    %eq3A = arith.constant 0 : i32
    %eq3A_3 = arith.cmpi eq, %arg0, %eq3A : i32
    %convert_element_type3A = arith.extui %eq3A_3 : i1 to i32
    %cond3A = arith.constant 0 : i32
    %cond3A_4 = arith.cmpi ne, %convert_element_type3A, %cond3A : i32
    scf.if %cond3A_4 {
      "tpu.region"() ({
        %run_scoped3A_79 = tpu.sem_alloc : memref<!tpu.dma_semaphore, #tpu.memory_space<semaphore_mem>>
        %dma_start3A_80 = arith.constant 0 : i32
        %dma_start3A_81 = tpu.memref_slice %arg11[%mul3A_2, %dma_start3A_80] : memref<10240x128xf32, #tpu.memory_space<vmem_shared>> -> memref<640x128xf32, #tpu.memory_space<vmem_shared>>
        %dma_start3A_82 = arith.constant 0 : i32
        %dma_start3A_83 = tpu.memref_slice %arg2[%mul3A_2, %dma_start3A_82] : memref<10240x128xf32, #tpu.memory_space<hbm>> -> memref<640x128xf32, #tpu.memory_space<hbm>>
        tpu.enqueue_dma source(%dma_start3A_83 : memref<640x128xf32, #tpu.memory_space<hbm>>) target(%dma_start3A_81 : memref<640x128xf32, #tpu.memory_space<vmem_shared>>) target_semaphore(%run_scoped3A_79 : memref<!tpu.dma_semaphore, #tpu.memory_space<semaphore_mem>>)
        %dma_wait3A_84 = arith.constant 0 : i32
        %dma_wait3A_85 = tpu.memref_slice %arg11[%mul3A_2, %dma_wait3A_84] : memref<10240x128xf32, #tpu.memory_space<vmem_shared>> -> memref<640x128xf32, #tpu.memory_space<vmem_shared>>
        %dma_wait3A_86 = arith.constant 0 : i32
        %dma_wait3A_87 = tpu.memref_slice %arg2[%mul3A_2, %dma_wait3A_86] : memref<10240x128xf32, #tpu.memory_space<hbm>> -> memref<640x128xf32, #tpu.memory_space<hbm>>
        tpu.wait_dma2 semaphore(%run_scoped3A_79 : memref<!tpu.dma_semaphore, #tpu.memory_space<semaphore_mem>>) src(%dma_wait3A_87 : memref<640x128xf32, #tpu.memory_space<hbm>>) dst(%dma_wait3A_85 : memref<640x128xf32, #tpu.memory_space<vmem_shared>>)
        tpu.yield
      }) : () -> ()
    } else {
    }
    %eq3A_5 = arith.constant 1 : i32
    %eq3A_6 = arith.cmpi eq, %arg0, %eq3A_5 : i32
    %convert_element_type3A_7 = arith.extui %eq3A_6 : i1 to i32
    %cond3A_8 = arith.constant 0 : i32
    %cond3A_9 = arith.cmpi ne, %convert_element_type3A_7, %cond3A_8 : i32
    scf.if %cond3A_9 {
      "tpu.region"() ({
        %run_scoped3A_79 = tpu.sem_alloc : memref<!tpu.dma_semaphore, #tpu.memory_space<semaphore_mem>>
        %dma_start3A_80 = arith.constant 0 : i32
        %dma_start3A_81 = tpu.memref_slice %arg11[%mul3A_2, %dma_start3A_80] : memref<10240x128xf32, #tpu.memory_space<vmem_shared>> -> memref<640x128xf32, #tpu.memory_space<vmem_shared>>
        %dma_start3A_82 = arith.constant 0 : i32
        %dma_start3A_83 = tpu.memref_slice %arg3[%mul3A_2, %dma_start3A_82] : memref<10240x128xf32, #tpu.memory_space<hbm>> -> memref<640x128xf32, #tpu.memory_space<hbm>>
        tpu.enqueue_dma source(%dma_start3A_83 : memref<640x128xf32, #tpu.memory_space<hbm>>) target(%dma_start3A_81 : memref<640x128xf32, #tpu.memory_space<vmem_shared>>) target_semaphore(%run_scoped3A_79 : memref<!tpu.dma_semaphore, #tpu.memory_space<semaphore_mem>>)
        %dma_wait3A_84 = arith.constant 0 : i32
        %dma_wait3A_85 = tpu.memref_slice %arg11[%mul3A_2, %dma_wait3A_84] : memref<10240x128xf32, #tpu.memory_space<vmem_shared>> -> memref<640x128xf32, #tpu.memory_space<vmem_shared>>
        %dma_wait3A_86 = arith.constant 0 : i32
        %dma_wait3A_87 = tpu.memref_slice %arg3[%mul3A_2, %dma_wait3A_86] : memref<10240x128xf32, #tpu.memory_space<hbm>> -> memref<640x128xf32, #tpu.memory_space<hbm>>
        tpu.wait_dma2 semaphore(%run_scoped3A_79 : memref<!tpu.dma_semaphore, #tpu.memory_space<semaphore_mem>>) src(%dma_wait3A_87 : memref<640x128xf32, #tpu.memory_space<hbm>>) dst(%dma_wait3A_85 : memref<640x128xf32, #tpu.memory_space<vmem_shared>>)
        tpu.yield
      }) : () -> ()
    } else {
    }
    %run_scoped3A = arith.constant 0 : i32
    "tpu.region"() ({
      %run_scoped3A_79 = tpu.sem_alloc : memref<!tpu.dma_semaphore, #tpu.memory_space<semaphore_mem>>
      %dma_start3A_80 = arith.constant 0 : i32
      %dma_start3A_81 = arith.constant 0 : i32
      %dma_start3A_82 = tpu.memref_slice %arg4[%add3A, %run_scoped3A, %dma_start3A_80, %dma_start3A_81] : memref<32x2x82x64xi32, #tpu.memory_space<hbm>> -> memref<1x1x82x64xi32, #tpu.memory_space<hbm>>
      %dma_start3A_83 = tpu.memref_squeeze %dma_start3A_82 : memref<1x1x82x64xi32, #tpu.memory_space<hbm>> -> memref<82x64xi32, #tpu.memory_space<hbm>>
      %dma_start3A_84 = arith.constant 0 : i32
      %dma_start3A_85 = arith.constant 0 : i32
      %dma_start3A_86 = tpu.memref_slice %arg4[%add3A, %run_scoped3A, %dma_start3A_84, %dma_start3A_85] : memref<32x2x82x64xi32, #tpu.memory_space<hbm>> -> memref<1x1x82x64xi32, #tpu.memory_space<hbm>>
      %dma_start3A_87 = tpu.memref_squeeze %dma_start3A_86 : memref<1x1x82x64xi32, #tpu.memory_space<hbm>> -> memref<82x64xi32, #tpu.memory_space<hbm>>
      tpu.enqueue_dma source(%dma_start3A_87 : memref<82x64xi32, #tpu.memory_space<hbm>>) target(%arg7 : memref<82x64xi32, #tpu.memory_space<vmem>>) target_semaphore(%run_scoped3A_79 : memref<!tpu.dma_semaphore, #tpu.memory_space<semaphore_mem>>)
      %dma_wait3A_88 = arith.constant 0 : i32
      %dma_wait3A_89 = arith.constant 0 : i32
      %dma_wait3A_90 = tpu.memref_slice %arg4[%add3A, %run_scoped3A, %dma_wait3A_88, %dma_wait3A_89] : memref<32x2x82x64xi32, #tpu.memory_space<hbm>> -> memref<1x1x82x64xi32, #tpu.memory_space<hbm>>
      %dma_wait3A_91 = tpu.memref_squeeze %dma_wait3A_90 : memref<1x1x82x64xi32, #tpu.memory_space<hbm>> -> memref<82x64xi32, #tpu.memory_space<hbm>>
      %dma_wait3A_92 = arith.constant 0 : i32
      %dma_wait3A_93 = arith.constant 0 : i32
      %dma_wait3A_94 = tpu.memref_slice %arg4[%add3A, %run_scoped3A, %dma_wait3A_92, %dma_wait3A_93] : memref<32x2x82x64xi32, #tpu.memory_space<hbm>> -> memref<1x1x82x64xi32, #tpu.memory_space<hbm>>
      %dma_wait3A_95 = tpu.memref_squeeze %dma_wait3A_94 : memref<1x1x82x64xi32, #tpu.memory_space<hbm>> -> memref<82x64xi32, #tpu.memory_space<hbm>>
      tpu.wait_dma2 semaphore(%run_scoped3A_79 : memref<!tpu.dma_semaphore, #tpu.memory_space<semaphore_mem>>) src(%dma_wait3A_95 : memref<82x64xi32, #tpu.memory_space<hbm>>) dst(%arg7 : memref<82x64xi32, #tpu.memory_space<vmem>>)
      tpu.yield
    }) : () -> ()
    %run_scoped3A_10 = arith.constant 0 : i32
    "tpu.region"() ({
      %run_scoped3A_79 = tpu.sem_alloc : memref<!tpu.dma_semaphore, #tpu.memory_space<semaphore_mem>>
      %dma_start3A_80 = arith.constant 0 : i32
      %dma_start3A_81 = arith.constant 0 : i32
      %dma_start3A_82 = tpu.memref_slice %arg5[%add3A, %run_scoped3A_10, %dma_start3A_80, %dma_start3A_81] : memref<32x2x80x64xi32, #tpu.memory_space<hbm>> -> memref<1x1x80x64xi32, #tpu.memory_space<hbm>>
      %dma_start3A_83 = tpu.memref_squeeze %dma_start3A_82 : memref<1x1x80x64xi32, #tpu.memory_space<hbm>> -> memref<80x64xi32, #tpu.memory_space<hbm>>
      %dma_start3A_84 = arith.constant 0 : i32
      %dma_start3A_85 = arith.constant 0 : i32
      %dma_start3A_86 = tpu.memref_slice %arg5[%add3A, %run_scoped3A_10, %dma_start3A_84, %dma_start3A_85] : memref<32x2x80x64xi32, #tpu.memory_space<hbm>> -> memref<1x1x80x64xi32, #tpu.memory_space<hbm>>
      %dma_start3A_87 = tpu.memref_squeeze %dma_start3A_86 : memref<1x1x80x64xi32, #tpu.memory_space<hbm>> -> memref<80x64xi32, #tpu.memory_space<hbm>>
      tpu.enqueue_dma source(%dma_start3A_87 : memref<80x64xi32, #tpu.memory_space<hbm>>) target(%arg8 : memref<80x64xi32, #tpu.memory_space<vmem>>) target_semaphore(%run_scoped3A_79 : memref<!tpu.dma_semaphore, #tpu.memory_space<semaphore_mem>>)
      %dma_wait3A_88 = arith.constant 0 : i32
      %dma_wait3A_89 = arith.constant 0 : i32
      %dma_wait3A_90 = tpu.memref_slice %arg5[%add3A, %run_scoped3A_10, %dma_wait3A_88, %dma_wait3A_89] : memref<32x2x80x64xi32, #tpu.memory_space<hbm>> -> memref<1x1x80x64xi32, #tpu.memory_space<hbm>>
      %dma_wait3A_91 = tpu.memref_squeeze %dma_wait3A_90 : memref<1x1x80x64xi32, #tpu.memory_space<hbm>> -> memref<80x64xi32, #tpu.memory_space<hbm>>
      %dma_wait3A_92 = arith.constant 0 : i32
      %dma_wait3A_93 = arith.constant 0 : i32
      %dma_wait3A_94 = tpu.memref_slice %arg5[%add3A, %run_scoped3A_10, %dma_wait3A_92, %dma_wait3A_93] : memref<32x2x80x64xi32, #tpu.memory_space<hbm>> -> memref<1x1x80x64xi32, #tpu.memory_space<hbm>>
      %dma_wait3A_95 = tpu.memref_squeeze %dma_wait3A_94 : memref<1x1x80x64xi32, #tpu.memory_space<hbm>> -> memref<80x64xi32, #tpu.memory_space<hbm>>
      tpu.wait_dma2 semaphore(%run_scoped3A_79 : memref<!tpu.dma_semaphore, #tpu.memory_space<semaphore_mem>>) src(%dma_wait3A_95 : memref<80x64xi32, #tpu.memory_space<hbm>>) dst(%arg8 : memref<80x64xi32, #tpu.memory_space<vmem>>)
      tpu.yield
    }) : () -> ()
    %dma_start3A = arith.constant 0 : i32
    %dma_start3A_11 = arith.constant 0 : i32
    %dma_start3A_12 = tpu.memref_slice %arg7[%dma_start3A, %dma_start3A_11] : memref<82x64xi32, #tpu.memory_space<vmem>> -> memref<1x64xi32, #tpu.memory_space<vmem>>
    %dma_start3A_13 = tpu.memref_squeeze %dma_start3A_12 : memref<1x64xi32, #tpu.memory_space<vmem>> -> memref<64xi32, #tpu.memory_space<vmem>>
    %dma_start3A_14 = arith.constant 0 : i32
    %dma_start3A_15 = arith.constant 0 : i32
    %dma_start3A_16 = tpu.memref_slice %arg2[%dma_start3A_14, %dma_start3A_15] : memref<10240x128xf32, #tpu.memory_space<hbm>> -> memref<10240x128xf32, #tpu.memory_space<hbm>>
    tpu.enqueue_indirect_dma source(%dma_start3A_16 : memref<10240x128xf32, #tpu.memory_space<hbm>>) target(%arg9 : memref<64x128xf32, #tpu.memory_space<vmem>>) offsets(%dma_start3A_13 : memref<64xi32, #tpu.memory_space<vmem>>) semaphore(%arg12 : memref<!tpu.dma_semaphore, #tpu.memory_space<semaphore_mem>>)
    %dma_start3A_17 = arith.constant 1 : i32
    %dma_start3A_18 = arith.constant 0 : i32
    %dma_start3A_19 = tpu.memref_slice %arg7[%dma_start3A_17, %dma_start3A_18] : memref<82x64xi32, #tpu.memory_space<vmem>> -> memref<1x64xi32, #tpu.memory_space<vmem>>
    %dma_start3A_20 = tpu.memref_squeeze %dma_start3A_19 : memref<1x64xi32, #tpu.memory_space<vmem>> -> memref<64xi32, #tpu.memory_space<vmem>>
    %dma_start3A_21 = arith.constant 0 : i32
    %dma_start3A_22 = arith.constant 0 : i32
    %dma_start3A_23 = tpu.memref_slice %arg2[%dma_start3A_21, %dma_start3A_22] : memref<10240x128xf32, #tpu.memory_space<hbm>> -> memref<10240x128xf32, #tpu.memory_space<hbm>>
    tpu.enqueue_indirect_dma source(%dma_start3A_23 : memref<10240x128xf32, #tpu.memory_space<hbm>>) target(%arg10 : memref<64x128xf32, #tpu.memory_space<vmem>>) offsets(%dma_start3A_20 : memref<64xi32, #tpu.memory_space<vmem>>) semaphore(%arg13 : memref<!tpu.dma_semaphore, #tpu.memory_space<semaphore_mem>>)
    %barrier3A = arith.constant 0 : index
    tpu.barrier barrier_id(%barrier3A)
    %scan3A = arith.constant 0 : i32
    %scan3A_24 = arith.constant 0 : i32
    %scan3A_25 = arith.constant 40 : i32
    %scan3A_26 = arith.addi %scan3A_24, %scan3A_25 : i32
    %scan3A_27 = arith.constant 1 : i32
    scf.for %scan3A_79 = %scan3A_24 to %scan3A_26 step %scan3A_27  : i32 {
      %mul3A_80 = arith.constant 2 : i32
      %mul3A_81 = arith.muli %scan3A_79, %mul3A_80 : i32
      %dma_wait3A_82 = arith.constant 0 : i32
      %dma_wait3A_83 = tpu.memref_slice %arg7[%mul3A_81, %dma_wait3A_82] : memref<82x64xi32, #tpu.memory_space<vmem>> -> memref<1x64xi32, #tpu.memory_space<vmem>>
      %dma_wait3A_84 = tpu.memref_squeeze %dma_wait3A_83 : memref<1x64xi32, #tpu.memory_space<vmem>> -> memref<64xi32, #tpu.memory_space<vmem>>
      %dma_wait3A_85 = arith.constant 0 : i32
      %dma_wait3A_86 = arith.constant 0 : i32
      %dma_wait3A_87 = tpu.memref_slice %arg2[%dma_wait3A_85, %dma_wait3A_86] : memref<10240x128xf32, #tpu.memory_space<hbm>> -> memref<10240x128xf32, #tpu.memory_space<hbm>>
      tpu.wait_indirect_dma semaphore(%arg12 : memref<!tpu.dma_semaphore, #tpu.memory_space<semaphore_mem>>) src(%dma_wait3A_87 : memref<10240x128xf32, #tpu.memory_space<hbm>>) dst(%arg9 : memref<64x128xf32, #tpu.memory_space<vmem>>)
      %dma_start3A_88 = arith.constant 0 : i32
      %dma_start3A_89 = tpu.memref_slice %arg8[%mul3A_81, %dma_start3A_88] : memref<80x64xi32, #tpu.memory_space<vmem>> -> memref<1x64xi32, #tpu.memory_space<vmem>>
      %dma_start3A_90 = tpu.memref_squeeze %dma_start3A_89 : memref<1x64xi32, #tpu.memory_space<vmem>> -> memref<64xi32, #tpu.memory_space<vmem>>
      %dma_start3A_91 = arith.constant 0 : i32
      %dma_start3A_92 = arith.constant 0 : i32
      %dma_start3A_93 = tpu.memref_slice %arg11[%dma_start3A_91, %dma_start3A_92] : memref<10240x128xf32, #tpu.memory_space<vmem_shared>> -> memref<10240x128xf32, #tpu.memory_space<vmem_shared>>
      tpu.enqueue_indirect_dma source(%arg9 : memref<64x128xf32, #tpu.memory_space<vmem>>) target(%dma_start3A_93 : memref<10240x128xf32, #tpu.memory_space<vmem_shared>>) offsets(%dma_start3A_90 : memref<64xi32, #tpu.memory_space<vmem>>) semaphore(%arg14 : memref<!tpu.dma_semaphore, #tpu.memory_space<semaphore_mem>>) {add = true}
      %add3A_94 = arith.constant 1 : i32
      %add3A_95 = arith.addi %mul3A_81, %add3A_94 : i32
      %dma_wait3A_96 = arith.constant 0 : i32
      %dma_wait3A_97 = tpu.memref_slice %arg7[%add3A_95, %dma_wait3A_96] : memref<82x64xi32, #tpu.memory_space<vmem>> -> memref<1x64xi32, #tpu.memory_space<vmem>>
      %dma_wait3A_98 = tpu.memref_squeeze %dma_wait3A_97 : memref<1x64xi32, #tpu.memory_space<vmem>> -> memref<64xi32, #tpu.memory_space<vmem>>
      %dma_wait3A_99 = arith.constant 0 : i32
      %dma_wait3A_100 = arith.constant 0 : i32
      %dma_wait3A_101 = tpu.memref_slice %arg2[%dma_wait3A_99, %dma_wait3A_100] : memref<10240x128xf32, #tpu.memory_space<hbm>> -> memref<10240x128xf32, #tpu.memory_space<hbm>>
      tpu.wait_indirect_dma semaphore(%arg13 : memref<!tpu.dma_semaphore, #tpu.memory_space<semaphore_mem>>) src(%dma_wait3A_101 : memref<10240x128xf32, #tpu.memory_space<hbm>>) dst(%arg10 : memref<64x128xf32, #tpu.memory_space<vmem>>)
      %add3A_102 = arith.constant 1 : i32
      %add3A_103 = arith.addi %mul3A_81, %add3A_102 : i32
      %dma_start3A_104 = arith.constant 0 : i32
      %dma_start3A_105 = tpu.memref_slice %arg8[%add3A_103, %dma_start3A_104] : memref<80x64xi32, #tpu.memory_space<vmem>> -> memref<1x64xi32, #tpu.memory_space<vmem>>
      %dma_start3A_106 = tpu.memref_squeeze %dma_start3A_105 : memref<1x64xi32, #tpu.memory_space<vmem>> -> memref<64xi32, #tpu.memory_space<vmem>>
      %dma_start3A_107 = arith.constant 0 : i32
      %dma_start3A_108 = arith.constant 0 : i32
      %dma_start3A_109 = tpu.memref_slice %arg11[%dma_start3A_107, %dma_start3A_108] : memref<10240x128xf32, #tpu.memory_space<vmem_shared>> -> memref<10240x128xf32, #tpu.memory_space<vmem_shared>>
      tpu.enqueue_indirect_dma source(%arg10 : memref<64x128xf32, #tpu.memory_space<vmem>>) target(%dma_start3A_109 : memref<10240x128xf32, #tpu.memory_space<vmem_shared>>) offsets(%dma_start3A_106 : memref<64xi32, #tpu.memory_space<vmem>>) semaphore(%arg15 : memref<!tpu.dma_semaphore, #tpu.memory_space<semaphore_mem>>) {add = true}
      %dma_wait3A_110 = arith.constant 0 : i32
      %dma_wait3A_111 = tpu.memref_slice %arg8[%mul3A_81, %dma_wait3A_110] : memref<80x64xi32, #tpu.memory_space<vmem>> -> memref<1x64xi32, #tpu.memory_space<vmem>>
      %dma_wait3A_112 = tpu.memref_squeeze %dma_wait3A_111 : memref<1x64xi32, #tpu.memory_space<vmem>> -> memref<64xi32, #tpu.memory_space<vmem>>
      %dma_wait3A_113 = arith.constant 0 : i32
      %dma_wait3A_114 = arith.constant 0 : i32
      %dma_wait3A_115 = tpu.memref_slice %arg11[%dma_wait3A_113, %dma_wait3A_114] : memref<10240x128xf32, #tpu.memory_space<vmem_shared>> -> memref<10240x128xf32, #tpu.memory_space<vmem_shared>>
      tpu.wait_indirect_dma semaphore(%arg14 : memref<!tpu.dma_semaphore, #tpu.memory_space<semaphore_mem>>) src(%arg9 : memref<64x128xf32, #tpu.memory_space<vmem>>) dst(%dma_wait3A_115 : memref<10240x128xf32, #tpu.memory_space<vmem_shared>>)
      %add3A_116 = arith.constant 2 : i32
      %add3A_117 = arith.addi %mul3A_81, %add3A_116 : i32
      %dma_start3A_118 = arith.constant 0 : i32
      %dma_start3A_119 = tpu.memref_slice %arg7[%add3A_117, %dma_start3A_118] : memref<82x64xi32, #tpu.memory_space<vmem>> -> memref<1x64xi32, #tpu.memory_space<vmem>>
      %dma_start3A_120 = tpu.memref_squeeze %dma_start3A_119 : memref<1x64xi32, #tpu.memory_space<vmem>> -> memref<64xi32, #tpu.memory_space<vmem>>
      %dma_start3A_121 = arith.constant 0 : i32
      %dma_start3A_122 = arith.constant 0 : i32
      %dma_start3A_123 = tpu.memref_slice %arg2[%dma_start3A_121, %dma_start3A_122] : memref<10240x128xf32, #tpu.memory_space<hbm>> -> memref<10240x128xf32, #tpu.memory_space<hbm>>
      tpu.enqueue_indirect_dma source(%dma_start3A_123 : memref<10240x128xf32, #tpu.memory_space<hbm>>) target(%arg9 : memref<64x128xf32, #tpu.memory_space<vmem>>) offsets(%dma_start3A_120 : memref<64xi32, #tpu.memory_space<vmem>>) semaphore(%arg12 : memref<!tpu.dma_semaphore, #tpu.memory_space<semaphore_mem>>)
      %add3A_124 = arith.constant 1 : i32
      %add3A_125 = arith.addi %mul3A_81, %add3A_124 : i32
      %dma_wait3A_126 = arith.constant 0 : i32
      %dma_wait3A_127 = tpu.memref_slice %arg8[%add3A_125, %dma_wait3A_126] : memref<80x64xi32, #tpu.memory_space<vmem>> -> memref<1x64xi32, #tpu.memory_space<vmem>>
      %dma_wait3A_128 = tpu.memref_squeeze %dma_wait3A_127 : memref<1x64xi32, #tpu.memory_space<vmem>> -> memref<64xi32, #tpu.memory_space<vmem>>
      %dma_wait3A_129 = arith.constant 0 : i32
      %dma_wait3A_130 = arith.constant 0 : i32
      %dma_wait3A_131 = tpu.memref_slice %arg11[%dma_wait3A_129, %dma_wait3A_130] : memref<10240x128xf32, #tpu.memory_space<vmem_shared>> -> memref<10240x128xf32, #tpu.memory_space<vmem_shared>>
      tpu.wait_indirect_dma semaphore(%arg15 : memref<!tpu.dma_semaphore, #tpu.memory_space<semaphore_mem>>) src(%arg10 : memref<64x128xf32, #tpu.memory_space<vmem>>) dst(%dma_wait3A_131 : memref<10240x128xf32, #tpu.memory_space<vmem_shared>>)
      %add3A_132 = arith.constant 3 : i32
      %add3A_133 = arith.addi %mul3A_81, %add3A_132 : i32
      %dma_start3A_134 = arith.constant 0 : i32
      %dma_start3A_135 = tpu.memref_slice %arg7[%add3A_133, %dma_start3A_134] : memref<82x64xi32, #tpu.memory_space<vmem>> -> memref<1x64xi32, #tpu.memory_space<vmem>>
      %dma_start3A_136 = tpu.memref_squeeze %dma_start3A_135 : memref<1x64xi32, #tpu.memory_space<vmem>> -> memref<64xi32, #tpu.memory_space<vmem>>
      %dma_start3A_137 = arith.constant 0 : i32
      %dma_start3A_138 = arith.constant 0 : i32
      %dma_start3A_139 = tpu.memref_slice %arg2[%dma_start3A_137, %dma_start3A_138] : memref<10240x128xf32, #tpu.memory_space<hbm>> -> memref<10240x128xf32, #tpu.memory_space<hbm>>
      tpu.enqueue_indirect_dma source(%dma_start3A_139 : memref<10240x128xf32, #tpu.memory_space<hbm>>) target(%arg10 : memref<64x128xf32, #tpu.memory_space<vmem>>) offsets(%dma_start3A_136 : memref<64xi32, #tpu.memory_space<vmem>>) semaphore(%arg13 : memref<!tpu.dma_semaphore, #tpu.memory_space<semaphore_mem>>)
    }
    %scan3A_28 = arith.constant 40 : i32
    %dma_wait3A = arith.constant 0 : i32
    %dma_wait3A_29 = arith.constant 0 : i32
    %dma_wait3A_30 = tpu.memref_slice %arg7[%dma_wait3A, %dma_wait3A_29] : memref<82x64xi32, #tpu.memory_space<vmem>> -> memref<1x64xi32, #tpu.memory_space<vmem>>
    %dma_wait3A_31 = tpu.memref_squeeze %dma_wait3A_30 : memref<1x64xi32, #tpu.memory_space<vmem>> -> memref<64xi32, #tpu.memory_space<vmem>>
    %dma_wait3A_32 = arith.constant 0 : i32
    %dma_wait3A_33 = arith.constant 0 : i32
    %dma_wait3A_34 = tpu.memref_slice %arg2[%dma_wait3A_32, %dma_wait3A_33] : memref<10240x128xf32, #tpu.memory_space<hbm>> -> memref<10240x128xf32, #tpu.memory_space<hbm>>
    tpu.wait_indirect_dma semaphore(%arg12 : memref<!tpu.dma_semaphore, #tpu.memory_space<semaphore_mem>>) src(%dma_wait3A_34 : memref<10240x128xf32, #tpu.memory_space<hbm>>) dst(%arg9 : memref<64x128xf32, #tpu.memory_space<vmem>>)
    %dma_wait3A_35 = arith.constant 1 : i32
    %dma_wait3A_36 = arith.constant 0 : i32
    %dma_wait3A_37 = tpu.memref_slice %arg7[%dma_wait3A_35, %dma_wait3A_36] : memref<82x64xi32, #tpu.memory_space<vmem>> -> memref<1x64xi32, #tpu.memory_space<vmem>>
    %dma_wait3A_38 = tpu.memref_squeeze %dma_wait3A_37 : memref<1x64xi32, #tpu.memory_space<vmem>> -> memref<64xi32, #tpu.memory_space<vmem>>
    %dma_wait3A_39 = arith.constant 0 : i32
    %dma_wait3A_40 = arith.constant 0 : i32
    %dma_wait3A_41 = tpu.memref_slice %arg2[%dma_wait3A_39, %dma_wait3A_40] : memref<10240x128xf32, #tpu.memory_space<hbm>> -> memref<10240x128xf32, #tpu.memory_space<hbm>>
    tpu.wait_indirect_dma semaphore(%arg13 : memref<!tpu.dma_semaphore, #tpu.memory_space<semaphore_mem>>) src(%dma_wait3A_41 : memref<10240x128xf32, #tpu.memory_space<hbm>>) dst(%arg10 : memref<64x128xf32, #tpu.memory_space<vmem>>)
    %run_scoped3A_42 = arith.constant 1 : i32
    "tpu.region"() ({
      %run_scoped3A_79 = tpu.sem_alloc : memref<!tpu.dma_semaphore, #tpu.memory_space<semaphore_mem>>
      %dma_start3A_80 = arith.constant 0 : i32
      %dma_start3A_81 = arith.constant 0 : i32
      %dma_start3A_82 = tpu.memref_slice %arg4[%add3A, %run_scoped3A_42, %dma_start3A_80, %dma_start3A_81] : memref<32x2x82x64xi32, #tpu.memory_space<hbm>> -> memref<1x1x82x64xi32, #tpu.memory_space<hbm>>
      %dma_start3A_83 = tpu.memref_squeeze %dma_start3A_82 : memref<1x1x82x64xi32, #tpu.memory_space<hbm>> -> memref<82x64xi32, #tpu.memory_space<hbm>>
      %dma_start3A_84 = arith.constant 0 : i32
      %dma_start3A_85 = arith.constant 0 : i32
      %dma_start3A_86 = tpu.memref_slice %arg4[%add3A, %run_scoped3A_42, %dma_start3A_84, %dma_start3A_85] : memref<32x2x82x64xi32, #tpu.memory_space<hbm>> -> memref<1x1x82x64xi32, #tpu.memory_space<hbm>>
      %dma_start3A_87 = tpu.memref_squeeze %dma_start3A_86 : memref<1x1x82x64xi32, #tpu.memory_space<hbm>> -> memref<82x64xi32, #tpu.memory_space<hbm>>
      tpu.enqueue_dma source(%dma_start3A_87 : memref<82x64xi32, #tpu.memory_space<hbm>>) target(%arg7 : memref<82x64xi32, #tpu.memory_space<vmem>>) target_semaphore(%run_scoped3A_79 : memref<!tpu.dma_semaphore, #tpu.memory_space<semaphore_mem>>)
      %dma_wait3A_88 = arith.constant 0 : i32
      %dma_wait3A_89 = arith.constant 0 : i32
      %dma_wait3A_90 = tpu.memref_slice %arg4[%add3A, %run_scoped3A_42, %dma_wait3A_88, %dma_wait3A_89] : memref<32x2x82x64xi32, #tpu.memory_space<hbm>> -> memref<1x1x82x64xi32, #tpu.memory_space<hbm>>
      %dma_wait3A_91 = tpu.memref_squeeze %dma_wait3A_90 : memref<1x1x82x64xi32, #tpu.memory_space<hbm>> -> memref<82x64xi32, #tpu.memory_space<hbm>>
      %dma_wait3A_92 = arith.constant 0 : i32
      %dma_wait3A_93 = arith.constant 0 : i32
      %dma_wait3A_94 = tpu.memref_slice %arg4[%add3A, %run_scoped3A_42, %dma_wait3A_92, %dma_wait3A_93] : memref<32x2x82x64xi32, #tpu.memory_space<hbm>> -> memref<1x1x82x64xi32, #tpu.memory_space<hbm>>
      %dma_wait3A_95 = tpu.memref_squeeze %dma_wait3A_94 : memref<1x1x82x64xi32, #tpu.memory_space<hbm>> -> memref<82x64xi32, #tpu.memory_space<hbm>>
      tpu.wait_dma2 semaphore(%run_scoped3A_79 : memref<!tpu.dma_semaphore, #tpu.memory_space<semaphore_mem>>) src(%dma_wait3A_95 : memref<82x64xi32, #tpu.memory_space<hbm>>) dst(%arg7 : memref<82x64xi32, #tpu.memory_space<vmem>>)
      tpu.yield
    }) : () -> ()
    %run_scoped3A_43 = arith.constant 1 : i32
    "tpu.region"() ({
      %run_scoped3A_79 = tpu.sem_alloc : memref<!tpu.dma_semaphore, #tpu.memory_space<semaphore_mem>>
      %dma_start3A_80 = arith.constant 0 : i32
      %dma_start3A_81 = arith.constant 0 : i32
      %dma_start3A_82 = tpu.memref_slice %arg5[%add3A, %run_scoped3A_43, %dma_start3A_80, %dma_start3A_81] : memref<32x2x80x64xi32, #tpu.memory_space<hbm>> -> memref<1x1x80x64xi32, #tpu.memory_space<hbm>>
      %dma_start3A_83 = tpu.memref_squeeze %dma_start3A_82 : memref<1x1x80x64xi32, #tpu.memory_space<hbm>> -> memref<80x64xi32, #tpu.memory_space<hbm>>
      %dma_start3A_84 = arith.constant 0 : i32
      %dma_start3A_85 = arith.constant 0 : i32
      %dma_start3A_86 = tpu.memref_slice %arg5[%add3A, %run_scoped3A_43, %dma_start3A_84, %dma_start3A_85] : memref<32x2x80x64xi32, #tpu.memory_space<hbm>> -> memref<1x1x80x64xi32, #tpu.memory_space<hbm>>
      %dma_start3A_87 = tpu.memref_squeeze %dma_start3A_86 : memref<1x1x80x64xi32, #tpu.memory_space<hbm>> -> memref<80x64xi32, #tpu.memory_space<hbm>>
      tpu.enqueue_dma source(%dma_start3A_87 : memref<80x64xi32, #tpu.memory_space<hbm>>) target(%arg8 : memref<80x64xi32, #tpu.memory_space<vmem>>) target_semaphore(%run_scoped3A_79 : memref<!tpu.dma_semaphore, #tpu.memory_space<semaphore_mem>>)
      %dma_wait3A_88 = arith.constant 0 : i32
      %dma_wait3A_89 = arith.constant 0 : i32
      %dma_wait3A_90 = tpu.memref_slice %arg5[%add3A, %run_scoped3A_43, %dma_wait3A_88, %dma_wait3A_89] : memref<32x2x80x64xi32, #tpu.memory_space<hbm>> -> memref<1x1x80x64xi32, #tpu.memory_space<hbm>>
      %dma_wait3A_91 = tpu.memref_squeeze %dma_wait3A_90 : memref<1x1x80x64xi32, #tpu.memory_space<hbm>> -> memref<80x64xi32, #tpu.memory_space<hbm>>
      %dma_wait3A_92 = arith.constant 0 : i32
      %dma_wait3A_93 = arith.constant 0 : i32
      %dma_wait3A_94 = tpu.memref_slice %arg5[%add3A, %run_scoped3A_43, %dma_wait3A_92, %dma_wait3A_93] : memref<32x2x80x64xi32, #tpu.memory_space<hbm>> -> memref<1x1x80x64xi32, #tpu.memory_space<hbm>>
      %dma_wait3A_95 = tpu.memref_squeeze %dma_wait3A_94 : memref<1x1x80x64xi32, #tpu.memory_space<hbm>> -> memref<80x64xi32, #tpu.memory_space<hbm>>
      tpu.wait_dma2 semaphore(%run_scoped3A_79 : memref<!tpu.dma_semaphore, #tpu.memory_space<semaphore_mem>>) src(%dma_wait3A_95 : memref<80x64xi32, #tpu.memory_space<hbm>>) dst(%arg8 : memref<80x64xi32, #tpu.memory_space<vmem>>)
      tpu.yield
    }) : () -> ()
    %dma_start3A_44 = arith.constant 0 : i32
    %dma_start3A_45 = arith.constant 0 : i32
    %dma_start3A_46 = tpu.memref_slice %arg7[%dma_start3A_44, %dma_start3A_45] : memref<82x64xi32, #tpu.memory_space<vmem>> -> memref<1x64xi32, #tpu.memory_space<vmem>>
    %dma_start3A_47 = tpu.memref_squeeze %dma_start3A_46 : memref<1x64xi32, #tpu.memory_space<vmem>> -> memref<64xi32, #tpu.memory_space<vmem>>
    %dma_start3A_48 = arith.constant 0 : i32
    %dma_start3A_49 = arith.constant 0 : i32
    %dma_start3A_50 = tpu.memref_slice %arg2[%dma_start3A_48, %dma_start3A_49] : memref<10240x128xf32, #tpu.memory_space<hbm>> -> memref<10240x128xf32, #tpu.memory_space<hbm>>
    tpu.enqueue_indirect_dma source(%dma_start3A_50 : memref<10240x128xf32, #tpu.memory_space<hbm>>) target(%arg9 : memref<64x128xf32, #tpu.memory_space<vmem>>) offsets(%dma_start3A_47 : memref<64xi32, #tpu.memory_space<vmem>>) semaphore(%arg12 : memref<!tpu.dma_semaphore, #tpu.memory_space<semaphore_mem>>)
    %dma_start3A_51 = arith.constant 1 : i32
    %dma_start3A_52 = arith.constant 0 : i32
    %dma_start3A_53 = tpu.memref_slice %arg7[%dma_start3A_51, %dma_start3A_52] : memref<82x64xi32, #tpu.memory_space<vmem>> -> memref<1x64xi32, #tpu.memory_space<vmem>>
    %dma_start3A_54 = tpu.memref_squeeze %dma_start3A_53 : memref<1x64xi32, #tpu.memory_space<vmem>> -> memref<64xi32, #tpu.memory_space<vmem>>
    %dma_start3A_55 = arith.constant 0 : i32
    %dma_start3A_56 = arith.constant 0 : i32
    %dma_start3A_57 = tpu.memref_slice %arg2[%dma_start3A_55, %dma_start3A_56] : memref<10240x128xf32, #tpu.memory_space<hbm>> -> memref<10240x128xf32, #tpu.memory_space<hbm>>
    tpu.enqueue_indirect_dma source(%dma_start3A_57 : memref<10240x128xf32, #tpu.memory_space<hbm>>) target(%arg10 : memref<64x128xf32, #tpu.memory_space<vmem>>) offsets(%dma_start3A_54 : memref<64xi32, #tpu.memory_space<vmem>>) semaphore(%arg13 : memref<!tpu.dma_semaphore, #tpu.memory_space<semaphore_mem>>)
    %scan3A_58 = arith.constant 0 : i32
    %scan3A_59 = arith.constant 0 : i32
    %scan3A_60 = arith.constant 40 : i32
    %scan3A_61 = arith.addi %scan3A_59, %scan3A_60 : i32
    %scan3A_62 = arith.constant 1 : i32
    scf.for %scan3A_79 = %scan3A_59 to %scan3A_61 step %scan3A_62  : i32 {
      %mul3A_80 = arith.constant 2 : i32
      %mul3A_81 = arith.muli %scan3A_79, %mul3A_80 : i32
      %dma_wait3A_82 = arith.constant 0 : i32
      %dma_wait3A_83 = tpu.memref_slice %arg7[%mul3A_81, %dma_wait3A_82] : memref<82x64xi32, #tpu.memory_space<vmem>> -> memref<1x64xi32, #tpu.memory_space<vmem>>
      %dma_wait3A_84 = tpu.memref_squeeze %dma_wait3A_83 : memref<1x64xi32, #tpu.memory_space<vmem>> -> memref<64xi32, #tpu.memory_space<vmem>>
      %dma_wait3A_85 = arith.constant 0 : i32
      %dma_wait3A_86 = arith.constant 0 : i32
      %dma_wait3A_87 = tpu.memref_slice %arg2[%dma_wait3A_85, %dma_wait3A_86] : memref<10240x128xf32, #tpu.memory_space<hbm>> -> memref<10240x128xf32, #tpu.memory_space<hbm>>
      tpu.wait_indirect_dma semaphore(%arg12 : memref<!tpu.dma_semaphore, #tpu.memory_space<semaphore_mem>>) src(%dma_wait3A_87 : memref<10240x128xf32, #tpu.memory_space<hbm>>) dst(%arg9 : memref<64x128xf32, #tpu.memory_space<vmem>>)
      %dma_start3A_88 = arith.constant 0 : i32
      %dma_start3A_89 = tpu.memref_slice %arg8[%mul3A_81, %dma_start3A_88] : memref<80x64xi32, #tpu.memory_space<vmem>> -> memref<1x64xi32, #tpu.memory_space<vmem>>
      %dma_start3A_90 = tpu.memref_squeeze %dma_start3A_89 : memref<1x64xi32, #tpu.memory_space<vmem>> -> memref<64xi32, #tpu.memory_space<vmem>>
      %dma_start3A_91 = arith.constant 0 : i32
      %dma_start3A_92 = arith.constant 0 : i32
      %dma_start3A_93 = tpu.memref_slice %arg11[%dma_start3A_91, %dma_start3A_92] : memref<10240x128xf32, #tpu.memory_space<vmem_shared>> -> memref<10240x128xf32, #tpu.memory_space<vmem_shared>>
      tpu.enqueue_indirect_dma source(%arg9 : memref<64x128xf32, #tpu.memory_space<vmem>>) target(%dma_start3A_93 : memref<10240x128xf32, #tpu.memory_space<vmem_shared>>) offsets(%dma_start3A_90 : memref<64xi32, #tpu.memory_space<vmem>>) semaphore(%arg14 : memref<!tpu.dma_semaphore, #tpu.memory_space<semaphore_mem>>) {add = true}
      %add3A_94 = arith.constant 1 : i32
      %add3A_95 = arith.addi %mul3A_81, %add3A_94 : i32
      %dma_wait3A_96 = arith.constant 0 : i32
      %dma_wait3A_97 = tpu.memref_slice %arg7[%add3A_95, %dma_wait3A_96] : memref<82x64xi32, #tpu.memory_space<vmem>> -> memref<1x64xi32, #tpu.memory_space<vmem>>
      %dma_wait3A_98 = tpu.memref_squeeze %dma_wait3A_97 : memref<1x64xi32, #tpu.memory_space<vmem>> -> memref<64xi32, #tpu.memory_space<vmem>>
      %dma_wait3A_99 = arith.constant 0 : i32
      %dma_wait3A_100 = arith.constant 0 : i32
      %dma_wait3A_101 = tpu.memref_slice %arg2[%dma_wait3A_99, %dma_wait3A_100] : memref<10240x128xf32, #tpu.memory_space<hbm>> -> memref<10240x128xf32, #tpu.memory_space<hbm>>
      tpu.wait_indirect_dma semaphore(%arg13 : memref<!tpu.dma_semaphore, #tpu.memory_space<semaphore_mem>>) src(%dma_wait3A_101 : memref<10240x128xf32, #tpu.memory_space<hbm>>) dst(%arg10 : memref<64x128xf32, #tpu.memory_space<vmem>>)
      %add3A_102 = arith.constant 1 : i32
      %add3A_103 = arith.addi %mul3A_81, %add3A_102 : i32
      %dma_start3A_104 = arith.constant 0 : i32
      %dma_start3A_105 = tpu.memref_slice %arg8[%add3A_103, %dma_start3A_104] : memref<80x64xi32, #tpu.memory_space<vmem>> -> memref<1x64xi32, #tpu.memory_space<vmem>>
      %dma_start3A_106 = tpu.memref_squeeze %dma_start3A_105 : memref<1x64xi32, #tpu.memory_space<vmem>> -> memref<64xi32, #tpu.memory_space<vmem>>
      %dma_start3A_107 = arith.constant 0 : i32
      %dma_start3A_108 = arith.constant 0 : i32
      %dma_start3A_109 = tpu.memref_slice %arg11[%dma_start3A_107, %dma_start3A_108] : memref<10240x128xf32, #tpu.memory_space<vmem_shared>> -> memref<10240x128xf32, #tpu.memory_space<vmem_shared>>
      tpu.enqueue_indirect_dma source(%arg10 : memref<64x128xf32, #tpu.memory_space<vmem>>) target(%dma_start3A_109 : memref<10240x128xf32, #tpu.memory_space<vmem_shared>>) offsets(%dma_start3A_106 : memref<64xi32, #tpu.memory_space<vmem>>) semaphore(%arg15 : memref<!tpu.dma_semaphore, #tpu.memory_space<semaphore_mem>>) {add = true}
      %dma_wait3A_110 = arith.constant 0 : i32
      %dma_wait3A_111 = tpu.memref_slice %arg8[%mul3A_81, %dma_wait3A_110] : memref<80x64xi32, #tpu.memory_space<vmem>> -> memref<1x64xi32, #tpu.memory_space<vmem>>
      %dma_wait3A_112 = tpu.memref_squeeze %dma_wait3A_111 : memref<1x64xi32, #tpu.memory_space<vmem>> -> memref<64xi32, #tpu.memory_space<vmem>>
      %dma_wait3A_113 = arith.constant 0 : i32
      %dma_wait3A_114 = arith.constant 0 : i32
      %dma_wait3A_115 = tpu.memref_slice %arg11[%dma_wait3A_113, %dma_wait3A_114] : memref<10240x128xf32, #tpu.memory_space<vmem_shared>> -> memref<10240x128xf32, #tpu.memory_space<vmem_shared>>
      tpu.wait_indirect_dma semaphore(%arg14 : memref<!tpu.dma_semaphore, #tpu.memory_space<semaphore_mem>>) src(%arg9 : memref<64x128xf32, #tpu.memory_space<vmem>>) dst(%dma_wait3A_115 : memref<10240x128xf32, #tpu.memory_space<vmem_shared>>)
      %add3A_116 = arith.constant 2 : i32
      %add3A_117 = arith.addi %mul3A_81, %add3A_116 : i32
      %dma_start3A_118 = arith.constant 0 : i32
      %dma_start3A_119 = tpu.memref_slice %arg7[%add3A_117, %dma_start3A_118] : memref<82x64xi32, #tpu.memory_space<vmem>> -> memref<1x64xi32, #tpu.memory_space<vmem>>
      %dma_start3A_120 = tpu.memref_squeeze %dma_start3A_119 : memref<1x64xi32, #tpu.memory_space<vmem>> -> memref<64xi32, #tpu.memory_space<vmem>>
      %dma_start3A_121 = arith.constant 0 : i32
      %dma_start3A_122 = arith.constant 0 : i32
      %dma_start3A_123 = tpu.memref_slice %arg2[%dma_start3A_121, %dma_start3A_122] : memref<10240x128xf32, #tpu.memory_space<hbm>> -> memref<10240x128xf32, #tpu.memory_space<hbm>>
      tpu.enqueue_indirect_dma source(%dma_start3A_123 : memref<10240x128xf32, #tpu.memory_space<hbm>>) target(%arg9 : memref<64x128xf32, #tpu.memory_space<vmem>>) offsets(%dma_start3A_120 : memref<64xi32, #tpu.memory_space<vmem>>) semaphore(%arg12 : memref<!tpu.dma_semaphore, #tpu.memory_space<semaphore_mem>>)
      %add3A_124 = arith.constant 1 : i32
      %add3A_125 = arith.addi %mul3A_81, %add3A_124 : i32
      %dma_wait3A_126 = arith.constant 0 : i32
      %dma_wait3A_127 = tpu.memref_slice %arg8[%add3A_125, %dma_wait3A_126] : memref<80x64xi32, #tpu.memory_space<vmem>> -> memref<1x64xi32, #tpu.memory_space<vmem>>
      %dma_wait3A_128 = tpu.memref_squeeze %dma_wait3A_127 : memref<1x64xi32, #tpu.memory_space<vmem>> -> memref<64xi32, #tpu.memory_space<vmem>>
      %dma_wait3A_129 = arith.constant 0 : i32
      %dma_wait3A_130 = arith.constant 0 : i32
      %dma_wait3A_131 = tpu.memref_slice %arg11[%dma_wait3A_129, %dma_wait3A_130] : memref<10240x128xf32, #tpu.memory_space<vmem_shared>> -> memref<10240x128xf32, #tpu.memory_space<vmem_shared>>
      tpu.wait_indirect_dma semaphore(%arg15 : memref<!tpu.dma_semaphore, #tpu.memory_space<semaphore_mem>>) src(%arg10 : memref<64x128xf32, #tpu.memory_space<vmem>>) dst(%dma_wait3A_131 : memref<10240x128xf32, #tpu.memory_space<vmem_shared>>)
      %add3A_132 = arith.constant 3 : i32
      %add3A_133 = arith.addi %mul3A_81, %add3A_132 : i32
      %dma_start3A_134 = arith.constant 0 : i32
      %dma_start3A_135 = tpu.memref_slice %arg7[%add3A_133, %dma_start3A_134] : memref<82x64xi32, #tpu.memory_space<vmem>> -> memref<1x64xi32, #tpu.memory_space<vmem>>
      %dma_start3A_136 = tpu.memref_squeeze %dma_start3A_135 : memref<1x64xi32, #tpu.memory_space<vmem>> -> memref<64xi32, #tpu.memory_space<vmem>>
      %dma_start3A_137 = arith.constant 0 : i32
      %dma_start3A_138 = arith.constant 0 : i32
      %dma_start3A_139 = tpu.memref_slice %arg2[%dma_start3A_137, %dma_start3A_138] : memref<10240x128xf32, #tpu.memory_space<hbm>> -> memref<10240x128xf32, #tpu.memory_space<hbm>>
      tpu.enqueue_indirect_dma source(%dma_start3A_139 : memref<10240x128xf32, #tpu.memory_space<hbm>>) target(%arg10 : memref<64x128xf32, #tpu.memory_space<vmem>>) offsets(%dma_start3A_136 : memref<64xi32, #tpu.memory_space<vmem>>) semaphore(%arg13 : memref<!tpu.dma_semaphore, #tpu.memory_space<semaphore_mem>>)
    }
    %scan3A_63 = arith.constant 40 : i32
    %dma_wait3A_64 = arith.constant 0 : i32
    %dma_wait3A_65 = arith.constant 0 : i32
    %dma_wait3A_66 = tpu.memref_slice %arg7[%dma_wait3A_64, %dma_wait3A_65] : memref<82x64xi32, #tpu.memory_space<vmem>> -> memref<1x64xi32, #tpu.memory_space<vmem>>
    %dma_wait3A_67 = tpu.memref_squeeze %dma_wait3A_66 : memref<1x64xi32, #tpu.memory_space<vmem>> -> memref<64xi32, #tpu.memory_space<vmem>>
    %dma_wait3A_68 = arith.constant 0 : i32
    %dma_wait3A_69 = arith.constant 0 : i32
    %dma_wait3A_70 = tpu.memref_slice %arg2[%dma_wait3A_68, %dma_wait3A_69] : memref<10240x128xf32, #tpu.memory_space<hbm>> -> memref<10240x128xf32, #tpu.memory_space<hbm>>
    tpu.wait_indirect_dma semaphore(%arg12 : memref<!tpu.dma_semaphore, #tpu.memory_space<semaphore_mem>>) src(%dma_wait3A_70 : memref<10240x128xf32, #tpu.memory_space<hbm>>) dst(%arg9 : memref<64x128xf32, #tpu.memory_space<vmem>>)
    %dma_wait3A_71 = arith.constant 1 : i32
    %dma_wait3A_72 = arith.constant 0 : i32
    %dma_wait3A_73 = tpu.memref_slice %arg7[%dma_wait3A_71, %dma_wait3A_72] : memref<82x64xi32, #tpu.memory_space<vmem>> -> memref<1x64xi32, #tpu.memory_space<vmem>>
    %dma_wait3A_74 = tpu.memref_squeeze %dma_wait3A_73 : memref<1x64xi32, #tpu.memory_space<vmem>> -> memref<64xi32, #tpu.memory_space<vmem>>
    %dma_wait3A_75 = arith.constant 0 : i32
    %dma_wait3A_76 = arith.constant 0 : i32
    %dma_wait3A_77 = tpu.memref_slice %arg2[%dma_wait3A_75, %dma_wait3A_76] : memref<10240x128xf32, #tpu.memory_space<hbm>> -> memref<10240x128xf32, #tpu.memory_space<hbm>>
    tpu.wait_indirect_dma semaphore(%arg13 : memref<!tpu.dma_semaphore, #tpu.memory_space<semaphore_mem>>) src(%dma_wait3A_77 : memref<10240x128xf32, #tpu.memory_space<hbm>>) dst(%arg10 : memref<64x128xf32, #tpu.memory_space<vmem>>)
    %barrier3A_78 = arith.constant 0 : index
    tpu.barrier barrier_id(%barrier3A_78)
    "tpu.region"() ({
      %run_scoped3A_79 = tpu.sem_alloc : memref<!tpu.dma_semaphore, #tpu.memory_space<semaphore_mem>>
      %dma_start3A_80 = arith.constant 0 : i32
      %dma_start3A_81 = tpu.memref_slice %arg6[%arg0, %mul3A_2, %dma_start3A_80] : memref<2x10240x128xf32, #tpu.memory_space<hbm>> -> memref<1x640x128xf32, #tpu.memory_space<hbm>>
      %dma_start3A_82 = tpu.memref_squeeze %dma_start3A_81 : memref<1x640x128xf32, #tpu.memory_space<hbm>> -> memref<640x128xf32, #tpu.memory_space<hbm>>
      %dma_start3A_83 = arith.constant 0 : i32
      %dma_start3A_84 = tpu.memref_slice %arg11[%mul3A_2, %dma_start3A_83] : memref<10240x128xf32, #tpu.memory_space<vmem_shared>> -> memref<640x128xf32, #tpu.memory_space<vmem_shared>>
      tpu.enqueue_dma source(%dma_start3A_84 : memref<640x128xf32, #tpu.memory_space<vmem_shared>>) target(%dma_start3A_82 : memref<640x128xf32, #tpu.memory_space<hbm>>) target_semaphore(%run_scoped3A_79 : memref<!tpu.dma_semaphore, #tpu.memory_space<semaphore_mem>>)
      %dma_wait3A_85 = arith.constant 0 : i32
      %dma_wait3A_86 = tpu.memref_slice %arg6[%arg0, %mul3A_2, %dma_wait3A_85] : memref<2x10240x128xf32, #tpu.memory_space<hbm>> -> memref<1x640x128xf32, #tpu.memory_space<hbm>>
      %dma_wait3A_87 = tpu.memref_squeeze %dma_wait3A_86 : memref<1x640x128xf32, #tpu.memory_space<hbm>> -> memref<640x128xf32, #tpu.memory_space<hbm>>
      %dma_wait3A_88 = arith.constant 0 : i32
      %dma_wait3A_89 = tpu.memref_slice %arg11[%mul3A_2, %dma_wait3A_88] : memref<10240x128xf32, #tpu.memory_space<vmem_shared>> -> memref<640x128xf32, #tpu.memory_space<vmem_shared>>
      tpu.wait_dma2 semaphore(%run_scoped3A_79 : memref<!tpu.dma_semaphore, #tpu.memory_space<semaphore_mem>>) src(%dma_wait3A_89 : memref<640x128xf32, #tpu.memory_space<vmem_shared>>) dst(%dma_wait3A_87 : memref<640x128xf32, #tpu.memory_space<hbm>>)
      tpu.yield
    }) : () -> ()
    return
  }
}

#map = affine_map<(d0, d1) -> (0, 0)>
#map1 = affine_map<(d0, d1) -> (0, 0, 0, 0)>
#map2 = affine_map<(d0, d1) -> (0, 0, 0)>
module attributes {stable_mosaic.version = 14 : i64} {
  func.func @_spmm_kernel(%arg0: i32, %arg1: i32, %arg2: memref<10240x128xf32, #tpu.memory_space<hbm>>, %arg3: memref<10240x128xf32, #tpu.memory_space<hbm>>, %arg4: memref<32x2x82x64xi32, #tpu.memory_space<hbm>>, %arg5: memref<32x2x80x64xi32, #tpu.memory_space<hbm>>, %arg6: memref<2x10240x128xf32, #tpu.memory_space<hbm>>, %arg7: memref<82x64xi32, #tpu.memory_space<vmem>>, %arg8: memref<80x64xi32, #tpu.memory_space<vmem>>, %arg9: memref<64x128xf32, #tpu.memory_space<vmem>>, %arg10: memref<64x128xf32, #tpu.memory_space<vmem>>, %arg11: memref<10240x128xf32, #tpu.memory_space<vmem_shared>>, %arg12: memref<!tpu.dma_semaphore, #tpu.memory_space<semaphore_mem>>, %arg13: memref<!tpu.dma_semaphore, #tpu.memory_space<semaphore_mem>>, %arg14: memref<!tpu.dma_semaphore, #tpu.memory_space<semaphore_mem>>, %arg15: memref<!tpu.dma_semaphore, #tpu.memory_space<semaphore_mem>>) attributes {dimension_semantics = [#tpu.dimension_semantics<core_parallel>, #tpu.dimension_semantics<subcore_parallel>], iteration_bounds = array<i64: 2, 16>, scalar_prefetch = 0 : i64, scratch_operands = 9 : i64, tpu.core_type = #tpu.core_type<sc_vector_subcore>, window_params = [{transform_indices = #map}, {transform_indices = #map}, {transform_indices = #map1}, {transform_indices = #map1}, {transform_indices = #map2}]} {
    %mul3A = arith.constant 16 : i32
    %mul3A_0 = arith.muli %arg0, %mul3A : i32
    %add3A = arith.addi %mul3A_0, %arg1 : i32
    %mul3A_1 = arith.constant 640 : i32
    %mul3A_2 = arith.muli %arg1, %mul3A_1 : i32
    %eq3A = arith.constant 0 : i32
    %eq3A_3 = arith.cmpi eq, %arg0, %eq3A : i32
    %convert_element_type3A = arith.extui %eq3A_3 : i1 to i32
    %cond3A = arith.constant 0 : i32
    %cond3A_4 = arith.cmpi ne, %convert_element_type3A, %cond3A : i32
    scf.if %cond3A_4 {
      "tpu.region"() ({
        %run_scoped3A_79 = tpu.sem_alloc : memref<!tpu.dma_semaphore, #tpu.memory_space<semaphore_mem>>
        %dma_start3A_80 = arith.constant 0 : i32
        %dma_start3A_81 = tpu.memref_slice %arg11[%mul3A_2, %dma_start3A_80] : memref<10240x128xf32, #tpu.memory_space<vmem_shared>> -> memref<640x128xf32, #tpu.memory_space<vmem_shared>>
        %dma_start3A_82 = arith.constant 0 : i32
        %dma_start3A_83 = tpu.memref_slice %arg2[%mul3A_2, %dma_start3A_82] : memref<10240x128xf32, #tpu.memory_space<hbm>> -> memref<640x128xf32, #tpu.memory_space<hbm>>
        tpu.enqueue_dma source(%dma_start3A_83 : memref<640x128xf32, #tpu.memory_space<hbm>>) target(%dma_start3A_81 : memref<640x128xf32, #tpu.memory_space<vmem_shared>>) target_semaphore(%run_scoped3A_79 : memref<!tpu.dma_semaphore, #tpu.memory_space<semaphore_mem>>)
        %dma_wait3A_84 = arith.constant 0 : i32
        %dma_wait3A_85 = tpu.memref_slice %arg11[%mul3A_2, %dma_wait3A_84] : memref<10240x128xf32, #tpu.memory_space<vmem_shared>> -> memref<640x128xf32, #tpu.memory_space<vmem_shared>>
        %dma_wait3A_86 = arith.constant 0 : i32
        %dma_wait3A_87 = tpu.memref_slice %arg2[%mul3A_2, %dma_wait3A_86] : memref<10240x128xf32, #tpu.memory_space<hbm>> -> memref<640x128xf32, #tpu.memory_space<hbm>>
        tpu.wait_dma2 semaphore(%run_scoped3A_79 : memref<!tpu.dma_semaphore, #tpu.memory_space<semaphore_mem>>) src(%dma_wait3A_87 : memref<640x128xf32, #tpu.memory_space<hbm>>) dst(%dma_wait3A_85 : memref<640x128xf32, #tpu.memory_space<vmem_shared>>)
        tpu.yield
      }) : () -> ()
    } else {
    }
    %eq3A_5 = arith.constant 1 : i32
    %eq3A_6 = arith.cmpi eq, %arg0, %eq3A_5 : i32
    %convert_element_type3A_7 = arith.extui %eq3A_6 : i1 to i32
    %cond3A_8 = arith.constant 0 : i32
    %cond3A_9 = arith.cmpi ne, %convert_element_type3A_7, %cond3A_8 : i32
    scf.if %cond3A_9 {
      "tpu.region"() ({
        %run_scoped3A_79 = tpu.sem_alloc : memref<!tpu.dma_semaphore, #tpu.memory_space<semaphore_mem>>
        %dma_start3A_80 = arith.constant 0 : i32
        %dma_start3A_81 = tpu.memref_slice %arg11[%mul3A_2, %dma_start3A_80] : memref<10240x128xf32, #tpu.memory_space<vmem_shared>> -> memref<640x128xf32, #tpu.memory_space<vmem_shared>>
        %dma_start3A_82 = arith.constant 0 : i32
        %dma_start3A_83 = tpu.memref_slice %arg3[%mul3A_2, %dma_start3A_82] : memref<10240x128xf32, #tpu.memory_space<hbm>> -> memref<640x128xf32, #tpu.memory_space<hbm>>
        tpu.enqueue_dma source(%dma_start3A_83 : memref<640x128xf32, #tpu.memory_space<hbm>>) target(%dma_start3A_81 : memref<640x128xf32, #tpu.memory_space<vmem_shared>>) target_semaphore(%run_scoped3A_79 : memref<!tpu.dma_semaphore, #tpu.memory_space<semaphore_mem>>)
        %dma_wait3A_84 = arith.constant 0 : i32
        %dma_wait3A_85 = tpu.memref_slice %arg11[%mul3A_2, %dma_wait3A_84] : memref<10240x128xf32, #tpu.memory_space<vmem_shared>> -> memref<640x128xf32, #tpu.memory_space<vmem_shared>>
        %dma_wait3A_86 = arith.constant 0 : i32
        %dma_wait3A_87 = tpu.memref_slice %arg3[%mul3A_2, %dma_wait3A_86] : memref<10240x128xf32, #tpu.memory_space<hbm>> -> memref<640x128xf32, #tpu.memory_space<hbm>>
        tpu.wait_dma2 semaphore(%run_scoped3A_79 : memref<!tpu.dma_semaphore, #tpu.memory_space<semaphore_mem>>) src(%dma_wait3A_87 : memref<640x128xf32, #tpu.memory_space<hbm>>) dst(%dma_wait3A_85 : memref<640x128xf32, #tpu.memory_space<vmem_shared>>)
        tpu.yield
      }) : () -> ()
    } else {
    }
    %run_scoped3A = arith.constant 0 : i32
    "tpu.region"() ({
      %run_scoped3A_79 = tpu.sem_alloc : memref<!tpu.dma_semaphore, #tpu.memory_space<semaphore_mem>>
      %dma_start3A_80 = arith.constant 0 : i32
      %dma_start3A_81 = arith.constant 0 : i32
      %dma_start3A_82 = tpu.memref_slice %arg4[%add3A, %run_scoped3A, %dma_start3A_80, %dma_start3A_81] : memref<32x2x82x64xi32, #tpu.memory_space<hbm>> -> memref<1x1x82x64xi32, #tpu.memory_space<hbm>>
      %dma_start3A_83 = tpu.memref_squeeze %dma_start3A_82 : memref<1x1x82x64xi32, #tpu.memory_space<hbm>> -> memref<82x64xi32, #tpu.memory_space<hbm>>
      %dma_start3A_84 = arith.constant 0 : i32
      %dma_start3A_85 = arith.constant 0 : i32
      %dma_start3A_86 = tpu.memref_slice %arg4[%add3A, %run_scoped3A, %dma_start3A_84, %dma_start3A_85] : memref<32x2x82x64xi32, #tpu.memory_space<hbm>> -> memref<1x1x82x64xi32, #tpu.memory_space<hbm>>
      %dma_start3A_87 = tpu.memref_squeeze %dma_start3A_86 : memref<1x1x82x64xi32, #tpu.memory_space<hbm>> -> memref<82x64xi32, #tpu.memory_space<hbm>>
      tpu.enqueue_dma source(%dma_start3A_87 : memref<82x64xi32, #tpu.memory_space<hbm>>) target(%arg7 : memref<82x64xi32, #tpu.memory_space<vmem>>) target_semaphore(%run_scoped3A_79 : memref<!tpu.dma_semaphore, #tpu.memory_space<semaphore_mem>>)
      %dma_wait3A_88 = arith.constant 0 : i32
      %dma_wait3A_89 = arith.constant 0 : i32
      %dma_wait3A_90 = tpu.memref_slice %arg4[%add3A, %run_scoped3A, %dma_wait3A_88, %dma_wait3A_89] : memref<32x2x82x64xi32, #tpu.memory_space<hbm>> -> memref<1x1x82x64xi32, #tpu.memory_space<hbm>>
      %dma_wait3A_91 = tpu.memref_squeeze %dma_wait3A_90 : memref<1x1x82x64xi32, #tpu.memory_space<hbm>> -> memref<82x64xi32, #tpu.memory_space<hbm>>
      %dma_wait3A_92 = arith.constant 0 : i32
      %dma_wait3A_93 = arith.constant 0 : i32
      %dma_wait3A_94 = tpu.memref_slice %arg4[%add3A, %run_scoped3A, %dma_wait3A_92, %dma_wait3A_93] : memref<32x2x82x64xi32, #tpu.memory_space<hbm>> -> memref<1x1x82x64xi32, #tpu.memory_space<hbm>>
      %dma_wait3A_95 = tpu.memref_squeeze %dma_wait3A_94 : memref<1x1x82x64xi32, #tpu.memory_space<hbm>> -> memref<82x64xi32, #tpu.memory_space<hbm>>
      tpu.wait_dma2 semaphore(%run_scoped3A_79 : memref<!tpu.dma_semaphore, #tpu.memory_space<semaphore_mem>>) src(%dma_wait3A_95 : memref<82x64xi32, #tpu.memory_space<hbm>>) dst(%arg7 : memref<82x64xi32, #tpu.memory_space<vmem>>)
      tpu.yield
    }) : () -> ()
    %run_scoped3A_10 = arith.constant 0 : i32
    "tpu.region"() ({
      %run_scoped3A_79 = tpu.sem_alloc : memref<!tpu.dma_semaphore, #tpu.memory_space<semaphore_mem>>
      %dma_start3A_80 = arith.constant 0 : i32
      %dma_start3A_81 = arith.constant 0 : i32
      %dma_start3A_82 = tpu.memref_slice %arg5[%add3A, %run_scoped3A_10, %dma_start3A_80, %dma_start3A_81] : memref<32x2x80x64xi32, #tpu.memory_space<hbm>> -> memref<1x1x80x64xi32, #tpu.memory_space<hbm>>
      %dma_start3A_83 = tpu.memref_squeeze %dma_start3A_82 : memref<1x1x80x64xi32, #tpu.memory_space<hbm>> -> memref<80x64xi32, #tpu.memory_space<hbm>>
      %dma_start3A_84 = arith.constant 0 : i32
      %dma_start3A_85 = arith.constant 0 : i32
      %dma_start3A_86 = tpu.memref_slice %arg5[%add3A, %run_scoped3A_10, %dma_start3A_84, %dma_start3A_85] : memref<32x2x80x64xi32, #tpu.memory_space<hbm>> -> memref<1x1x80x64xi32, #tpu.memory_space<hbm>>
      %dma_start3A_87 = tpu.memref_squeeze %dma_start3A_86 : memref<1x1x80x64xi32, #tpu.memory_space<hbm>> -> memref<80x64xi32, #tpu.memory_space<hbm>>
      tpu.enqueue_dma source(%dma_start3A_87 : memref<80x64xi32, #tpu.memory_space<hbm>>) target(%arg8 : memref<80x64xi32, #tpu.memory_space<vmem>>) target_semaphore(%run_scoped3A_79 : memref<!tpu.dma_semaphore, #tpu.memory_space<semaphore_mem>>)
      %dma_wait3A_88 = arith.constant 0 : i32
      %dma_wait3A_89 = arith.constant 0 : i32
      %dma_wait3A_90 = tpu.memref_slice %arg5[%add3A, %run_scoped3A_10, %dma_wait3A_88, %dma_wait3A_89] : memref<32x2x80x64xi32, #tpu.memory_space<hbm>> -> memref<1x1x80x64xi32, #tpu.memory_space<hbm>>
      %dma_wait3A_91 = tpu.memref_squeeze %dma_wait3A_90 : memref<1x1x80x64xi32, #tpu.memory_space<hbm>> -> memref<80x64xi32, #tpu.memory_space<hbm>>
      %dma_wait3A_92 = arith.constant 0 : i32
      %dma_wait3A_93 = arith.constant 0 : i32
      %dma_wait3A_94 = tpu.memref_slice %arg5[%add3A, %run_scoped3A_10, %dma_wait3A_92, %dma_wait3A_93] : memref<32x2x80x64xi32, #tpu.memory_space<hbm>> -> memref<1x1x80x64xi32, #tpu.memory_space<hbm>>
      %dma_wait3A_95 = tpu.memref_squeeze %dma_wait3A_94 : memref<1x1x80x64xi32, #tpu.memory_space<hbm>> -> memref<80x64xi32, #tpu.memory_space<hbm>>
      tpu.wait_dma2 semaphore(%run_scoped3A_79 : memref<!tpu.dma_semaphore, #tpu.memory_space<semaphore_mem>>) src(%dma_wait3A_95 : memref<80x64xi32, #tpu.memory_space<hbm>>) dst(%arg8 : memref<80x64xi32, #tpu.memory_space<vmem>>)
      tpu.yield
    }) : () -> ()
    %dma_start3A = arith.constant 0 : i32
    %dma_start3A_11 = arith.constant 0 : i32
    %dma_start3A_12 = tpu.memref_slice %arg7[%dma_start3A, %dma_start3A_11] : memref<82x64xi32, #tpu.memory_space<vmem>> -> memref<1x64xi32, #tpu.memory_space<vmem>>
    %dma_start3A_13 = tpu.memref_squeeze %dma_start3A_12 : memref<1x64xi32, #tpu.memory_space<vmem>> -> memref<64xi32, #tpu.memory_space<vmem>>
    %dma_start3A_14 = arith.constant 0 : i32
    %dma_start3A_15 = arith.constant 0 : i32
    %dma_start3A_16 = tpu.memref_slice %arg2[%dma_start3A_14, %dma_start3A_15] : memref<10240x128xf32, #tpu.memory_space<hbm>> -> memref<10240x128xf32, #tpu.memory_space<hbm>>
    tpu.enqueue_indirect_dma source(%dma_start3A_16 : memref<10240x128xf32, #tpu.memory_space<hbm>>) target(%arg9 : memref<64x128xf32, #tpu.memory_space<vmem>>) offsets(%dma_start3A_13 : memref<64xi32, #tpu.memory_space<vmem>>) semaphore(%arg12 : memref<!tpu.dma_semaphore, #tpu.memory_space<semaphore_mem>>)
    %dma_start3A_17 = arith.constant 1 : i32
    %dma_start3A_18 = arith.constant 0 : i32
    %dma_start3A_19 = tpu.memref_slice %arg7[%dma_start3A_17, %dma_start3A_18] : memref<82x64xi32, #tpu.memory_space<vmem>> -> memref<1x64xi32, #tpu.memory_space<vmem>>
    %dma_start3A_20 = tpu.memref_squeeze %dma_start3A_19 : memref<1x64xi32, #tpu.memory_space<vmem>> -> memref<64xi32, #tpu.memory_space<vmem>>
    %dma_start3A_21 = arith.constant 0 : i32
    %dma_start3A_22 = arith.constant 0 : i32
    %dma_start3A_23 = tpu.memref_slice %arg2[%dma_start3A_21, %dma_start3A_22] : memref<10240x128xf32, #tpu.memory_space<hbm>> -> memref<10240x128xf32, #tpu.memory_space<hbm>>
    tpu.enqueue_indirect_dma source(%dma_start3A_23 : memref<10240x128xf32, #tpu.memory_space<hbm>>) target(%arg10 : memref<64x128xf32, #tpu.memory_space<vmem>>) offsets(%dma_start3A_20 : memref<64xi32, #tpu.memory_space<vmem>>) semaphore(%arg13 : memref<!tpu.dma_semaphore, #tpu.memory_space<semaphore_mem>>)
    %barrier3A = arith.constant 0 : index
    tpu.barrier barrier_id(%barrier3A)
    %scan3A = arith.constant 0 : i32
    %scan3A_24 = arith.constant 0 : i32
    %scan3A_25 = arith.constant 40 : i32
    %scan3A_26 = arith.addi %scan3A_24, %scan3A_25 : i32
    %scan3A_27 = arith.constant 1 : i32
    scf.for %scan3A_79 = %scan3A_24 to %scan3A_26 step %scan3A_27  : i32 {
      %mul3A_80 = arith.constant 2 : i32
      %mul3A_81 = arith.muli %scan3A_79, %mul3A_80 : i32
      %dma_wait3A_82 = arith.constant 0 : i32
      %dma_wait3A_83 = tpu.memref_slice %arg7[%mul3A_81, %dma_wait3A_82] : memref<82x64xi32, #tpu.memory_space<vmem>> -> memref<1x64xi32, #tpu.memory_space<vmem>>
      %dma_wait3A_84 = tpu.memref_squeeze %dma_wait3A_83 : memref<1x64xi32, #tpu.memory_space<vmem>> -> memref<64xi32, #tpu.memory_space<vmem>>
      %dma_wait3A_85 = arith.constant 0 : i32
      %dma_wait3A_86 = arith.constant 0 : i32
      %dma_wait3A_87 = tpu.memref_slice %arg2[%dma_wait3A_85, %dma_wait3A_86] : memref<10240x128xf32, #tpu.memory_space<hbm>> -> memref<10240x128xf32, #tpu.memory_space<hbm>>
      tpu.wait_indirect_dma semaphore(%arg12 : memref<!tpu.dma_semaphore, #tpu.memory_space<semaphore_mem>>) src(%dma_wait3A_87 : memref<10240x128xf32, #tpu.memory_space<hbm>>) dst(%arg9 : memref<64x128xf32, #tpu.memory_space<vmem>>)
      %dma_start3A_88 = arith.constant 0 : i32
      %dma_start3A_89 = tpu.memref_slice %arg8[%mul3A_81, %dma_start3A_88] : memref<80x64xi32, #tpu.memory_space<vmem>> -> memref<1x64xi32, #tpu.memory_space<vmem>>
      %dma_start3A_90 = tpu.memref_squeeze %dma_start3A_89 : memref<1x64xi32, #tpu.memory_space<vmem>> -> memref<64xi32, #tpu.memory_space<vmem>>
      %dma_start3A_91 = arith.constant 0 : i32
      %dma_start3A_92 = arith.constant 0 : i32
      %dma_start3A_93 = tpu.memref_slice %arg11[%dma_start3A_91, %dma_start3A_92] : memref<10240x128xf32, #tpu.memory_space<vmem_shared>> -> memref<10240x128xf32, #tpu.memory_space<vmem_shared>>
      tpu.enqueue_indirect_dma source(%arg9 : memref<64x128xf32, #tpu.memory_space<vmem>>) target(%dma_start3A_93 : memref<10240x128xf32, #tpu.memory_space<vmem_shared>>) offsets(%dma_start3A_90 : memref<64xi32, #tpu.memory_space<vmem>>) semaphore(%arg14 : memref<!tpu.dma_semaphore, #tpu.memory_space<semaphore_mem>>) {add = true}
      %add3A_94 = arith.constant 1 : i32
      %add3A_95 = arith.addi %mul3A_81, %add3A_94 : i32
      %dma_wait3A_96 = arith.constant 0 : i32
      %dma_wait3A_97 = tpu.memref_slice %arg7[%add3A_95, %dma_wait3A_96] : memref<82x64xi32, #tpu.memory_space<vmem>> -> memref<1x64xi32, #tpu.memory_space<vmem>>
      %dma_wait3A_98 = tpu.memref_squeeze %dma_wait3A_97 : memref<1x64xi32, #tpu.memory_space<vmem>> -> memref<64xi32, #tpu.memory_space<vmem>>
      %dma_wait3A_99 = arith.constant 0 : i32
      %dma_wait3A_100 = arith.constant 0 : i32
      %dma_wait3A_101 = tpu.memref_slice %arg2[%dma_wait3A_99, %dma_wait3A_100] : memref<10240x128xf32, #tpu.memory_space<hbm>> -> memref<10240x128xf32, #tpu.memory_space<hbm>>
      tpu.wait_indirect_dma semaphore(%arg13 : memref<!tpu.dma_semaphore, #tpu.memory_space<semaphore_mem>>) src(%dma_wait3A_101 : memref<10240x128xf32, #tpu.memory_space<hbm>>) dst(%arg10 : memref<64x128xf32, #tpu.memory_space<vmem>>)
      %add3A_102 = arith.constant 1 : i32
      %add3A_103 = arith.addi %mul3A_81, %add3A_102 : i32
      %dma_start3A_104 = arith.constant 0 : i32
      %dma_start3A_105 = tpu.memref_slice %arg8[%add3A_103, %dma_start3A_104] : memref<80x64xi32, #tpu.memory_space<vmem>> -> memref<1x64xi32, #tpu.memory_space<vmem>>
      %dma_start3A_106 = tpu.memref_squeeze %dma_start3A_105 : memref<1x64xi32, #tpu.memory_space<vmem>> -> memref<64xi32, #tpu.memory_space<vmem>>
      %dma_start3A_107 = arith.constant 0 : i32
      %dma_start3A_108 = arith.constant 0 : i32
      %dma_start3A_109 = tpu.memref_slice %arg11[%dma_start3A_107, %dma_start3A_108] : memref<10240x128xf32, #tpu.memory_space<vmem_shared>> -> memref<10240x128xf32, #tpu.memory_space<vmem_shared>>
      tpu.enqueue_indirect_dma source(%arg10 : memref<64x128xf32, #tpu.memory_space<vmem>>) target(%dma_start3A_109 : memref<10240x128xf32, #tpu.memory_space<vmem_shared>>) offsets(%dma_start3A_106 : memref<64xi32, #tpu.memory_space<vmem>>) semaphore(%arg15 : memref<!tpu.dma_semaphore, #tpu.memory_space<semaphore_mem>>) {add = true}
      %dma_wait3A_110 = arith.constant 0 : i32
      %dma_wait3A_111 = tpu.memref_slice %arg8[%mul3A_81, %dma_wait3A_110] : memref<80x64xi32, #tpu.memory_space<vmem>> -> memref<1x64xi32, #tpu.memory_space<vmem>>
      %dma_wait3A_112 = tpu.memref_squeeze %dma_wait3A_111 : memref<1x64xi32, #tpu.memory_space<vmem>> -> memref<64xi32, #tpu.memory_space<vmem>>
      %dma_wait3A_113 = arith.constant 0 : i32
      %dma_wait3A_114 = arith.constant 0 : i32
      %dma_wait3A_115 = tpu.memref_slice %arg11[%dma_wait3A_113, %dma_wait3A_114] : memref<10240x128xf32, #tpu.memory_space<vmem_shared>> -> memref<10240x128xf32, #tpu.memory_space<vmem_shared>>
      tpu.wait_indirect_dma semaphore(%arg14 : memref<!tpu.dma_semaphore, #tpu.memory_space<semaphore_mem>>) src(%arg9 : memref<64x128xf32, #tpu.memory_space<vmem>>) dst(%dma_wait3A_115 : memref<10240x128xf32, #tpu.memory_space<vmem_shared>>)
      %add3A_116 = arith.constant 2 : i32
      %add3A_117 = arith.addi %mul3A_81, %add3A_116 : i32
      %dma_start3A_118 = arith.constant 0 : i32
      %dma_start3A_119 = tpu.memref_slice %arg7[%add3A_117, %dma_start3A_118] : memref<82x64xi32, #tpu.memory_space<vmem>> -> memref<1x64xi32, #tpu.memory_space<vmem>>
      %dma_start3A_120 = tpu.memref_squeeze %dma_start3A_119 : memref<1x64xi32, #tpu.memory_space<vmem>> -> memref<64xi32, #tpu.memory_space<vmem>>
      %dma_start3A_121 = arith.constant 0 : i32
      %dma_start3A_122 = arith.constant 0 : i32
      %dma_start3A_123 = tpu.memref_slice %arg2[%dma_start3A_121, %dma_start3A_122] : memref<10240x128xf32, #tpu.memory_space<hbm>> -> memref<10240x128xf32, #tpu.memory_space<hbm>>
      tpu.enqueue_indirect_dma source(%dma_start3A_123 : memref<10240x128xf32, #tpu.memory_space<hbm>>) target(%arg9 : memref<64x128xf32, #tpu.memory_space<vmem>>) offsets(%dma_start3A_120 : memref<64xi32, #tpu.memory_space<vmem>>) semaphore(%arg12 : memref<!tpu.dma_semaphore, #tpu.memory_space<semaphore_mem>>)
      %add3A_124 = arith.constant 1 : i32
      %add3A_125 = arith.addi %mul3A_81, %add3A_124 : i32
      %dma_wait3A_126 = arith.constant 0 : i32
      %dma_wait3A_127 = tpu.memref_slice %arg8[%add3A_125, %dma_wait3A_126] : memref<80x64xi32, #tpu.memory_space<vmem>> -> memref<1x64xi32, #tpu.memory_space<vmem>>
      %dma_wait3A_128 = tpu.memref_squeeze %dma_wait3A_127 : memref<1x64xi32, #tpu.memory_space<vmem>> -> memref<64xi32, #tpu.memory_space<vmem>>
      %dma_wait3A_129 = arith.constant 0 : i32
      %dma_wait3A_130 = arith.constant 0 : i32
      %dma_wait3A_131 = tpu.memref_slice %arg11[%dma_wait3A_129, %dma_wait3A_130] : memref<10240x128xf32, #tpu.memory_space<vmem_shared>> -> memref<10240x128xf32, #tpu.memory_space<vmem_shared>>
      tpu.wait_indirect_dma semaphore(%arg15 : memref<!tpu.dma_semaphore, #tpu.memory_space<semaphore_mem>>) src(%arg10 : memref<64x128xf32, #tpu.memory_space<vmem>>) dst(%dma_wait3A_131 : memref<10240x128xf32, #tpu.memory_space<vmem_shared>>)
      %add3A_132 = arith.constant 3 : i32
      %add3A_133 = arith.addi %mul3A_81, %add3A_132 : i32
      %dma_start3A_134 = arith.constant 0 : i32
      %dma_start3A_135 = tpu.memref_slice %arg7[%add3A_133, %dma_start3A_134] : memref<82x64xi32, #tpu.memory_space<vmem>> -> memref<1x64xi32, #tpu.memory_space<vmem>>
      %dma_start3A_136 = tpu.memref_squeeze %dma_start3A_135 : memref<1x64xi32, #tpu.memory_space<vmem>> -> memref<64xi32, #tpu.memory_space<vmem>>
      %dma_start3A_137 = arith.constant 0 : i32
      %dma_start3A_138 = arith.constant 0 : i32
      %dma_start3A_139 = tpu.memref_slice %arg2[%dma_start3A_137, %dma_start3A_138] : memref<10240x128xf32, #tpu.memory_space<hbm>> -> memref<10240x128xf32, #tpu.memory_space<hbm>>
      tpu.enqueue_indirect_dma source(%dma_start3A_139 : memref<10240x128xf32, #tpu.memory_space<hbm>>) target(%arg10 : memref<64x128xf32, #tpu.memory_space<vmem>>) offsets(%dma_start3A_136 : memref<64xi32, #tpu.memory_space<vmem>>) semaphore(%arg13 : memref<!tpu.dma_semaphore, #tpu.memory_space<semaphore_mem>>)
    }
    %scan3A_28 = arith.constant 40 : i32
    %dma_wait3A = arith.constant 0 : i32
    %dma_wait3A_29 = arith.constant 0 : i32
    %dma_wait3A_30 = tpu.memref_slice %arg7[%dma_wait3A, %dma_wait3A_29] : memref<82x64xi32, #tpu.memory_space<vmem>> -> memref<1x64xi32, #tpu.memory_space<vmem>>
    %dma_wait3A_31 = tpu.memref_squeeze %dma_wait3A_30 : memref<1x64xi32, #tpu.memory_space<vmem>> -> memref<64xi32, #tpu.memory_space<vmem>>
    %dma_wait3A_32 = arith.constant 0 : i32
    %dma_wait3A_33 = arith.constant 0 : i32
    %dma_wait3A_34 = tpu.memref_slice %arg2[%dma_wait3A_32, %dma_wait3A_33] : memref<10240x128xf32, #tpu.memory_space<hbm>> -> memref<10240x128xf32, #tpu.memory_space<hbm>>
    tpu.wait_indirect_dma semaphore(%arg12 : memref<!tpu.dma_semaphore, #tpu.memory_space<semaphore_mem>>) src(%dma_wait3A_34 : memref<10240x128xf32, #tpu.memory_space<hbm>>) dst(%arg9 : memref<64x128xf32, #tpu.memory_space<vmem>>)
    %dma_wait3A_35 = arith.constant 1 : i32
    %dma_wait3A_36 = arith.constant 0 : i32
    %dma_wait3A_37 = tpu.memref_slice %arg7[%dma_wait3A_35, %dma_wait3A_36] : memref<82x64xi32, #tpu.memory_space<vmem>> -> memref<1x64xi32, #tpu.memory_space<vmem>>
    %dma_wait3A_38 = tpu.memref_squeeze %dma_wait3A_37 : memref<1x64xi32, #tpu.memory_space<vmem>> -> memref<64xi32, #tpu.memory_space<vmem>>
    %dma_wait3A_39 = arith.constant 0 : i32
    %dma_wait3A_40 = arith.constant 0 : i32
    %dma_wait3A_41 = tpu.memref_slice %arg2[%dma_wait3A_39, %dma_wait3A_40] : memref<10240x128xf32, #tpu.memory_space<hbm>> -> memref<10240x128xf32, #tpu.memory_space<hbm>>
    tpu.wait_indirect_dma semaphore(%arg13 : memref<!tpu.dma_semaphore, #tpu.memory_space<semaphore_mem>>) src(%dma_wait3A_41 : memref<10240x128xf32, #tpu.memory_space<hbm>>) dst(%arg10 : memref<64x128xf32, #tpu.memory_space<vmem>>)
    %run_scoped3A_42 = arith.constant 1 : i32
    "tpu.region"() ({
      %run_scoped3A_79 = tpu.sem_alloc : memref<!tpu.dma_semaphore, #tpu.memory_space<semaphore_mem>>
      %dma_start3A_80 = arith.constant 0 : i32
      %dma_start3A_81 = arith.constant 0 : i32
      %dma_start3A_82 = tpu.memref_slice %arg4[%add3A, %run_scoped3A_42, %dma_start3A_80, %dma_start3A_81] : memref<32x2x82x64xi32, #tpu.memory_space<hbm>> -> memref<1x1x82x64xi32, #tpu.memory_space<hbm>>
      %dma_start3A_83 = tpu.memref_squeeze %dma_start3A_82 : memref<1x1x82x64xi32, #tpu.memory_space<hbm>> -> memref<82x64xi32, #tpu.memory_space<hbm>>
      %dma_start3A_84 = arith.constant 0 : i32
      %dma_start3A_85 = arith.constant 0 : i32
      %dma_start3A_86 = tpu.memref_slice %arg4[%add3A, %run_scoped3A_42, %dma_start3A_84, %dma_start3A_85] : memref<32x2x82x64xi32, #tpu.memory_space<hbm>> -> memref<1x1x82x64xi32, #tpu.memory_space<hbm>>
      %dma_start3A_87 = tpu.memref_squeeze %dma_start3A_86 : memref<1x1x82x64xi32, #tpu.memory_space<hbm>> -> memref<82x64xi32, #tpu.memory_space<hbm>>
      tpu.enqueue_dma source(%dma_start3A_87 : memref<82x64xi32, #tpu.memory_space<hbm>>) target(%arg7 : memref<82x64xi32, #tpu.memory_space<vmem>>) target_semaphore(%run_scoped3A_79 : memref<!tpu.dma_semaphore, #tpu.memory_space<semaphore_mem>>)
      %dma_wait3A_88 = arith.constant 0 : i32
      %dma_wait3A_89 = arith.constant 0 : i32
      %dma_wait3A_90 = tpu.memref_slice %arg4[%add3A, %run_scoped3A_42, %dma_wait3A_88, %dma_wait3A_89] : memref<32x2x82x64xi32, #tpu.memory_space<hbm>> -> memref<1x1x82x64xi32, #tpu.memory_space<hbm>>
      %dma_wait3A_91 = tpu.memref_squeeze %dma_wait3A_90 : memref<1x1x82x64xi32, #tpu.memory_space<hbm>> -> memref<82x64xi32, #tpu.memory_space<hbm>>
      %dma_wait3A_92 = arith.constant 0 : i32
      %dma_wait3A_93 = arith.constant 0 : i32
      %dma_wait3A_94 = tpu.memref_slice %arg4[%add3A, %run_scoped3A_42, %dma_wait3A_92, %dma_wait3A_93] : memref<32x2x82x64xi32, #tpu.memory_space<hbm>> -> memref<1x1x82x64xi32, #tpu.memory_space<hbm>>
      %dma_wait3A_95 = tpu.memref_squeeze %dma_wait3A_94 : memref<1x1x82x64xi32, #tpu.memory_space<hbm>> -> memref<82x64xi32, #tpu.memory_space<hbm>>
      tpu.wait_dma2 semaphore(%run_scoped3A_79 : memref<!tpu.dma_semaphore, #tpu.memory_space<semaphore_mem>>) src(%dma_wait3A_95 : memref<82x64xi32, #tpu.memory_space<hbm>>) dst(%arg7 : memref<82x64xi32, #tpu.memory_space<vmem>>)
      tpu.yield
    }) : () -> ()
    %run_scoped3A_43 = arith.constant 1 : i32
    "tpu.region"() ({
      %run_scoped3A_79 = tpu.sem_alloc : memref<!tpu.dma_semaphore, #tpu.memory_space<semaphore_mem>>
      %dma_start3A_80 = arith.constant 0 : i32
      %dma_start3A_81 = arith.constant 0 : i32
      %dma_start3A_82 = tpu.memref_slice %arg5[%add3A, %run_scoped3A_43, %dma_start3A_80, %dma_start3A_81] : memref<32x2x80x64xi32, #tpu.memory_space<hbm>> -> memref<1x1x80x64xi32, #tpu.memory_space<hbm>>
      %dma_start3A_83 = tpu.memref_squeeze %dma_start3A_82 : memref<1x1x80x64xi32, #tpu.memory_space<hbm>> -> memref<80x64xi32, #tpu.memory_space<hbm>>
      %dma_start3A_84 = arith.constant 0 : i32
      %dma_start3A_85 = arith.constant 0 : i32
      %dma_start3A_86 = tpu.memref_slice %arg5[%add3A, %run_scoped3A_43, %dma_start3A_84, %dma_start3A_85] : memref<32x2x80x64xi32, #tpu.memory_space<hbm>> -> memref<1x1x80x64xi32, #tpu.memory_space<hbm>>
      %dma_start3A_87 = tpu.memref_squeeze %dma_start3A_86 : memref<1x1x80x64xi32, #tpu.memory_space<hbm>> -> memref<80x64xi32, #tpu.memory_space<hbm>>
      tpu.enqueue_dma source(%dma_start3A_87 : memref<80x64xi32, #tpu.memory_space<hbm>>) target(%arg8 : memref<80x64xi32, #tpu.memory_space<vmem>>) target_semaphore(%run_scoped3A_79 : memref<!tpu.dma_semaphore, #tpu.memory_space<semaphore_mem>>)
      %dma_wait3A_88 = arith.constant 0 : i32
      %dma_wait3A_89 = arith.constant 0 : i32
      %dma_wait3A_90 = tpu.memref_slice %arg5[%add3A, %run_scoped3A_43, %dma_wait3A_88, %dma_wait3A_89] : memref<32x2x80x64xi32, #tpu.memory_space<hbm>> -> memref<1x1x80x64xi32, #tpu.memory_space<hbm>>
      %dma_wait3A_91 = tpu.memref_squeeze %dma_wait3A_90 : memref<1x1x80x64xi32, #tpu.memory_space<hbm>> -> memref<80x64xi32, #tpu.memory_space<hbm>>
      %dma_wait3A_92 = arith.constant 0 : i32
      %dma_wait3A_93 = arith.constant 0 : i32
      %dma_wait3A_94 = tpu.memref_slice %arg5[%add3A, %run_scoped3A_43, %dma_wait3A_92, %dma_wait3A_93] : memref<32x2x80x64xi32, #tpu.memory_space<hbm>> -> memref<1x1x80x64xi32, #tpu.memory_space<hbm>>
      %dma_wait3A_95 = tpu.memref_squeeze %dma_wait3A_94 : memref<1x1x80x64xi32, #tpu.memory_space<hbm>> -> memref<80x64xi32, #tpu.memory_space<hbm>>
      tpu.wait_dma2 semaphore(%run_scoped3A_79 : memref<!tpu.dma_semaphore, #tpu.memory_space<semaphore_mem>>) src(%dma_wait3A_95 : memref<80x64xi32, #tpu.memory_space<hbm>>) dst(%arg8 : memref<80x64xi32, #tpu.memory_space<vmem>>)
      tpu.yield
    }) : () -> ()
    %dma_start3A_44 = arith.constant 0 : i32
    %dma_start3A_45 = arith.constant 0 : i32
    %dma_start3A_46 = tpu.memref_slice %arg7[%dma_start3A_44, %dma_start3A_45] : memref<82x64xi32, #tpu.memory_space<vmem>> -> memref<1x64xi32, #tpu.memory_space<vmem>>
    %dma_start3A_47 = tpu.memref_squeeze %dma_start3A_46 : memref<1x64xi32, #tpu.memory_space<vmem>> -> memref<64xi32, #tpu.memory_space<vmem>>
    %dma_start3A_48 = arith.constant 0 : i32
    %dma_start3A_49 = arith.constant 0 : i32
    %dma_start3A_50 = tpu.memref_slice %arg2[%dma_start3A_48, %dma_start3A_49] : memref<10240x128xf32, #tpu.memory_space<hbm>> -> memref<10240x128xf32, #tpu.memory_space<hbm>>
    tpu.enqueue_indirect_dma source(%dma_start3A_50 : memref<10240x128xf32, #tpu.memory_space<hbm>>) target(%arg9 : memref<64x128xf32, #tpu.memory_space<vmem>>) offsets(%dma_start3A_47 : memref<64xi32, #tpu.memory_space<vmem>>) semaphore(%arg12 : memref<!tpu.dma_semaphore, #tpu.memory_space<semaphore_mem>>)
    %dma_start3A_51 = arith.constant 1 : i32
    %dma_start3A_52 = arith.constant 0 : i32
    %dma_start3A_53 = tpu.memref_slice %arg7[%dma_start3A_51, %dma_start3A_52] : memref<82x64xi32, #tpu.memory_space<vmem>> -> memref<1x64xi32, #tpu.memory_space<vmem>>
    %dma_start3A_54 = tpu.memref_squeeze %dma_start3A_53 : memref<1x64xi32, #tpu.memory_space<vmem>> -> memref<64xi32, #tpu.memory_space<vmem>>
    %dma_start3A_55 = arith.constant 0 : i32
    %dma_start3A_56 = arith.constant 0 : i32
    %dma_start3A_57 = tpu.memref_slice %arg2[%dma_start3A_55, %dma_start3A_56] : memref<10240x128xf32, #tpu.memory_space<hbm>> -> memref<10240x128xf32, #tpu.memory_space<hbm>>
    tpu.enqueue_indirect_dma source(%dma_start3A_57 : memref<10240x128xf32, #tpu.memory_space<hbm>>) target(%arg10 : memref<64x128xf32, #tpu.memory_space<vmem>>) offsets(%dma_start3A_54 : memref<64xi32, #tpu.memory_space<vmem>>) semaphore(%arg13 : memref<!tpu.dma_semaphore, #tpu.memory_space<semaphore_mem>>)
    %scan3A_58 = arith.constant 0 : i32
    %scan3A_59 = arith.constant 0 : i32
    %scan3A_60 = arith.constant 40 : i32
    %scan3A_61 = arith.addi %scan3A_59, %scan3A_60 : i32
    %scan3A_62 = arith.constant 1 : i32
    scf.for %scan3A_79 = %scan3A_59 to %scan3A_61 step %scan3A_62  : i32 {
      %mul3A_80 = arith.constant 2 : i32
      %mul3A_81 = arith.muli %scan3A_79, %mul3A_80 : i32
      %dma_wait3A_82 = arith.constant 0 : i32
      %dma_wait3A_83 = tpu.memref_slice %arg7[%mul3A_81, %dma_wait3A_82] : memref<82x64xi32, #tpu.memory_space<vmem>> -> memref<1x64xi32, #tpu.memory_space<vmem>>
      %dma_wait3A_84 = tpu.memref_squeeze %dma_wait3A_83 : memref<1x64xi32, #tpu.memory_space<vmem>> -> memref<64xi32, #tpu.memory_space<vmem>>
      %dma_wait3A_85 = arith.constant 0 : i32
      %dma_wait3A_86 = arith.constant 0 : i32
      %dma_wait3A_87 = tpu.memref_slice %arg2[%dma_wait3A_85, %dma_wait3A_86] : memref<10240x128xf32, #tpu.memory_space<hbm>> -> memref<10240x128xf32, #tpu.memory_space<hbm>>
      tpu.wait_indirect_dma semaphore(%arg12 : memref<!tpu.dma_semaphore, #tpu.memory_space<semaphore_mem>>) src(%dma_wait3A_87 : memref<10240x128xf32, #tpu.memory_space<hbm>>) dst(%arg9 : memref<64x128xf32, #tpu.memory_space<vmem>>)
      %dma_start3A_88 = arith.constant 0 : i32
      %dma_start3A_89 = tpu.memref_slice %arg8[%mul3A_81, %dma_start3A_88] : memref<80x64xi32, #tpu.memory_space<vmem>> -> memref<1x64xi32, #tpu.memory_space<vmem>>
      %dma_start3A_90 = tpu.memref_squeeze %dma_start3A_89 : memref<1x64xi32, #tpu.memory_space<vmem>> -> memref<64xi32, #tpu.memory_space<vmem>>
      %dma_start3A_91 = arith.constant 0 : i32
      %dma_start3A_92 = arith.constant 0 : i32
      %dma_start3A_93 = tpu.memref_slice %arg11[%dma_start3A_91, %dma_start3A_92] : memref<10240x128xf32, #tpu.memory_space<vmem_shared>> -> memref<10240x128xf32, #tpu.memory_space<vmem_shared>>
      tpu.enqueue_indirect_dma source(%arg9 : memref<64x128xf32, #tpu.memory_space<vmem>>) target(%dma_start3A_93 : memref<10240x128xf32, #tpu.memory_space<vmem_shared>>) offsets(%dma_start3A_90 : memref<64xi32, #tpu.memory_space<vmem>>) semaphore(%arg14 : memref<!tpu.dma_semaphore, #tpu.memory_space<semaphore_mem>>) {add = true}
      %add3A_94 = arith.constant 1 : i32
      %add3A_95 = arith.addi %mul3A_81, %add3A_94 : i32
      %dma_wait3A_96 = arith.constant 0 : i32
      %dma_wait3A_97 = tpu.memref_slice %arg7[%add3A_95, %dma_wait3A_96] : memref<82x64xi32, #tpu.memory_space<vmem>> -> memref<1x64xi32, #tpu.memory_space<vmem>>
      %dma_wait3A_98 = tpu.memref_squeeze %dma_wait3A_97 : memref<1x64xi32, #tpu.memory_space<vmem>> -> memref<64xi32, #tpu.memory_space<vmem>>
      %dma_wait3A_99 = arith.constant 0 : i32
      %dma_wait3A_100 = arith.constant 0 : i32
      %dma_wait3A_101 = tpu.memref_slice %arg2[%dma_wait3A_99, %dma_wait3A_100] : memref<10240x128xf32, #tpu.memory_space<hbm>> -> memref<10240x128xf32, #tpu.memory_space<hbm>>
      tpu.wait_indirect_dma semaphore(%arg13 : memref<!tpu.dma_semaphore, #tpu.memory_space<semaphore_mem>>) src(%dma_wait3A_101 : memref<10240x128xf32, #tpu.memory_space<hbm>>) dst(%arg10 : memref<64x128xf32, #tpu.memory_space<vmem>>)
      %add3A_102 = arith.constant 1 : i32
      %add3A_103 = arith.addi %mul3A_81, %add3A_102 : i32
      %dma_start3A_104 = arith.constant 0 : i32
      %dma_start3A_105 = tpu.memref_slice %arg8[%add3A_103, %dma_start3A_104] : memref<80x64xi32, #tpu.memory_space<vmem>> -> memref<1x64xi32, #tpu.memory_space<vmem>>
      %dma_start3A_106 = tpu.memref_squeeze %dma_start3A_105 : memref<1x64xi32, #tpu.memory_space<vmem>> -> memref<64xi32, #tpu.memory_space<vmem>>
      %dma_start3A_107 = arith.constant 0 : i32
      %dma_start3A_108 = arith.constant 0 : i32
      %dma_start3A_109 = tpu.memref_slice %arg11[%dma_start3A_107, %dma_start3A_108] : memref<10240x128xf32, #tpu.memory_space<vmem_shared>> -> memref<10240x128xf32, #tpu.memory_space<vmem_shared>>
      tpu.enqueue_indirect_dma source(%arg10 : memref<64x128xf32, #tpu.memory_space<vmem>>) target(%dma_start3A_109 : memref<10240x128xf32, #tpu.memory_space<vmem_shared>>) offsets(%dma_start3A_106 : memref<64xi32, #tpu.memory_space<vmem>>) semaphore(%arg15 : memref<!tpu.dma_semaphore, #tpu.memory_space<semaphore_mem>>) {add = true}
      %dma_wait3A_110 = arith.constant 0 : i32
      %dma_wait3A_111 = tpu.memref_slice %arg8[%mul3A_81, %dma_wait3A_110] : memref<80x64xi32, #tpu.memory_space<vmem>> -> memref<1x64xi32, #tpu.memory_space<vmem>>
      %dma_wait3A_112 = tpu.memref_squeeze %dma_wait3A_111 : memref<1x64xi32, #tpu.memory_space<vmem>> -> memref<64xi32, #tpu.memory_space<vmem>>
      %dma_wait3A_113 = arith.constant 0 : i32
      %dma_wait3A_114 = arith.constant 0 : i32
      %dma_wait3A_115 = tpu.memref_slice %arg11[%dma_wait3A_113, %dma_wait3A_114] : memref<10240x128xf32, #tpu.memory_space<vmem_shared>> -> memref<10240x128xf32, #tpu.memory_space<vmem_shared>>
      tpu.wait_indirect_dma semaphore(%arg14 : memref<!tpu.dma_semaphore, #tpu.memory_space<semaphore_mem>>) src(%arg9 : memref<64x128xf32, #tpu.memory_space<vmem>>) dst(%dma_wait3A_115 : memref<10240x128xf32, #tpu.memory_space<vmem_shared>>)
      %add3A_116 = arith.constant 2 : i32
      %add3A_117 = arith.addi %mul3A_81, %add3A_116 : i32
      %dma_start3A_118 = arith.constant 0 : i32
      %dma_start3A_119 = tpu.memref_slice %arg7[%add3A_117, %dma_start3A_118] : memref<82x64xi32, #tpu.memory_space<vmem>> -> memref<1x64xi32, #tpu.memory_space<vmem>>
      %dma_start3A_120 = tpu.memref_squeeze %dma_start3A_119 : memref<1x64xi32, #tpu.memory_space<vmem>> -> memref<64xi32, #tpu.memory_space<vmem>>
      %dma_start3A_121 = arith.constant 0 : i32
      %dma_start3A_122 = arith.constant 0 : i32
      %dma_start3A_123 = tpu.memref_slice %arg2[%dma_start3A_121, %dma_start3A_122] : memref<10240x128xf32, #tpu.memory_space<hbm>> -> memref<10240x128xf32, #tpu.memory_space<hbm>>
      tpu.enqueue_indirect_dma source(%dma_start3A_123 : memref<10240x128xf32, #tpu.memory_space<hbm>>) target(%arg9 : memref<64x128xf32, #tpu.memory_space<vmem>>) offsets(%dma_start3A_120 : memref<64xi32, #tpu.memory_space<vmem>>) semaphore(%arg12 : memref<!tpu.dma_semaphore, #tpu.memory_space<semaphore_mem>>)
      %add3A_124 = arith.constant 1 : i32
      %add3A_125 = arith.addi %mul3A_81, %add3A_124 : i32
      %dma_wait3A_126 = arith.constant 0 : i32
      %dma_wait3A_127 = tpu.memref_slice %arg8[%add3A_125, %dma_wait3A_126] : memref<80x64xi32, #tpu.memory_space<vmem>> -> memref<1x64xi32, #tpu.memory_space<vmem>>
      %dma_wait3A_128 = tpu.memref_squeeze %dma_wait3A_127 : memref<1x64xi32, #tpu.memory_space<vmem>> -> memref<64xi32, #tpu.memory_space<vmem>>
      %dma_wait3A_129 = arith.constant 0 : i32
      %dma_wait3A_130 = arith.constant 0 : i32
      %dma_wait3A_131 = tpu.memref_slice %arg11[%dma_wait3A_129, %dma_wait3A_130] : memref<10240x128xf32, #tpu.memory_space<vmem_shared>> -> memref<10240x128xf32, #tpu.memory_space<vmem_shared>>
      tpu.wait_indirect_dma semaphore(%arg15 : memref<!tpu.dma_semaphore, #tpu.memory_space<semaphore_mem>>) src(%arg10 : memref<64x128xf32, #tpu.memory_space<vmem>>) dst(%dma_wait3A_131 : memref<10240x128xf32, #tpu.memory_space<vmem_shared>>)
      %add3A_132 = arith.constant 3 : i32
      %add3A_133 = arith.addi %mul3A_81, %add3A_132 : i32
      %dma_start3A_134 = arith.constant 0 : i32
      %dma_start3A_135 = tpu.memref_slice %arg7[%add3A_133, %dma_start3A_134] : memref<82x64xi32, #tpu.memory_space<vmem>> -> memref<1x64xi32, #tpu.memory_space<vmem>>
      %dma_start3A_136 = tpu.memref_squeeze %dma_start3A_135 : memref<1x64xi32, #tpu.memory_space<vmem>> -> memref<64xi32, #tpu.memory_space<vmem>>
      %dma_start3A_137 = arith.constant 0 : i32
      %dma_start3A_138 = arith.constant 0 : i32
      %dma_start3A_139 = tpu.memref_slice %arg2[%dma_start3A_137, %dma_start3A_138] : memref<10240x128xf32, #tpu.memory_space<hbm>> -> memref<10240x128xf32, #tpu.memory_space<hbm>>
      tpu.enqueue_indirect_dma source(%dma_start3A_139 : memref<10240x128xf32, #tpu.memory_space<hbm>>) target(%arg10 : memref<64x128xf32, #tpu.memory_space<vmem>>) offsets(%dma_start3A_136 : memref<64xi32, #tpu.memory_space<vmem>>) semaphore(%arg13 : memref<!tpu.dma_semaphore, #tpu.memory_space<semaphore_mem>>)
    }
    %scan3A_63 = arith.constant 40 : i32
    %dma_wait3A_64 = arith.constant 0 : i32
    %dma_wait3A_65 = arith.constant 0 : i32
    %dma_wait3A_66 = tpu.memref_slice %arg7[%dma_wait3A_64, %dma_wait3A_65] : memref<82x64xi32, #tpu.memory_space<vmem>> -> memref<1x64xi32, #tpu.memory_space<vmem>>
    %dma_wait3A_67 = tpu.memref_squeeze %dma_wait3A_66 : memref<1x64xi32, #tpu.memory_space<vmem>> -> memref<64xi32, #tpu.memory_space<vmem>>
    %dma_wait3A_68 = arith.constant 0 : i32
    %dma_wait3A_69 = arith.constant 0 : i32
    %dma_wait3A_70 = tpu.memref_slice %arg2[%dma_wait3A_68, %dma_wait3A_69] : memref<10240x128xf32, #tpu.memory_space<hbm>> -> memref<10240x128xf32, #tpu.memory_space<hbm>>
    tpu.wait_indirect_dma semaphore(%arg12 : memref<!tpu.dma_semaphore, #tpu.memory_space<semaphore_mem>>) src(%dma_wait3A_70 : memref<10240x128xf32, #tpu.memory_space<hbm>>) dst(%arg9 : memref<64x128xf32, #tpu.memory_space<vmem>>)
    %dma_wait3A_71 = arith.constant 1 : i32
    %dma_wait3A_72 = arith.constant 0 : i32
    %dma_wait3A_73 = tpu.memref_slice %arg7[%dma_wait3A_71, %dma_wait3A_72] : memref<82x64xi32, #tpu.memory_space<vmem>> -> memref<1x64xi32, #tpu.memory_space<vmem>>
    %dma_wait3A_74 = tpu.memref_squeeze %dma_wait3A_73 : memref<1x64xi32, #tpu.memory_space<vmem>> -> memref<64xi32, #tpu.memory_space<vmem>>
    %dma_wait3A_75 = arith.constant 0 : i32
    %dma_wait3A_76 = arith.constant 0 : i32
    %dma_wait3A_77 = tpu.memref_slice %arg2[%dma_wait3A_75, %dma_wait3A_76] : memref<10240x128xf32, #tpu.memory_space<hbm>> -> memref<10240x128xf32, #tpu.memory_space<hbm>>
    tpu.wait_indirect_dma semaphore(%arg13 : memref<!tpu.dma_semaphore, #tpu.memory_space<semaphore_mem>>) src(%dma_wait3A_77 : memref<10240x128xf32, #tpu.memory_space<hbm>>) dst(%arg10 : memref<64x128xf32, #tpu.memory_space<vmem>>)
    %barrier3A_78 = arith.constant 0 : index
    tpu.barrier barrier_id(%barrier3A_78)
    "tpu.region"() ({
      %run_scoped3A_79 = tpu.sem_alloc : memref<!tpu.dma_semaphore, #tpu.memory_space<semaphore_mem>>
      %dma_start3A_80 = arith.constant 0 : i32
      %dma_start3A_81 = tpu.memref_slice %arg6[%arg0, %mul3A_2, %dma_start3A_80] : memref<2x10240x128xf32, #tpu.memory_space<hbm>> -> memref<1x640x128xf32, #tpu.memory_space<hbm>>
      %dma_start3A_82 = tpu.memref_squeeze %dma_start3A_81 : memref<1x640x128xf32, #tpu.memory_space<hbm>> -> memref<640x128xf32, #tpu.memory_space<hbm>>
      %dma_start3A_83 = arith.constant 0 : i32
      %dma_start3A_84 = tpu.memref_slice %arg11[%mul3A_2, %dma_start3A_83] : memref<10240x128xf32, #tpu.memory_space<vmem_shared>> -> memref<640x128xf32, #tpu.memory_space<vmem_shared>>
      tpu.enqueue_dma source(%dma_start3A_84 : memref<640x128xf32, #tpu.memory_space<vmem_shared>>) target(%dma_start3A_82 : memref<640x128xf32, #tpu.memory_space<hbm>>) target_semaphore(%run_scoped3A_79 : memref<!tpu.dma_semaphore, #tpu.memory_space<semaphore_mem>>)
      %dma_wait3A_85 = arith.constant 0 : i32
      %dma_wait3A_86 = tpu.memref_slice %arg6[%arg0, %mul3A_2, %dma_wait3A_85] : memref<2x10240x128xf32, #tpu.memory_space<hbm>> -> memref<1x640x128xf32, #tpu.memory_space<hbm>>
      %dma_wait3A_87 = tpu.memref_squeeze %dma_wait3A_86 : memref<1x640x128xf32, #tpu.memory_space<hbm>> -> memref<640x128xf32, #tpu.memory_space<hbm>>
      %dma_wait3A_88 = arith.constant 0 : i32
      %dma_wait3A_89 = tpu.memref_slice %arg11[%mul3A_2, %dma_wait3A_88] : memref<10240x128xf32, #tpu.memory_space<vmem_shared>> -> memref<640x128xf32, #tpu.memory_space<vmem_shared>>
      tpu.wait_dma2 semaphore(%run_scoped3A_79 : memref<!tpu.dma_semaphore, #tpu.memory_space<semaphore_mem>>) src(%dma_wait3A_89 : memref<640x128xf32, #tpu.memory_space<vmem_shared>>) dst(%dma_wait3A_87 : memref<640x128xf32, #tpu.memory_space<hbm>>)
      tpu.yield
    }) : () -> ()
    return
  }
}

module attributes {stable_mosaic.version = 14 : i64} {
  func.func @_pre_body(%arg0: i32, %arg1: memref<2560x2xf32, #tpu.memory_space<vmem>>, %arg2: memref<2560x128xf32, #tpu.memory_space<vmem>>, %arg3: memref<2560x1xf32, #tpu.memory_space<vmem>>, %arg4: memref<2560x128xf32, #tpu.memory_space<vmem>>) attributes {dimension_semantics = [#tpu.dimension_semantics<arbitrary>], iteration_bounds = array<i64: 4>, scalar_prefetch = 0 : i64, scratch_operands = 0 : i64, tpu.core_type = #tpu.core_type<tc>, window_params = [{transform_indices = @transform_0, window_bounds = array<i64: 2560, 2>}, {transform_indices = @transform_1, window_bounds = array<i64: 2560, 128>}, {transform_indices = @transform_2, window_bounds = array<i64: 2560, 1>}, {transform_indices = @transform_3, window_bounds = array<i64: 2560, 128>}]} {
    %get3A = arith.constant 0 : index
    %get3A_0 = arith.constant 0 : index
    %get3A_1 = vector.load %arg1[%get3A, %get3A_0] : memref<2560x2xf32, #tpu.memory_space<vmem>>, vector<2560x1xf32>
    %get3A_2 = vector.shape_cast %get3A_1 : vector<2560x1xf32> to vector<2560xf32>
    %get3A_3 = arith.constant 0 : index
    %get3A_4 = arith.constant 1 : index
    %get3A_5 = vector.load %arg1[%get3A_3, %get3A_4] : memref<2560x2xf32, #tpu.memory_space<vmem>>, vector<2560x1xf32>
    %get3A_6 = vector.shape_cast %get3A_5 : vector<2560x1xf32> to vector<2560xf32>
    %add3A = arith.addf %get3A_2, %get3A_6 : vector<2560xf32>
    %gt3A = arith.constant 0.000000e+00 : f32
    %gt3A_7 = vector.broadcast %gt3A : f32 to vector<2560xf32>
    %gt3A_8 = arith.cmpf ogt, %add3A, %gt3A_7 : vector<2560xf32>
    %max3A = arith.constant 9.99999996E-13 : f32
    %max3A_9 = vector.broadcast %max3A : f32 to vector<2560xf32>
    %max3A_10 = arith.maximumf %add3A, %max3A_9 : vector<2560xf32>
    %rsqrt3A = math.rsqrt %max3A_10 : vector<2560xf32>
    %jit3A = arith.constant 0.000000e+00 : f32
    %broadcast_in_dim3A = vector.broadcast %jit3A : f32 to vector<2560xf32>
    %select_n3A = arith.select %gt3A_8, %rsqrt3A, %broadcast_in_dim3A : vector<2560xi1>, vector<2560xf32>
    %swap3A = arith.constant 0 : index
    %swap3A_11 = arith.constant 0 : index
    %swap3A_12 = vector.load %arg3[%swap3A, %swap3A_11] : memref<2560x1xf32, #tpu.memory_space<vmem>>, vector<2560x1xf32>
    %swap3A_13 = vector.shape_cast %swap3A_12 : vector<2560x1xf32> to vector<2560xf32>
    %swap3A_14 = vector.shape_cast %select_n3A : vector<2560xf32> to vector<2560x1xf32>
    tpu.vector_store %arg3[%swap3A, %swap3A_11], %swap3A_14 {strides = array<i32>} : memref<2560x1xf32, #tpu.memory_space<vmem>>, vector<2560x1xf32>,
    %get3A_15 = arith.constant 0 : index
    %get3A_16 = arith.constant 0 : index
    %get3A_17 = vector.load %arg2[%get3A_15, %get3A_16] : memref<2560x128xf32, #tpu.memory_space<vmem>>, vector<2560x128xf32>
    %broadcast_in_dim3A_18 = vector.shape_cast %select_n3A : vector<2560xf32> to vector<2560x1xf32>
    %mul3A = vector.broadcast %broadcast_in_dim3A_18 : vector<2560x1xf32> to vector<2560x128xf32>
    %mul3A_19 = arith.mulf %get3A_17, %mul3A : vector<2560x128xf32>
    %swap3A_20 = arith.constant 0 : index
    %swap3A_21 = arith.constant 0 : index
    %swap3A_22 = vector.load %arg4[%swap3A_20, %swap3A_21] : memref<2560x128xf32, #tpu.memory_space<vmem>>, vector<2560x128xf32>
    tpu.vector_store %arg4[%swap3A_20, %swap3A_21], %mul3A_19 {strides = array<i32>} : memref<2560x128xf32, #tpu.memory_space<vmem>>, vector<2560x128xf32>,
    return
  }
  func.func @transform_0(%arg0: i32) -> (i32, i32) {
    %c0_i32 = arith.constant 0 : i32
    %c0_i32_0 = arith.constant 0 : i32
    return %arg0, %c0_i32 : i32, i32
  }
  func.func @transform_1(%arg0: i32) -> (i32, i32) {
    %c0_i32 = arith.constant 0 : i32
    %c0_i32_0 = arith.constant 0 : i32
    return %arg0, %c0_i32 : i32, i32
  }
  func.func @transform_2(%arg0: i32) -> (i32, i32) {
    %c0_i32 = arith.constant 0 : i32
    %c0_i32_0 = arith.constant 0 : i32
    return %arg0, %c0_i32 : i32, i32
  }
  func.func @transform_3(%arg0: i32) -> (i32, i32) {
    %c0_i32 = arith.constant 0 : i32
    %c0_i32_0 = arith.constant 0 : i32
    return %arg0, %c0_i32 : i32, i32
  }
}

module attributes {stable_mosaic.version = 14 : i64} {
  func.func @_layer_body(%arg0: i32, %arg1: memref<2xf32, #tpu.memory_space<smem>>, %arg2: memref<2x2560x128xf32, #tpu.memory_space<vmem>>, %arg3: memref<2560x1xf32, #tpu.memory_space<vmem>>, %arg4: memref<2560x128xf32, #tpu.memory_space<vmem>>, %arg5: memref<2560x128xf32, #tpu.memory_space<vmem>>) attributes {dimension_semantics = [#tpu.dimension_semantics<arbitrary>], iteration_bounds = array<i64: 4>, scalar_prefetch = 0 : i64, scratch_operands = 0 : i64, tpu.core_type = #tpu.core_type<tc>, window_params = [{transform_indices = @transform_0, window_bounds = array<i64: 2>}, {transform_indices = @transform_1, window_bounds = array<i64: 2, 2560, 128>}, {transform_indices = @transform_2, window_bounds = array<i64: 2560, 1>}, {transform_indices = @transform_3, window_bounds = array<i64: 2560, 128>}, {transform_indices = @transform_4, window_bounds = array<i64: 2560, 128>}]} {
    %get3A = arith.constant 0 : index
    %get3A_0 = memref.load %arg1[%get3A] : memref<2xf32, #tpu.memory_space<smem>>
    %get3A_1 = arith.constant 1 : index
    %get3A_2 = memref.load %arg1[%get3A_1] : memref<2xf32, #tpu.memory_space<smem>>
    %get3A_3 = arith.constant 0 : index
    %get3A_4 = arith.constant 0 : index
    %get3A_5 = vector.load %arg3[%get3A_3, %get3A_4] : memref<2560x1xf32, #tpu.memory_space<vmem>>, vector<2560x1xf32>
    %get3A_6 = vector.shape_cast %get3A_5 : vector<2560x1xf32> to vector<2560xf32>
    %get3A_7 = arith.constant 0 : index
    %get3A_8 = arith.constant 0 : index
    %get3A_9 = arith.constant 0 : index
    %get3A_10 = vector.load %arg2[%get3A_7, %get3A_8, %get3A_9] : memref<2x2560x128xf32, #tpu.memory_space<vmem>>, vector<1x2560x128xf32>
    %get3A_11 = vector.shape_cast %get3A_10 : vector<1x2560x128xf32> to vector<2560x128xf32>
    %get3A_12 = arith.constant 1 : index
    %get3A_13 = arith.constant 0 : index
    %get3A_14 = arith.constant 0 : index
    %get3A_15 = vector.load %arg2[%get3A_12, %get3A_13, %get3A_14] : memref<2x2560x128xf32, #tpu.memory_space<vmem>>, vector<1x2560x128xf32>
    %get3A_16 = vector.shape_cast %get3A_15 : vector<1x2560x128xf32> to vector<2560x128xf32>
    %add3A = arith.addf %get3A_11, %get3A_16 : vector<2560x128xf32>
    %broadcast_in_dim3A = vector.shape_cast %get3A_6 : vector<2560xf32> to vector<2560x1xf32>
    %mul3A = vector.broadcast %broadcast_in_dim3A : vector<2560x1xf32> to vector<2560x128xf32>
    %mul3A_17 = arith.mulf %add3A, %mul3A : vector<2560x128xf32>
    %mul3A_18 = vector.broadcast %get3A_0 : f32 to vector<2560x128xf32>
    %mul3A_19 = arith.mulf %mul3A_17, %mul3A_18 : vector<2560x128xf32>
    %add3A_20 = vector.broadcast %get3A_2 : f32 to vector<2560x128xf32>
    %add3A_21 = arith.addf %mul3A_19, %add3A_20 : vector<2560x128xf32>
    %max3A = arith.constant 0.000000e+00 : f32
    %max3A_22 = vector.broadcast %max3A : f32 to vector<2560x128xf32>
    %max3A_23 = arith.maximumf %add3A_21, %max3A_22 : vector<2560x128xf32>
    %swap3A = arith.constant 0 : index
    %swap3A_24 = arith.constant 0 : index
    %swap3A_25 = vector.load %arg4[%swap3A, %swap3A_24] : memref<2560x128xf32, #tpu.memory_space<vmem>>, vector<2560x128xf32>
    tpu.vector_store %arg4[%swap3A, %swap3A_24], %max3A_23 {strides = array<i32>} : memref<2560x128xf32, #tpu.memory_space<vmem>>, vector<2560x128xf32>,
    %broadcast_in_dim3A_26 = vector.shape_cast %get3A_6 : vector<2560xf32> to vector<2560x1xf32>
    %mul3A_27 = vector.broadcast %broadcast_in_dim3A_26 : vector<2560x1xf32> to vector<2560x128xf32>
    %mul3A_28 = arith.mulf %max3A_23, %mul3A_27 : vector<2560x128xf32>
    %swap3A_29 = arith.constant 0 : index
    %swap3A_30 = arith.constant 0 : index
    %swap3A_31 = vector.load %arg5[%swap3A_29, %swap3A_30] : memref<2560x128xf32, #tpu.memory_space<vmem>>, vector<2560x128xf32>
    tpu.vector_store %arg5[%swap3A_29, %swap3A_30], %mul3A_28 {strides = array<i32>} : memref<2560x128xf32, #tpu.memory_space<vmem>>, vector<2560x128xf32>,
    return
  }
  func.func @transform_0(%arg0: i32) -> i32 {
    %c0_i32 = arith.constant 0 : i32
    %c0_i32_0 = arith.constant 0 : i32
    return %c0_i32 : i32
  }
  func.func @transform_1(%arg0: i32) -> (i32, i32, i32) {
    %c0_i32 = arith.constant 0 : i32
    %c0_i32_0 = arith.constant 0 : i32
    %c0_i32_1 = arith.constant 0 : i32
    return %c0_i32, %arg0, %c0_i32_0 : i32, i32, i32
  }
  func.func @transform_2(%arg0: i32) -> (i32, i32) {
    %c0_i32 = arith.constant 0 : i32
    %c0_i32_0 = arith.constant 0 : i32
    return %arg0, %c0_i32 : i32, i32
  }
  func.func @transform_3(%arg0: i32) -> (i32, i32) {
    %c0_i32 = arith.constant 0 : i32
    %c0_i32_0 = arith.constant 0 : i32
    return %arg0, %c0_i32 : i32, i32
  }
  func.func @transform_4(%arg0: i32) -> (i32, i32) {
    %c0_i32 = arith.constant 0 : i32
    %c0_i32_0 = arith.constant 0 : i32
    return %arg0, %c0_i32 : i32, i32
  }
}

module attributes {stable_mosaic.version = 14 : i64} {
  func.func @_final_body(%arg0: i32, %arg1: memref<2xf32, #tpu.memory_space<smem>>, %arg2: memref<2x2560x128xf32, #tpu.memory_space<vmem>>, %arg3: memref<2560x1xf32, #tpu.memory_space<vmem>>, %arg4: memref<2x7xf32, #tpu.memory_space<vmem>>, %arg5: memref<2560x128xf32, #tpu.memory_space<vmem>>, %arg6: memref<7x2560x128xf32, #tpu.memory_space<vmem>>) attributes {dimension_semantics = [#tpu.dimension_semantics<arbitrary>], iteration_bounds = array<i64: 4>, scalar_prefetch = 0 : i64, scratch_operands = 0 : i64, tpu.core_type = #tpu.core_type<tc>, window_params = [{transform_indices = @transform_0, window_bounds = array<i64: 2>}, {transform_indices = @transform_1, window_bounds = array<i64: 2, 2560, 128>}, {transform_indices = @transform_2, window_bounds = array<i64: 2560, 1>}, {pipeline_mode = #tpu.pipeline_mode<synchronous>, transform_indices = @transform_3, window_bounds = array<i64: 2, 7>}, {transform_indices = @transform_4, window_bounds = array<i64: 2560, 128>}, {transform_indices = @transform_5, window_bounds = array<i64: 7, 2560, 128>}]} {
    %get3A = arith.constant 0 : index
    %get3A_0 = memref.load %arg1[%get3A] : memref<2xf32, #tpu.memory_space<smem>>
    %get3A_1 = arith.constant 1 : index
    %get3A_2 = memref.load %arg1[%get3A_1] : memref<2xf32, #tpu.memory_space<smem>>
    %get3A_3 = arith.constant 0 : index
    %get3A_4 = arith.constant 0 : index
    %get3A_5 = vector.load %arg3[%get3A_3, %get3A_4] : memref<2560x1xf32, #tpu.memory_space<vmem>>, vector<2560x1xf32>
    %get3A_6 = vector.shape_cast %get3A_5 : vector<2560x1xf32> to vector<2560xf32>
    %get3A_7 = arith.constant 0 : index
    %get3A_8 = arith.constant 0 : index
    %get3A_9 = arith.constant 0 : index
    %get3A_10 = vector.load %arg2[%get3A_7, %get3A_8, %get3A_9] : memref<2x2560x128xf32, #tpu.memory_space<vmem>>, vector<1x2560x128xf32>
    %get3A_11 = vector.shape_cast %get3A_10 : vector<1x2560x128xf32> to vector<2560x128xf32>
    %get3A_12 = arith.constant 1 : index
    %get3A_13 = arith.constant 0 : index
    %get3A_14 = arith.constant 0 : index
    %get3A_15 = vector.load %arg2[%get3A_12, %get3A_13, %get3A_14] : memref<2x2560x128xf32, #tpu.memory_space<vmem>>, vector<1x2560x128xf32>
    %get3A_16 = vector.shape_cast %get3A_15 : vector<1x2560x128xf32> to vector<2560x128xf32>
    %add3A = arith.addf %get3A_11, %get3A_16 : vector<2560x128xf32>
    %broadcast_in_dim3A = vector.shape_cast %get3A_6 : vector<2560xf32> to vector<2560x1xf32>
    %mul3A = vector.broadcast %broadcast_in_dim3A : vector<2560x1xf32> to vector<2560x128xf32>
    %mul3A_17 = arith.mulf %add3A, %mul3A : vector<2560x128xf32>
    %mul3A_18 = vector.broadcast %get3A_0 : f32 to vector<2560x128xf32>
    %mul3A_19 = arith.mulf %mul3A_17, %mul3A_18 : vector<2560x128xf32>
    %add3A_20 = vector.broadcast %get3A_2 : f32 to vector<2560x128xf32>
    %add3A_21 = arith.addf %mul3A_19, %add3A_20 : vector<2560x128xf32>
    %max3A = arith.constant 0.000000e+00 : f32
    %max3A_22 = vector.broadcast %max3A : f32 to vector<2560x128xf32>
    %max3A_23 = arith.maximumf %add3A_21, %max3A_22 : vector<2560x128xf32>
    %swap3A = arith.constant 0 : index
    %swap3A_24 = arith.constant 0 : index
    %swap3A_25 = vector.load %arg5[%swap3A, %swap3A_24] : memref<2560x128xf32, #tpu.memory_space<vmem>>, vector<2560x128xf32>
    tpu.vector_store %arg5[%swap3A, %swap3A_24], %max3A_23 {strides = array<i32>} : memref<2560x128xf32, #tpu.memory_space<vmem>>, vector<2560x128xf32>,
    %broadcast_in_dim3A_26 = vector.shape_cast %max3A_23 : vector<2560x128xf32> to vector<1x2560x128xf32>
    %get3A_27 = arith.constant 0 : index
    %get3A_28 = arith.constant 0 : index
    %get3A_29 = vector.load %arg4[%get3A_27, %get3A_28] : memref<2x7xf32, #tpu.memory_space<vmem>>, vector<1x7xf32>
    %get3A_30 = vector.shape_cast %get3A_29 : vector<1x7xf32> to vector<7xf32>
    %broadcast_in_dim3A_31 = vector.shape_cast %get3A_30 : vector<7xf32> to vector<7x1x1xf32>
    %mul3A_32 = vector.broadcast %broadcast_in_dim3A_26 : vector<1x2560x128xf32> to vector<7x2560x128xf32>
    %mul3A_33 = vector.broadcast %broadcast_in_dim3A_31 : vector<7x1x1xf32> to vector<7x2560x128xf32>
    %mul3A_34 = arith.mulf %mul3A_32, %mul3A_33 : vector<7x2560x128xf32>
    %get3A_35 = arith.constant 1 : index
    %get3A_36 = arith.constant 0 : index
    %get3A_37 = vector.load %arg4[%get3A_35, %get3A_36] : memref<2x7xf32, #tpu.memory_space<vmem>>, vector<1x7xf32>
    %get3A_38 = vector.shape_cast %get3A_37 : vector<1x7xf32> to vector<7xf32>
    %broadcast_in_dim3A_39 = vector.shape_cast %get3A_38 : vector<7xf32> to vector<7x1x1xf32>
    %add3A_40 = vector.broadcast %broadcast_in_dim3A_39 : vector<7x1x1xf32> to vector<7x2560x128xf32>
    %add3A_41 = arith.addf %mul3A_34, %add3A_40 : vector<7x2560x128xf32>
    %swap3A_42 = arith.constant 0 : index
    %swap3A_43 = arith.constant 0 : index
    %swap3A_44 = arith.constant 0 : index
    %swap3A_45 = vector.load %arg6[%swap3A_42, %swap3A_43, %swap3A_44] : memref<7x2560x128xf32, #tpu.memory_space<vmem>>, vector<7x2560x128xf32>
    tpu.vector_store %arg6[%swap3A_42, %swap3A_43, %swap3A_44], %add3A_41 {strides = array<i32>} : memref<7x2560x128xf32, #tpu.memory_space<vmem>>, vector<7x2560x128xf32>,
    return
  }
  func.func @transform_0(%arg0: i32) -> i32 {
    %c0_i32 = arith.constant 0 : i32
    %c0_i32_0 = arith.constant 0 : i32
    return %c0_i32 : i32
  }
  func.func @transform_1(%arg0: i32) -> (i32, i32, i32) {
    %c0_i32 = arith.constant 0 : i32
    %c0_i32_0 = arith.constant 0 : i32
    %c0_i32_1 = arith.constant 0 : i32
    return %c0_i32, %arg0, %c0_i32_0 : i32, i32, i32
  }
  func.func @transform_2(%arg0: i32) -> (i32, i32) {
    %c0_i32 = arith.constant 0 : i32
    %c0_i32_0 = arith.constant 0 : i32
    return %arg0, %c0_i32 : i32, i32
  }
  func.func @transform_3(%arg0: i32) -> (i32, i32) {
    %c0_i32 = arith.constant 0 : i32
    %c0_i32_0 = arith.constant 0 : i32
    %c0_i32_1 = arith.constant 0 : i32
    return %c0_i32, %c0_i32_0 : i32, i32
  }
  func.func @transform_4(%arg0: i32) -> (i32, i32) {
    %c0_i32 = arith.constant 0 : i32
    %c0_i32_0 = arith.constant 0 : i32
    return %arg0, %c0_i32 : i32, i32
  }
  func.func @transform_5(%arg0: i32) -> (i32, i32, i32) {
    %c0_i32 = arith.constant 0 : i32
    %c0_i32_0 = arith.constant 0 : i32
    %c0_i32_1 = arith.constant 0 : i32
    return %c0_i32, %arg0, %c0_i32_0 : i32, i32, i32
  }
}

</mosaic_0001>

<sc_bundles>
// kernel: kernel.12.cloned.1.call-start
scs
__scs_entry_jumppad:
0x0: {  	(pc) =	sbr.rel $0x88, $3  }
0x1: {  	(tag) =	ssettag $0x0;
	lr =	simm.s32 $0x1  }
0x2: {  	[smem:$0x3F9B] =	sst lr;
	_ =	strace $0xD0000000  }
0x3: {  	_ = 	snop  }
0x4: {  	_ = 	snop  }
0x5: {  	_ = 	snop  }
0x6: {  	_ = 	snop  }
0x7: {  	_ = 	snop  }
__scs_overlays_trampoline_lowered:
0x8: {  	[smem:$0x3FAA] =	sst s0  }
0x9: {  	[smem:$0x3FAB] =	sst s1  }
0xa: {  	[smem:$0x3FAC] =	sst s2  }
0xb: {  	[smem:$0x3FAD] =	sst s3  }
0xc: {  	[smem:$0x3FAE] =	sst s4  }
0xd: {  	[smem:$0x3FAF] =	sst s5  }
0xe: {  	[smem:$0x3FB0] =	sst s6  }
0xf: {  	[smem:$0x3FB1] =	sst s7  }
0x10: {  	[smem:$0x3FB2] =	sst s8  }
0x11: {  	[smem:$0x3FB3] =	sst s9;
	s0 =	simm.s32 @!p0 $0x0  }
0x12: {  	s1 =	sld [smem:$0x3F99];
	s0 =	simm.s32 @p0 $0x1  }
0x13: {  	[smem:$0x3FB4] =	sst s0;
	s0 =	simm.s32 @!p1 $0x0  }
0x14: {  	s2 =	sld [smem:$0x3F98];
	s0 =	simm.s32 @p1 $0x1  }
0x15: {  	[smem:$0x3FB5] =	sst s0;
	s0 =	simm.s32 @!p2 $0x0  }
0x16: {  	s3 =	sld [smem:$0x3FDB];
	s0 =	simm.s32 @p2 $0x1  }
0x17: {  	s4 =	simm.s32 $0x1BF5;
	[smem:$0x3FB7] =	sst s0  }
0x18: {  	s0 =	sld [smem:$0x3F9A];
	_ =	swait.ge [sflag:s4], $0x0  }
0x19: {  	s7 =	sld [smem:$0x3F9B]  }
0x1a: {  	s8 =	sadd.s32 $0xFFFFE003, lr  }
0x1b: {  	s9 =	sadd.s32 $0xFFFFFEF7, lr;
	s5 =	simm.s32 $0xFFFFFFFF;
	p2 =	slt.u32 s8, $0xFFFFF086  }
0x1c: {  	p1 =	slt.u32 s9, $0xF7A;
	s5 =	simm.s32 @!p2 $0x0  }
0x1d: {  	s5 =	simm.s32 @p1 $0x1;
	p0 =	seq.s32 s7, s2  }
0x1e: {  	s7 =	smul.u32 @!p0 $0xF7A, s2;
	p2 =	seq.s32 @!p0 s5, $0x0  }
0x1f: {  	s9 =	smul.u32 $0xF7A, s1;
	s8 =	simm.s32 @!p0 $0x1BF5;
	p2 =	por !p2, p0  }
0x20: {  	[sflag:s8] =	ssyncset.s32 @!p0 $0xFFFFF086;
	s6 =	sadd.s32 @!p0 s3, s7;
	s7 =	simm.s32 @!p0 $0x108  }
0x21: {  	s3 =	sadd.s32 s3, s9;
	s6 =	sadd.s32 @!p0 $0x88, s6;
	s7 =	simm.s32 @p2 $0x1082  }
0x22: {  	[simem:s7], [sflag:s8] =	dma.local @!p0 [hbm:s6], $0xF7A  }
0x23: {  	s9 =	sor.u32 $0xD0000000, s2;
	s6 =	simm.s32 $0x108;
	_ =	swait.ge @!p0 [sflag:s8], $0x0  }
0x24: {  	s3 =	sadd.s32 $0x88, s3;
	s6 =	simm.s32 @!p1 $0x1082;
	[sflag:s4] =	ssyncset.s32 $0xFFFFF086  }
0x25: {  	[simem:s6], [sflag:s4] =	dma.local [hbm:s3], $0xF7A  }
0x26: {  	[smem:$0x3F9B] =	sst s1;
	(tag) =	ssettag s2;
	_ =	strace s9  }
0x27: {  	s1 =	sld [smem:$0x3FAB]  }
0x28: {  	s2 =	sld [smem:$0x3FAC]  }
0x29: {  	s4 =	sld [smem:$0x3FAE]  }
0x2a: {  	p0 =	seq.s32 s5, $0x0;
	s5 =	sld [smem:$0x3FAF]  }
0x2b: {  	s6 =	sld [smem:$0x3FB0]  }
0x2c: {  	s7 =	sld [smem:$0x3FB1]  }
0x2d: {  	s3 =	simm.s32 $0x108;
	s8 =	sld [smem:$0x3FB2]  }
0x2e: {  	s3 =	simm.s32 @!p0 $0x1082;
	s9 =	sld [smem:$0x3FB3]  }
0x2f: {  	lr =	sadd.s32 s0, s3;
	s0 =	sld [smem:$0x3FAA]  }
0x30: {  	s3 =	sld [smem:$0x3FAD]  }
0x31: {  	[smem:$0x3FB6] =	sst s10  }
0x32: {  	s10 =	sld [smem:$0x3FB4];
	_ =	sdelay $0x3  }
0x33: {  	p0 =	seq.s32 s10, $0x1;
	s10 =	sld [smem:$0x3FB6];
	_ =	sdelay $0x3  }
0x34: {  	[smem:$0x3FB6] =	sst s10  }
0x35: {  	s10 =	sld [smem:$0x3FB5];
	_ =	sdelay $0x3  }
0x36: {  	p1 =	seq.s32 s10, $0x1;
	s10 =	sld [smem:$0x3FB6];
	_ =	sdelay $0x3  }
0x37: {  	[smem:$0x3FB6] =	sst s10  }
0x38: {  	s10 =	sld [smem:$0x3FB7]  }
0x39: {  	_ = 	snop;
	(pc) =	sbr.ind lr, $3  }
0x3a: {  	_ = 	snop  }
0x3b: {  	_ = 	snop  }
0x3c: {  	p2 =	seq.s32 s10, $0x1;
	s10 =	sld [smem:$0x3FB6]  }
0x3d: {  	_ =	shalt  }
0x3e: {  	_ =	shalt  }
0x3f: {  	_ =	shalt  }
0x40: {  	_ =	shalt  }
0x41: {  	_ =	shalt  }
0x42: {  	_ =	shalt  }
0x43: {  	_ =	shalt  }
0x44: {  	_ =	shalt  }
0x45: {  	_ =	shalt  }
0x46: {  	_ =	shalt  }
0x47: {  	_ =	shalt  }
0x48: {  	_ =	shalt  }
0x49: {  	_ =	shalt  }
0x4a: {  	_ =	shalt  }
0x4b: {  	_ =	shalt  }
0x4c: {  	_ =	shalt  }
0x4d: {  	_ =	shalt  }
0x4e: {  	_ =	shalt  }
0x4f: {  	_ =	shalt  }
0x50: {  	_ =	shalt  }
0x51: {  	_ =	shalt  }
0x52: {  	_ =	shalt  }
0x53: {  	_ =	shalt  }
0x54: {  	_ =	shalt  }
0x55: {  	_ =	shalt  }
0x56: {  	_ =	shalt  }
0x57: {  	_ =	shalt  }
0x58: {  	_ =	shalt  }
0x59: {  	_ =	shalt  }
0x5a: {  	_ =	shalt  }
0x5b: {  	_ =	shalt  }
0x5c: {  	_ =	shalt  }
0x5d: {  	_ =	shalt  }
0x5e: {  	_ =	shalt  }
0x5f: {  	_ =	shalt  }
0x60: {  	_ =	shalt  }
0x61: {  	_ =	shalt  }
0x62: {  	_ =	shalt  }
0x63: {  	_ =	shalt  }
0x64: {  	_ =	shalt  }
0x65: {  	_ =	shalt  }
0x66: {  	_ =	shalt  }
0x67: {  	_ =	shalt  }
0x68: {  	_ =	shalt  }
0x69: {  	_ =	shalt  }
0x6a: {  	_ =	shalt  }
0x6b: {  	_ =	shalt  }
0x6c: {  	_ =	shalt  }
0x6d: {  	_ =	shalt  }
0x6e: {  	_ =	shalt  }
0x6f: {  	_ =	shalt  }
0x70: {  	_ =	shalt  }
0x71: {  	_ =	shalt  }
0x72: {  	_ =	shalt  }
0x73: {  	_ =	shalt  }
0x74: {  	_ =	shalt  }
0x75: {  	_ =	shalt  }
0x76: {  	_ =	shalt  }
0x77: {  	_ =	shalt  }
0x78: {  	_ =	shalt  }
0x79: {  	_ =	shalt  }
0x7a: {  	_ =	shalt  }
0x7b: {  	_ =	shalt  }
0x7c: {  	_ =	shalt  }
0x7d: {  	_ =	shalt  }
0x7e: {  	_ =	shalt  }
0x7f: {  	_ =	shalt  }
0x80: {  	_ =	shalt  }
0x81: {  	_ =	shalt  }
0x82: {  	_ =	shalt  }
0x83: {  	_ =	shalt  }
0x84: {  	_ =	shalt  }
0x85: {  	_ =	shalt  }
0x86: {  	_ =	shalt  }
0x87: {  	_ =	shalt  }
.Lfunc_end0:
.L_simem_size_0:
called_computation_lowered:
.L_overlay_start_0:
0x88: {  	s2 =	sld [smem:$0x3FD9]  }
0x89: {  	s3 =	sld [smem:$0x3FFE];
	_ =	sdelay $0x1  }
0x8a: {  	s1 =	srdreg.scid  }
0x8b: {  	s0 =	sand.u32 $0x1, s1  }
0x8c: {  	s14 =	sshll.u32 s0, $0xA;
	s2 =	sadd.s32 s3, s2  }
0x8d: {  	s2 =	sadd.s32 s2, s14  }
0x8e: {  	[smem:$0x3FC2] =	sst s2  }
0x8f: {  	_ = 	snop  }
0x90: {  	s2 =	sld [smem:$0x3FD0];
	_ =	sdelay $0x2  }
0x91: {  	s15 =	simm.s32 $0xA;
	s4 =	simm.s32 $0x10  }
0x92: {  	[smem:s4], [sflag:s15] =	dma.local [hbm:s2], $0x1  }
0x93: {  	_ =	swait.eq [sflag:s15], $0x1  }
0x94: {  	[sflag:s15] =	ssyncset.done $0x0  }
0x95: {  	s16 =	sld [smem:$0x10];
	[sflag:s15] =	ssyncadd.s32 $0xFFFFFFFF  }
0x96: {  	s17 =	sld [smem:$0x11];
	(tm) =	ssettm $0x1  }
0x97: {  	s18 =	sld [smem:$0x3FFB];
	_ =	sdelay $0x3  }
0x98: {  	_ =	strace s18  }
0x99: {  	s4 =	sld [smem:$0x3FFC];
	_ =	sdelay $0x3  }
0x9a: {  	_ =	strace s4  }
0x9b: {  	s4 =	sld [smem:$0x3FFD];
	_ =	sdelay $0x3  }
0x9c: {  	_ =	strace s4  }
0x9d: {  	_ =	strace $0x8FFFFFFF  }
0x9e: {  	s19 =	sld [smem:$0x3FDB];
	_ =	sdelay $0x1  }
0x9f: {  	s5 =	simm.s32 $_scs_section_size  }
0xa0: {  	s6 =	simm.s32 $_size__tile_overlayer_lowered;
	s7 =	simm.s32 $_tile_overlayer_lowered  }
0xa1: {  	s22 =	simm.s32 $0x1BFF;
	s21 =	sshll.u32 s7, $0x1;
	s4 =	sadd.s32 s5, s19  }
0xa2: {  	s8 =	simm.s32 $0x0;
	s20 =	sshll.u32 s6, $0x1;
	s6 =	sadd.s32 s21, s4  }
0xa3: {  	[timem:s8], [sflag:s22] =	dma.local [hbm:s6], s20  }
0xa4: {  	_ =	swait.ge [sflag:s22], s20  }
0xa5: {  	s5 =	ssub.s32 $0x0, s20;
	[sflag:s22] =	ssyncset.done $0x0  }
0xa6: {  	[sflag:s22] =	ssyncadd.s32 s5;
	_ =	sdelay $0x1  }
0xa7: {  	s23 =	simm.s32 $0x1B8B  }
0xa8: {  	_ =	swait.ge [sflag:s23], $0x1  }
0xa9: {  	[sflag:s23] =	ssyncset.done $0x0  }
0xaa: {  	s25 =	simm.s32 $0x1B8E;
	s24 =	sld [smem:$0x3FFE];
	[sflag:s23] =	ssyncadd.s32 $0xFFFFFFFF  }
0xab: {  	s26 =	simm.s32 $execute0_lowered;
	[smem:$0x3FD2] =	sst s25  }
0xac: {  	s6 =	sshll.u32 s26, $0x1;
	_ =	strace $0x80000046;
	[dreg:$0x1] =	wrdreg $0xFFFFFFFF  }
0xad: {  	s28 =	simm.s32 $_size_execute0_lowered;
	s4 =	sadd.s32 s4, s6;
	[dreg:$0x0] =	wrdreg $0x0  }
0xae: {  	s6 =	sshll.u32 s28, $0x1;
	[dreg:$0x2] =	wrdreg s4  }
0xaf: {  	[dreg:$0x3] =	wrdreg s6  }
0xb0: {  	[dreg:$0x4] =	wrdreg $0xC0  }
0xb1: {  	_ =	task [dreg:s8], $0x5FFFF  }
0xb2: {  	[dreg:$0x1] =	wrdreg $0xFFFFFFFF  }
0xb3: {  	[dreg:$0x0] =	wrdreg $0x60  }
0xb4: {  	[dreg:$0x2] =	wrdreg s17  }
0xb5: {  	[dreg:$0x3] =	wrdreg s16  }
0xb6: {  	[dreg:$0x4] =	wrdreg s24  }
0xb7: {  	[dreg:$0x5] =	wrdreg $0x28800  }
0xb8: {  	[dreg:$0x6] =	wrdreg $0x9  }
0xb9: {  	_ =	task.clear_ibuf [dreg:s8], $0x7FFFF;
	_ =	strace $0x90000046  }
0xba: {  	s29 =	simm.s32 $0x9;
	_ =	strace $0x80000048  }
0xbb: {  	_ =	swait.ge [sflag:s29], $0x1  }
0xbc: {  	[sflag:s29] =	ssyncadd.s32 $0xFFFFFFFF  }
0xbd: {  	_ =	strace $0x90000048  }
0xbe: {  	_ =	sfence  }
0xbf: {  	s30 =	sld [smem:$0x0];
	_ =	sdelay $0x2  }
0xc0: {  	s31 =	sshll.u32 s1, $0xD;
	s1 =	sshrl.u32 s1, $0x2  }
0xc1: {  	s3 =	sand.u32 $0x4000, s31;
	s1 =	sadd.s32 s1, s30  }
0xc2: {  	s0 =	sor.u32 s3, s0;
	s1 =	sshll.u32 s1, $0x11  }
0xc3: {  	s0 =	sor.u32 s1, s0  }
0xc4: {  	s0 =	sadd.s32 $0x8F2B, s0  }
0xc5: {  	[sflag:s0] =	ssyncadd.remote.s32 $0x1  }
0xc6: {  	_ =	sfence.sel $0xFFFF  }
0xc7: {  	[dreg:$0x0] =	wrdreg $0xFFFFFFFF;
	(pc) =	sbr.abs _section_cstart, $3  }
0xc8: {  	[dreg:$0x1] =	wrdreg $0xFFFFFFFF  }
0xc9: {  	_ =	task.clear_ibuf [dreg:s8], $0x2FFFF;
	_ =	strace $0x9FFFFFFF  }
0xca: {  	(tm) =	ssettm $0x7FFFFFFF  }
0xcb: {  	_ =	shalt  }
tec
execute0_lowered:
.L_overlay_start_1:
0x0: {  	(tag) =	ssettag $0x1  }
0x1: {  	s7 =	rddreg [dreg:$0x0]  }
0x2: {  	s5 =	rddreg [dreg:$0x1]  }
0x3: {  	s6 =	rddreg [dreg:$0x2];
	s1 =	srdreg.scid  }
0x4: {  	s0 =	stileid.u32;
	s2 =	rddreg [dreg:$0x3];
	s3 =	simm.s32 $0x0  }
0x5: {  	s13 =	simm.s32 $0x20;
	s14 =	simm.s32 $0x2;
	s15 =	simm.s32 $0x2800  }
0x6: {  	s16 =	simm.s32 $0x80;
	s8 =	sand.u32 $0x1, s1;
	s1 =	rddreg [dreg:$0x4]  }
0x7: {  	s17 =	simm.s32 $0x0;
	s4 =	smul.u32 $0x500, s0;
	[smem:$0x7FF] =	sst s3  }
0x8: {  	s11 =	smul.u32 $0xA00, s0;
	s31 =	sshll.u32 s0, $0x6;
	s9 =	sshll.u32 s8, $0x7  }
0x9: {  	_ =	strace $0x80000047;
	s10 =	ssub.s32 $0x2, s8;
	s8 =	sshll.u32 s8, $0x4  }
0xa: {  	s9 =	sor.u32 s9, s4;
	s4 =	sadd.s32 $0x3200, s6;
	s29 =	sshrl.u32 s10, $0x1  }
0xb: {  	s8 =	sor.u32 s0, s8;
	s30 =	sshrl.u32 s11, $0x2;
	s9 =	sshrl.u32 s9, $0x3  }
0xc: {  	s10 =	ssub.s32 s10, s29;
	s8 =	smul.u32 $0x500, s8;
	s11 =	sadd.s32 s30, s2  }
0xd: {  	s12 =	sadd.s32 s9, s6;
	s5 =	sadd.s32 s5, s9;
	s6 =	sor.u32 $0x1C02, s31  }
0xe: {  	s9 =	smax.u32 s10, $0x1;
	s10 =	sshrl.u32 s11, $0x3;
	s11 =	simm.s32 $0x1  }
0xf: {  	s7 =	sadd.s32 s7, s8;
	s8 =	sadd.s32 $0x3800, s12;
	s12 =	simm.s32 $0x10  }
.LBB2_1:
0x10: {  	[spmem:s10@s12], [sflag:s6] =	dma.strided [hbm:s5@s13], $0x50, s11, $0x10   }
0x11: {  	_ =	swait.ge [sflag:s14], $0x50  }
0x12: {  	[sflag:s14] =	ssyncset.done $0x0  }
0x13: {  	[sflag:s14] =	ssyncadd.s32 $0xFFFFFFB0  }
0x14: {  	[tilespmem:s15], [sflag:$0x2] =	stream.linear.gather [hbm4b:s4+s3], $0x80, $0x38;
	[tilespmem:$0x2B00] =	vst v63  }
0x15: {  	_ =	swait.ge [sflag:s14], $0x80  }
0x16: {  	[sflag:s14] =	ssyncset.done $0x0  }
0x17: {  	[sflag:s14] =	ssyncadd.s32 $0xFFFFFF80  }
0x18: {  	[tilespmem:s3], [sflag:$0x2] =	stream.linear.gather [hbm4b:s7+s3], $0x2800, $0x38;
	[tilespmem:$0x2B00] =	vst v63  }
0x19: {  	_ =	swait.ge [sflag:s14], $0x2800  }
0x1a: {  	[sflag:s14] =	ssyncset.done $0x0  }
0x1b: {  	p0 =	por $0x1, $0x1;
	[sflag:s14] =	ssyncadd.s32 $0xFFFFD800  }
0x1c: {  	s20 =	simm.s32 @!p0 $0x1;
	[bflag:$0x0] =	sbarrier.arrive $0xFFFF  }
0x1d: {  	[spmem:s2] =	stream.indirect.scatter.add.f32 [tilespmem:s15], [sflag:$0x1], $0x1, s3, s16, $0xb8;
	[tilespmem:$0x2B00] =	vst v63  }
0x1e: {  	_ =	swait.ge @!p0 [sflag:s20], $0x80  }
0x1f: {  	s18 =	simm.s32 $0x1;
	s19 =	simm.s32 $0x0;
	[sflag:s20] =	ssyncset.done @!p0 $0x0  }
.LBB2_2:
0x20: {  	[sflag:s20] =	ssyncadd.s32 @!p0 $0xFFFFFF80  }
0x21: {  	s19 =	sadd.s32 $0x80, s19;
	s20 =	smov.u32 s18;
	s18 =	sadd.s32 $0x1, s18  }
0x22: {  	p1 =	sne.s32 s18, $0x50  }
0x23: {  	[spmem:s2] =	stream.indirect.scatter.add.f32 [tilespmem:s15], [sflag:$0x1], $0x1, s19, s16, $0xb8;
	[tilespmem:$0x2B00] =	vst v63  }
.Ltmp0:
0x24: {  	_ = 	snop;
	(pc) =	sbr.rel @p1 .LBB2_2-.Ltmp0, $4  }
0x25: {  	p0 =	slt.u32 s20, $0x8  }
0x26: {  	s20 =	simm.s32 @!p0 $0x1  }
0x27: {  	_ =	swait.ge @!p0 [sflag:s20], $0x80  }
0x28: {  	[sflag:s20] =	ssyncset.done @!p0 $0x0  }
0x29: {  	[sflag:s20] =	ssyncadd.s32 @!p0 $0xFFFFFF80  }
0x2a: {  	_ =	swait.ge [sflag:s11], $0x80  }
0x2b: {  	[sflag:s11] =	ssyncset.done $0x0  }
0x2c: {  	[sflag:s11] =	ssyncadd.s32 $0xFFFFFF80  }
0x2d: {  	_ =	swait.ge [sflag:s11], $0x80  }
0x2e: {  	[sflag:s11] =	ssyncset.done $0x0  }
0x2f: {  	[sflag:s11] =	ssyncadd.s32 $0xFFFFFF80  }
0x30: {  	_ =	swait.ge [sflag:s11], $0x80  }
0x31: {  	[sflag:s11] =	ssyncset.done $0x0  }
0x32: {  	[sflag:s11] =	ssyncadd.s32 $0xFFFFFF80  }
0x33: {  	_ =	swait.ge [sflag:s11], $0x80  }
0x34: {  	[sflag:s11] =	ssyncset.done $0x0  }
0x35: {  	[sflag:s11] =	ssyncadd.s32 $0xFFFFFF80  }
0x36: {  	_ =	swait.ge [sflag:s11], $0x80  }
0x37: {  	[sflag:s11] =	ssyncset.done $0x0  }
0x38: {  	[sflag:s11] =	ssyncadd.s32 $0xFFFFFF80  }
0x39: {  	_ =	swait.ge [sflag:s11], $0x80  }
0x3a: {  	[sflag:s11] =	ssyncset.done $0x0  }
0x3b: {  	[sflag:s11] =	ssyncadd.s32 $0xFFFFFF80  }
0x3c: {  	_ =	swait.ge [sflag:s11], $0x80  }
0x3d: {  	[sflag:s11] =	ssyncset.done $0x0  }
0x3e: {  	[sflag:s11] =	ssyncadd.s32 $0xFFFFFF80  }
0x3f: {  	_ =	swait.ge [sflag:s11], $0x80  }
0x40: {  	s17 =	sadd.s32 $0x1, s17;
	[sflag:s11] =	ssyncset.done $0x0  }
0x41: {  	p0 =	sne.s32 s17, s9;
	[sflag:s11] =	ssyncadd.s32 $0xFFFFFF80  }
.Ltmp1:
0x42: {  	[bflag:$0x0] =	sbarrier.arrive $0xFFFF;
	(pc) =	sbr.rel @p0 .LBB2_1-.Ltmp1, $4  }
0x43: {  	[hbm:s8@s13], [sflag:s6] =	dma.strided [spmem:s10@s12], $0x50, s11, $0x10   }
0x44: {  	_ =	swait.ge [sflag:s14], $0x50  }
0x45: {  	[sflag:s14] =	ssyncset.done $0x0  }
0x46: {  	[sflag:s14] =	ssyncadd.s32 $0xFFFFFFB0  }
0x47: {  	_ =	sfence.sel $0x180000  }
0x48: {  	[bflag:$0x0] =	sbarrier.arrive $0xFFFF  }
0x49: {  	p0 =	sne.s32 s0, $0x0;
	_ =	strace $0x90000047  }
0x4a: {  	s0 =	sadd.s32 @!p0 $0x100000, s1;
	[bflag:$0x2] =	sbarrier.arrive $0xFFFF  }
0x4b: {  	[sflag:s0] =	ssyncadd.tile.s32 @!p0 $0x1;
	_ =	shalt  }
.Lfunc_end2:
_tile_overlayer_lowered:
.L_overlay_start_2:
0x4c: {  	(tag) =	ssettag $0x2  }
0x4d: {  	s0 =	rddreg [dreg:$0x0];
	s2 =	stileid.u32  }
0x4e: {  	s1 =	rddreg [dreg:$0x1];
	p0 =	sne.s32 s2, $0x0  }
0x4f: {  	s3 =	rddreg [dreg:$0x2];
	[bflag:$0x3] =	sbarrier.arrive $0xFFFF;
	s2 =	simm.s32 @!p0 $0x1C02  }
0x50: {  	[timem:s3], [sflag:s2] =	dma.local @!p0 [hbm:s0], s1  }
0x51: {  	s0 =	simm.s32 @!p0 $0x2  }
0x52: {  	_ =	swait.ge @!p0 [sflag:s0], s1  }
0x53: {  	s1 =	ssub.s32 @!p0 $0x0, s1;
	[sflag:s0] =	ssyncset.done @!p0 $0x0  }
0x54: {  	[sflag:s0] =	ssyncadd.s32 @!p0 s1  }
0x55: {  	[bflag:$0x3] =	sbarrier.arrive $0xFFFF  }
0x56: {  	_ =	shalt  }

// kernel: kernel.15.cloned.1.call-start
scs
__scs_entry_jumppad:
0x0: {  	(pc) =	sbr.rel $0x88, $3  }
0x1: {  	(tag) =	ssettag $0x0;
	lr =	simm.s32 $0x1  }
0x2: {  	[smem:$0x3F9B] =	sst lr;
	_ =	strace $0xD0000000  }
0x3: {  	_ = 	snop  }
0x4: {  	_ = 	snop  }
0x5: {  	_ = 	snop  }
0x6: {  	_ = 	snop  }
0x7: {  	_ = 	snop  }
__scs_overlays_trampoline_lowered:
0x8: {  	[smem:$0x3FAA] =	sst s0  }
0x9: {  	[smem:$0x3FAB] =	sst s1  }
0xa: {  	[smem:$0x3FAC] =	sst s2  }
0xb: {  	[smem:$0x3FAD] =	sst s3  }
0xc: {  	[smem:$0x3FAE] =	sst s4  }
0xd: {  	[smem:$0x3FAF] =	sst s5  }
0xe: {  	[smem:$0x3FB0] =	sst s6  }
0xf: {  	[smem:$0x3FB1] =	sst s7  }
0x10: {  	[smem:$0x3FB2] =	sst s8  }
0x11: {  	[smem:$0x3FB3] =	sst s9;
	s0 =	simm.s32 @!p0 $0x0  }
0x12: {  	s1 =	sld [smem:$0x3F99];
	s0 =	simm.s32 @p0 $0x1  }
0x13: {  	[smem:$0x3FB4] =	sst s0;
	s0 =	simm.s32 @!p1 $0x0  }
0x14: {  	s2 =	sld [smem:$0x3F98];
	s0 =	simm.s32 @p1 $0x1  }
0x15: {  	[smem:$0x3FB5] =	sst s0;
	s0 =	simm.s32 @!p2 $0x0  }
0x16: {  	s3 =	sld [smem:$0x3FDB];
	s0 =	simm.s32 @p2 $0x1  }
0x17: {  	s4 =	simm.s32 $0x1BF5;
	[smem:$0x3FB7] =	sst s0  }
0x18: {  	s0 =	sld [smem:$0x3F9A];
	_ =	swait.ge [sflag:s4], $0x0  }
0x19: {  	s7 =	sld [smem:$0x3F9B]  }
0x1a: {  	s8 =	sadd.s32 $0xFFFFE003, lr  }
0x1b: {  	s9 =	sadd.s32 $0xFFFFFEF7, lr;
	s5 =	simm.s32 $0xFFFFFFFF;
	p2 =	slt.u32 s8, $0xFFFFF086  }
0x1c: {  	p1 =	slt.u32 s9, $0xF7A;
	s5 =	simm.s32 @!p2 $0x0  }
0x1d: {  	s5 =	simm.s32 @p1 $0x1;
	p0 =	seq.s32 s7, s2  }
0x1e: {  	s7 =	smul.u32 @!p0 $0xF7A, s2;
	p2 =	seq.s32 @!p0 s5, $0x0  }
0x1f: {  	s9 =	smul.u32 $0xF7A, s1;
	s8 =	simm.s32 @!p0 $0x1BF5;
	p2 =	por !p2, p0  }
0x20: {  	[sflag:s8] =	ssyncset.s32 @!p0 $0xFFFFF086;
	s6 =	sadd.s32 @!p0 s3, s7;
	s7 =	simm.s32 @!p0 $0x108  }
0x21: {  	s3 =	sadd.s32 s3, s9;
	s6 =	sadd.s32 @!p0 $0x88, s6;
	s7 =	simm.s32 @p2 $0x1082  }
0x22: {  	[simem:s7], [sflag:s8] =	dma.local @!p0 [hbm:s6], $0xF7A  }
0x23: {  	s9 =	sor.u32 $0xD0000000, s2;
	s6 =	simm.s32 $0x108;
	_ =	swait.ge @!p0 [sflag:s8], $0x0  }
0x24: {  	s3 =	sadd.s32 $0x88, s3;
	s6 =	simm.s32 @!p1 $0x1082;
	[sflag:s4] =	ssyncset.s32 $0xFFFFF086  }
0x25: {  	[simem:s6], [sflag:s4] =	dma.local [hbm:s3], $0xF7A  }
0x26: {  	[smem:$0x3F9B] =	sst s1;
	(tag) =	ssettag s2;
	_ =	strace s9  }
0x27: {  	s1 =	sld [smem:$0x3FAB]  }
0x28: {  	s2 =	sld [smem:$0x3FAC]  }
0x29: {  	s4 =	sld [smem:$0x3FAE]  }
0x2a: {  	p0 =	seq.s32 s5, $0x0;
	s5 =	sld [smem:$0x3FAF]  }
0x2b: {  	s6 =	sld [smem:$0x3FB0]  }
0x2c: {  	s7 =	sld [smem:$0x3FB1]  }
0x2d: {  	s3 =	simm.s32 $0x108;
	s8 =	sld [smem:$0x3FB2]  }
0x2e: {  	s3 =	simm.s32 @!p0 $0x1082;
	s9 =	sld [smem:$0x3FB3]  }
0x2f: {  	lr =	sadd.s32 s0, s3;
	s0 =	sld [smem:$0x3FAA]  }
0x30: {  	s3 =	sld [smem:$0x3FAD]  }
0x31: {  	[smem:$0x3FB6] =	sst s10  }
0x32: {  	s10 =	sld [smem:$0x3FB4];
	_ =	sdelay $0x3  }
0x33: {  	p0 =	seq.s32 s10, $0x1;
	s10 =	sld [smem:$0x3FB6];
	_ =	sdelay $0x3  }
0x34: {  	[smem:$0x3FB6] =	sst s10  }
0x35: {  	s10 =	sld [smem:$0x3FB5];
	_ =	sdelay $0x3  }
0x36: {  	p1 =	seq.s32 s10, $0x1;
	s10 =	sld [smem:$0x3FB6];
	_ =	sdelay $0x3  }
0x37: {  	[smem:$0x3FB6] =	sst s10  }
0x38: {  	s10 =	sld [smem:$0x3FB7]  }
0x39: {  	_ = 	snop;
	(pc) =	sbr.ind lr, $3  }
0x3a: {  	_ = 	snop  }
0x3b: {  	_ = 	snop  }
0x3c: {  	p2 =	seq.s32 s10, $0x1;
	s10 =	sld [smem:$0x3FB6]  }
0x3d: {  	_ =	shalt  }
0x3e: {  	_ =	shalt  }
0x3f: {  	_ =	shalt  }
0x40: {  	_ =	shalt  }
0x41: {  	_ =	shalt  }
0x42: {  	_ =	shalt  }
0x43: {  	_ =	shalt  }
0x44: {  	_ =	shalt  }
0x45: {  	_ =	shalt  }
0x46: {  	_ =	shalt  }
0x47: {  	_ =	shalt  }
0x48: {  	_ =	shalt  }
0x49: {  	_ =	shalt  }
0x4a: {  	_ =	shalt  }
0x4b: {  	_ =	shalt  }
0x4c: {  	_ =	shalt  }
0x4d: {  	_ =	shalt  }
0x4e: {  	_ =	shalt  }
0x4f: {  	_ =	shalt  }
0x50: {  	_ =	shalt  }
0x51: {  	_ =	shalt  }
0x52: {  	_ =	shalt  }
0x53: {  	_ =	shalt  }
0x54: {  	_ =	shalt  }
0x55: {  	_ =	shalt  }
0x56: {  	_ =	shalt  }
0x57: {  	_ =	shalt  }
0x58: {  	_ =	shalt  }
0x59: {  	_ =	shalt  }
0x5a: {  	_ =	shalt  }
0x5b: {  	_ =	shalt  }
0x5c: {  	_ =	shalt  }
0x5d: {  	_ =	shalt  }
0x5e: {  	_ =	shalt  }
0x5f: {  	_ =	shalt  }
0x60: {  	_ =	shalt  }
0x61: {  	_ =	shalt  }
0x62: {  	_ =	shalt  }
0x63: {  	_ =	shalt  }
0x64: {  	_ =	shalt  }
0x65: {  	_ =	shalt  }
0x66: {  	_ =	shalt  }
0x67: {  	_ =	shalt  }
0x68: {  	_ =	shalt  }
0x69: {  	_ =	shalt  }
0x6a: {  	_ =	shalt  }
0x6b: {  	_ =	shalt  }
0x6c: {  	_ =	shalt  }
0x6d: {  	_ =	shalt  }
0x6e: {  	_ =	shalt  }
0x6f: {  	_ =	shalt  }
0x70: {  	_ =	shalt  }
0x71: {  	_ =	shalt  }
0x72: {  	_ =	shalt  }
0x73: {  	_ =	shalt  }
0x74: {  	_ =	shalt  }
0x75: {  	_ =	shalt  }
0x76: {  	_ =	shalt  }
0x77: {  	_ =	shalt  }
0x78: {  	_ =	shalt  }
0x79: {  	_ =	shalt  }
0x7a: {  	_ =	shalt  }
0x7b: {  	_ =	shalt  }
0x7c: {  	_ =	shalt  }
0x7d: {  	_ =	shalt  }
0x7e: {  	_ =	shalt  }
0x7f: {  	_ =	shalt  }
0x80: {  	_ =	shalt  }
0x81: {  	_ =	shalt  }
0x82: {  	_ =	shalt  }
0x83: {  	_ =	shalt  }
0x84: {  	_ =	shalt  }
0x85: {  	_ =	shalt  }
0x86: {  	_ =	shalt  }
0x87: {  	_ =	shalt  }
.Lfunc_end0:
.L_simem_size_0:
called_computation.1_lowered:
.L_overlay_start_0:
0x88: {  	s2 =	sld [smem:$0x3FD9]  }
0x89: {  	s3 =	sld [smem:$0x3FFE];
	_ =	sdelay $0x1  }
0x8a: {  	s1 =	srdreg.scid  }
0x8b: {  	s0 =	sand.u32 $0x1, s1  }
0x8c: {  	s14 =	sshll.u32 s0, $0xA;
	s2 =	sadd.s32 s3, s2  }
0x8d: {  	s2 =	sadd.s32 s2, s14  }
0x8e: {  	[smem:$0x3FC2] =	sst s2  }
0x8f: {  	_ = 	snop  }
0x90: {  	s2 =	sld [smem:$0x3FD0];
	_ =	sdelay $0x2  }
0x91: {  	s15 =	simm.s32 $0xA;
	s4 =	simm.s32 $0x10  }
0x92: {  	[smem:s4], [sflag:s15] =	dma.local [hbm:s2], $0x1  }
0x93: {  	_ =	swait.eq [sflag:s15], $0x1  }
0x94: {  	[sflag:s15] =	ssyncset.done $0x0  }
0x95: {  	s16 =	sld [smem:$0x10];
	[sflag:s15] =	ssyncadd.s32 $0xFFFFFFFF  }
0x96: {  	s17 =	sld [smem:$0x11];
	(tm) =	ssettm $0x1  }
0x97: {  	s18 =	sld [smem:$0x3FFB];
	_ =	sdelay $0x3  }
0x98: {  	_ =	strace s18  }
0x99: {  	s4 =	sld [smem:$0x3FFC];
	_ =	sdelay $0x3  }
0x9a: {  	_ =	strace s4  }
0x9b: {  	s4 =	sld [smem:$0x3FFD];
	_ =	sdelay $0x3  }
0x9c: {  	_ =	strace s4  }
0x9d: {  	_ =	strace $0x8FFFFFFF  }
0x9e: {  	s19 =	sld [smem:$0x3FDB];
	_ =	sdelay $0x1  }
0x9f: {  	s5 =	simm.s32 $_scs_section_size  }
0xa0: {  	s6 =	simm.s32 $_size__tile_overlayer_lowered;
	s7 =	simm.s32 $_tile_overlayer_lowered  }
0xa1: {  	s22 =	simm.s32 $0x1BFF;
	s21 =	sshll.u32 s7, $0x1;
	s4 =	sadd.s32 s5, s19  }
0xa2: {  	s8 =	simm.s32 $0x0;
	s20 =	sshll.u32 s6, $0x1;
	s6 =	sadd.s32 s21, s4  }
0xa3: {  	[timem:s8], [sflag:s22] =	dma.local [hbm:s6], s20  }
0xa4: {  	_ =	swait.ge [sflag:s22], s20  }
0xa5: {  	s5 =	ssub.s32 $0x0, s20;
	[sflag:s22] =	ssyncset.done $0x0  }
0xa6: {  	[sflag:s22] =	ssyncadd.s32 s5;
	_ =	sdelay $0x1  }
0xa7: {  	s23 =	simm.s32 $0x1B8B  }
0xa8: {  	_ =	swait.ge [sflag:s23], $0x1  }
0xa9: {  	[sflag:s23] =	ssyncset.done $0x0  }
0xaa: {  	s25 =	simm.s32 $0x1B8E;
	s24 =	sld [smem:$0x3FFE];
	[sflag:s23] =	ssyncadd.s32 $0xFFFFFFFF  }
0xab: {  	s26 =	simm.s32 $execute0_lowered;
	[smem:$0x3FD2] =	sst s25  }
0xac: {  	s6 =	sshll.u32 s26, $0x1;
	_ =	strace $0x80000049;
	[dreg:$0x1] =	wrdreg $0xFFFFFFFF  }
0xad: {  	s28 =	simm.s32 $_size_execute0_lowered;
	s4 =	sadd.s32 s4, s6;
	[dreg:$0x0] =	wrdreg $0x0  }
0xae: {  	s6 =	sshll.u32 s28, $0x1;
	[dreg:$0x2] =	wrdreg s4  }
0xaf: {  	[dreg:$0x3] =	wrdreg s6  }
0xb0: {  	[dreg:$0x4] =	wrdreg $0xC0  }
0xb1: {  	_ =	task [dreg:s8], $0x5FFFF  }
0xb2: {  	[dreg:$0x1] =	wrdreg $0xFFFFFFFF  }
0xb3: {  	[dreg:$0x0] =	wrdreg $0x60  }
0xb4: {  	[dreg:$0x2] =	wrdreg s16  }
0xb5: {  	[dreg:$0x3] =	wrdreg s24  }
0xb6: {  	[dreg:$0x4] =	wrdreg s17  }
0xb7: {  	[dreg:$0x5] =	wrdreg $0x94000  }
0xb8: {  	[dreg:$0x6] =	wrdreg $0x9  }
0xb9: {  	_ =	task.clear_ibuf [dreg:s8], $0x7FFFF;
	_ =	strace $0x90000049  }
0xba: {  	s29 =	simm.s32 $0x9;
	_ =	strace $0x8000004B  }
0xbb: {  	_ =	swait.ge [sflag:s29], $0x1  }
0xbc: {  	[sflag:s29] =	ssyncadd.s32 $0xFFFFFFFF  }
0xbd: {  	_ =	strace $0x9000004B  }
0xbe: {  	_ =	sfence  }
0xbf: {  	s30 =	sld [smem:$0x0];
	_ =	sdelay $0x2  }
0xc0: {  	s31 =	sshll.u32 s1, $0xD;
	s1 =	sshrl.u32 s1, $0x2  }
0xc1: {  	s3 =	sand.u32 $0x4000, s31;
	s1 =	sadd.s32 s1, s30  }
0xc2: {  	s0 =	sor.u32 s3, s0;
	s1 =	sshll.u32 s1, $0x11  }
0xc3: {  	s0 =	sor.u32 s1, s0  }
0xc4: {  	s0 =	sadd.s32 $0x8F2B, s0  }
0xc5: {  	[sflag:s0] =	ssyncadd.remote.s32 $0x1  }
0xc6: {  	_ =	sfence.sel $0xFFFF  }
0xc7: {  	[dreg:$0x0] =	wrdreg $0xFFFFFFFF;
	(pc) =	sbr.abs _section_cstart, $3  }
0xc8: {  	[dreg:$0x1] =	wrdreg $0xFFFFFFFF  }
0xc9: {  	_ =	task.clear_ibuf [dreg:s8], $0x2FFFF;
	_ =	strace $0x9FFFFFFF  }
0xca: {  	(tm) =	ssettm $0x7FFFFFFF  }
0xcb: {  	_ =	shalt  }
tec
execute0_lowered:
.L_overlay_start_1:
0x0: {  	(tag) =	ssettag $0x1  }
0x1: {  	s1 =	rddreg [dreg:$0x0]  }
0x2: {  	s6 =	rddreg [dreg:$0x1]  }
0x3: {  	s0 =	srdreg.scid;
	s9 =	rddreg [dreg:$0x2]  }
0x4: {  	s3 =	rddreg [dreg:$0x3];
	s4 =	simm.s32 $0x0;
	s16 =	simm.s32 $0x40  }
0x5: {  	s17 =	simm.s32 $0x5400;
	s18 =	simm.s32 $0x80;
	s19 =	simm.s32 $0x7400  }
0x6: {  	s20 =	simm.s32 $0x1;
	s5 =	sand.u32 $0x1, s0;
	s0 =	stileid.u32  }
0x7: {  	s21 =	simm.s32 $0x2;
	s22 =	simm.s32 $0x3;
	s12 =	smul.u32 $0x50000, s0  }
0x8: {  	s23 =	simm.s32 $0x4;
	s24 =	simm.s32 $0x0;
	s28 =	smul.u32 $0x140000, s5  }
0x9: {  	[smem:$0x7FF] =	sst s4;
	s2 =	sshll.u32 s5, $0x4;
	s30 =	smul.u32 $0x14000, s0  }
0xa: {  	s10 =	sadd.s32 $0x2E200, s6;
	s15 =	smul.u32 $0x2800, s0;
	s7 =	sor.u32 s0, s2  }
0xb: {  	s11 =	ssub.s32 $0x2, s5;
	p0 =	seq.s32 s5, $0x1;
	s8 =	smul.u32 $0x5800, s7  }
0xc: {  	s31 =	sshll.u32 s0, $0x6;
	s26 =	sshrl.u32 s11, $0x1;
	s7 =	smul.u32 $0x5000, s7  }
0xd: {  	s2 =	rddreg [dreg:$0x4];
	_ =	strace $0x8000004A;
	s11 =	ssub.s32 s11, s26  }
0xe: {  	s29 =	sshrl.u32 s12, $0x2;
	s8 =	sshrl.u32 s8, $0x3;
	s7 =	sshrl.u32 s7, $0x3  }
0xf: {  	s12 =	sadd.s32 s30, s28;
	s8 =	sadd.s32 s8, s6;
	s13 =	sadd.s32 s7, s6  }
0x10: {  	s12 =	sshrl.u32 s12, $0x3;
	s5 =	sadd.s32 $0x18200, s8;
	s6 =	sadd.s32 $0x4200, s13  }
0x11: {  	s7 =	sadd.s32 $0x18780, s8;
	s8 =	sadd.s32 $0x4700, s13;
	s13 =	smov.u32 s1  }
0x12: {  	s14 =	sadd.s32 s29, s3;
	s9 =	sadd.s32 s9, s12;
	s13 =	smov.u32 @p0 s10  }
0x13: {  	s12 =	sor.u32 $0x1C05, s31;
	s10 =	smax.u32 s11, $0x1;
	s11 =	sadd.s32 s13, s15  }
0x14: {  	s13 =	sshrl.u32 s14, $0x3;
	s14 =	simm.s32 $0x5;
	s15 =	simm.s32 $0x2C00  }
.LBB2_1:
0x15: {  	[spmem:s13], [sflag:s12] =	dma.local [hbm:s11], $0x2800  }
0x16: {  	_ =	swait.ge [sflag:s14], $0x2800  }
0x17: {  	[sflag:s14] =	ssyncset.done $0x0  }
0x18: {  	[sflag:s14] =	ssyncadd.s32 $0xFFFFD800  }
0x19: {  	[tilespmem:s4], [sflag:$0x5] =	stream.linear.gather [hbm4b:s5+s4], $0x2900, $0x38;
	[tilespmem:$0x1D400] =	vst v63  }
0x1a: {  	_ =	swait.ge [sflag:s14], $0x2900  }
0x1b: {  	[sflag:s14] =	ssyncset.done $0x0  }
0x1c: {  	[sflag:s14] =	ssyncadd.s32 $0xFFFFD700  }
0x1d: {  	[tilespmem:s15], [sflag:$0x5] =	stream.linear.gather [hbm4b:s6+s4], $0x2800, $0x38;
	[tilespmem:$0x1D400] =	vst v63  }
0x1e: {  	_ =	swait.ge [sflag:s14], $0x2800  }
0x1f: {  	[sflag:s14] =	ssyncset.done $0x0  }
0x20: {  	[sflag:s14] =	ssyncadd.s32 $0xFFFFD800  }
0x21: {  	[tilespmem:s17], [sflag:$0x1] =	stream.indirect.gather [hbm4b:s1+s16], $0x80, s4, s16, $0xb8;
	[tilespmem:$0x1D400] =	vst v63  }
0x22: {  	_ = 	snop  }
0x23: {  	[tilespmem:s19], [sflag:$0x2] =	stream.indirect.gather [hbm4b:s1+s16], $0x80, s18, s16, $0xb8;
	[tilespmem:$0x1D400] =	vst v63  }
0x24: {  	[bflag:$0x0] =	sbarrier.arrive $0xFFFF  }
0x25: {  	_ =	swait.ge [sflag:s20], $0x2000  }
0x26: {  	[sflag:s20] =	ssyncset.done $0x0  }
0x27: {  	s25 =	simm.s32 $0x2C00;
	[sflag:s20] =	ssyncadd.s32 $0xFFFFE000  }
0x28: {  	[spmem:s3] =	stream.indirect.scatter.add.f32 [tilespmem:s17], [sflag:$0x3], $0x80, s25, s16, $0xb8;
	[tilespmem:$0x1D400] =	vst v63  }
0x29: {  	_ =	swait.ge [sflag:s21], $0x2000  }
0x2a: {  	[sflag:s21] =	ssyncset.done $0x0  }
0x2b: {  	s30 =	simm.s32 $0x2C80;
	[sflag:s21] =	ssyncadd.s32 $0xFFFFE000  }
0x2c: {  	[spmem:s3] =	stream.indirect.scatter.add.f32 [tilespmem:s19], [sflag:$0x4], $0x80, s30, s16, $0xb8;
	[tilespmem:$0x1D400] =	vst v63  }
0x2d: {  	_ =	swait.ge [sflag:s22], $0x2000  }
0x2e: {  	[sflag:s22] =	ssyncset.done $0x0  }
0x2f: {  	s31 =	simm.s32 $0x100;
	[sflag:s22] =	ssyncadd.s32 $0xFFFFE000  }
0x30: {  	[tilespmem:s17], [sflag:$0x1] =	stream.indirect.gather [hbm4b:s1+s16], $0x80, s31, s16, $0xb8;
	[tilespmem:$0x1D400] =	vst v63  }
0x31: {  	_ =	swait.ge [sflag:s23], $0x2000  }
0x32: {  	[sflag:s23] =	ssyncset.done $0x0  }
0x33: {  	s26 =	simm.s32 $0x180;
	s25 =	simm.s32 $0x400;
	[sflag:s23] =	ssyncadd.s32 $0xFFFFE000  }
.LBB2_2:
0x34: {  	[tilespmem:s19], [sflag:$0x2] =	stream.indirect.gather [hbm4b:s1+s16], $0x80, s26, s16, $0xb8;
	[tilespmem:$0x1D400] =	vst v63  }
0x35: {  	s26 =	smov.u32 s25  }
0x36: {  	p0 =	sne.s32 s25, $0x9C00;
	s25 =	sadd.s32 $0x400, s25;
	_ =	swait.ge [sflag:s20], $0x2000  }
0x37: {  	s26 =	sshra.s32 s26, $0x2;
	[sflag:s20] =	ssyncset.done $0x0  }
0x38: {  	s28 =	sadd.s32 $0x2C00, s26;
	[sflag:s20] =	ssyncadd.s32 $0xFFFFE000  }
0x39: {  	[spmem:s3] =	stream.indirect.scatter.add.f32 [tilespmem:s17], [sflag:$0x3], $0x80, s28, s16, $0xb8;
	[tilespmem:$0x1D400] =	vst v63  }
0x3a: {  	_ =	swait.ge [sflag:s21], $0x2000  }
0x3b: {  	[sflag:s21] =	ssyncset.done $0x0  }
0x3c: {  	s28 =	sadd.s32 $0x2C80, s26;
	[sflag:s21] =	ssyncadd.s32 $0xFFFFE000  }
0x3d: {  	[spmem:s3] =	stream.indirect.scatter.add.f32 [tilespmem:s19], [sflag:$0x4], $0x80, s28, s16, $0xb8;
	[tilespmem:$0x1D400] =	vst v63  }
0x3e: {  	_ =	swait.ge [sflag:s22], $0x2000  }
0x3f: {  	[sflag:s22] =	ssyncset.done $0x0  }
.Ltmp0:
0x40: {  	s28 =	sadd.s32 $0x100, s26;
	[sflag:s22] =	ssyncadd.s32 $0xFFFFE000;
	(pc) =	sbr.rel @p0 .LBB2_2-.Ltmp0, $4  }
0x41: {  	[tilespmem:s17], [sflag:$0x1] =	stream.indirect.gather [hbm4b:s1+s16], $0x80, s28, s16, $0xb8;
	[tilespmem:$0x1D400] =	vst v63  }
0x42: {  	_ =	swait.ge [sflag:s23], $0x2000  }
0x43: {  	[sflag:s23] =	ssyncset.done $0x0  }
0x44: {  	s26 =	sadd.s32 $0x180, s26;
	[sflag:s23] =	ssyncadd.s32 $0xFFFFE000  }
0x45: {  	[tilespmem:s19], [sflag:$0x2] =	stream.indirect.gather [hbm4b:s1+s16], $0x80, s26, s16, $0xb8;
	[tilespmem:$0x1D400] =	vst v63  }
0x46: {  	_ =	swait.ge [sflag:s20], $0x2000  }
0x47: {  	[sflag:s20] =	ssyncset.done $0x0  }
0x48: {  	[sflag:s20] =	ssyncadd.s32 $0xFFFFE000  }
0x49: {  	_ =	swait.ge [sflag:s21], $0x2000  }
0x4a: {  	[sflag:s21] =	ssyncset.done $0x0  }
0x4b: {  	s25 =	simm.s32 $0x0;
	[sflag:s21] =	ssyncadd.s32 $0xFFFFE000  }
0x4c: {  	[tilespmem:s25], [sflag:$0x5] =	stream.linear.gather [hbm4b:s7+s25], $0x2900, $0x38;
	[tilespmem:$0x1D400] =	vst v63  }
0x4d: {  	_ =	swait.ge [sflag:s14], $0x2900  }
0x4e: {  	[sflag:s14] =	ssyncset.done $0x0  }
0x4f: {  	[sflag:s14] =	ssyncadd.s32 $0xFFFFD700  }
0x50: {  	[tilespmem:s15], [sflag:$0x5] =	stream.linear.gather [hbm4b:s8+s25], $0x2800, $0x38;
	[tilespmem:$0x1D400] =	vst v63  }
0x51: {  	_ =	swait.ge [sflag:s14], $0x2800  }
0x52: {  	[sflag:s14] =	ssyncset.done $0x0  }
0x53: {  	[sflag:s14] =	ssyncadd.s32 $0xFFFFD800  }
0x54: {  	[tilespmem:s17], [sflag:$0x1] =	stream.indirect.gather [hbm4b:s1+s16], $0x80, s25, s16, $0xb8;
	[tilespmem:$0x1D400] =	vst v63  }
0x55: {  	_ = 	snop  }
0x56: {  	[tilespmem:s19], [sflag:$0x2] =	stream.indirect.gather [hbm4b:s1+s16], $0x80, s18, s16, $0xb8;
	[tilespmem:$0x1D400] =	vst v63  }
0x57: {  	_ =	swait.ge [sflag:s20], $0x2000  }
0x58: {  	[sflag:s20] =	ssyncset.done $0x0  }
0x59: {  	s29 =	simm.s32 $0x2C00;
	[sflag:s20] =	ssyncadd.s32 $0xFFFFE000  }
0x5a: {  	[spmem:s3] =	stream.indirect.scatter.add.f32 [tilespmem:s17], [sflag:$0x3], $0x80, s29, s16, $0xb8;
	[tilespmem:$0x1D400] =	vst v63  }
0x5b: {  	_ =	swait.ge [sflag:s21], $0x2000  }
0x5c: {  	[sflag:s21] =	ssyncset.done $0x0  }
0x5d: {  	s30 =	simm.s32 $0x2C80;
	[sflag:s21] =	ssyncadd.s32 $0xFFFFE000  }
0x5e: {  	[spmem:s3] =	stream.indirect.scatter.add.f32 [tilespmem:s19], [sflag:$0x4], $0x80, s30, s16, $0xb8;
	[tilespmem:$0x1D400] =	vst v63  }
0x5f: {  	_ =	swait.ge [sflag:s22], $0x2000  }
0x60: {  	[sflag:s22] =	ssyncset.done $0x0  }
0x61: {  	s31 =	simm.s32 $0x100;
	[sflag:s22] =	ssyncadd.s32 $0xFFFFE000  }
0x62: {  	[tilespmem:s17], [sflag:$0x1] =	stream.indirect.gather [hbm4b:s1+s16], $0x80, s31, s16, $0xb8;
	[tilespmem:$0x1D400] =	vst v63  }
0x63: {  	_ =	swait.ge [sflag:s23], $0x2000  }
0x64: {  	[sflag:s23] =	ssyncset.done $0x0  }
0x65: {  	s26 =	simm.s32 $0x180;
	s25 =	simm.s32 $0x400;
	[sflag:s23] =	ssyncadd.s32 $0xFFFFE000  }
.LBB2_4:
0x66: {  	[tilespmem:s19], [sflag:$0x2] =	stream.indirect.gather [hbm4b:s1+s16], $0x80, s26, s16, $0xb8;
	[tilespmem:$0x1D400] =	vst v63  }
0x67: {  	s26 =	smov.u32 s25  }
0x68: {  	p0 =	sne.s32 s25, $0x9C00;
	s25 =	sadd.s32 $0x400, s25;
	_ =	swait.ge [sflag:s20], $0x2000  }
0x69: {  	s26 =	sshra.s32 s26, $0x2;
	[sflag:s20] =	ssyncset.done $0x0  }
0x6a: {  	s28 =	sadd.s32 $0x2C00, s26;
	[sflag:s20] =	ssyncadd.s32 $0xFFFFE000  }
0x6b: {  	[spmem:s3] =	stream.indirect.scatter.add.f32 [tilespmem:s17], [sflag:$0x3], $0x80, s28, s16, $0xb8;
	[tilespmem:$0x1D400] =	vst v63  }
0x6c: {  	_ =	swait.ge [sflag:s21], $0x2000  }
0x6d: {  	[sflag:s21] =	ssyncset.done $0x0  }
0x6e: {  	s28 =	sadd.s32 $0x2C80, s26;
	[sflag:s21] =	ssyncadd.s32 $0xFFFFE000  }
0x6f: {  	[spmem:s3] =	stream.indirect.scatter.add.f32 [tilespmem:s19], [sflag:$0x4], $0x80, s28, s16, $0xb8;
	[tilespmem:$0x1D400] =	vst v63  }
0x70: {  	_ =	swait.ge [sflag:s22], $0x2000  }
0x71: {  	[sflag:s22] =	ssyncset.done $0x0  }
.Ltmp1:
0x72: {  	s28 =	sadd.s32 $0x100, s26;
	[sflag:s22] =	ssyncadd.s32 $0xFFFFE000;
	(pc) =	sbr.rel @p0 .LBB2_4-.Ltmp1, $4  }
0x73: {  	[tilespmem:s17], [sflag:$0x1] =	stream.indirect.gather [hbm4b:s1+s16], $0x80, s28, s16, $0xb8;
	[tilespmem:$0x1D400] =	vst v63  }
0x74: {  	_ =	swait.ge [sflag:s23], $0x2000  }
0x75: {  	[sflag:s23] =	ssyncset.done $0x0  }
0x76: {  	s26 =	sadd.s32 $0x180, s26;
	[sflag:s23] =	ssyncadd.s32 $0xFFFFE000  }
0x77: {  	[tilespmem:s19], [sflag:$0x2] =	stream.indirect.gather [hbm4b:s1+s16], $0x80, s26, s16, $0xb8;
	[tilespmem:$0x1D400] =	vst v63  }
0x78: {  	_ =	swait.ge [sflag:s20], $0x2000  }
0x79: {  	[sflag:s20] =	ssyncset.done $0x0  }
0x7a: {  	[sflag:s20] =	ssyncadd.s32 $0xFFFFE000  }
0x7b: {  	_ =	swait.ge [sflag:s21], $0x2000  }
0x7c: {  	s24 =	sadd.s32 $0x1, s24;
	[sflag:s21] =	ssyncset.done $0x0  }
0x7d: {  	p0 =	sne.s32 s24, s10;
	[sflag:s21] =	ssyncadd.s32 $0xFFFFE000  }
.Ltmp2:
0x7e: {  	[bflag:$0x0] =	sbarrier.arrive $0xFFFF;
	(pc) =	sbr.rel @p0 .LBB2_1-.Ltmp2, $4  }
0x7f: {  	[hbm:s9], [sflag:s12] =	dma.local [spmem:s13], $0x2800  }
0x80: {  	_ =	swait.ge [sflag:s14], $0x2800  }
0x81: {  	[sflag:s14] =	ssyncset.done $0x0  }
0x82: {  	[sflag:s14] =	ssyncadd.s32 $0xFFFFD800  }
0x83: {  	_ =	sfence.sel $0x180000  }
0x84: {  	[bflag:$0x0] =	sbarrier.arrive $0xFFFF  }
0x85: {  	p0 =	sne.s32 s0, $0x0;
	_ =	strace $0x9000004A  }
0x86: {  	s0 =	sadd.s32 @!p0 $0x100000, s2;
	[bflag:$0x2] =	sbarrier.arrive $0xFFFF  }
0x87: {  	[sflag:s0] =	ssyncadd.tile.s32 @!p0 $0x1;
	_ =	shalt  }
.Lfunc_end2:
_tile_overlayer_lowered:
.L_overlay_start_2:
0x88: {  	(tag) =	ssettag $0x2  }
0x89: {  	s0 =	rddreg [dreg:$0x0];
	s2 =	stileid.u32  }
0x8a: {  	s1 =	rddreg [dreg:$0x1];
	p0 =	sne.s32 s2, $0x0  }
0x8b: {  	s3 =	rddreg [dreg:$0x2];
	[bflag:$0x3] =	sbarrier.arrive $0xFFFF;
	s2 =	simm.s32 @!p0 $0x1C05  }
0x8c: {  	[timem:s3], [sflag:s2] =	dma.local @!p0 [hbm:s0], s1  }
0x8d: {  	s0 =	simm.s32 @!p0 $0x5  }
0x8e: {  	_ =	swait.ge @!p0 [sflag:s0], s1  }
0x8f: {  	s1 =	ssub.s32 @!p0 $0x0, s1;
	[sflag:s0] =	ssyncset.done @!p0 $0x0  }
0x90: {  	[sflag:s0] =	ssyncadd.s32 @!p0 s1  }
0x91: {  	[bflag:$0x3] =	sbarrier.arrive $0xFFFF  }
0x92: {  	_ =	shalt  }

// kernel: kernel.18.cloned.1.call-start
scs
__scs_entry_jumppad:
0x0: {  	(pc) =	sbr.rel $0x88, $3  }
0x1: {  	(tag) =	ssettag $0x0;
	lr =	simm.s32 $0x1  }
0x2: {  	[smem:$0x3F9B] =	sst lr;
	_ =	strace $0xD0000000  }
0x3: {  	_ = 	snop  }
0x4: {  	_ = 	snop  }
0x5: {  	_ = 	snop  }
0x6: {  	_ = 	snop  }
0x7: {  	_ = 	snop  }
__scs_overlays_trampoline_lowered:
0x8: {  	[smem:$0x3FAA] =	sst s0  }
0x9: {  	[smem:$0x3FAB] =	sst s1  }
0xa: {  	[smem:$0x3FAC] =	sst s2  }
0xb: {  	[smem:$0x3FAD] =	sst s3  }
0xc: {  	[smem:$0x3FAE] =	sst s4  }
0xd: {  	[smem:$0x3FAF] =	sst s5  }
0xe: {  	[smem:$0x3FB0] =	sst s6  }
0xf: {  	[smem:$0x3FB1] =	sst s7  }
0x10: {  	[smem:$0x3FB2] =	sst s8  }
0x11: {  	[smem:$0x3FB3] =	sst s9;
	s0 =	simm.s32 @!p0 $0x0  }
0x12: {  	s1 =	sld [smem:$0x3F99];
	s0 =	simm.s32 @p0 $0x1  }
0x13: {  	[smem:$0x3FB4] =	sst s0;
	s0 =	simm.s32 @!p1 $0x0  }
0x14: {  	s2 =	sld [smem:$0x3F98];
	s0 =	simm.s32 @p1 $0x1  }
0x15: {  	[smem:$0x3FB5] =	sst s0;
	s0 =	simm.s32 @!p2 $0x0  }
0x16: {  	s3 =	sld [smem:$0x3FDB];
	s0 =	simm.s32 @p2 $0x1  }
0x17: {  	s4 =	simm.s32 $0x1BF5;
	[smem:$0x3FB7] =	sst s0  }
0x18: {  	s0 =	sld [smem:$0x3F9A];
	_ =	swait.ge [sflag:s4], $0x0  }
0x19: {  	s7 =	sld [smem:$0x3F9B]  }
0x1a: {  	s8 =	sadd.s32 $0xFFFFE003, lr  }
0x1b: {  	s9 =	sadd.s32 $0xFFFFFEF7, lr;
	s5 =	simm.s32 $0xFFFFFFFF;
	p2 =	slt.u32 s8, $0xFFFFF086  }
0x1c: {  	p1 =	slt.u32 s9, $0xF7A;
	s5 =	simm.s32 @!p2 $0x0  }
0x1d: {  	s5 =	simm.s32 @p1 $0x1;
	p0 =	seq.s32 s7, s2  }
0x1e: {  	s7 =	smul.u32 @!p0 $0xF7A, s2;
	p2 =	seq.s32 @!p0 s5, $0x0  }
0x1f: {  	s9 =	smul.u32 $0xF7A, s1;
	s8 =	simm.s32 @!p0 $0x1BF5;
	p2 =	por !p2, p0  }
0x20: {  	[sflag:s8] =	ssyncset.s32 @!p0 $0xFFFFF086;
	s6 =	sadd.s32 @!p0 s3, s7;
	s7 =	simm.s32 @!p0 $0x108  }
0x21: {  	s3 =	sadd.s32 s3, s9;
	s6 =	sadd.s32 @!p0 $0x88, s6;
	s7 =	simm.s32 @p2 $0x1082  }
0x22: {  	[simem:s7], [sflag:s8] =	dma.local @!p0 [hbm:s6], $0xF7A  }
0x23: {  	s9 =	sor.u32 $0xD0000000, s2;
	s6 =	simm.s32 $0x108;
	_ =	swait.ge @!p0 [sflag:s8], $0x0  }
0x24: {  	s3 =	sadd.s32 $0x88, s3;
	s6 =	simm.s32 @!p1 $0x1082;
	[sflag:s4] =	ssyncset.s32 $0xFFFFF086  }
0x25: {  	[simem:s6], [sflag:s4] =	dma.local [hbm:s3], $0xF7A  }
0x26: {  	[smem:$0x3F9B] =	sst s1;
	(tag) =	ssettag s2;
	_ =	strace s9  }
0x27: {  	s1 =	sld [smem:$0x3FAB]  }
0x28: {  	s2 =	sld [smem:$0x3FAC]  }
0x29: {  	s4 =	sld [smem:$0x3FAE]  }
0x2a: {  	p0 =	seq.s32 s5, $0x0;
	s5 =	sld [smem:$0x3FAF]  }
0x2b: {  	s6 =	sld [smem:$0x3FB0]  }
0x2c: {  	s7 =	sld [smem:$0x3FB1]  }
0x2d: {  	s3 =	simm.s32 $0x108;
	s8 =	sld [smem:$0x3FB2]  }
0x2e: {  	s3 =	simm.s32 @!p0 $0x1082;
	s9 =	sld [smem:$0x3FB3]  }
0x2f: {  	lr =	sadd.s32 s0, s3;
	s0 =	sld [smem:$0x3FAA]  }
0x30: {  	s3 =	sld [smem:$0x3FAD]  }
0x31: {  	[smem:$0x3FB6] =	sst s10  }
0x32: {  	s10 =	sld [smem:$0x3FB4];
	_ =	sdelay $0x3  }
0x33: {  	p0 =	seq.s32 s10, $0x1;
	s10 =	sld [smem:$0x3FB6];
	_ =	sdelay $0x3  }
0x34: {  	[smem:$0x3FB6] =	sst s10  }
0x35: {  	s10 =	sld [smem:$0x3FB5];
	_ =	sdelay $0x3  }
0x36: {  	p1 =	seq.s32 s10, $0x1;
	s10 =	sld [smem:$0x3FB6];
	_ =	sdelay $0x3  }
0x37: {  	[smem:$0x3FB6] =	sst s10  }
0x38: {  	s10 =	sld [smem:$0x3FB7]  }
0x39: {  	_ = 	snop;
	(pc) =	sbr.ind lr, $3  }
0x3a: {  	_ = 	snop  }
0x3b: {  	_ = 	snop  }
0x3c: {  	p2 =	seq.s32 s10, $0x1;
	s10 =	sld [smem:$0x3FB6]  }
0x3d: {  	_ =	shalt  }
0x3e: {  	_ =	shalt  }
0x3f: {  	_ =	shalt  }
0x40: {  	_ =	shalt  }
0x41: {  	_ =	shalt  }
0x42: {  	_ =	shalt  }
0x43: {  	_ =	shalt  }
0x44: {  	_ =	shalt  }
0x45: {  	_ =	shalt  }
0x46: {  	_ =	shalt  }
0x47: {  	_ =	shalt  }
0x48: {  	_ =	shalt  }
0x49: {  	_ =	shalt  }
0x4a: {  	_ =	shalt  }
0x4b: {  	_ =	shalt  }
0x4c: {  	_ =	shalt  }
0x4d: {  	_ =	shalt  }
0x4e: {  	_ =	shalt  }
0x4f: {  	_ =	shalt  }
0x50: {  	_ =	shalt  }
0x51: {  	_ =	shalt  }
0x52: {  	_ =	shalt  }
0x53: {  	_ =	shalt  }
0x54: {  	_ =	shalt  }
0x55: {  	_ =	shalt  }
0x56: {  	_ =	shalt  }
0x57: {  	_ =	shalt  }
0x58: {  	_ =	shalt  }
0x59: {  	_ =	shalt  }
0x5a: {  	_ =	shalt  }
0x5b: {  	_ =	shalt  }
0x5c: {  	_ =	shalt  }
0x5d: {  	_ =	shalt  }
0x5e: {  	_ =	shalt  }
0x5f: {  	_ =	shalt  }
0x60: {  	_ =	shalt  }
0x61: {  	_ =	shalt  }
0x62: {  	_ =	shalt  }
0x63: {  	_ =	shalt  }
0x64: {  	_ =	shalt  }
0x65: {  	_ =	shalt  }
0x66: {  	_ =	shalt  }
0x67: {  	_ =	shalt  }
0x68: {  	_ =	shalt  }
0x69: {  	_ =	shalt  }
0x6a: {  	_ =	shalt  }
0x6b: {  	_ =	shalt  }
0x6c: {  	_ =	shalt  }
0x6d: {  	_ =	shalt  }
0x6e: {  	_ =	shalt  }
0x6f: {  	_ =	shalt  }
0x70: {  	_ =	shalt  }
0x71: {  	_ =	shalt  }
0x72: {  	_ =	shalt  }
0x73: {  	_ =	shalt  }
0x74: {  	_ =	shalt  }
0x75: {  	_ =	shalt  }
0x76: {  	_ =	shalt  }
0x77: {  	_ =	shalt  }
0x78: {  	_ =	shalt  }
0x79: {  	_ =	shalt  }
0x7a: {  	_ =	shalt  }
0x7b: {  	_ =	shalt  }
0x7c: {  	_ =	shalt  }
0x7d: {  	_ =	shalt  }
0x7e: {  	_ =	shalt  }
0x7f: {  	_ =	shalt  }
0x80: {  	_ =	shalt  }
0x81: {  	_ =	shalt  }
0x82: {  	_ =	shalt  }
0x83: {  	_ =	shalt  }
0x84: {  	_ =	shalt  }
0x85: {  	_ =	shalt  }
0x86: {  	_ =	shalt  }
0x87: {  	_ =	shalt  }
.Lfunc_end0:
.L_simem_size_0:
called_computation.2_lowered:
.L_overlay_start_0:
0x88: {  	s2 =	sld [smem:$0x3FD9]  }
0x89: {  	s3 =	sld [smem:$0x3FFE];
	_ =	sdelay $0x1  }
0x8a: {  	s1 =	srdreg.scid  }
0x8b: {  	s0 =	sand.u32 $0x1, s1  }
0x8c: {  	s14 =	sshll.u32 s0, $0xA;
	s2 =	sadd.s32 s3, s2  }
0x8d: {  	s2 =	sadd.s32 s2, s14  }
0x8e: {  	[smem:$0x3FC2] =	sst s2  }
0x8f: {  	_ = 	snop  }
0x90: {  	s2 =	sld [smem:$0x3FD0];
	_ =	sdelay $0x2  }
0x91: {  	s15 =	simm.s32 $0xA;
	s4 =	simm.s32 $0x10  }
0x92: {  	[smem:s4], [sflag:s15] =	dma.local [hbm:s2], $0x1  }
0x93: {  	_ =	swait.eq [sflag:s15], $0x1  }
0x94: {  	[sflag:s15] =	ssyncset.done $0x0  }
0x95: {  	s16 =	sld [smem:$0x10];
	[sflag:s15] =	ssyncadd.s32 $0xFFFFFFFF  }
0x96: {  	s17 =	sld [smem:$0x11];
	(tm) =	ssettm $0x1  }
0x97: {  	s18 =	sld [smem:$0x3FFB];
	_ =	sdelay $0x3  }
0x98: {  	_ =	strace s18  }
0x99: {  	s4 =	sld [smem:$0x3FFC];
	_ =	sdelay $0x3  }
0x9a: {  	_ =	strace s4  }
0x9b: {  	s4 =	sld [smem:$0x3FFD];
	_ =	sdelay $0x3  }
0x9c: {  	_ =	strace s4  }
0x9d: {  	_ =	strace $0x8FFFFFFF  }
0x9e: {  	s19 =	sld [smem:$0x3FDB];
	_ =	sdelay $0x1  }
0x9f: {  	s5 =	simm.s32 $_scs_section_size  }
0xa0: {  	s6 =	simm.s32 $_size__tile_overlayer_lowered;
	s7 =	simm.s32 $_tile_overlayer_lowered  }
0xa1: {  	s22 =	simm.s32 $0x1BFF;
	s21 =	sshll.u32 s7, $0x1;
	s4 =	sadd.s32 s5, s19  }
0xa2: {  	s8 =	simm.s32 $0x0;
	s20 =	sshll.u32 s6, $0x1;
	s6 =	sadd.s32 s21, s4  }
0xa3: {  	[timem:s8], [sflag:s22] =	dma.local [hbm:s6], s20  }
0xa4: {  	_ =	swait.ge [sflag:s22], s20  }
0xa5: {  	s5 =	ssub.s32 $0x0, s20;
	[sflag:s22] =	ssyncset.done $0x0  }
0xa6: {  	[sflag:s22] =	ssyncadd.s32 s5;
	_ =	sdelay $0x1  }
0xa7: {  	s23 =	simm.s32 $0x1B8B  }
0xa8: {  	_ =	swait.ge [sflag:s23], $0x1  }
0xa9: {  	[sflag:s23] =	ssyncset.done $0x0  }
0xaa: {  	s25 =	simm.s32 $0x1B8E;
	s24 =	sld [smem:$0x3FFE];
	[sflag:s23] =	ssyncadd.s32 $0xFFFFFFFF  }
0xab: {  	s26 =	simm.s32 $execute0_lowered;
	[smem:$0x3FD2] =	sst s25  }
0xac: {  	s6 =	sshll.u32 s26, $0x1;
	_ =	strace $0x8000004C;
	[dreg:$0x1] =	wrdreg $0xFFFFFFFF  }
0xad: {  	s28 =	simm.s32 $_size_execute0_lowered;
	s4 =	sadd.s32 s4, s6;
	[dreg:$0x0] =	wrdreg $0x0  }
0xae: {  	s6 =	sshll.u32 s28, $0x1;
	[dreg:$0x2] =	wrdreg s4  }
0xaf: {  	[dreg:$0x3] =	wrdreg s6  }
0xb0: {  	[dreg:$0x4] =	wrdreg $0xC0  }
0xb1: {  	_ =	task [dreg:s8], $0x5FFFF  }
0xb2: {  	[dreg:$0x1] =	wrdreg $0xFFFFFFFF  }
0xb3: {  	[dreg:$0x0] =	wrdreg $0x60  }
0xb4: {  	[dreg:$0x2] =	wrdreg s16  }
0xb5: {  	[dreg:$0x3] =	wrdreg s24  }
0xb6: {  	[dreg:$0x4] =	wrdreg s17  }
0xb7: {  	[dreg:$0x5] =	wrdreg $0x94000  }
0xb8: {  	[dreg:$0x6] =	wrdreg $0x9  }
0xb9: {  	_ =	task.clear_ibuf [dreg:s8], $0x7FFFF;
	_ =	strace $0x9000004C  }
0xba: {  	s29 =	simm.s32 $0x9;
	_ =	strace $0x8000004E  }
0xbb: {  	_ =	swait.ge [sflag:s29], $0x1  }
0xbc: {  	[sflag:s29] =	ssyncadd.s32 $0xFFFFFFFF  }
0xbd: {  	_ =	strace $0x9000004E  }
0xbe: {  	_ =	sfence  }
0xbf: {  	s30 =	sld [smem:$0x0];
	_ =	sdelay $0x2  }
0xc0: {  	s31 =	sshll.u32 s1, $0xD;
	s1 =	sshrl.u32 s1, $0x2  }
0xc1: {  	s3 =	sand.u32 $0x4000, s31;
	s1 =	sadd.s32 s1, s30  }
0xc2: {  	s0 =	sor.u32 s3, s0;
	s1 =	sshll.u32 s1, $0x11  }
0xc3: {  	s0 =	sor.u32 s1, s0  }
0xc4: {  	s0 =	sadd.s32 $0x8F2B, s0  }
0xc5: {  	[sflag:s0] =	ssyncadd.remote.s32 $0x1  }
0xc6: {  	_ =	sfence.sel $0xFFFF  }
0xc7: {  	[dreg:$0x0] =	wrdreg $0xFFFFFFFF;
	(pc) =	sbr.abs _section_cstart, $3  }
0xc8: {  	[dreg:$0x1] =	wrdreg $0xFFFFFFFF  }
0xc9: {  	_ =	task.clear_ibuf [dreg:s8], $0x2FFFF;
	_ =	strace $0x9FFFFFFF  }
0xca: {  	(tm) =	ssettm $0x7FFFFFFF  }
0xcb: {  	_ =	shalt  }
tec
execute0_lowered:
.L_overlay_start_1:
0x0: {  	(tag) =	ssettag $0x1  }
0x1: {  	s1 =	rddreg [dreg:$0x0]  }
0x2: {  	s6 =	rddreg [dreg:$0x1]  }
0x3: {  	s0 =	srdreg.scid;
	s9 =	rddreg [dreg:$0x2]  }
0x4: {  	s3 =	rddreg [dreg:$0x3];
	s4 =	simm.s32 $0x0;
	s16 =	simm.s32 $0x40  }
0x5: {  	s17 =	simm.s32 $0x5400;
	s18 =	simm.s32 $0x80;
	s19 =	simm.s32 $0x7400  }
0x6: {  	s20 =	simm.s32 $0x1;
	s5 =	sand.u32 $0x1, s0;
	s0 =	stileid.u32  }
0x7: {  	s21 =	simm.s32 $0x2;
	s22 =	simm.s32 $0x3;
	s12 =	smul.u32 $0x50000, s0  }
0x8: {  	s23 =	simm.s32 $0x4;
	s24 =	simm.s32 $0x0;
	s28 =	smul.u32 $0x140000, s5  }
0x9: {  	[smem:$0x7FF] =	sst s4;
	s2 =	sshll.u32 s5, $0x4;
	s30 =	smul.u32 $0x14000, s0  }
0xa: {  	s10 =	sadd.s32 $0x2E200, s6;
	s15 =	smul.u32 $0x2800, s0;
	s7 =	sor.u32 s0, s2  }
0xb: {  	s11 =	ssub.s32 $0x2, s5;
	p0 =	seq.s32 s5, $0x1;
	s8 =	smul.u32 $0x5800, s7  }
0xc: {  	s31 =	sshll.u32 s0, $0x6;
	s26 =	sshrl.u32 s11, $0x1;
	s7 =	smul.u32 $0x5000, s7  }
0xd: {  	s2 =	rddreg [dreg:$0x4];
	_ =	strace $0x8000004D;
	s11 =	ssub.s32 s11, s26  }
0xe: {  	s29 =	sshrl.u32 s12, $0x2;
	s8 =	sshrl.u32 s8, $0x3;
	s7 =	sshrl.u32 s7, $0x3  }
0xf: {  	s12 =	sadd.s32 s30, s28;
	s8 =	sadd.s32 s8, s6;
	s13 =	sadd.s32 s7, s6  }
0x10: {  	s12 =	sshrl.u32 s12, $0x3;
	s5 =	sadd.s32 $0x18200, s8;
	s6 =	sadd.s32 $0x4200, s13  }
0x11: {  	s7 =	sadd.s32 $0x18780, s8;
	s8 =	sadd.s32 $0x4700, s13;
	s13 =	smov.u32 s1  }
0x12: {  	s14 =	sadd.s32 s29, s3;
	s9 =	sadd.s32 s9, s12;
	s13 =	smov.u32 @p0 s10  }
0x13: {  	s12 =	sor.u32 $0x1C05, s31;
	s10 =	smax.u32 s11, $0x1;
	s11 =	sadd.s32 s13, s15  }
0x14: {  	s13 =	sshrl.u32 s14, $0x3;
	s14 =	simm.s32 $0x5;
	s15 =	simm.s32 $0x2C00  }
.LBB2_1:
0x15: {  	[spmem:s13], [sflag:s12] =	dma.local [hbm:s11], $0x2800  }
0x16: {  	_ =	swait.ge [sflag:s14], $0x2800  }
0x17: {  	[sflag:s14] =	ssyncset.done $0x0  }
0x18: {  	[sflag:s14] =	ssyncadd.s32 $0xFFFFD800  }
0x19: {  	[tilespmem:s4], [sflag:$0x5] =	stream.linear.gather [hbm4b:s5+s4], $0x2900, $0x38;
	[tilespmem:$0x1D400] =	vst v63  }
0x1a: {  	_ =	swait.ge [sflag:s14], $0x2900  }
0x1b: {  	[sflag:s14] =	ssyncset.done $0x0  }
0x1c: {  	[sflag:s14] =	ssyncadd.s32 $0xFFFFD700  }
0x1d: {  	[tilespmem:s15], [sflag:$0x5] =	stream.linear.gather [hbm4b:s6+s4], $0x2800, $0x38;
	[tilespmem:$0x1D400] =	vst v63  }
0x1e: {  	_ =	swait.ge [sflag:s14], $0x2800  }
0x1f: {  	[sflag:s14] =	ssyncset.done $0x0  }
0x20: {  	[sflag:s14] =	ssyncadd.s32 $0xFFFFD800  }
0x21: {  	[tilespmem:s17], [sflag:$0x1] =	stream.indirect.gather [hbm4b:s1+s16], $0x80, s4, s16, $0xb8;
	[tilespmem:$0x1D400] =	vst v63  }
0x22: {  	_ = 	snop  }
0x23: {  	[tilespmem:s19], [sflag:$0x2] =	stream.indirect.gather [hbm4b:s1+s16], $0x80, s18, s16, $0xb8;
	[tilespmem:$0x1D400] =	vst v63  }
0x24: {  	[bflag:$0x0] =	sbarrier.arrive $0xFFFF  }
0x25: {  	_ =	swait.ge [sflag:s20], $0x2000  }
0x26: {  	[sflag:s20] =	ssyncset.done $0x0  }
0x27: {  	s25 =	simm.s32 $0x2C00;
	[sflag:s20] =	ssyncadd.s32 $0xFFFFE000  }
0x28: {  	[spmem:s3] =	stream.indirect.scatter.add.f32 [tilespmem:s17], [sflag:$0x3], $0x80, s25, s16, $0xb8;
	[tilespmem:$0x1D400] =	vst v63  }
0x29: {  	_ =	swait.ge [sflag:s21], $0x2000  }
0x2a: {  	[sflag:s21] =	ssyncset.done $0x0  }
0x2b: {  	s30 =	simm.s32 $0x2C80;
	[sflag:s21] =	ssyncadd.s32 $0xFFFFE000  }
0x2c: {  	[spmem:s3] =	stream.indirect.scatter.add.f32 [tilespmem:s19], [sflag:$0x4], $0x80, s30, s16, $0xb8;
	[tilespmem:$0x1D400] =	vst v63  }
0x2d: {  	_ =	swait.ge [sflag:s22], $0x2000  }
0x2e: {  	[sflag:s22] =	ssyncset.done $0x0  }
0x2f: {  	s31 =	simm.s32 $0x100;
	[sflag:s22] =	ssyncadd.s32 $0xFFFFE000  }
0x30: {  	[tilespmem:s17], [sflag:$0x1] =	stream.indirect.gather [hbm4b:s1+s16], $0x80, s31, s16, $0xb8;
	[tilespmem:$0x1D400] =	vst v63  }
0x31: {  	_ =	swait.ge [sflag:s23], $0x2000  }
0x32: {  	[sflag:s23] =	ssyncset.done $0x0  }
0x33: {  	s26 =	simm.s32 $0x180;
	s25 =	simm.s32 $0x400;
	[sflag:s23] =	ssyncadd.s32 $0xFFFFE000  }
.LBB2_2:
0x34: {  	[tilespmem:s19], [sflag:$0x2] =	stream.indirect.gather [hbm4b:s1+s16], $0x80, s26, s16, $0xb8;
	[tilespmem:$0x1D400] =	vst v63  }
0x35: {  	s26 =	smov.u32 s25  }
0x36: {  	p0 =	sne.s32 s25, $0x9C00;
	s25 =	sadd.s32 $0x400, s25;
	_ =	swait.ge [sflag:s20], $0x2000  }
0x37: {  	s26 =	sshra.s32 s26, $0x2;
	[sflag:s20] =	ssyncset.done $0x0  }
0x38: {  	s28 =	sadd.s32 $0x2C00, s26;
	[sflag:s20] =	ssyncadd.s32 $0xFFFFE000  }
0x39: {  	[spmem:s3] =	stream.indirect.scatter.add.f32 [tilespmem:s17], [sflag:$0x3], $0x80, s28, s16, $0xb8;
	[tilespmem:$0x1D400] =	vst v63  }
0x3a: {  	_ =	swait.ge [sflag:s21], $0x2000  }
0x3b: {  	[sflag:s21] =	ssyncset.done $0x0  }
0x3c: {  	s28 =	sadd.s32 $0x2C80, s26;
	[sflag:s21] =	ssyncadd.s32 $0xFFFFE000  }
0x3d: {  	[spmem:s3] =	stream.indirect.scatter.add.f32 [tilespmem:s19], [sflag:$0x4], $0x80, s28, s16, $0xb8;
	[tilespmem:$0x1D400] =	vst v63  }
0x3e: {  	_ =	swait.ge [sflag:s22], $0x2000  }
0x3f: {  	[sflag:s22] =	ssyncset.done $0x0  }
.Ltmp0:
0x40: {  	s28 =	sadd.s32 $0x100, s26;
	[sflag:s22] =	ssyncadd.s32 $0xFFFFE000;
	(pc) =	sbr.rel @p0 .LBB2_2-.Ltmp0, $4  }
0x41: {  	[tilespmem:s17], [sflag:$0x1] =	stream.indirect.gather [hbm4b:s1+s16], $0x80, s28, s16, $0xb8;
	[tilespmem:$0x1D400] =	vst v63  }
0x42: {  	_ =	swait.ge [sflag:s23], $0x2000  }
0x43: {  	[sflag:s23] =	ssyncset.done $0x0  }
0x44: {  	s26 =	sadd.s32 $0x180, s26;
	[sflag:s23] =	ssyncadd.s32 $0xFFFFE000  }
0x45: {  	[tilespmem:s19], [sflag:$0x2] =	stream.indirect.gather [hbm4b:s1+s16], $0x80, s26, s16, $0xb8;
	[tilespmem:$0x1D400] =	vst v63  }
0x46: {  	_ =	swait.ge [sflag:s20], $0x2000  }
0x47: {  	[sflag:s20] =	ssyncset.done $0x0  }
0x48: {  	[sflag:s20] =	ssyncadd.s32 $0xFFFFE000  }
0x49: {  	_ =	swait.ge [sflag:s21], $0x2000  }
0x4a: {  	[sflag:s21] =	ssyncset.done $0x0  }
0x4b: {  	s25 =	simm.s32 $0x0;
	[sflag:s21] =	ssyncadd.s32 $0xFFFFE000  }
0x4c: {  	[tilespmem:s25], [sflag:$0x5] =	stream.linear.gather [hbm4b:s7+s25], $0x2900, $0x38;
	[tilespmem:$0x1D400] =	vst v63  }
0x4d: {  	_ =	swait.ge [sflag:s14], $0x2900  }
0x4e: {  	[sflag:s14] =	ssyncset.done $0x0  }
0x4f: {  	[sflag:s14] =	ssyncadd.s32 $0xFFFFD700  }
0x50: {  	[tilespmem:s15], [sflag:$0x5] =	stream.linear.gather [hbm4b:s8+s25], $0x2800, $0x38;
	[tilespmem:$0x1D400] =	vst v63  }
0x51: {  	_ =	swait.ge [sflag:s14], $0x2800  }
0x52: {  	[sflag:s14] =	ssyncset.done $0x0  }
0x53: {  	[sflag:s14] =	ssyncadd.s32 $0xFFFFD800  }
0x54: {  	[tilespmem:s17], [sflag:$0x1] =	stream.indirect.gather [hbm4b:s1+s16], $0x80, s25, s16, $0xb8;
	[tilespmem:$0x1D400] =	vst v63  }
0x55: {  	_ = 	snop  }
0x56: {  	[tilespmem:s19], [sflag:$0x2] =	stream.indirect.gather [hbm4b:s1+s16], $0x80, s18, s16, $0xb8;
	[tilespmem:$0x1D400] =	vst v63  }
0x57: {  	_ =	swait.ge [sflag:s20], $0x2000  }
0x58: {  	[sflag:s20] =	ssyncset.done $0x0  }
0x59: {  	s29 =	simm.s32 $0x2C00;
	[sflag:s20] =	ssyncadd.s32 $0xFFFFE000  }
0x5a: {  	[spmem:s3] =	stream.indirect.scatter.add.f32 [tilespmem:s17], [sflag:$0x3], $0x80, s29, s16, $0xb8;
	[tilespmem:$0x1D400] =	vst v63  }
0x5b: {  	_ =	swait.ge [sflag:s21], $0x2000  }
0x5c: {  	[sflag:s21] =	ssyncset.done $0x0  }
0x5d: {  	s30 =	simm.s32 $0x2C80;
	[sflag:s21] =	ssyncadd.s32 $0xFFFFE000  }
0x5e: {  	[spmem:s3] =	stream.indirect.scatter.add.f32 [tilespmem:s19], [sflag:$0x4], $0x80, s30, s16, $0xb8;
	[tilespmem:$0x1D400] =	vst v63  }
0x5f: {  	_ =	swait.ge [sflag:s22], $0x2000  }
0x60: {  	[sflag:s22] =	ssyncset.done $0x0  }
0x61: {  	s31 =	simm.s32 $0x100;
	[sflag:s22] =	ssyncadd.s32 $0xFFFFE000  }
0x62: {  	[tilespmem:s17], [sflag:$0x1] =	stream.indirect.gather [hbm4b:s1+s16], $0x80, s31, s16, $0xb8;
	[tilespmem:$0x1D400] =	vst v63  }
0x63: {  	_ =	swait.ge [sflag:s23], $0x2000  }
0x64: {  	[sflag:s23] =	ssyncset.done $0x0  }
0x65: {  	s26 =	simm.s32 $0x180;
	s25 =	simm.s32 $0x400;
	[sflag:s23] =	ssyncadd.s32 $0xFFFFE000  }
.LBB2_4:
0x66: {  	[tilespmem:s19], [sflag:$0x2] =	stream.indirect.gather [hbm4b:s1+s16], $0x80, s26, s16, $0xb8;
	[tilespmem:$0x1D400] =	vst v63  }
0x67: {  	s26 =	smov.u32 s25  }
0x68: {  	p0 =	sne.s32 s25, $0x9C00;
	s25 =	sadd.s32 $0x400, s25;
	_ =	swait.ge [sflag:s20], $0x2000  }
0x69: {  	s26 =	sshra.s32 s26, $0x2;
	[sflag:s20] =	ssyncset.done $0x0  }
0x6a: {  	s28 =	sadd.s32 $0x2C00, s26;
	[sflag:s20] =	ssyncadd.s32 $0xFFFFE000  }
0x6b: {  	[spmem:s3] =	stream.indirect.scatter.add.f32 [tilespmem:s17], [sflag:$0x3], $0x80, s28, s16, $0xb8;
	[tilespmem:$0x1D400] =	vst v63  }
0x6c: {  	_ =	swait.ge [sflag:s21], $0x2000  }
0x6d: {  	[sflag:s21] =	ssyncset.done $0x0  }
0x6e: {  	s28 =	sadd.s32 $0x2C80, s26;
	[sflag:s21] =	ssyncadd.s32 $0xFFFFE000  }
0x6f: {  	[spmem:s3] =	stream.indirect.scatter.add.f32 [tilespmem:s19], [sflag:$0x4], $0x80, s28, s16, $0xb8;
	[tilespmem:$0x1D400] =	vst v63  }
0x70: {  	_ =	swait.ge [sflag:s22], $0x2000  }
0x71: {  	[sflag:s22] =	ssyncset.done $0x0  }
.Ltmp1:
0x72: {  	s28 =	sadd.s32 $0x100, s26;
	[sflag:s22] =	ssyncadd.s32 $0xFFFFE000;
	(pc) =	sbr.rel @p0 .LBB2_4-.Ltmp1, $4  }
0x73: {  	[tilespmem:s17], [sflag:$0x1] =	stream.indirect.gather [hbm4b:s1+s16], $0x80, s28, s16, $0xb8;
	[tilespmem:$0x1D400] =	vst v63  }
0x74: {  	_ =	swait.ge [sflag:s23], $0x2000  }
0x75: {  	[sflag:s23] =	ssyncset.done $0x0  }
0x76: {  	s26 =	sadd.s32 $0x180, s26;
	[sflag:s23] =	ssyncadd.s32 $0xFFFFE000  }
0x77: {  	[tilespmem:s19], [sflag:$0x2] =	stream.indirect.gather [hbm4b:s1+s16], $0x80, s26, s16, $0xb8;
	[tilespmem:$0x1D400] =	vst v63  }
0x78: {  	_ =	swait.ge [sflag:s20], $0x2000  }
0x79: {  	[sflag:s20] =	ssyncset.done $0x0  }
0x7a: {  	[sflag:s20] =	ssyncadd.s32 $0xFFFFE000  }
0x7b: {  	_ =	swait.ge [sflag:s21], $0x2000  }
0x7c: {  	s24 =	sadd.s32 $0x1, s24;
	[sflag:s21] =	ssyncset.done $0x0  }
0x7d: {  	p0 =	sne.s32 s24, s10;
	[sflag:s21] =	ssyncadd.s32 $0xFFFFE000  }
.Ltmp2:
0x7e: {  	[bflag:$0x0] =	sbarrier.arrive $0xFFFF;
	(pc) =	sbr.rel @p0 .LBB2_1-.Ltmp2, $4  }
0x7f: {  	[hbm:s9], [sflag:s12] =	dma.local [spmem:s13], $0x2800  }
0x80: {  	_ =	swait.ge [sflag:s14], $0x2800  }
0x81: {  	[sflag:s14] =	ssyncset.done $0x0  }
0x82: {  	[sflag:s14] =	ssyncadd.s32 $0xFFFFD800  }
0x83: {  	_ =	sfence.sel $0x180000  }
0x84: {  	[bflag:$0x0] =	sbarrier.arrive $0xFFFF  }
0x85: {  	p0 =	sne.s32 s0, $0x0;
	_ =	strace $0x9000004D  }
0x86: {  	s0 =	sadd.s32 @!p0 $0x100000, s2;
	[bflag:$0x2] =	sbarrier.arrive $0xFFFF  }
0x87: {  	[sflag:s0] =	ssyncadd.tile.s32 @!p0 $0x1;
	_ =	shalt  }
.Lfunc_end2:
_tile_overlayer_lowered:
.L_overlay_start_2:
0x88: {  	(tag) =	ssettag $0x2  }
0x89: {  	s0 =	rddreg [dreg:$0x0];
	s2 =	stileid.u32  }
0x8a: {  	s1 =	rddreg [dreg:$0x1];
	p0 =	sne.s32 s2, $0x0  }
0x8b: {  	s3 =	rddreg [dreg:$0x2];
	[bflag:$0x3] =	sbarrier.arrive $0xFFFF;
	s2 =	simm.s32 @!p0 $0x1C05  }
0x8c: {  	[timem:s3], [sflag:s2] =	dma.local @!p0 [hbm:s0], s1  }
0x8d: {  	s0 =	simm.s32 @!p0 $0x5  }
0x8e: {  	_ =	swait.ge @!p0 [sflag:s0], s1  }
0x8f: {  	s1 =	ssub.s32 @!p0 $0x0, s1;
	[sflag:s0] =	ssyncset.done @!p0 $0x0  }
0x90: {  	[sflag:s0] =	ssyncadd.s32 @!p0 s1  }
0x91: {  	[bflag:$0x3] =	sbarrier.arrive $0xFFFF  }
0x92: {  	_ =	shalt  }

// kernel: kernel.21.cloned.1.call-start
scs
__scs_entry_jumppad:
0x0: {  	(pc) =	sbr.rel $0x88, $3  }
0x1: {  	(tag) =	ssettag $0x0;
	lr =	simm.s32 $0x1  }
0x2: {  	[smem:$0x3F9B] =	sst lr;
	_ =	strace $0xD0000000  }
0x3: {  	_ = 	snop  }
0x4: {  	_ = 	snop  }
0x5: {  	_ = 	snop  }
0x6: {  	_ = 	snop  }
0x7: {  	_ = 	snop  }
__scs_overlays_trampoline_lowered:
0x8: {  	[smem:$0x3FAA] =	sst s0  }
0x9: {  	[smem:$0x3FAB] =	sst s1  }
0xa: {  	[smem:$0x3FAC] =	sst s2  }
0xb: {  	[smem:$0x3FAD] =	sst s3  }
0xc: {  	[smem:$0x3FAE] =	sst s4  }
0xd: {  	[smem:$0x3FAF] =	sst s5  }
0xe: {  	[smem:$0x3FB0] =	sst s6  }
0xf: {  	[smem:$0x3FB1] =	sst s7  }
0x10: {  	[smem:$0x3FB2] =	sst s8  }
0x11: {  	[smem:$0x3FB3] =	sst s9;
	s0 =	simm.s32 @!p0 $0x0  }
0x12: {  	s1 =	sld [smem:$0x3F99];
	s0 =	simm.s32 @p0 $0x1  }
0x13: {  	[smem:$0x3FB4] =	sst s0;
	s0 =	simm.s32 @!p1 $0x0  }
0x14: {  	s2 =	sld [smem:$0x3F98];
	s0 =	simm.s32 @p1 $0x1  }
0x15: {  	[smem:$0x3FB5] =	sst s0;
	s0 =	simm.s32 @!p2 $0x0  }
0x16: {  	s3 =	sld [smem:$0x3FDB];
	s0 =	simm.s32 @p2 $0x1  }
0x17: {  	s4 =	simm.s32 $0x1BF5;
	[smem:$0x3FB7] =	sst s0  }
0x18: {  	s0 =	sld [smem:$0x3F9A];
	_ =	swait.ge [sflag:s4], $0x0  }
0x19: {  	s7 =	sld [smem:$0x3F9B]  }
0x1a: {  	s8 =	sadd.s32 $0xFFFFE003, lr  }
0x1b: {  	s9 =	sadd.s32 $0xFFFFFEF7, lr;
	s5 =	simm.s32 $0xFFFFFFFF;
	p2 =	slt.u32 s8, $0xFFFFF086  }
0x1c: {  	p1 =	slt.u32 s9, $0xF7A;
	s5 =	simm.s32 @!p2 $0x0  }
0x1d: {  	s5 =	simm.s32 @p1 $0x1;
	p0 =	seq.s32 s7, s2  }
0x1e: {  	s7 =	smul.u32 @!p0 $0xF7A, s2;
	p2 =	seq.s32 @!p0 s5, $0x0  }
0x1f: {  	s9 =	smul.u32 $0xF7A, s1;
	s8 =	simm.s32 @!p0 $0x1BF5;
	p2 =	por !p2, p0  }
0x20: {  	[sflag:s8] =	ssyncset.s32 @!p0 $0xFFFFF086;
	s6 =	sadd.s32 @!p0 s3, s7;
	s7 =	simm.s32 @!p0 $0x108  }
0x21: {  	s3 =	sadd.s32 s3, s9;
	s6 =	sadd.s32 @!p0 $0x88, s6;
	s7 =	simm.s32 @p2 $0x1082  }
0x22: {  	[simem:s7], [sflag:s8] =	dma.local @!p0 [hbm:s6], $0xF7A  }
0x23: {  	s9 =	sor.u32 $0xD0000000, s2;
	s6 =	simm.s32 $0x108;
	_ =	swait.ge @!p0 [sflag:s8], $0x0  }
0x24: {  	s3 =	sadd.s32 $0x88, s3;
	s6 =	simm.s32 @!p1 $0x1082;
	[sflag:s4] =	ssyncset.s32 $0xFFFFF086  }
0x25: {  	[simem:s6], [sflag:s4] =	dma.local [hbm:s3], $0xF7A  }
0x26: {  	[smem:$0x3F9B] =	sst s1;
	(tag) =	ssettag s2;
	_ =	strace s9  }
0x27: {  	s1 =	sld [smem:$0x3FAB]  }
0x28: {  	s2 =	sld [smem:$0x3FAC]  }
0x29: {  	s4 =	sld [smem:$0x3FAE]  }
0x2a: {  	p0 =	seq.s32 s5, $0x0;
	s5 =	sld [smem:$0x3FAF]  }
0x2b: {  	s6 =	sld [smem:$0x3FB0]  }
0x2c: {  	s7 =	sld [smem:$0x3FB1]  }
0x2d: {  	s3 =	simm.s32 $0x108;
	s8 =	sld [smem:$0x3FB2]  }
0x2e: {  	s3 =	simm.s32 @!p0 $0x1082;
	s9 =	sld [smem:$0x3FB3]  }
0x2f: {  	lr =	sadd.s32 s0, s3;
	s0 =	sld [smem:$0x3FAA]  }
0x30: {  	s3 =	sld [smem:$0x3FAD]  }
0x31: {  	[smem:$0x3FB6] =	sst s10  }
0x32: {  	s10 =	sld [smem:$0x3FB4];
	_ =	sdelay $0x3  }
0x33: {  	p0 =	seq.s32 s10, $0x1;
	s10 =	sld [smem:$0x3FB6];
	_ =	sdelay $0x3  }
0x34: {  	[smem:$0x3FB6] =	sst s10  }
0x35: {  	s10 =	sld [smem:$0x3FB5];
	_ =	sdelay $0x3  }
0x36: {  	p1 =	seq.s32 s10, $0x1;
	s10 =	sld [smem:$0x3FB6];
	_ =	sdelay $0x3  }
0x37: {  	[smem:$0x3FB6] =	sst s10  }
0x38: {  	s10 =	sld [smem:$0x3FB7]  }
0x39: {  	_ = 	snop;
	(pc) =	sbr.ind lr, $3  }
0x3a: {  	_ = 	snop  }
0x3b: {  	_ = 	snop  }
0x3c: {  	p2 =	seq.s32 s10, $0x1;
	s10 =	sld [smem:$0x3FB6]  }
0x3d: {  	_ =	shalt  }
0x3e: {  	_ =	shalt  }
0x3f: {  	_ =	shalt  }
0x40: {  	_ =	shalt  }
0x41: {  	_ =	shalt  }
0x42: {  	_ =	shalt  }
0x43: {  	_ =	shalt  }
0x44: {  	_ =	shalt  }
0x45: {  	_ =	shalt  }
0x46: {  	_ =	shalt  }
0x47: {  	_ =	shalt  }
0x48: {  	_ =	shalt  }
0x49: {  	_ =	shalt  }
0x4a: {  	_ =	shalt  }
0x4b: {  	_ =	shalt  }
0x4c: {  	_ =	shalt  }
0x4d: {  	_ =	shalt  }
0x4e: {  	_ =	shalt  }
0x4f: {  	_ =	shalt  }
0x50: {  	_ =	shalt  }
0x51: {  	_ =	shalt  }
0x52: {  	_ =	shalt  }
0x53: {  	_ =	shalt  }
0x54: {  	_ =	shalt  }
0x55: {  	_ =	shalt  }
0x56: {  	_ =	shalt  }
0x57: {  	_ =	shalt  }
0x58: {  	_ =	shalt  }
0x59: {  	_ =	shalt  }
0x5a: {  	_ =	shalt  }
0x5b: {  	_ =	shalt  }
0x5c: {  	_ =	shalt  }
0x5d: {  	_ =	shalt  }
0x5e: {  	_ =	shalt  }
0x5f: {  	_ =	shalt  }
0x60: {  	_ =	shalt  }
0x61: {  	_ =	shalt  }
0x62: {  	_ =	shalt  }
0x63: {  	_ =	shalt  }
0x64: {  	_ =	shalt  }
0x65: {  	_ =	shalt  }
0x66: {  	_ =	shalt  }
0x67: {  	_ =	shalt  }
0x68: {  	_ =	shalt  }
0x69: {  	_ =	shalt  }
0x6a: {  	_ =	shalt  }
0x6b: {  	_ =	shalt  }
0x6c: {  	_ =	shalt  }
0x6d: {  	_ =	shalt  }
0x6e: {  	_ =	shalt  }
0x6f: {  	_ =	shalt  }
0x70: {  	_ =	shalt  }
0x71: {  	_ =	shalt  }
0x72: {  	_ =	shalt  }
0x73: {  	_ =	shalt  }
0x74: {  	_ =	shalt  }
0x75: {  	_ =	shalt  }
0x76: {  	_ =	shalt  }
0x77: {  	_ =	shalt  }
0x78: {  	_ =	shalt  }
0x79: {  	_ =	shalt  }
0x7a: {  	_ =	shalt  }
0x7b: {  	_ =	shalt  }
0x7c: {  	_ =	shalt  }
0x7d: {  	_ =	shalt  }
0x7e: {  	_ =	shalt  }
0x7f: {  	_ =	shalt  }
0x80: {  	_ =	shalt  }
0x81: {  	_ =	shalt  }
0x82: {  	_ =	shalt  }
0x83: {  	_ =	shalt  }
0x84: {  	_ =	shalt  }
0x85: {  	_ =	shalt  }
0x86: {  	_ =	shalt  }
0x87: {  	_ =	shalt  }
.Lfunc_end0:
.L_simem_size_0:
called_computation.3_lowered:
.L_overlay_start_0:
0x88: {  	s2 =	sld [smem:$0x3FD9]  }
0x89: {  	s3 =	sld [smem:$0x3FFE];
	_ =	sdelay $0x1  }
0x8a: {  	s1 =	srdreg.scid  }
0x8b: {  	s0 =	sand.u32 $0x1, s1  }
0x8c: {  	s14 =	sshll.u32 s0, $0xA;
	s2 =	sadd.s32 s3, s2  }
0x8d: {  	s2 =	sadd.s32 s2, s14  }
0x8e: {  	[smem:$0x3FC2] =	sst s2  }
0x8f: {  	_ = 	snop  }
0x90: {  	s2 =	sld [smem:$0x3FD0];
	_ =	sdelay $0x2  }
0x91: {  	s15 =	simm.s32 $0xA;
	s4 =	simm.s32 $0x10  }
0x92: {  	[smem:s4], [sflag:s15] =	dma.local [hbm:s2], $0x1  }
0x93: {  	_ =	swait.eq [sflag:s15], $0x1  }
0x94: {  	[sflag:s15] =	ssyncset.done $0x0  }
0x95: {  	s16 =	sld [smem:$0x10];
	[sflag:s15] =	ssyncadd.s32 $0xFFFFFFFF  }
0x96: {  	s17 =	sld [smem:$0x11];
	(tm) =	ssettm $0x1  }
0x97: {  	s18 =	sld [smem:$0x3FFB];
	_ =	sdelay $0x3  }
0x98: {  	_ =	strace s18  }
0x99: {  	s4 =	sld [smem:$0x3FFC];
	_ =	sdelay $0x3  }
0x9a: {  	_ =	strace s4  }
0x9b: {  	s4 =	sld [smem:$0x3FFD];
	_ =	sdelay $0x3  }
0x9c: {  	_ =	strace s4  }
0x9d: {  	_ =	strace $0x8FFFFFFF  }
0x9e: {  	s19 =	sld [smem:$0x3FDB];
	_ =	sdelay $0x1  }
0x9f: {  	s5 =	simm.s32 $_scs_section_size  }
0xa0: {  	s6 =	simm.s32 $_size__tile_overlayer_lowered;
	s7 =	simm.s32 $_tile_overlayer_lowered  }
0xa1: {  	s22 =	simm.s32 $0x1BFF;
	s21 =	sshll.u32 s7, $0x1;
	s4 =	sadd.s32 s5, s19  }
0xa2: {  	s8 =	simm.s32 $0x0;
	s20 =	sshll.u32 s6, $0x1;
	s6 =	sadd.s32 s21, s4  }
0xa3: {  	[timem:s8], [sflag:s22] =	dma.local [hbm:s6], s20  }
0xa4: {  	_ =	swait.ge [sflag:s22], s20  }
0xa5: {  	s5 =	ssub.s32 $0x0, s20;
	[sflag:s22] =	ssyncset.done $0x0  }
0xa6: {  	[sflag:s22] =	ssyncadd.s32 s5;
	_ =	sdelay $0x1  }
0xa7: {  	s23 =	simm.s32 $0x1B8B  }
0xa8: {  	_ =	swait.ge [sflag:s23], $0x1  }
0xa9: {  	[sflag:s23] =	ssyncset.done $0x0  }
0xaa: {  	s25 =	simm.s32 $0x1B8E;
	s24 =	sld [smem:$0x3FFE];
	[sflag:s23] =	ssyncadd.s32 $0xFFFFFFFF  }
0xab: {  	s26 =	simm.s32 $execute0_lowered;
	[smem:$0x3FD2] =	sst s25  }
0xac: {  	s6 =	sshll.u32 s26, $0x1;
	_ =	strace $0x8000004F;
	[dreg:$0x1] =	wrdreg $0xFFFFFFFF  }
0xad: {  	s28 =	simm.s32 $_size_execute0_lowered;
	s4 =	sadd.s32 s4, s6;
	[dreg:$0x0] =	wrdreg $0x0  }
0xae: {  	s6 =	sshll.u32 s28, $0x1;
	[dreg:$0x2] =	wrdreg s4  }
0xaf: {  	[dreg:$0x3] =	wrdreg s6  }
0xb0: {  	[dreg:$0x4] =	wrdreg $0xC0  }
0xb1: {  	_ =	task [dreg:s8], $0x5FFFF  }
0xb2: {  	[dreg:$0x1] =	wrdreg $0xFFFFFFFF  }
0xb3: {  	[dreg:$0x0] =	wrdreg $0x60  }
0xb4: {  	[dreg:$0x2] =	wrdreg s16  }
0xb5: {  	[dreg:$0x3] =	wrdreg s24  }
0xb6: {  	[dreg:$0x4] =	wrdreg s17  }
0xb7: {  	[dreg:$0x5] =	wrdreg $0x94000  }
0xb8: {  	[dreg:$0x6] =	wrdreg $0x9  }
0xb9: {  	_ =	task.clear_ibuf [dreg:s8], $0x7FFFF;
	_ =	strace $0x9000004F  }
0xba: {  	s29 =	simm.s32 $0x9;
	_ =	strace $0x80000051  }
0xbb: {  	_ =	swait.ge [sflag:s29], $0x1  }
0xbc: {  	[sflag:s29] =	ssyncadd.s32 $0xFFFFFFFF  }
0xbd: {  	_ =	strace $0x90000051  }
0xbe: {  	_ =	sfence  }
0xbf: {  	s30 =	sld [smem:$0x0];
	_ =	sdelay $0x2  }
0xc0: {  	s31 =	sshll.u32 s1, $0xD;
	s1 =	sshrl.u32 s1, $0x2  }
0xc1: {  	s3 =	sand.u32 $0x4000, s31;
	s1 =	sadd.s32 s1, s30  }
0xc2: {  	s0 =	sor.u32 s3, s0;
	s1 =	sshll.u32 s1, $0x11  }
0xc3: {  	s0 =	sor.u32 s1, s0  }
0xc4: {  	s0 =	sadd.s32 $0x8F2B, s0  }
0xc5: {  	[sflag:s0] =	ssyncadd.remote.s32 $0x1  }
0xc6: {  	_ =	sfence.sel $0xFFFF  }
0xc7: {  	[dreg:$0x0] =	wrdreg $0xFFFFFFFF;
	(pc) =	sbr.abs _section_cstart, $3  }
0xc8: {  	[dreg:$0x1] =	wrdreg $0xFFFFFFFF  }
0xc9: {  	_ =	task.clear_ibuf [dreg:s8], $0x2FFFF;
	_ =	strace $0x9FFFFFFF  }
0xca: {  	(tm) =	ssettm $0x7FFFFFFF  }
0xcb: {  	_ =	shalt  }
tec
execute0_lowered:
.L_overlay_start_1:
0x0: {  	(tag) =	ssettag $0x1  }
0x1: {  	s1 =	rddreg [dreg:$0x0]  }
0x2: {  	s6 =	rddreg [dreg:$0x1]  }
0x3: {  	s0 =	srdreg.scid;
	s9 =	rddreg [dreg:$0x2]  }
0x4: {  	s3 =	rddreg [dreg:$0x3];
	s4 =	simm.s32 $0x0;
	s16 =	simm.s32 $0x40  }
0x5: {  	s17 =	simm.s32 $0x5400;
	s18 =	simm.s32 $0x80;
	s19 =	simm.s32 $0x7400  }
0x6: {  	s20 =	simm.s32 $0x1;
	s5 =	sand.u32 $0x1, s0;
	s0 =	stileid.u32  }
0x7: {  	s21 =	simm.s32 $0x2;
	s22 =	simm.s32 $0x3;
	s12 =	smul.u32 $0x50000, s0  }
0x8: {  	s23 =	simm.s32 $0x4;
	s24 =	simm.s32 $0x0;
	s28 =	smul.u32 $0x140000, s5  }
0x9: {  	[smem:$0x7FF] =	sst s4;
	s2 =	sshll.u32 s5, $0x4;
	s30 =	smul.u32 $0x14000, s0  }
0xa: {  	s10 =	sadd.s32 $0x2E200, s6;
	s15 =	smul.u32 $0x2800, s0;
	s7 =	sor.u32 s0, s2  }
0xb: {  	s11 =	ssub.s32 $0x2, s5;
	p0 =	seq.s32 s5, $0x1;
	s8 =	smul.u32 $0x5800, s7  }
0xc: {  	s31 =	sshll.u32 s0, $0x6;
	s26 =	sshrl.u32 s11, $0x1;
	s7 =	smul.u32 $0x5000, s7  }
0xd: {  	s2 =	rddreg [dreg:$0x4];
	_ =	strace $0x80000050;
	s11 =	ssub.s32 s11, s26  }
0xe: {  	s29 =	sshrl.u32 s12, $0x2;
	s8 =	sshrl.u32 s8, $0x3;
	s7 =	sshrl.u32 s7, $0x3  }
0xf: {  	s12 =	sadd.s32 s30, s28;
	s8 =	sadd.s32 s8, s6;
	s13 =	sadd.s32 s7, s6  }
0x10: {  	s12 =	sshrl.u32 s12, $0x3;
	s5 =	sadd.s32 $0x18200, s8;
	s6 =	sadd.s32 $0x4200, s13  }
0x11: {  	s7 =	sadd.s32 $0x18780, s8;
	s8 =	sadd.s32 $0x4700, s13;
	s13 =	smov.u32 s1  }
0x12: {  	s14 =	sadd.s32 s29, s3;
	s9 =	sadd.s32 s9, s12;
	s13 =	smov.u32 @p0 s10  }
0x13: {  	s12 =	sor.u32 $0x1C05, s31;
	s10 =	smax.u32 s11, $0x1;
	s11 =	sadd.s32 s13, s15  }
0x14: {  	s13 =	sshrl.u32 s14, $0x3;
	s14 =	simm.s32 $0x5;
	s15 =	simm.s32 $0x2C00  }
.LBB2_1:
0x15: {  	[spmem:s13], [sflag:s12] =	dma.local [hbm:s11], $0x2800  }
0x16: {  	_ =	swait.ge [sflag:s14], $0x2800  }
0x17: {  	[sflag:s14] =	ssyncset.done $0x0  }
0x18: {  	[sflag:s14] =	ssyncadd.s32 $0xFFFFD800  }
0x19: {  	[tilespmem:s4], [sflag:$0x5] =	stream.linear.gather [hbm4b:s5+s4], $0x2900, $0x38;
	[tilespmem:$0x1D400] =	vst v63  }
0x1a: {  	_ =	swait.ge [sflag:s14], $0x2900  }
0x1b: {  	[sflag:s14] =	ssyncset.done $0x0  }
0x1c: {  	[sflag:s14] =	ssyncadd.s32 $0xFFFFD700  }
0x1d: {  	[tilespmem:s15], [sflag:$0x5] =	stream.linear.gather [hbm4b:s6+s4], $0x2800, $0x38;
	[tilespmem:$0x1D400] =	vst v63  }
0x1e: {  	_ =	swait.ge [sflag:s14], $0x2800  }
0x1f: {  	[sflag:s14] =	ssyncset.done $0x0  }
0x20: {  	[sflag:s14] =	ssyncadd.s32 $0xFFFFD800  }
0x21: {  	[tilespmem:s17], [sflag:$0x1] =	stream.indirect.gather [hbm4b:s1+s16], $0x80, s4, s16, $0xb8;
	[tilespmem:$0x1D400] =	vst v63  }
0x22: {  	_ = 	snop  }
0x23: {  	[tilespmem:s19], [sflag:$0x2] =	stream.indirect.gather [hbm4b:s1+s16], $0x80, s18, s16, $0xb8;
	[tilespmem:$0x1D400] =	vst v63  }
0x24: {  	[bflag:$0x0] =	sbarrier.arrive $0xFFFF  }
0x25: {  	_ =	swait.ge [sflag:s20], $0x2000  }
0x26: {  	[sflag:s20] =	ssyncset.done $0x0  }
0x27: {  	s25 =	simm.s32 $0x2C00;
	[sflag:s20] =	ssyncadd.s32 $0xFFFFE000  }
0x28: {  	[spmem:s3] =	stream.indirect.scatter.add.f32 [tilespmem:s17], [sflag:$0x3], $0x80, s25, s16, $0xb8;
	[tilespmem:$0x1D400] =	vst v63  }
0x29: {  	_ =	swait.ge [sflag:s21], $0x2000  }
0x2a: {  	[sflag:s21] =	ssyncset.done $0x0  }
0x2b: {  	s30 =	simm.s32 $0x2C80;
	[sflag:s21] =	ssyncadd.s32 $0xFFFFE000  }
0x2c: {  	[spmem:s3] =	stream.indirect.scatter.add.f32 [tilespmem:s19], [sflag:$0x4], $0x80, s30, s16, $0xb8;
	[tilespmem:$0x1D400] =	vst v63  }
0x2d: {  	_ =	swait.ge [sflag:s22], $0x2000  }
0x2e: {  	[sflag:s22] =	ssyncset.done $0x0  }
0x2f: {  	s31 =	simm.s32 $0x100;
	[sflag:s22] =	ssyncadd.s32 $0xFFFFE000  }
0x30: {  	[tilespmem:s17], [sflag:$0x1] =	stream.indirect.gather [hbm4b:s1+s16], $0x80, s31, s16, $0xb8;
	[tilespmem:$0x1D400] =	vst v63  }
0x31: {  	_ =	swait.ge [sflag:s23], $0x2000  }
0x32: {  	[sflag:s23] =	ssyncset.done $0x0  }
0x33: {  	s26 =	simm.s32 $0x180;
	s25 =	simm.s32 $0x400;
	[sflag:s23] =	ssyncadd.s32 $0xFFFFE000  }
.LBB2_2:
0x34: {  	[tilespmem:s19], [sflag:$0x2] =	stream.indirect.gather [hbm4b:s1+s16], $0x80, s26, s16, $0xb8;
	[tilespmem:$0x1D400] =	vst v63  }
0x35: {  	s26 =	smov.u32 s25  }
0x36: {  	p0 =	sne.s32 s25, $0x9C00;
	s25 =	sadd.s32 $0x400, s25;
	_ =	swait.ge [sflag:s20], $0x2000  }
0x37: {  	s26 =	sshra.s32 s26, $0x2;
	[sflag:s20] =	ssyncset.done $0x0  }
0x38: {  	s28 =	sadd.s32 $0x2C00, s26;
	[sflag:s20] =	ssyncadd.s32 $0xFFFFE000  }
0x39: {  	[spmem:s3] =	stream.indirect.scatter.add.f32 [tilespmem:s17], [sflag:$0x3], $0x80, s28, s16, $0xb8;
	[tilespmem:$0x1D400] =	vst v63  }
0x3a: {  	_ =	swait.ge [sflag:s21], $0x2000  }
0x3b: {  	[sflag:s21] =	ssyncset.done $0x0  }
0x3c: {  	s28 =	sadd.s32 $0x2C80, s26;
	[sflag:s21] =	ssyncadd.s32 $0xFFFFE000  }
0x3d: {  	[spmem:s3] =	stream.indirect.scatter.add.f32 [tilespmem:s19], [sflag:$0x4], $0x80, s28, s16, $0xb8;
	[tilespmem:$0x1D400] =	vst v63  }
0x3e: {  	_ =	swait.ge [sflag:s22], $0x2000  }
0x3f: {  	[sflag:s22] =	ssyncset.done $0x0  }
.Ltmp0:
0x40: {  	s28 =	sadd.s32 $0x100, s26;
	[sflag:s22] =	ssyncadd.s32 $0xFFFFE000;
	(pc) =	sbr.rel @p0 .LBB2_2-.Ltmp0, $4  }
0x41: {  	[tilespmem:s17], [sflag:$0x1] =	stream.indirect.gather [hbm4b:s1+s16], $0x80, s28, s16, $0xb8;
	[tilespmem:$0x1D400] =	vst v63  }
0x42: {  	_ =	swait.ge [sflag:s23], $0x2000  }
0x43: {  	[sflag:s23] =	ssyncset.done $0x0  }
0x44: {  	s26 =	sadd.s32 $0x180, s26;
	[sflag:s23] =	ssyncadd.s32 $0xFFFFE000  }
0x45: {  	[tilespmem:s19], [sflag:$0x2] =	stream.indirect.gather [hbm4b:s1+s16], $0x80, s26, s16, $0xb8;
	[tilespmem:$0x1D400] =	vst v63  }
0x46: {  	_ =	swait.ge [sflag:s20], $0x2000  }
0x47: {  	[sflag:s20] =	ssyncset.done $0x0  }
0x48: {  	[sflag:s20] =	ssyncadd.s32 $0xFFFFE000  }
0x49: {  	_ =	swait.ge [sflag:s21], $0x2000  }
0x4a: {  	[sflag:s21] =	ssyncset.done $0x0  }
0x4b: {  	s25 =	simm.s32 $0x0;
	[sflag:s21] =	ssyncadd.s32 $0xFFFFE000  }
0x4c: {  	[tilespmem:s25], [sflag:$0x5] =	stream.linear.gather [hbm4b:s7+s25], $0x2900, $0x38;
	[tilespmem:$0x1D400] =	vst v63  }
0x4d: {  	_ =	swait.ge [sflag:s14], $0x2900  }
0x4e: {  	[sflag:s14] =	ssyncset.done $0x0  }
0x4f: {  	[sflag:s14] =	ssyncadd.s32 $0xFFFFD700  }
0x50: {  	[tilespmem:s15], [sflag:$0x5] =	stream.linear.gather [hbm4b:s8+s25], $0x2800, $0x38;
	[tilespmem:$0x1D400] =	vst v63  }
0x51: {  	_ =	swait.ge [sflag:s14], $0x2800  }
0x52: {  	[sflag:s14] =	ssyncset.done $0x0  }
0x53: {  	[sflag:s14] =	ssyncadd.s32 $0xFFFFD800  }
0x54: {  	[tilespmem:s17], [sflag:$0x1] =	stream.indirect.gather [hbm4b:s1+s16], $0x80, s25, s16, $0xb8;
	[tilespmem:$0x1D400] =	vst v63  }
0x55: {  	_ = 	snop  }
0x56: {  	[tilespmem:s19], [sflag:$0x2] =	stream.indirect.gather [hbm4b:s1+s16], $0x80, s18, s16, $0xb8;
	[tilespmem:$0x1D400] =	vst v63  }
0x57: {  	_ =	swait.ge [sflag:s20], $0x2000  }
0x58: {  	[sflag:s20] =	ssyncset.done $0x0  }
0x59: {  	s29 =	simm.s32 $0x2C00;
	[sflag:s20] =	ssyncadd.s32 $0xFFFFE000  }
0x5a: {  	[spmem:s3] =	stream.indirect.scatter.add.f32 [tilespmem:s17], [sflag:$0x3], $0x80, s29, s16, $0xb8;
	[tilespmem:$0x1D400] =	vst v63  }
0x5b: {  	_ =	swait.ge [sflag:s21], $0x2000  }
0x5c: {  	[sflag:s21] =	ssyncset.done $0x0  }
0x5d: {  	s30 =	simm.s32 $0x2C80;
	[sflag:s21] =	ssyncadd.s32 $0xFFFFE000  }
0x5e: {  	[spmem:s3] =	stream.indirect.scatter.add.f32 [tilespmem:s19], [sflag:$0x4], $0x80, s30, s16, $0xb8;
	[tilespmem:$0x1D400] =	vst v63  }
0x5f: {  	_ =	swait.ge [sflag:s22], $0x2000  }
0x60: {  	[sflag:s22] =	ssyncset.done $0x0  }
0x61: {  	s31 =	simm.s32 $0x100;
	[sflag:s22] =	ssyncadd.s32 $0xFFFFE000  }
0x62: {  	[tilespmem:s17], [sflag:$0x1] =	stream.indirect.gather [hbm4b:s1+s16], $0x80, s31, s16, $0xb8;
	[tilespmem:$0x1D400] =	vst v63  }
0x63: {  	_ =	swait.ge [sflag:s23], $0x2000  }
0x64: {  	[sflag:s23] =	ssyncset.done $0x0  }
0x65: {  	s26 =	simm.s32 $0x180;
	s25 =	simm.s32 $0x400;
	[sflag:s23] =	ssyncadd.s32 $0xFFFFE000  }
.LBB2_4:
0x66: {  	[tilespmem:s19], [sflag:$0x2] =	stream.indirect.gather [hbm4b:s1+s16], $0x80, s26, s16, $0xb8;
	[tilespmem:$0x1D400] =	vst v63  }
0x67: {  	s26 =	smov.u32 s25  }
0x68: {  	p0 =	sne.s32 s25, $0x9C00;
	s25 =	sadd.s32 $0x400, s25;
	_ =	swait.ge [sflag:s20], $0x2000  }
0x69: {  	s26 =	sshra.s32 s26, $0x2;
	[sflag:s20] =	ssyncset.done $0x0  }
0x6a: {  	s28 =	sadd.s32 $0x2C00, s26;
	[sflag:s20] =	ssyncadd.s32 $0xFFFFE000  }
0x6b: {  	[spmem:s3] =	stream.indirect.scatter.add.f32 [tilespmem:s17], [sflag:$0x3], $0x80, s28, s16, $0xb8;
	[tilespmem:$0x1D400] =	vst v63  }
0x6c: {  	_ =	swait.ge [sflag:s21], $0x2000  }
0x6d: {  	[sflag:s21] =	ssyncset.done $0x0  }
0x6e: {  	s28 =	sadd.s32 $0x2C80, s26;
	[sflag:s21] =	ssyncadd.s32 $0xFFFFE000  }
0x6f: {  	[spmem:s3] =	stream.indirect.scatter.add.f32 [tilespmem:s19], [sflag:$0x4], $0x80, s28, s16, $0xb8;
	[tilespmem:$0x1D400] =	vst v63  }
0x70: {  	_ =	swait.ge [sflag:s22], $0x2000  }
0x71: {  	[sflag:s22] =	ssyncset.done $0x0  }
.Ltmp1:
0x72: {  	s28 =	sadd.s32 $0x100, s26;
	[sflag:s22] =	ssyncadd.s32 $0xFFFFE000;
	(pc) =	sbr.rel @p0 .LBB2_4-.Ltmp1, $4  }
0x73: {  	[tilespmem:s17], [sflag:$0x1] =	stream.indirect.gather [hbm4b:s1+s16], $0x80, s28, s16, $0xb8;
	[tilespmem:$0x1D400] =	vst v63  }
0x74: {  	_ =	swait.ge [sflag:s23], $0x2000  }
0x75: {  	[sflag:s23] =	ssyncset.done $0x0  }
0x76: {  	s26 =	sadd.s32 $0x180, s26;
	[sflag:s23] =	ssyncadd.s32 $0xFFFFE000  }
0x77: {  	[tilespmem:s19], [sflag:$0x2] =	stream.indirect.gather [hbm4b:s1+s16], $0x80, s26, s16, $0xb8;
	[tilespmem:$0x1D400] =	vst v63  }
0x78: {  	_ =	swait.ge [sflag:s20], $0x2000  }
0x79: {  	[sflag:s20] =	ssyncset.done $0x0  }
0x7a: {  	[sflag:s20] =	ssyncadd.s32 $0xFFFFE000  }
0x7b: {  	_ =	swait.ge [sflag:s21], $0x2000  }
0x7c: {  	s24 =	sadd.s32 $0x1, s24;
	[sflag:s21] =	ssyncset.done $0x0  }
0x7d: {  	p0 =	sne.s32 s24, s10;
	[sflag:s21] =	ssyncadd.s32 $0xFFFFE000  }
.Ltmp2:
0x7e: {  	[bflag:$0x0] =	sbarrier.arrive $0xFFFF;
	(pc) =	sbr.rel @p0 .LBB2_1-.Ltmp2, $4  }
0x7f: {  	[hbm:s9], [sflag:s12] =	dma.local [spmem:s13], $0x2800  }
0x80: {  	_ =	swait.ge [sflag:s14], $0x2800  }
0x81: {  	[sflag:s14] =	ssyncset.done $0x0  }
0x82: {  	[sflag:s14] =	ssyncadd.s32 $0xFFFFD800  }
0x83: {  	_ =	sfence.sel $0x180000  }
0x84: {  	[bflag:$0x0] =	sbarrier.arrive $0xFFFF  }
0x85: {  	p0 =	sne.s32 s0, $0x0;
	_ =	strace $0x90000050  }
0x86: {  	s0 =	sadd.s32 @!p0 $0x100000, s2;
	[bflag:$0x2] =	sbarrier.arrive $0xFFFF  }
0x87: {  	[sflag:s0] =	ssyncadd.tile.s32 @!p0 $0x1;
	_ =	shalt  }
.Lfunc_end2:
_tile_overlayer_lowered:
.L_overlay_start_2:
0x88: {  	(tag) =	ssettag $0x2  }
0x89: {  	s0 =	rddreg [dreg:$0x0];
	s2 =	stileid.u32  }
0x8a: {  	s1 =	rddreg [dreg:$0x1];
	p0 =	sne.s32 s2, $0x0  }
0x8b: {  	s3 =	rddreg [dreg:$0x2];
	[bflag:$0x3] =	sbarrier.arrive $0xFFFF;
	s2 =	simm.s32 @!p0 $0x1C05  }
0x8c: {  	[timem:s3], [sflag:s2] =	dma.local @!p0 [hbm:s0], s1  }
0x8d: {  	s0 =	simm.s32 @!p0 $0x5  }
0x8e: {  	_ =	swait.ge @!p0 [sflag:s0], s1  }
0x8f: {  	s1 =	ssub.s32 @!p0 $0x0, s1;
	[sflag:s0] =	ssyncset.done @!p0 $0x0  }
0x90: {  	[sflag:s0] =	ssyncadd.s32 @!p0 s1  }
0x91: {  	[bflag:$0x3] =	sbarrier.arrive $0xFFFF  }
0x92: {  	_ =	shalt  }

// kernel: kernel.24.cloned.1.call-start
scs
__scs_entry_jumppad:
0x0: {  	(pc) =	sbr.rel $0x88, $3  }
0x1: {  	(tag) =	ssettag $0x0;
	lr =	simm.s32 $0x1  }
0x2: {  	[smem:$0x3F9B] =	sst lr;
	_ =	strace $0xD0000000  }
0x3: {  	_ = 	snop  }
0x4: {  	_ = 	snop  }
0x5: {  	_ = 	snop  }
0x6: {  	_ = 	snop  }
0x7: {  	_ = 	snop  }
__scs_overlays_trampoline_lowered:
0x8: {  	[smem:$0x3FAA] =	sst s0  }
0x9: {  	[smem:$0x3FAB] =	sst s1  }
0xa: {  	[smem:$0x3FAC] =	sst s2  }
0xb: {  	[smem:$0x3FAD] =	sst s3  }
0xc: {  	[smem:$0x3FAE] =	sst s4  }
0xd: {  	[smem:$0x3FAF] =	sst s5  }
0xe: {  	[smem:$0x3FB0] =	sst s6  }
0xf: {  	[smem:$0x3FB1] =	sst s7  }
0x10: {  	[smem:$0x3FB2] =	sst s8  }
0x11: {  	[smem:$0x3FB3] =	sst s9;
	s0 =	simm.s32 @!p0 $0x0  }
0x12: {  	s1 =	sld [smem:$0x3F99];
	s0 =	simm.s32 @p0 $0x1  }
0x13: {  	[smem:$0x3FB4] =	sst s0;
	s0 =	simm.s32 @!p1 $0x0  }
0x14: {  	s2 =	sld [smem:$0x3F98];
	s0 =	simm.s32 @p1 $0x1  }
0x15: {  	[smem:$0x3FB5] =	sst s0;
	s0 =	simm.s32 @!p2 $0x0  }
0x16: {  	s3 =	sld [smem:$0x3FDB];
	s0 =	simm.s32 @p2 $0x1  }
0x17: {  	s4 =	simm.s32 $0x1BF5;
	[smem:$0x3FB7] =	sst s0  }
0x18: {  	s0 =	sld [smem:$0x3F9A];
	_ =	swait.ge [sflag:s4], $0x0  }
0x19: {  	s7 =	sld [smem:$0x3F9B]  }
0x1a: {  	s8 =	sadd.s32 $0xFFFFE003, lr  }
0x1b: {  	s9 =	sadd.s32 $0xFFFFFEF7, lr;
	s5 =	simm.s32 $0xFFFFFFFF;
	p2 =	slt.u32 s8, $0xFFFFF086  }
0x1c: {  	p1 =	slt.u32 s9, $0xF7A;
	s5 =	simm.s32 @!p2 $0x0  }
0x1d: {  	s5 =	simm.s32 @p1 $0x1;
	p0 =	seq.s32 s7, s2  }
0x1e: {  	s7 =	smul.u32 @!p0 $0xF7A, s2;
	p2 =	seq.s32 @!p0 s5, $0x0  }
0x1f: {  	s9 =	smul.u32 $0xF7A, s1;
	s8 =	simm.s32 @!p0 $0x1BF5;
	p2 =	por !p2, p0  }
0x20: {  	[sflag:s8] =	ssyncset.s32 @!p0 $0xFFFFF086;
	s6 =	sadd.s32 @!p0 s3, s7;
	s7 =	simm.s32 @!p0 $0x108  }
0x21: {  	s3 =	sadd.s32 s3, s9;
	s6 =	sadd.s32 @!p0 $0x88, s6;
	s7 =	simm.s32 @p2 $0x1082  }
0x22: {  	[simem:s7], [sflag:s8] =	dma.local @!p0 [hbm:s6], $0xF7A  }
0x23: {  	s9 =	sor.u32 $0xD0000000, s2;
	s6 =	simm.s32 $0x108;
	_ =	swait.ge @!p0 [sflag:s8], $0x0  }
0x24: {  	s3 =	sadd.s32 $0x88, s3;
	s6 =	simm.s32 @!p1 $0x1082;
	[sflag:s4] =	ssyncset.s32 $0xFFFFF086  }
0x25: {  	[simem:s6], [sflag:s4] =	dma.local [hbm:s3], $0xF7A  }
0x26: {  	[smem:$0x3F9B] =	sst s1;
	(tag) =	ssettag s2;
	_ =	strace s9  }
0x27: {  	s1 =	sld [smem:$0x3FAB]  }
0x28: {  	s2 =	sld [smem:$0x3FAC]  }
0x29: {  	s4 =	sld [smem:$0x3FAE]  }
0x2a: {  	p0 =	seq.s32 s5, $0x0;
	s5 =	sld [smem:$0x3FAF]  }
0x2b: {  	s6 =	sld [smem:$0x3FB0]  }
0x2c: {  	s7 =	sld [smem:$0x3FB1]  }
0x2d: {  	s3 =	simm.s32 $0x108;
	s8 =	sld [smem:$0x3FB2]  }
0x2e: {  	s3 =	simm.s32 @!p0 $0x1082;
	s9 =	sld [smem:$0x3FB3]  }
0x2f: {  	lr =	sadd.s32 s0, s3;
	s0 =	sld [smem:$0x3FAA]  }
0x30: {  	s3 =	sld [smem:$0x3FAD]  }
0x31: {  	[smem:$0x3FB6] =	sst s10  }
0x32: {  	s10 =	sld [smem:$0x3FB4];
	_ =	sdelay $0x3  }
0x33: {  	p0 =	seq.s32 s10, $0x1;
	s10 =	sld [smem:$0x3FB6];
	_ =	sdelay $0x3  }
0x34: {  	[smem:$0x3FB6] =	sst s10  }
0x35: {  	s10 =	sld [smem:$0x3FB5];
	_ =	sdelay $0x3  }
0x36: {  	p1 =	seq.s32 s10, $0x1;
	s10 =	sld [smem:$0x3FB6];
	_ =	sdelay $0x3  }
0x37: {  	[smem:$0x3FB6] =	sst s10  }
0x38: {  	s10 =	sld [smem:$0x3FB7]  }
0x39: {  	_ = 	snop;
	(pc) =	sbr.ind lr, $3  }
0x3a: {  	_ = 	snop  }
0x3b: {  	_ = 	snop  }
0x3c: {  	p2 =	seq.s32 s10, $0x1;
	s10 =	sld [smem:$0x3FB6]  }
0x3d: {  	_ =	shalt  }
0x3e: {  	_ =	shalt  }
0x3f: {  	_ =	shalt  }
0x40: {  	_ =	shalt  }
0x41: {  	_ =	shalt  }
0x42: {  	_ =	shalt  }
0x43: {  	_ =	shalt  }
0x44: {  	_ =	shalt  }
0x45: {  	_ =	shalt  }
0x46: {  	_ =	shalt  }
0x47: {  	_ =	shalt  }
0x48: {  	_ =	shalt  }
0x49: {  	_ =	shalt  }
0x4a: {  	_ =	shalt  }
0x4b: {  	_ =	shalt  }
0x4c: {  	_ =	shalt  }
0x4d: {  	_ =	shalt  }
0x4e: {  	_ =	shalt  }
0x4f: {  	_ =	shalt  }
0x50: {  	_ =	shalt  }
0x51: {  	_ =	shalt  }
0x52: {  	_ =	shalt  }
0x53: {  	_ =	shalt  }
0x54: {  	_ =	shalt  }
0x55: {  	_ =	shalt  }
0x56: {  	_ =	shalt  }
0x57: {  	_ =	shalt  }
0x58: {  	_ =	shalt  }
0x59: {  	_ =	shalt  }
0x5a: {  	_ =	shalt  }
0x5b: {  	_ =	shalt  }
0x5c: {  	_ =	shalt  }
0x5d: {  	_ =	shalt  }
0x5e: {  	_ =	shalt  }
0x5f: {  	_ =	shalt  }
0x60: {  	_ =	shalt  }
0x61: {  	_ =	shalt  }
0x62: {  	_ =	shalt  }
0x63: {  	_ =	shalt  }
0x64: {  	_ =	shalt  }
0x65: {  	_ =	shalt  }
0x66: {  	_ =	shalt  }
0x67: {  	_ =	shalt  }
0x68: {  	_ =	shalt  }
0x69: {  	_ =	shalt  }
0x6a: {  	_ =	shalt  }
0x6b: {  	_ =	shalt  }
0x6c: {  	_ =	shalt  }
0x6d: {  	_ =	shalt  }
0x6e: {  	_ =	shalt  }
0x6f: {  	_ =	shalt  }
0x70: {  	_ =	shalt  }
0x71: {  	_ =	shalt  }
0x72: {  	_ =	shalt  }
0x73: {  	_ =	shalt  }
0x74: {  	_ =	shalt  }
0x75: {  	_ =	shalt  }
0x76: {  	_ =	shalt  }
0x77: {  	_ =	shalt  }
0x78: {  	_ =	shalt  }
0x79: {  	_ =	shalt  }
0x7a: {  	_ =	shalt  }
0x7b: {  	_ =	shalt  }
0x7c: {  	_ =	shalt  }
0x7d: {  	_ =	shalt  }
0x7e: {  	_ =	shalt  }
0x7f: {  	_ =	shalt  }
0x80: {  	_ =	shalt  }
0x81: {  	_ =	shalt  }
0x82: {  	_ =	shalt  }
0x83: {  	_ =	shalt  }
0x84: {  	_ =	shalt  }
0x85: {  	_ =	shalt  }
0x86: {  	_ =	shalt  }
0x87: {  	_ =	shalt  }
.Lfunc_end0:
.L_simem_size_0:
called_computation.4_lowered:
.L_overlay_start_0:
0x88: {  	s2 =	sld [smem:$0x3FD9]  }
0x89: {  	s3 =	sld [smem:$0x3FFE];
	_ =	sdelay $0x1  }
0x8a: {  	s1 =	srdreg.scid  }
0x8b: {  	s0 =	sand.u32 $0x1, s1  }
0x8c: {  	s14 =	sshll.u32 s0, $0xA;
	s2 =	sadd.s32 s3, s2  }
0x8d: {  	s2 =	sadd.s32 s2, s14  }
0x8e: {  	[smem:$0x3FC2] =	sst s2  }
0x8f: {  	_ = 	snop  }
0x90: {  	s2 =	sld [smem:$0x3FD0];
	_ =	sdelay $0x2  }
0x91: {  	s15 =	simm.s32 $0xA;
	s4 =	simm.s32 $0x10  }
0x92: {  	[smem:s4], [sflag:s15] =	dma.local [hbm:s2], $0x1  }
0x93: {  	_ =	swait.eq [sflag:s15], $0x1  }
0x94: {  	[sflag:s15] =	ssyncset.done $0x0  }
0x95: {  	[sflag:s15] =	ssyncadd.s32 $0xFFFFFFFF  }
0x96: {  	s16 =	sld [smem:$0x10];
	(tm) =	ssettm $0x1  }
0x97: {  	s17 =	sld [smem:$0x3FFB];
	_ =	sdelay $0x3  }
0x98: {  	_ =	strace s17  }
0x99: {  	s3 =	sld [smem:$0x3FFC];
	_ =	sdelay $0x3  }
0x9a: {  	_ =	strace s3  }
0x9b: {  	s3 =	sld [smem:$0x3FFD];
	_ =	sdelay $0x3  }
0x9c: {  	_ =	strace s3  }
0x9d: {  	_ =	strace $0x8FFFFFFF  }
0x9e: {  	s18 =	sld [smem:$0x3FDB];
	_ =	sdelay $0x1  }
0x9f: {  	s19 =	simm.s32 $_scs_section_size  }
0xa0: {  	s5 =	simm.s32 $_size__tile_overlayer_lowered;
	s6 =	simm.s32 $_tile_overlayer_lowered  }
0xa1: {  	s22 =	simm.s32 $0x1BFF;
	s21 =	sshll.u32 s6, $0x1;
	s3 =	sadd.s32 s19, s18  }
0xa2: {  	s7 =	simm.s32 $0x0;
	s20 =	sshll.u32 s5, $0x1;
	s5 =	sadd.s32 s21, s3  }
0xa3: {  	[timem:s7], [sflag:s22] =	dma.local [hbm:s5], s20  }
0xa4: {  	_ =	swait.ge [sflag:s22], s20  }
0xa5: {  	s4 =	ssub.s32 $0x0, s20;
	[sflag:s22] =	ssyncset.done $0x0  }
0xa6: {  	[sflag:s22] =	ssyncadd.s32 s4;
	_ =	sdelay $0x1  }
0xa7: {  	s23 =	simm.s32 $0x1B8B  }
0xa8: {  	_ =	swait.ge [sflag:s23], $0x1  }
0xa9: {  	[sflag:s23] =	ssyncset.done $0x0  }
0xaa: {  	s25 =	simm.s32 $0x1B8E;
	s24 =	sld [smem:$0x3FFE];
	[sflag:s23] =	ssyncadd.s32 $0xFFFFFFFF  }
0xab: {  	s26 =	simm.s32 $execute0_lowered;
	[smem:$0x3FD2] =	sst s25  }
0xac: {  	s5 =	sshll.u32 s26, $0x1;
	_ =	strace $0x80000052;
	[dreg:$0x1] =	wrdreg $0xFFFFFFFF  }
0xad: {  	s28 =	simm.s32 $_size_execute0_lowered;
	s3 =	sadd.s32 s3, s5;
	[dreg:$0x0] =	wrdreg $0x0  }
0xae: {  	s5 =	sshll.u32 s28, $0x1;
	[dreg:$0x2] =	wrdreg s3  }
0xaf: {  	[dreg:$0x3] =	wrdreg s5  }
0xb0: {  	[dreg:$0x4] =	wrdreg $0xC0  }
0xb1: {  	_ =	task [dreg:s7], $0x5FFFF  }
0xb2: {  	[dreg:$0x1] =	wrdreg $0xFFFFFFFF  }
0xb3: {  	[dreg:$0x0] =	wrdreg $0x60  }
0xb4: {  	[dreg:$0x2] =	wrdreg s24  }
0xb5: {  	[dreg:$0x3] =	wrdreg s16  }
0xb6: {  	[dreg:$0x4] =	wrdreg $0x94000  }
0xb7: {  	[dreg:$0x5] =	wrdreg $0x9  }
0xb8: {  	_ =	task.clear_ibuf [dreg:s7], $0x6FFFF;
	_ =	strace $0x90000052  }
0xb9: {  	s29 =	simm.s32 $0x9;
	_ =	strace $0x80000054  }
0xba: {  	_ =	swait.ge [sflag:s29], $0x1  }
0xbb: {  	[sflag:s29] =	ssyncadd.s32 $0xFFFFFFFF  }
0xbc: {  	_ =	strace $0x90000054  }
0xbd: {  	_ =	sfence  }
0xbe: {  	s30 =	sld [smem:$0x0];
	_ =	sdelay $0x2  }
0xbf: {  	s31 =	sshll.u32 s1, $0xD;
	s1 =	sshrl.u32 s1, $0x2  }
0xc0: {  	s3 =	sand.u32 $0x4000, s31;
	s1 =	sadd.s32 s1, s30  }
0xc1: {  	s0 =	sor.u32 s3, s0;
	s1 =	sshll.u32 s1, $0x11  }
0xc2: {  	s0 =	sor.u32 s1, s0  }
0xc3: {  	s0 =	sadd.s32 $0x8F2B, s0  }
0xc4: {  	[sflag:s0] =	ssyncadd.remote.s32 $0x1  }
0xc5: {  	_ =	sfence.sel $0xFFFF  }
0xc6: {  	[dreg:$0x0] =	wrdreg $0xFFFFFFFF;
	(pc) =	sbr.abs _section_cstart, $3  }
0xc7: {  	[dreg:$0x1] =	wrdreg $0xFFFFFFFF  }
0xc8: {  	_ =	task.clear_ibuf [dreg:s7], $0x2FFFF;
	_ =	strace $0x9FFFFFFF  }
0xc9: {  	(tm) =	ssettm $0x7FFFFFFF  }
tec
execute0_lowered:
.L_overlay_start_1:
0x0: {  	(tag) =	ssettag $0x1  }
0x1: {  	s5 =	rddreg [dreg:$0x0]  }
0x2: {  	s9 =	rddreg [dreg:$0x1]  }
0x3: {  	s0 =	srdreg.scid;
	s2 =	rddreg [dreg:$0x2]  }
0x4: {  	s3 =	simm.s32 $0x0;
	s16 =	simm.s32 $0x40;
	s17 =	simm.s32 $0x5400  }
0x5: {  	s18 =	simm.s32 $0x80;
	s19 =	simm.s32 $0x7400;
	s20 =	simm.s32 $0x1  }
0x6: {  	s21 =	simm.s32 $0x2;
	s6 =	sand.u32 $0x1, s0;
	s0 =	stileid.u32  }
0x7: {  	s22 =	simm.s32 $0x3;
	s23 =	simm.s32 $0x4;
	s12 =	smul.u32 $0x50000, s0  }
0x8: {  	s24 =	simm.s32 $0x0;
	[smem:$0x7FF] =	sst s3;
	s13 =	smul.u32 $0x140000, s6  }
0x9: {  	s10 =	sadd.s32 $0x2E200, s5;
	s1 =	sshll.u32 s6, $0x4;
	s30 =	smul.u32 $0x14000, s0  }
0xa: {  	s11 =	ssub.s32 $0x2, s6;
	p0 =	seq.s32 s6, $0x1;
	s15 =	smul.u32 $0x2800, s0  }
0xb: {  	s31 =	sshll.u32 s0, $0x6;
	s4 =	sor.u32 s0, s1;
	s1 =	rddreg [dreg:$0x3]  }
0xc: {  	_ =	strace $0x80000053;
	s28 =	sshrl.u32 s11, $0x1;
	s7 =	smul.u32 $0x5800, s4  }
0xd: {  	s8 =	smul.u32 $0x5000, s4;
	s4 =	sadd.s32 $0x56200, s5;
	s29 =	sshrl.u32 s12, $0x2  }
0xe: {  	s11 =	ssub.s32 s11, s28;
	s12 =	sadd.s32 s30, s13;
	s14 =	sadd.s32 s29, s2  }
0xf: {  	s12 =	sshrl.u32 s12, $0x3;
	s13 =	smov.u32 s4;
	s7 =	sshrl.u32 s7, $0x3  }
0x10: {  	s8 =	sshrl.u32 s8, $0x3;
	s9 =	sadd.s32 s9, s12;
	s13 =	smov.u32 @p0 s10  }
0x11: {  	s10 =	smax.u32 s11, $0x1;
	s12 =	sor.u32 $0x1C05, s31;
	s7 =	sadd.s32 s7, s5  }
0x12: {  	s8 =	sadd.s32 s8, s5;
	s11 =	sadd.s32 s13, s15;
	s13 =	sshrl.u32 s14, $0x3  }
0x13: {  	s14 =	simm.s32 $0x5;
	s15 =	simm.s32 $0x2C00;
	s5 =	sadd.s32 $0x18200, s7  }
0x14: {  	s6 =	sadd.s32 $0x4200, s8;
	s7 =	sadd.s32 $0x18780, s7;
	s8 =	sadd.s32 $0x4700, s8  }
.LBB2_1:
0x15: {  	[spmem:s13], [sflag:s12] =	dma.local [hbm:s11], $0x2800  }
0x16: {  	_ =	swait.ge [sflag:s14], $0x2800  }
0x17: {  	[sflag:s14] =	ssyncset.done $0x0  }
0x18: {  	[sflag:s14] =	ssyncadd.s32 $0xFFFFD800  }
0x19: {  	[tilespmem:s3], [sflag:$0x5] =	stream.linear.gather [hbm4b:s5+s3], $0x2900, $0x38;
	[tilespmem:$0x1D400] =	vst v63  }
0x1a: {  	_ =	swait.ge [sflag:s14], $0x2900  }
0x1b: {  	[sflag:s14] =	ssyncset.done $0x0  }
0x1c: {  	[sflag:s14] =	ssyncadd.s32 $0xFFFFD700  }
0x1d: {  	[tilespmem:s15], [sflag:$0x5] =	stream.linear.gather [hbm4b:s6+s3], $0x2800, $0x38;
	[tilespmem:$0x1D400] =	vst v63  }
0x1e: {  	_ =	swait.ge [sflag:s14], $0x2800  }
0x1f: {  	[sflag:s14] =	ssyncset.done $0x0  }
0x20: {  	[sflag:s14] =	ssyncadd.s32 $0xFFFFD800  }
0x21: {  	[tilespmem:s17], [sflag:$0x1] =	stream.indirect.gather [hbm4b:s4+s16], $0x80, s3, s16, $0xb8;
	[tilespmem:$0x1D400] =	vst v63  }
0x22: {  	_ = 	snop  }
0x23: {  	[tilespmem:s19], [sflag:$0x2] =	stream.indirect.gather [hbm4b:s4+s16], $0x80, s18, s16, $0xb8;
	[tilespmem:$0x1D400] =	vst v63  }
0x24: {  	[bflag:$0x0] =	sbarrier.arrive $0xFFFF  }
0x25: {  	_ =	swait.ge [sflag:s20], $0x2000  }
0x26: {  	[sflag:s20] =	ssyncset.done $0x0  }
0x27: {  	s25 =	simm.s32 $0x2C00;
	[sflag:s20] =	ssyncadd.s32 $0xFFFFE000  }
0x28: {  	[spmem:s2] =	stream.indirect.scatter.add.f32 [tilespmem:s17], [sflag:$0x3], $0x80, s25, s16, $0xb8;
	[tilespmem:$0x1D400] =	vst v63  }
0x29: {  	_ =	swait.ge [sflag:s21], $0x2000  }
0x2a: {  	[sflag:s21] =	ssyncset.done $0x0  }
0x2b: {  	s30 =	simm.s32 $0x2C80;
	[sflag:s21] =	ssyncadd.s32 $0xFFFFE000  }
0x2c: {  	[spmem:s2] =	stream.indirect.scatter.add.f32 [tilespmem:s19], [sflag:$0x4], $0x80, s30, s16, $0xb8;
	[tilespmem:$0x1D400] =	vst v63  }
0x2d: {  	_ =	swait.ge [sflag:s22], $0x2000  }
0x2e: {  	[sflag:s22] =	ssyncset.done $0x0  }
0x2f: {  	s31 =	simm.s32 $0x100;
	[sflag:s22] =	ssyncadd.s32 $0xFFFFE000  }
0x30: {  	[tilespmem:s17], [sflag:$0x1] =	stream.indirect.gather [hbm4b:s4+s16], $0x80, s31, s16, $0xb8;
	[tilespmem:$0x1D400] =	vst v63  }
0x31: {  	_ =	swait.ge [sflag:s23], $0x2000  }
0x32: {  	[sflag:s23] =	ssyncset.done $0x0  }
0x33: {  	s26 =	simm.s32 $0x180;
	s25 =	simm.s32 $0x400;
	[sflag:s23] =	ssyncadd.s32 $0xFFFFE000  }
.LBB2_2:
0x34: {  	[tilespmem:s19], [sflag:$0x2] =	stream.indirect.gather [hbm4b:s4+s16], $0x80, s26, s16, $0xb8;
	[tilespmem:$0x1D400] =	vst v63  }
0x35: {  	s26 =	smov.u32 s25  }
0x36: {  	p0 =	sne.s32 s25, $0x9C00;
	s25 =	sadd.s32 $0x400, s25;
	_ =	swait.ge [sflag:s20], $0x2000  }
0x37: {  	s26 =	sshra.s32 s26, $0x2;
	[sflag:s20] =	ssyncset.done $0x0  }
0x38: {  	s28 =	sadd.s32 $0x2C00, s26;
	[sflag:s20] =	ssyncadd.s32 $0xFFFFE000  }
0x39: {  	[spmem:s2] =	stream.indirect.scatter.add.f32 [tilespmem:s17], [sflag:$0x3], $0x80, s28, s16, $0xb8;
	[tilespmem:$0x1D400] =	vst v63  }
0x3a: {  	_ =	swait.ge [sflag:s21], $0x2000  }
0x3b: {  	[sflag:s21] =	ssyncset.done $0x0  }
0x3c: {  	s28 =	sadd.s32 $0x2C80, s26;
	[sflag:s21] =	ssyncadd.s32 $0xFFFFE000  }
0x3d: {  	[spmem:s2] =	stream.indirect.scatter.add.f32 [tilespmem:s19], [sflag:$0x4], $0x80, s28, s16, $0xb8;
	[tilespmem:$0x1D400] =	vst v63  }
0x3e: {  	_ =	swait.ge [sflag:s22], $0x2000  }
0x3f: {  	[sflag:s22] =	ssyncset.done $0x0  }
.Ltmp0:
0x40: {  	s28 =	sadd.s32 $0x100, s26;
	[sflag:s22] =	ssyncadd.s32 $0xFFFFE000;
	(pc) =	sbr.rel @p0 .LBB2_2-.Ltmp0, $4  }
0x41: {  	[tilespmem:s17], [sflag:$0x1] =	stream.indirect.gather [hbm4b:s4+s16], $0x80, s28, s16, $0xb8;
	[tilespmem:$0x1D400] =	vst v63  }
0x42: {  	_ =	swait.ge [sflag:s23], $0x2000  }
0x43: {  	[sflag:s23] =	ssyncset.done $0x0  }
0x44: {  	s26 =	sadd.s32 $0x180, s26;
	[sflag:s23] =	ssyncadd.s32 $0xFFFFE000  }
0x45: {  	[tilespmem:s19], [sflag:$0x2] =	stream.indirect.gather [hbm4b:s4+s16], $0x80, s26, s16, $0xb8;
	[tilespmem:$0x1D400] =	vst v63  }
0x46: {  	_ =	swait.ge [sflag:s20], $0x2000  }
0x47: {  	[sflag:s20] =	ssyncset.done $0x0  }
0x48: {  	[sflag:s20] =	ssyncadd.s32 $0xFFFFE000  }
0x49: {  	_ =	swait.ge [sflag:s21], $0x2000  }
0x4a: {  	[sflag:s21] =	ssyncset.done $0x0  }
0x4b: {  	s25 =	simm.s32 $0x0;
	[sflag:s21] =	ssyncadd.s32 $0xFFFFE000  }
0x4c: {  	[tilespmem:s25], [sflag:$0x5] =	stream.linear.gather [hbm4b:s7+s25], $0x2900, $0x38;
	[tilespmem:$0x1D400] =	vst v63  }
0x4d: {  	_ =	swait.ge [sflag:s14], $0x2900  }
0x4e: {  	[sflag:s14] =	ssyncset.done $0x0  }
0x4f: {  	[sflag:s14] =	ssyncadd.s32 $0xFFFFD700  }
0x50: {  	[tilespmem:s15], [sflag:$0x5] =	stream.linear.gather [hbm4b:s8+s25], $0x2800, $0x38;
	[tilespmem:$0x1D400] =	vst v63  }
0x51: {  	_ =	swait.ge [sflag:s14], $0x2800  }
0x52: {  	[sflag:s14] =	ssyncset.done $0x0  }
0x53: {  	[sflag:s14] =	ssyncadd.s32 $0xFFFFD800  }
0x54: {  	[tilespmem:s17], [sflag:$0x1] =	stream.indirect.gather [hbm4b:s4+s16], $0x80, s25, s16, $0xb8;
	[tilespmem:$0x1D400] =	vst v63  }
0x55: {  	_ = 	snop  }
0x56: {  	[tilespmem:s19], [sflag:$0x2] =	stream.indirect.gather [hbm4b:s4+s16], $0x80, s18, s16, $0xb8;
	[tilespmem:$0x1D400] =	vst v63  }
0x57: {  	_ =	swait.ge [sflag:s20], $0x2000  }
0x58: {  	[sflag:s20] =	ssyncset.done $0x0  }
0x59: {  	s29 =	simm.s32 $0x2C00;
	[sflag:s20] =	ssyncadd.s32 $0xFFFFE000  }
0x5a: {  	[spmem:s2] =	stream.indirect.scatter.add.f32 [tilespmem:s17], [sflag:$0x3], $0x80, s29, s16, $0xb8;
	[tilespmem:$0x1D400] =	vst v63  }
0x5b: {  	_ =	swait.ge [sflag:s21], $0x2000  }
0x5c: {  	[sflag:s21] =	ssyncset.done $0x0  }
0x5d: {  	s30 =	simm.s32 $0x2C80;
	[sflag:s21] =	ssyncadd.s32 $0xFFFFE000  }
0x5e: {  	[spmem:s2] =	stream.indirect.scatter.add.f32 [tilespmem:s19], [sflag:$0x4], $0x80, s30, s16, $0xb8;
	[tilespmem:$0x1D400] =	vst v63  }
0x5f: {  	_ =	swait.ge [sflag:s22], $0x2000  }
0x60: {  	[sflag:s22] =	ssyncset.done $0x0  }
0x61: {  	s31 =	simm.s32 $0x100;
	[sflag:s22] =	ssyncadd.s32 $0xFFFFE000  }
0x62: {  	[tilespmem:s17], [sflag:$0x1] =	stream.indirect.gather [hbm4b:s4+s16], $0x80, s31, s16, $0xb8;
	[tilespmem:$0x1D400] =	vst v63  }
0x63: {  	_ =	swait.ge [sflag:s23], $0x2000  }
0x64: {  	[sflag:s23] =	ssyncset.done $0x0  }
0x65: {  	s26 =	simm.s32 $0x180;
	s25 =	simm.s32 $0x400;
	[sflag:s23] =	ssyncadd.s32 $0xFFFFE000  }
.LBB2_4:
0x66: {  	[tilespmem:s19], [sflag:$0x2] =	stream.indirect.gather [hbm4b:s4+s16], $0x80, s26, s16, $0xb8;
	[tilespmem:$0x1D400] =	vst v63  }
0x67: {  	s26 =	smov.u32 s25  }
0x68: {  	p0 =	sne.s32 s25, $0x9C00;
	s25 =	sadd.s32 $0x400, s25;
	_ =	swait.ge [sflag:s20], $0x2000  }
0x69: {  	s26 =	sshra.s32 s26, $0x2;
	[sflag:s20] =	ssyncset.done $0x0  }
0x6a: {  	s28 =	sadd.s32 $0x2C00, s26;
	[sflag:s20] =	ssyncadd.s32 $0xFFFFE000  }
0x6b: {  	[spmem:s2] =	stream.indirect.scatter.add.f32 [tilespmem:s17], [sflag:$0x3], $0x80, s28, s16, $0xb8;
	[tilespmem:$0x1D400] =	vst v63  }
0x6c: {  	_ =	swait.ge [sflag:s21], $0x2000  }
0x6d: {  	[sflag:s21] =	ssyncset.done $0x0  }
0x6e: {  	s28 =	sadd.s32 $0x2C80, s26;
	[sflag:s21] =	ssyncadd.s32 $0xFFFFE000  }
0x6f: {  	[spmem:s2] =	stream.indirect.scatter.add.f32 [tilespmem:s19], [sflag:$0x4], $0x80, s28, s16, $0xb8;
	[tilespmem:$0x1D400] =	vst v63  }
0x70: {  	_ =	swait.ge [sflag:s22], $0x2000  }
0x71: {  	[sflag:s22] =	ssyncset.done $0x0  }
.Ltmp1:
0x72: {  	s28 =	sadd.s32 $0x100, s26;
	[sflag:s22] =	ssyncadd.s32 $0xFFFFE000;
	(pc) =	sbr.rel @p0 .LBB2_4-.Ltmp1, $4  }
0x73: {  	[tilespmem:s17], [sflag:$0x1] =	stream.indirect.gather [hbm4b:s4+s16], $0x80, s28, s16, $0xb8;
	[tilespmem:$0x1D400] =	vst v63  }
0x74: {  	_ =	swait.ge [sflag:s23], $0x2000  }
0x75: {  	[sflag:s23] =	ssyncset.done $0x0  }
0x76: {  	s26 =	sadd.s32 $0x180, s26;
	[sflag:s23] =	ssyncadd.s32 $0xFFFFE000  }
0x77: {  	[tilespmem:s19], [sflag:$0x2] =	stream.indirect.gather [hbm4b:s4+s16], $0x80, s26, s16, $0xb8;
	[tilespmem:$0x1D400] =	vst v63  }
0x78: {  	_ =	swait.ge [sflag:s20], $0x2000  }
0x79: {  	[sflag:s20] =	ssyncset.done $0x0  }
0x7a: {  	[sflag:s20] =	ssyncadd.s32 $0xFFFFE000  }
0x7b: {  	_ =	swait.ge [sflag:s21], $0x2000  }
0x7c: {  	s24 =	sadd.s32 $0x1, s24;
	[sflag:s21] =	ssyncset.done $0x0  }
0x7d: {  	p0 =	sne.s32 s24, s10;
	[sflag:s21] =	ssyncadd.s32 $0xFFFFE000  }
.Ltmp2:
0x7e: {  	[bflag:$0x0] =	sbarrier.arrive $0xFFFF;
	(pc) =	sbr.rel @p0 .LBB2_1-.Ltmp2, $4  }
0x7f: {  	[hbm:s9], [sflag:s12] =	dma.local [spmem:s13], $0x2800  }
0x80: {  	_ =	swait.ge [sflag:s14], $0x2800  }
0x81: {  	[sflag:s14] =	ssyncset.done $0x0  }
0x82: {  	[sflag:s14] =	ssyncadd.s32 $0xFFFFD800  }
0x83: {  	_ =	sfence.sel $0x180000  }
0x84: {  	[bflag:$0x0] =	sbarrier.arrive $0xFFFF  }
0x85: {  	p0 =	sne.s32 s0, $0x0;
	_ =	strace $0x90000053  }
0x86: {  	s0 =	sadd.s32 @!p0 $0x100000, s1;
	[bflag:$0x2] =	sbarrier.arrive $0xFFFF  }
0x87: {  	[sflag:s0] =	ssyncadd.tile.s32 @!p0 $0x1;
	_ =	shalt  }
.Lfunc_end2:
_tile_overlayer_lowered:
.L_overlay_start_2:
0x88: {  	(tag) =	ssettag $0x2  }
0x89: {  	s0 =	rddreg [dreg:$0x0];
	s2 =	stileid.u32  }
0x8a: {  	s1 =	rddreg [dreg:$0x1];
	p0 =	sne.s32 s2, $0x0  }
0x8b: {  	s3 =	rddreg [dreg:$0x2];
	[bflag:$0x3] =	sbarrier.arrive $0xFFFF;
	s2 =	simm.s32 @!p0 $0x1C05  }
0x8c: {  	[timem:s3], [sflag:s2] =	dma.local @!p0 [hbm:s0], s1  }
0x8d: {  	s0 =	simm.s32 @!p0 $0x5  }
0x8e: {  	_ =	swait.ge @!p0 [sflag:s0], s1  }
0x8f: {  	s1 =	ssub.s32 @!p0 $0x0, s1;
	[sflag:s0] =	ssyncset.done @!p0 $0x0  }
0x90: {  	[sflag:s0] =	ssyncadd.s32 @!p0 s1  }
0x91: {  	[bflag:$0x3] =	sbarrier.arrive $0xFFFF  }
0x92: {  	_ =	shalt  }

</sc_bundles>
